<compile_context>
chip_gen: v7x
topology: tpu7x:2x2x1
jax: 0.10.2.dev20260603
libtpu: 0.0.44.dev20260713+nightly
codegen_flags: <defaults>
</compile_context>

<pallas_src>
import dataclasses
import functools

import jax
import jax.numpy as jnp
from jax import lax
from jax.experimental import pallas as pl
from jax.experimental.pallas import tpu as pltpu
from jax.experimental.pallas import tpu_sc as plsc

N = 10000
E = 320000
NC = 200000
HID = 64

NUM_CORES = 2
NUM_TILES = 16
NW = NUM_CORES * NUM_TILES
EA = 153600
ECG = 200
ECS = 40
NCP = 204800
NCH = NCP // 2
CPW = NCH // NW
CC = 640
NP = 10112
ROWS_PER_TILE = NP // NUM_TILES

@functools.cache
def _sc_params():
    cp = pltpu.CompilerParams()
    if "needs_layout_passes" in pltpu.CompilerParams.__dataclass_fields__:
        cp = dataclasses.replace(cp, needs_layout_passes=False)
    if "use_tc_tiling_on_sc" in pltpu.CompilerParams.__dataclass_fields__:
        cp = dataclasses.replace(cp, use_tc_tiling_on_sc=False)
    return cp


@functools.cache
def _mesh():
    return plsc.VectorSubcoreMesh(core_axis_name="c", subcore_axis_name="s",
                                  num_cores=NUM_CORES, num_subcores=NUM_TILES)



def _node_pre_body(x_ref, wl_ref, bl_ref, wr_ref, br_ref, xl_ref, xr_ref):
    xv = x_ref[...]
    xl_ref[...] = jnp.dot(xv, wl_ref[...], preferred_element_type=jnp.float32) + bl_ref[...]
    xr_ref[...] = jnp.dot(xv, wr_ref[...], preferred_element_type=jnp.float32) + br_ref[...]


def _node_pre(x, wl, bl, wr, br):
    d = wl.shape[1]
    return pl.pallas_call(
        _node_pre_body,
        out_shape=(
            jax.ShapeDtypeStruct((N, d), jnp.float32),
            jax.ShapeDtypeStruct((N, d), jnp.float32),
        ),
    )(x, wl, bl.reshape(1, -1), wr, br.reshape(1, -1))


def _edge_math_body(H, gl_ref, gr_ref, ea_ref, we_ref, att_ref, msg_ref):
    gl = gl_ref[...]
    ee = jnp.dot(ea_ref[...], we_ref[...], preferred_element_type=jnp.float32)
    v = gl + gr_ref[...] + ee
    g = jnp.maximum(v, 0.2 * v)
    w = g * att_ref[...]
    eb, d = gl.shape
    hd = d // H
    exs = []
    scale = []
    for h in range(H):
        a = jnp.sum(w[:, h * hd:(h + 1) * hd], axis=1, keepdims=True)
        ex = jnp.exp(a)
        exs.append(ex)
        scale.append(jnp.broadcast_to(ex, (eb, hd)))
    pad = jnp.zeros((eb, 8 - H), jnp.float32)
    msg_ref[...] = jnp.concatenate([gl * jnp.concatenate(scale, axis=1)] + exs + [pad], axis=1)


def _edge_math(ne, D, H, gl, gr, ea, we, att_row):
    eb = 3200
    grid = ne // eb
    R = D + 8
    return pl.pallas_call(
        functools.partial(_edge_math_body, H),
        grid=(grid,),
        in_specs=[
            pl.BlockSpec((eb, D), lambda i: (i, 0)),
            pl.BlockSpec((eb, D), lambda i: (i, 0)),
            pl.BlockSpec((eb, 16), lambda i: (i, 0)),
            pl.BlockSpec((16, D), lambda i: (0, 0)),
            pl.BlockSpec((1, D), lambda i: (0, 0)),
        ],
        out_specs=pl.BlockSpec((eb, R), lambda i: (i, 0)),
        out_shape=jax.ShapeDtypeStruct((ne, R), jnp.float32),
    )(gl, gr, ea, we, att_row)


def _l1_post_body(acc_ref, bias_ref, wl_ref, bl_ref, wr_ref, br_ref,
                  xl_ref, xr_ref):
    a = acc_ref[0] + acc_ref[1]
    num = a[:N, :128]
    den = a[:N, 128:130]
    r = 1.0 / (den + 1e-16)
    r128 = jnp.concatenate(
        [jnp.broadcast_to(r[:, 0:1], (N, 64)),
         jnp.broadcast_to(r[:, 1:2], (N, 64))], axis=1)
    h = jnp.maximum(num * r128 + bias_ref[...], 0.0)
    xl_ref[...] = jnp.dot(h, wl_ref[...], preferred_element_type=jnp.float32) + bl_ref[...]
    xr_ref[...] = jnp.dot(h, wr_ref[...], preferred_element_type=jnp.float32) + br_ref[...]


def _l1_post(acc, bias, wl, bl, wr, br):
    return pl.pallas_call(
        _l1_post_body,
        out_shape=(
            jax.ShapeDtypeStruct((N, HID), jnp.float32),
            jax.ShapeDtypeStruct((N, HID), jnp.float32),
        ),
    )(acc, bias.reshape(1, -1), wl, bl.reshape(1, -1), wr, br.reshape(1, -1))


def _l2_post_body(acc_ref, bias_ref, h_ref):
    a = acc_ref[0] + acc_ref[1]
    num = a[:N, :64]
    den = a[:N, 64:65]
    r = jnp.broadcast_to(1.0 / (den + 1e-16), (N, 64))
    h_ref[...] = jnp.maximum(num * r + bias_ref[...], 0.0)


def _l2_post(acc, bias):
    return pl.pallas_call(
        _l2_post_body,
        out_shape=jax.ShapeDtypeStruct((N, HID), jnp.float32),
    )(acc, bias.reshape(1, -1))


def _score_body(gu_ref, gv_ref, cf_ref, ew1_ref, eb1_ref, ew2_ref, eb2_ref,
                w1_ref, b1_ref, w2_ref, b2_ref, out_ref):
    u = gu_ref[...]
    v = gv_ref[...]
    t = jnp.maximum(jnp.dot(cf_ref[...], ew1_ref[...], preferred_element_type=jnp.float32) + eb1_ref[...], 0.0)
    hc = jnp.maximum(jnp.dot(t, ew2_ref[...], preferred_element_type=jnp.float32) + eb2_ref[...], 0.0)
    z = jnp.concatenate([u, v, jnp.abs(u - v), hc], axis=1)
    t2 = jnp.maximum(jnp.dot(z, w1_ref[...], preferred_element_type=jnp.float32) + b1_ref[...], 0.0)
    out_ref[...] = jnp.dot(t2, w2_ref[...], preferred_element_type=jnp.float32) + b2_ref[...]


def _score(gu, gv, cf, ew1, eb1, ew2, eb2, w1, b1, w2, b2):
    n = gu.shape[0]
    b = 3200
    grid = n // b
    return pl.pallas_call(
        _score_body,
        grid=(grid,),
        in_specs=[
            pl.BlockSpec((b, 64), lambda i: (i, 0)),
            pl.BlockSpec((b, 64), lambda i: (i, 0)),
            pl.BlockSpec((b, 16), lambda i: (i, 0)),
            pl.BlockSpec((16, 64), lambda i: (0, 0)),
            pl.BlockSpec((1, 64), lambda i: (0, 0)),
            pl.BlockSpec((64, 64), lambda i: (0, 0)),
            pl.BlockSpec((1, 64), lambda i: (0, 0)),
            pl.BlockSpec((256, 64), lambda i: (0, 0)),
            pl.BlockSpec((1, 64), lambda i: (0, 0)),
            pl.BlockSpec((64, 1), lambda i: (0, 0)),
            pl.BlockSpec((1, 1), lambda i: (0, 0)),
        ],
        out_specs=pl.BlockSpec((b, 1), lambda i: (i, 0)),
        out_shape=jax.ShapeDtypeStruct((n, 1), jnp.float32),
    )(gu, gv, cf, ew1, eb1.reshape(1, -1), ew2, eb2.reshape(1, -1),
      w1, b1.reshape(1, -1), w2, b2.reshape(1, -1))



def _gather_sc_body(epw, xl_hbm, xr_hbm, src_hbm, dst_hbm, gl_hbm, gr_hbm,
                    src_all, dst_all, glA, grA, glB, grB,
                    sga, sgb, swa, swb):
    cid = lax.axis_index("c")
    sid = lax.axis_index("s")
    wid = sid * NUM_CORES + cid
    base = wid * epw
    pltpu.sync_copy(src_hbm.at[pl.ds(base, epw)], src_all)
    pltpu.sync_copy(dst_hbm.at[pl.ds(base, epw)], dst_all)

    @pl.loop(0, epw, step=2 * ECG)
    def _chunk(off):
        offb = off + ECG
        cpa1 = pltpu.async_copy(xl_hbm.at[src_all.at[pl.ds(off, ECG)]], glA, sga)
        cpa2 = pltpu.async_copy(xr_hbm.at[dst_all.at[pl.ds(off, ECG)]], grA, sga)
        cpb1 = pltpu.async_copy(xl_hbm.at[src_all.at[pl.ds(offb, ECG)]], glB, sgb)
        cpb2 = pltpu.async_copy(xr_hbm.at[dst_all.at[pl.ds(offb, ECG)]], grB, sgb)
        cpa1.wait()
        cpa2.wait()
        wa1 = pltpu.async_copy(glA, gl_hbm.at[pl.ds(base + off, ECG)], swa)
        wa2 = pltpu.async_copy(grA, gr_hbm.at[pl.ds(base + off, ECG)], swa)
        cpb1.wait()
        cpb2.wait()
        wb1 = pltpu.async_copy(glB, gl_hbm.at[pl.ds(base + offb, ECG)], swb)
        wb2 = pltpu.async_copy(grB, gr_hbm.at[pl.ds(base + offb, ECG)], swb)
        wa1.wait()
        wa2.wait()
        wb1.wait()
        wb2.wait()


def _gather_sc(D, xl, xr, src, dst):
    ne = src.shape[0]
    epw = ne // NW
    k = pl.kernel(
        functools.partial(_gather_sc_body, epw),
        out_type=(
            jax.ShapeDtypeStruct((ne, D), jnp.float32),
            jax.ShapeDtypeStruct((ne, D), jnp.float32),
        ),
        mesh=_mesh(),
        compiler_params=_sc_params(),
        scratch_types=[
            pltpu.VMEM((epw,), jnp.int32),
            pltpu.VMEM((epw,), jnp.int32),
            pltpu.VMEM((ECG, D), jnp.float32),
            pltpu.VMEM((ECG, D), jnp.float32),
            pltpu.VMEM((ECG, D), jnp.float32),
            pltpu.VMEM((ECG, D), jnp.float32),
            pltpu.SemaphoreType.DMA,
            pltpu.SemaphoreType.DMA,
            pltpu.SemaphoreType.DMA,
            pltpu.SemaphoreType.DMA,
        ],
    )
    return k(xl, xr, src, dst)


def _scatter_sc_body(R, epw, msg_hbm, dst_hbm, init_hbm, acc_hbm,
                     dstA, dstB, msgA, msgB, acc_sh, sem1, sem2, sem3, sem4):
    cid = lax.axis_index("c")
    sid = lax.axis_index("s")
    wid = sid * NUM_CORES + cid
    base = wid * epw

    @pl.when(sid == 0)
    def _init_acc():
        pltpu.sync_copy(init_hbm.at[cid], acc_sh)
    plsc.subcore_barrier()

    @pl.loop(0, epw, step=2 * ECS)
    def _chunk(off):
        sa = base + off
        sb = sa + ECS
        ca1 = pltpu.async_copy(dst_hbm.at[pl.ds(sa, ECS)], dstA, sem1)
        ca2 = pltpu.async_copy(msg_hbm.at[pl.ds(sa, ECS)], msgA, sem2)
        cb1 = pltpu.async_copy(dst_hbm.at[pl.ds(sb, ECS)], dstB, sem3)
        cb2 = pltpu.async_copy(msg_hbm.at[pl.ds(sb, ECS)], msgB, sem4)
        ca1.wait()
        ca2.wait()
        pltpu.sync_copy(msgA, acc_sh.at[dstA], add=True)
        cb1.wait()
        cb2.wait()
        pltpu.sync_copy(msgB, acc_sh.at[dstB], add=True)

    plsc.subcore_barrier()
    r0 = sid * ROWS_PER_TILE
    pltpu.sync_copy(acc_sh.at[pl.ds(r0, ROWS_PER_TILE)],
                    acc_hbm.at[cid, pl.ds(r0, ROWS_PER_TILE)])


def _scatter_sc(R, msg, dst, init):
    epw = msg.shape[0] // NW
    body = functools.partial(_scatter_sc_body, R, epw)
    k = pl.kernel(
        body,
        out_type=jax.ShapeDtypeStruct((NUM_CORES, NP, R), jnp.float32),
        mesh=_mesh(),
        compiler_params=_sc_params(),
        scratch_types=[
            pltpu.VMEM((ECS,), jnp.int32),
            pltpu.VMEM((ECS,), jnp.int32),
            pltpu.VMEM((ECS, R), jnp.float32),
            pltpu.VMEM((ECS, R), jnp.float32),
            pltpu.VMEM_SHARED((NP, R), jnp.float32),
            pltpu.SemaphoreType.DMA,
            pltpu.SemaphoreType.DMA,
            pltpu.SemaphoreType.DMA,
            pltpu.SemaphoreType.DMA,
        ],
    )
    return k(msg, dst, init)


def _cand_sc_body(h_hbm, iu_hbm, iv_hbm, gu_hbm, gv_hbm,
                  idxu, idxv, rowsu, rowsv, s1, s2, s3, s4, s5, s6):
    cid = lax.axis_index("c")
    sid = lax.axis_index("s")
    wid = sid * NUM_CORES + cid
    base = wid * CPW

    @pl.loop(0, CPW, step=CC)
    def _chunk(off):
        s = base + off
        cu = pltpu.async_copy(iu_hbm.at[pl.ds(s, CC)], idxu, s1)
        cv = pltpu.async_copy(iv_hbm.at[pl.ds(s, CC)], idxv, s2)
        cu.wait()
        gu_cp = pltpu.async_copy(h_hbm.at[idxu], rowsu, s3)
        cv.wait()
        gv_cp = pltpu.async_copy(h_hbm.at[idxv], rowsv, s4)
        gu_cp.wait()
        wu = pltpu.async_copy(rowsu, gu_hbm.at[pl.ds(s, CC)], s5)
        gv_cp.wait()
        wv = pltpu.async_copy(rowsv, gv_hbm.at[pl.ds(s, CC)], s6)
        wu.wait()
        wv.wait()


def _cand_sc(h, iu, iv):
    k = pl.kernel(
        _cand_sc_body,
        out_type=(
            jax.ShapeDtypeStruct((NCH, HID), jnp.float32),
            jax.ShapeDtypeStruct((NCH, HID), jnp.float32),
        ),
        mesh=_mesh(),
        compiler_params=_sc_params(),
        scratch_types=[
            pltpu.VMEM((CC,), jnp.int32),
            pltpu.VMEM((CC,), jnp.int32),
            pltpu.VMEM((CC, HID), jnp.float32),
            pltpu.VMEM((CC, HID), jnp.float32),
            pltpu.SemaphoreType.DMA,
            pltpu.SemaphoreType.DMA,
            pltpu.SemaphoreType.DMA,
            pltpu.SemaphoreType.DMA,
            pltpu.SemaphoreType.DMA,
            pltpu.SemaphoreType.DMA,
        ],
    )
    return k(h, iu, iv)



def kernel(x, edge_index, edge_attr, cand_pairs, cand_feat,
           g1_Wl, g1_bl, g1_Wr, g1_br, g1_We, g1_att, g1_bias,
           g2_Wl, g2_bl, g2_Wr, g2_br, g2_We, g2_att, g2_bias,
           em_W1, em_b1, em_W2, em_b2, sc_W1, sc_b1, sc_W2, sc_b2):
    src = edge_index[0]
    dst = edge_index[1]
    att1 = g1_att.reshape(1, 2 * HID)
    att2 = g2_att.reshape(1, HID)
    z1 = jnp.zeros((NUM_CORES, NP, 2 * HID + 8), jnp.float32)
    z2 = jnp.zeros((NUM_CORES, NP, HID + 8), jnp.float32)
    pad = (jnp.arange(NCP - NC, dtype=jnp.int32) % N)
    iu = jnp.concatenate([cand_pairs[:, 0], pad])
    iv = jnp.concatenate([cand_pairs[:, 1], pad])

    def _layer(D, H, xl, xr, we, att, z):
        ga = _gather_sc(D, xl, xr, src[:EA], dst[:EA])
        gb = _gather_sc(D, xl, xr, src[EA:], dst[EA:])
        ma = _edge_math(EA, D, H, ga[0], ga[1], edge_attr[:EA], we, att)
        aa = _scatter_sc(D + 8, ma, dst[:EA], z)
        mb = _edge_math(E - EA, D, H, gb[0], gb[1], edge_attr[EA:], we, att)
        return _scatter_sc(D + 8, mb, dst[EA:], aa)

    xl1, xr1 = _node_pre(x, g1_Wl, g1_bl, g1_Wr, g1_br)
    acc1 = _layer(2 * HID, 2, xl1, xr1, g1_We, att1, z1)
    xl2, xr2 = _l1_post(acc1, g1_bias, g2_Wl, g2_bl, g2_Wr, g2_br)
    acc2 = _layer(HID, 1, xl2, xr2, g2_We, att2, z2)
    h2 = _l2_post(acc2, g2_bias)
    cfp = jnp.concatenate(
        [cand_feat, jnp.zeros((NCP - NC, cand_feat.shape[1]), jnp.float32)])
    gua, gva = _cand_sc(h2, iu[:NCH], iv[:NCH])
    gub, gvb = _cand_sc(h2, iu[NCH:], iv[NCH:])
    sa = _score(gua, gva, cfp[:NCH], em_W1, em_b1, em_W2, em_b2,
                sc_W1, sc_b1, sc_W2, sc_b2)
    sb = _score(gub, gvb, cfp[NCH:], em_W1, em_b1, em_W2, em_b2,
                sc_W1, sc_b1, sc_W2, sc_b2)
    return jnp.concatenate([sa[:, 0], sb[:, 0]])[:NC]

# --- scband reference (transcript-rebuilt; emitter-appended) ---
"""Pipeline reference for scband-candidate-scorer-87780541596105 (READ-ONLY COPY).

The authoritative reference and input builder live on the scoring server;
editing this copy changes nothing except your own understanding.
"""

import jax, jax.numpy as jnp
import numpy as np

N = 10000
E = 320000
NC = 200000
NODE_IN = 128
EDGE_IN = 16
CAND_IN = 16
HID = 64

def _k(i):
    return jax.random.fold_in(jax.random.key(0), i)

def setup_inputs():
    inp = {}
    inp["x"] = jax.random.normal(_k(0), (N, NODE_IN), jnp.float32)
    inp["edge_index"] = jax.random.randint(_k(1), (2, E), 0, N, jnp.int32)
    inp["edge_attr"] = jax.random.normal(_k(2), (E, EDGE_IN), jnp.float32)
    inp["cand_pairs"] = jax.random.randint(_k(3), (NC, 2), 0, N, jnp.int32)
    inp["cand_feat"] = jax.random.normal(_k(4), (NC, CAND_IN), jnp.float32)
    def w(i, shape):
        return 0.1 * jax.random.normal(_k(i), shape, jnp.float32)
    inp["g1_Wl"] = w(10, (NODE_IN, 2 * HID)); inp["g1_bl"] = jnp.zeros((2 * HID,), jnp.float32)
    inp["g1_Wr"] = w(11, (NODE_IN, 2 * HID)); inp["g1_br"] = jnp.zeros((2 * HID,), jnp.float32)
    inp["g1_We"] = w(12, (EDGE_IN, 2 * HID))
    inp["g1_att"] = w(13, (2, HID))
    inp["g1_bias"] = jnp.zeros((2 * HID,), jnp.float32)
    inp["g2_Wl"] = w(14, (2 * HID, HID)); inp["g2_bl"] = jnp.zeros((HID,), jnp.float32)
    inp["g2_Wr"] = w(15, (2 * HID, HID)); inp["g2_br"] = jnp.zeros((HID,), jnp.float32)
    inp["g2_We"] = w(16, (EDGE_IN, HID))
    inp["g2_att"] = w(17, (1, HID))
    inp["g2_bias"] = jnp.zeros((HID,), jnp.float32)
    inp["em_W1"] = w(18, (CAND_IN, HID)); inp["em_b1"] = jnp.zeros((HID,), jnp.float32)
    inp["em_W2"] = w(19, (HID, HID)); inp["em_b2"] = jnp.zeros((HID,), jnp.float32)
    inp["sc_W1"] = w(20, (4 * HID, HID)); inp["sc_b1"] = jnp.zeros((HID,), jnp.float32)
    inp["sc_W2"] = w(21, (HID, 1)); inp["sc_b2"] = jnp.zeros((1,), jnp.float32)
    return inp

def _gatv2(x, ea, src, dst, Wl, bl, Wr, br, We, att, bias, heads, out_ch, concat):
    n = x.shape[0]
    xl = (x @ Wl + bl).reshape(n, heads, out_ch)
    xr = (x @ Wr + br).reshape(n, heads, out_ch)
    ee = (ea @ We).reshape(-1, heads, out_ch)
    g = jax.nn.leaky_relu(xl[src] + xr[dst] + ee, 0.2)
    alpha = jnp.sum(g * att[None, :, :], axis=-1)
    amax = jax.ops.segment_max(alpha, dst, num_segments=n)
    amax = jnp.where(jnp.isfinite(amax), amax, 0.0)
    ex = jnp.exp(alpha - amax[dst])
    den = jax.ops.segment_sum(ex, dst, num_segments=n)
    a = ex / (den[dst] + 1e-16)
    out = jax.ops.segment_sum(xl[src] * a[:, :, None], dst, num_segments=n)
    out = out.reshape(n, heads * out_ch) if concat else jnp.mean(out, axis=1)
    return out + bias

def reference(x, edge_index, edge_attr, cand_pairs, cand_feat, g1_Wl, g1_bl, g1_Wr, g1_br, g1_We, g1_att, g1_bias, g2_Wl, g2_bl, g2_Wr, g2_br, g2_We, g2_att, g2_bias, em_W1, em_b1, em_W2, em_b2, sc_W1, sc_b1, sc_W2, sc_b2):
    src, dst = edge_index[0], edge_index[1]
    h = jax.nn.relu(_gatv2(x, edge_attr, src, dst, g1_Wl, g1_bl, g1_Wr, g1_br, g1_We, g1_att, g1_bias, 2, HID, True))
    h = jax.nn.relu(_gatv2(h, edge_attr, src, dst, g2_Wl, g2_bl, g2_Wr, g2_br, g2_We, g2_att, g2_bias, 1, HID, False))
    hu = h[cand_pairs[:, 0]]
    hv = h[cand_pairs[:, 1]]
    hc = jax.nn.relu(jax.nn.relu(cand_feat @ em_W1 + em_b1) @ em_W2 + em_b2)
    z = jnp.concatenate([hu, hv, jnp.abs(hu - hv), hc], axis=1)
    s = jax.nn.relu(z @ sc_W1 + sc_b1) @ sc_W2 + sc_b2
    return s.squeeze(1)

if __name__ == "__main__":
    import jax
    _d = setup_inputs()
    print(jax.jit(kernel)(*tuple(_d.values())))

</pallas_src>

<mosaic_0001>
#map = affine_map<(d0, d1) -> (0, 0)>
#map1 = affine_map<(d0, d1) -> (0)>
#map2 = affine_map<(d0, d1) -> (0, 0, 0)>
module attributes {stable_mosaic.version = 14 : i64} {
  func.func @_scatter_sc_body(%arg0: i32, %arg1: i32, %arg2: memref<166400x136xf32, #tpu.memory_space<hbm>>, %arg3: memref<166400xi32, #tpu.memory_space<hbm>>, %arg4: memref<2x10112x136xf32, #tpu.memory_space<hbm>>, %arg5: memref<2x10112x136xf32, #tpu.memory_space<hbm>>, %arg6: memref<40xi32, #tpu.memory_space<vmem>>, %arg7: memref<40xi32, #tpu.memory_space<vmem>>, %arg8: memref<40x136xf32, #tpu.memory_space<vmem>>, %arg9: memref<40x136xf32, #tpu.memory_space<vmem>>, %arg10: memref<10112x136xf32, #tpu.memory_space<vmem_shared>>, %arg11: memref<!tpu.dma_semaphore, #tpu.memory_space<semaphore_mem>>, %arg12: memref<!tpu.dma_semaphore, #tpu.memory_space<semaphore_mem>>, %arg13: memref<!tpu.dma_semaphore, #tpu.memory_space<semaphore_mem>>, %arg14: memref<!tpu.dma_semaphore, #tpu.memory_space<semaphore_mem>>) attributes {dimension_semantics = [#tpu.dimension_semantics<core_parallel>, #tpu.dimension_semantics<subcore_parallel>], iteration_bounds = array<i64: 2, 16>, scalar_prefetch = 0 : i64, scratch_operands = 9 : i64, tpu.core_type = #tpu.core_type<sc_vector_subcore>, window_params = [{transform_indices = #map}, {transform_indices = #map1}, {transform_indices = #map2}, {transform_indices = #map2}]} {
    %mul3A = arith.constant 2 : i32
    %mul3A_0 = arith.muli %arg1, %mul3A : i32
    %add3A = arith.addi %mul3A_0, %arg0 : i32
    %mul3A_1 = arith.constant 5200 : i32
    %mul3A_2 = arith.muli %add3A, %mul3A_1 : i32
    %eq3A = arith.constant 0 : i32
    %eq3A_3 = arith.cmpi eq, %arg1, %eq3A : i32
    %convert_element_type3A = arith.extui %eq3A_3 : i1 to i32
    %cond3A = arith.constant 0 : i32
    %cond3A_4 = arith.cmpi ne, %convert_element_type3A, %cond3A : i32
    scf.if %cond3A_4 {
      "tpu.region"() ({
        %run_scoped3A = tpu.sem_alloc : memref<!tpu.dma_semaphore, #tpu.memory_space<semaphore_mem>>
        %dma_start3A = arith.constant 0 : i32
        %dma_start3A_12 = arith.constant 0 : i32
        %dma_start3A_13 = tpu.memref_slice %arg4[%arg0, %dma_start3A, %dma_start3A_12] : memref<2x10112x136xf32, #tpu.memory_space<hbm>> -> memref<1x10112x136xf32, #tpu.memory_space<hbm>>
        %dma_start3A_14 = tpu.memref_squeeze %dma_start3A_13 : memref<1x10112x136xf32, #tpu.memory_space<hbm>> -> memref<10112x136xf32, #tpu.memory_space<hbm>>
        tpu.enqueue_dma source(%dma_start3A_14 : memref<10112x136xf32, #tpu.memory_space<hbm>>) target(%arg10 : memref<10112x136xf32, #tpu.memory_space<vmem_shared>>) target_semaphore(%run_scoped3A : memref<!tpu.dma_semaphore, #tpu.memory_space<semaphore_mem>>)
        %dma_wait3A = arith.constant 0 : i32
        %dma_wait3A_15 = arith.constant 0 : i32
        %dma_wait3A_16 = tpu.memref_slice %arg4[%arg0, %dma_wait3A, %dma_wait3A_15] : memref<2x10112x136xf32, #tpu.memory_space<hbm>> -> memref<1x10112x136xf32, #tpu.memory_space<hbm>>
        %dma_wait3A_17 = tpu.memref_squeeze %dma_wait3A_16 : memref<1x10112x136xf32, #tpu.memory_space<hbm>> -> memref<10112x136xf32, #tpu.memory_space<hbm>>
        tpu.wait_dma2 semaphore(%run_scoped3A : memref<!tpu.dma_semaphore, #tpu.memory_space<semaphore_mem>>) src(%dma_wait3A_17 : memref<10112x136xf32, #tpu.memory_space<hbm>>) dst(%arg10 : memref<10112x136xf32, #tpu.memory_space<vmem_shared>>)
        tpu.yield
      }) : () -> ()
    } else {
    }
    %barrier3A = arith.constant 0 : index
    tpu.barrier barrier_id(%barrier3A)
    %scan3A = arith.constant 0 : i32
    %scan3A_5 = arith.constant 65 : i32
    %scan3A_6 = arith.addi %scan3A, %scan3A_5 : i32
    %scan3A_7 = arith.constant 1 : i32
    scf.for %scan3A_12 = %scan3A to %scan3A_6 step %scan3A_7  : i32 {
      %mul3A_13 = arith.constant 80 : i32
      %mul3A_14 = arith.muli %scan3A_12, %mul3A_13 : i32
      %add3A_15 = arith.constant 0 : i32
      %add3A_16 = arith.addi %add3A_15, %mul3A_14 : i32
      %add3A_17 = arith.addi %mul3A_2, %add3A_16 : i32
      %add3A_18 = arith.constant 40 : i32
      %add3A_19 = arith.addi %add3A_17, %add3A_18 : i32
      %dma_start3A = tpu.memref_slice %arg3[%add3A_17] : memref<166400xi32, #tpu.memory_space<hbm>> -> memref<40xi32, #tpu.memory_space<hbm>>
      %dma_start3A_20 = tpu.memref_slice %arg3[%add3A_17] : memref<166400xi32, #tpu.memory_space<hbm>> -> memref<40xi32, #tpu.memory_space<hbm>>
      tpu.enqueue_dma source(%dma_start3A_20 : memref<40xi32, #tpu.memory_space<hbm>>) target(%arg6 : memref<40xi32, #tpu.memory_space<vmem>>) target_semaphore(%arg11 : memref<!tpu.dma_semaphore, #tpu.memory_space<semaphore_mem>>)
      %dma_start3A_21 = arith.constant 0 : i32
      %dma_start3A_22 = tpu.memref_slice %arg2[%add3A_17, %dma_start3A_21] : memref<166400x136xf32, #tpu.memory_space<hbm>> -> memref<40x136xf32, #tpu.memory_space<hbm>>
      %dma_start3A_23 = arith.constant 0 : i32
      %dma_start3A_24 = tpu.memref_slice %arg2[%add3A_17, %dma_start3A_23] : memref<166400x136xf32, #tpu.memory_space<hbm>> -> memref<40x136xf32, #tpu.memory_space<hbm>>
      tpu.enqueue_dma source(%dma_start3A_24 : memref<40x136xf32, #tpu.memory_space<hbm>>) target(%arg8 : memref<40x136xf32, #tpu.memory_space<vmem>>) target_semaphore(%arg12 : memref<!tpu.dma_semaphore, #tpu.memory_space<semaphore_mem>>)
      %dma_start3A_25 = tpu.memref_slice %arg3[%add3A_19] : memref<166400xi32, #tpu.memory_space<hbm>> -> memref<40xi32, #tpu.memory_space<hbm>>
      %dma_start3A_26 = tpu.memref_slice %arg3[%add3A_19] : memref<166400xi32, #tpu.memory_space<hbm>> -> memref<40xi32, #tpu.memory_space<hbm>>
      tpu.enqueue_dma source(%dma_start3A_26 : memref<40xi32, #tpu.memory_space<hbm>>) target(%arg7 : memref<40xi32, #tpu.memory_space<vmem>>) target_semaphore(%arg13 : memref<!tpu.dma_semaphore, #tpu.memory_space<semaphore_mem>>)
      %dma_start3A_27 = arith.constant 0 : i32
      %dma_start3A_28 = tpu.memref_slice %arg2[%add3A_19, %dma_start3A_27] : memref<166400x136xf32, #tpu.memory_space<hbm>> -> memref<40x136xf32, #tpu.memory_space<hbm>>
      %dma_start3A_29 = arith.constant 0 : i32
      %dma_start3A_30 = tpu.memref_slice %arg2[%add3A_19, %dma_start3A_29] : memref<166400x136xf32, #tpu.memory_space<hbm>> -> memref<40x136xf32, #tpu.memory_space<hbm>>
      tpu.enqueue_dma source(%dma_start3A_30 : memref<40x136xf32, #tpu.memory_space<hbm>>) target(%arg9 : memref<40x136xf32, #tpu.memory_space<vmem>>) target_semaphore(%arg14 : memref<!tpu.dma_semaphore, #tpu.memory_space<semaphore_mem>>)
      %dma_wait3A = tpu.memref_slice %arg3[%add3A_17] : memref<166400xi32, #tpu.memory_space<hbm>> -> memref<40xi32, #tpu.memory_space<hbm>>
      %dma_wait3A_31 = tpu.memref_slice %arg3[%add3A_17] : memref<166400xi32, #tpu.memory_space<hbm>> -> memref<40xi32, #tpu.memory_space<hbm>>
      tpu.wait_dma2 semaphore(%arg11 : memref<!tpu.dma_semaphore, #tpu.memory_space<semaphore_mem>>) src(%dma_wait3A_31 : memref<40xi32, #tpu.memory_space<hbm>>) dst(%arg6 : memref<40xi32, #tpu.memory_space<vmem>>)
      %dma_wait3A_32 = arith.constant 0 : i32
      %dma_wait3A_33 = tpu.memref_slice %arg2[%add3A_17, %dma_wait3A_32] : memref<166400x136xf32, #tpu.memory_space<hbm>> -> memref<40x136xf32, #tpu.memory_space<hbm>>
      %dma_wait3A_34 = arith.constant 0 : i32
      %dma_wait3A_35 = tpu.memref_slice %arg2[%add3A_17, %dma_wait3A_34] : memref<166400x136xf32, #tpu.memory_space<hbm>> -> memref<40x136xf32, #tpu.memory_space<hbm>>
      tpu.wait_dma2 semaphore(%arg12 : memref<!tpu.dma_semaphore, #tpu.memory_space<semaphore_mem>>) src(%dma_wait3A_35 : memref<40x136xf32, #tpu.memory_space<hbm>>) dst(%arg8 : memref<40x136xf32, #tpu.memory_space<vmem>>)
      "tpu.region"() ({
        %run_scoped3A = tpu.sem_alloc : memref<!tpu.dma_semaphore, #tpu.memory_space<semaphore_mem>>
        %dma_start3A_42 = arith.constant 0 : i32
        %dma_start3A_43 = arith.constant 0 : i32
        %dma_start3A_44 = tpu.memref_slice %arg10[%dma_start3A_42, %dma_start3A_43] : memref<10112x136xf32, #tpu.memory_space<vmem_shared>> -> memref<10112x136xf32, #tpu.memory_space<vmem_shared>>
        tpu.enqueue_indirect_dma source(%arg8 : memref<40x136xf32, #tpu.memory_space<vmem>>) target(%dma_start3A_44 : memref<10112x136xf32, #tpu.memory_space<vmem_shared>>) offsets(%arg6 : memref<40xi32, #tpu.memory_space<vmem>>) semaphore(%run_scoped3A : memref<!tpu.dma_semaphore, #tpu.memory_space<semaphore_mem>>) {add = true}
        %dma_wait3A_45 = arith.constant 0 : i32
        %dma_wait3A_46 = arith.constant 0 : i32
        %dma_wait3A_47 = tpu.memref_slice %arg10[%dma_wait3A_45, %dma_wait3A_46] : memref<10112x136xf32, #tpu.memory_space<vmem_shared>> -> memref<10112x136xf32, #tpu.memory_space<vmem_shared>>
        tpu.wait_indirect_dma semaphore(%run_scoped3A : memref<!tpu.dma_semaphore, #tpu.memory_space<semaphore_mem>>) src(%arg8 : memref<40x136xf32, #tpu.memory_space<vmem>>) dst(%dma_wait3A_47 : memref<10112x136xf32, #tpu.memory_space<vmem_shared>>)
        tpu.yield
      }) : () -> ()
      %dma_wait3A_36 = tpu.memref_slice %arg3[%add3A_19] : memref<166400xi32, #tpu.memory_space<hbm>> -> memref<40xi32, #tpu.memory_space<hbm>>
      %dma_wait3A_37 = tpu.memref_slice %arg3[%add3A_19] : memref<166400xi32, #tpu.memory_space<hbm>> -> memref<40xi32, #tpu.memory_space<hbm>>
      tpu.wait_dma2 semaphore(%arg13 : memref<!tpu.dma_semaphore, #tpu.memory_space<semaphore_mem>>) src(%dma_wait3A_37 : memref<40xi32, #tpu.memory_space<hbm>>) dst(%arg7 : memref<40xi32, #tpu.memory_space<vmem>>)
      %dma_wait3A_38 = arith.constant 0 : i32
      %dma_wait3A_39 = tpu.memref_slice %arg2[%add3A_19, %dma_wait3A_38] : memref<166400x136xf32, #tpu.memory_space<hbm>> -> memref<40x136xf32, #tpu.memory_space<hbm>>
      %dma_wait3A_40 = arith.constant 0 : i32
      %dma_wait3A_41 = tpu.memref_slice %arg2[%add3A_19, %dma_wait3A_40] : memref<166400x136xf32, #tpu.memory_space<hbm>> -> memref<40x136xf32, #tpu.memory_space<hbm>>
      tpu.wait_dma2 semaphore(%arg14 : memref<!tpu.dma_semaphore, #tpu.memory_space<semaphore_mem>>) src(%dma_wait3A_41 : memref<40x136xf32, #tpu.memory_space<hbm>>) dst(%arg9 : memref<40x136xf32, #tpu.memory_space<vmem>>)
      "tpu.region"() ({
        %run_scoped3A = tpu.sem_alloc : memref<!tpu.dma_semaphore, #tpu.memory_space<semaphore_mem>>
        %dma_start3A_42 = arith.constant 0 : i32
        %dma_start3A_43 = arith.constant 0 : i32
        %dma_start3A_44 = tpu.memref_slice %arg10[%dma_start3A_42, %dma_start3A_43] : memref<10112x136xf32, #tpu.memory_space<vmem_shared>> -> memref<10112x136xf32, #tpu.memory_space<vmem_shared>>
        tpu.enqueue_indirect_dma source(%arg9 : memref<40x136xf32, #tpu.memory_space<vmem>>) target(%dma_start3A_44 : memref<10112x136xf32, #tpu.memory_space<vmem_shared>>) offsets(%arg7 : memref<40xi32, #tpu.memory_space<vmem>>) semaphore(%run_scoped3A : memref<!tpu.dma_semaphore, #tpu.memory_space<semaphore_mem>>) {add = true}
        %dma_wait3A_45 = arith.constant 0 : i32
        %dma_wait3A_46 = arith.constant 0 : i32
        %dma_wait3A_47 = tpu.memref_slice %arg10[%dma_wait3A_45, %dma_wait3A_46] : memref<10112x136xf32, #tpu.memory_space<vmem_shared>> -> memref<10112x136xf32, #tpu.memory_space<vmem_shared>>
        tpu.wait_indirect_dma semaphore(%run_scoped3A : memref<!tpu.dma_semaphore, #tpu.memory_space<semaphore_mem>>) src(%arg9 : memref<40x136xf32, #tpu.memory_space<vmem>>) dst(%dma_wait3A_47 : memref<10112x136xf32, #tpu.memory_space<vmem_shared>>)
        tpu.yield
      }) : () -> ()
    }
    %scan3A_8 = arith.constant 65 : i32
    %barrier3A_9 = arith.constant 0 : index
    tpu.barrier barrier_id(%barrier3A_9)
    %mul3A_10 = arith.constant 632 : i32
    %mul3A_11 = arith.muli %arg1, %mul3A_10 : i32
    "tpu.region"() ({
      %run_scoped3A = tpu.sem_alloc : memref<!tpu.dma_semaphore, #tpu.memory_space<semaphore_mem>>
      %dma_start3A = arith.constant 0 : i32
      %dma_start3A_12 = tpu.memref_slice %arg5[%arg0, %mul3A_11, %dma_start3A] : memref<2x10112x136xf32, #tpu.memory_space<hbm>> -> memref<1x632x136xf32, #tpu.memory_space<hbm>>
      %dma_start3A_13 = tpu.memref_squeeze %dma_start3A_12 : memref<1x632x136xf32, #tpu.memory_space<hbm>> -> memref<632x136xf32, #tpu.memory_space<hbm>>
      %dma_start3A_14 = arith.constant 0 : i32
      %dma_start3A_15 = tpu.memref_slice %arg10[%mul3A_11, %dma_start3A_14] : memref<10112x136xf32, #tpu.memory_space<vmem_shared>> -> memref<632x136xf32, #tpu.memory_space<vmem_shared>>
      tpu.enqueue_dma source(%dma_start3A_15 : memref<632x136xf32, #tpu.memory_space<vmem_shared>>) target(%dma_start3A_13 : memref<632x136xf32, #tpu.memory_space<hbm>>) target_semaphore(%run_scoped3A : memref<!tpu.dma_semaphore, #tpu.memory_space<semaphore_mem>>)
      %dma_wait3A = arith.constant 0 : i32
      %dma_wait3A_16 = tpu.memref_slice %arg5[%arg0, %mul3A_11, %dma_wait3A] : memref<2x10112x136xf32, #tpu.memory_space<hbm>> -> memref<1x632x136xf32, #tpu.memory_space<hbm>>
      %dma_wait3A_17 = tpu.memref_squeeze %dma_wait3A_16 : memref<1x632x136xf32, #tpu.memory_space<hbm>> -> memref<632x136xf32, #tpu.memory_space<hbm>>
      %dma_wait3A_18 = arith.constant 0 : i32
      %dma_wait3A_19 = tpu.memref_slice %arg10[%mul3A_11, %dma_wait3A_18] : memref<10112x136xf32, #tpu.memory_space<vmem_shared>> -> memref<632x136xf32, #tpu.memory_space<vmem_shared>>
      tpu.wait_dma2 semaphore(%run_scoped3A : memref<!tpu.dma_semaphore, #tpu.memory_space<semaphore_mem>>) src(%dma_wait3A_19 : memref<632x136xf32, #tpu.memory_space<vmem_shared>>) dst(%dma_wait3A_17 : memref<632x136xf32, #tpu.memory_space<hbm>>)
      tpu.yield
    }) : () -> ()
    return
  }
}

#map = affine_map<(d0, d1) -> (0, 0)>
#map1 = affine_map<(d0, d1) -> (0)>
module attributes {stable_mosaic.version = 14 : i64} {
  func.func @_gather_sc_body(%arg0: i32, %arg1: i32, %arg2: memref<10000x128xf32, #tpu.memory_space<hbm>>, %arg3: memref<10000x128xf32, #tpu.memory_space<hbm>>, %arg4: memref<166400xi32, #tpu.memory_space<hbm>>, %arg5: memref<166400xi32, #tpu.memory_space<hbm>>, %arg6: memref<166400x128xf32, #tpu.memory_space<hbm>>, %arg7: memref<166400x128xf32, #tpu.memory_space<hbm>>, %arg8: memref<5200xi32, #tpu.memory_space<vmem>>, %arg9: memref<5200xi32, #tpu.memory_space<vmem>>, %arg10: memref<200x128xf32, #tpu.memory_space<vmem>>, %arg11: memref<200x128xf32, #tpu.memory_space<vmem>>, %arg12: memref<200x128xf32, #tpu.memory_space<vmem>>, %arg13: memref<200x128xf32, #tpu.memory_space<vmem>>, %arg14: memref<!tpu.dma_semaphore, #tpu.memory_space<semaphore_mem>>, %arg15: memref<!tpu.dma_semaphore, #tpu.memory_space<semaphore_mem>>, %arg16: memref<!tpu.dma_semaphore, #tpu.memory_space<semaphore_mem>>, %arg17: memref<!tpu.dma_semaphore, #tpu.memory_space<semaphore_mem>>) attributes {dimension_semantics = [#tpu.dimension_semantics<core_parallel>, #tpu.dimension_semantics<subcore_parallel>], iteration_bounds = array<i64: 2, 16>, scalar_prefetch = 0 : i64, scratch_operands = 10 : i64, tpu.core_type = #tpu.core_type<sc_vector_subcore>, window_params = [{transform_indices = #map}, {transform_indices = #map}, {transform_indices = #map1}, {transform_indices = #map1}, {transform_indices = #map}, {transform_indices = #map}]} {
    %mul3A = arith.constant 2 : i32
    %mul3A_0 = arith.muli %arg1, %mul3A : i32
    %add3A = arith.addi %mul3A_0, %arg0 : i32
    %mul3A_1 = arith.constant 5200 : i32
    %mul3A_2 = arith.muli %add3A, %mul3A_1 : i32
    "tpu.region"() ({
      %run_scoped3A = tpu.sem_alloc : memref<!tpu.dma_semaphore, #tpu.memory_space<semaphore_mem>>
      %dma_start3A = tpu.memref_slice %arg4[%mul3A_2] : memref<166400xi32, #tpu.memory_space<hbm>> -> memref<5200xi32, #tpu.memory_space<hbm>>
      %dma_start3A_7 = tpu.memref_slice %arg4[%mul3A_2] : memref<166400xi32, #tpu.memory_space<hbm>> -> memref<5200xi32, #tpu.memory_space<hbm>>
      tpu.enqueue_dma source(%dma_start3A_7 : memref<5200xi32, #tpu.memory_space<hbm>>) target(%arg8 : memref<5200xi32, #tpu.memory_space<vmem>>) target_semaphore(%run_scoped3A : memref<!tpu.dma_semaphore, #tpu.memory_space<semaphore_mem>>)
      %dma_wait3A = tpu.memref_slice %arg4[%mul3A_2] : memref<166400xi32, #tpu.memory_space<hbm>> -> memref<5200xi32, #tpu.memory_space<hbm>>
      %dma_wait3A_8 = tpu.memref_slice %arg4[%mul3A_2] : memref<166400xi32, #tpu.memory_space<hbm>> -> memref<5200xi32, #tpu.memory_space<hbm>>
      tpu.wait_dma2 semaphore(%run_scoped3A : memref<!tpu.dma_semaphore, #tpu.memory_space<semaphore_mem>>) src(%dma_wait3A_8 : memref<5200xi32, #tpu.memory_space<hbm>>) dst(%arg8 : memref<5200xi32, #tpu.memory_space<vmem>>)
      tpu.yield
    }) : () -> ()
    "tpu.region"() ({
      %run_scoped3A = tpu.sem_alloc : memref<!tpu.dma_semaphore, #tpu.memory_space<semaphore_mem>>
      %dma_start3A = tpu.memref_slice %arg5[%mul3A_2] : memref<166400xi32, #tpu.memory_space<hbm>> -> memref<5200xi32, #tpu.memory_space<hbm>>
      %dma_start3A_7 = tpu.memref_slice %arg5[%mul3A_2] : memref<166400xi32, #tpu.memory_space<hbm>> -> memref<5200xi32, #tpu.memory_space<hbm>>
      tpu.enqueue_dma source(%dma_start3A_7 : memref<5200xi32, #tpu.memory_space<hbm>>) target(%arg9 : memref<5200xi32, #tpu.memory_space<vmem>>) target_semaphore(%run_scoped3A : memref<!tpu.dma_semaphore, #tpu.memory_space<semaphore_mem>>)
      %dma_wait3A = tpu.memref_slice %arg5[%mul3A_2] : memref<166400xi32, #tpu.memory_space<hbm>> -> memref<5200xi32, #tpu.memory_space<hbm>>
      %dma_wait3A_8 = tpu.memref_slice %arg5[%mul3A_2] : memref<166400xi32, #tpu.memory_space<hbm>> -> memref<5200xi32, #tpu.memory_space<hbm>>
      tpu.wait_dma2 semaphore(%run_scoped3A : memref<!tpu.dma_semaphore, #tpu.memory_space<semaphore_mem>>) src(%dma_wait3A_8 : memref<5200xi32, #tpu.memory_space<hbm>>) dst(%arg9 : memref<5200xi32, #tpu.memory_space<vmem>>)
      tpu.yield
    }) : () -> ()
    %scan3A = arith.constant 0 : i32
    %scan3A_3 = arith.constant 13 : i32
    %scan3A_4 = arith.addi %scan3A, %scan3A_3 : i32
    %scan3A_5 = arith.constant 1 : i32
    scf.for %scan3A_7 = %scan3A to %scan3A_4 step %scan3A_5  : i32 {
      %mul3A_8 = arith.constant 400 : i32
      %mul3A_9 = arith.muli %scan3A_7, %mul3A_8 : i32
      %add3A_10 = arith.constant 0 : i32
      %add3A_11 = arith.addi %add3A_10, %mul3A_9 : i32
      %add3A_12 = arith.constant 200 : i32
      %add3A_13 = arith.addi %add3A_11, %add3A_12 : i32
      %dma_start3A = tpu.memref_slice %arg8[%add3A_11] : memref<5200xi32, #tpu.memory_space<vmem>> -> memref<200xi32, #tpu.memory_space<vmem>>
      %dma_start3A_14 = arith.constant 0 : i32
      %dma_start3A_15 = arith.constant 0 : i32
      %dma_start3A_16 = tpu.memref_slice %arg2[%dma_start3A_14, %dma_start3A_15] : memref<10000x128xf32, #tpu.memory_space<hbm>> -> memref<10000x128xf32, #tpu.memory_space<hbm>>
      tpu.enqueue_indirect_dma source(%dma_start3A_16 : memref<10000x128xf32, #tpu.memory_space<hbm>>) target(%arg10 : memref<200x128xf32, #tpu.memory_space<vmem>>) offsets(%dma_start3A : memref<200xi32, #tpu.memory_space<vmem>>) semaphore(%arg14 : memref<!tpu.dma_semaphore, #tpu.memory_space<semaphore_mem>>)
      %dma_start3A_17 = tpu.memref_slice %arg9[%add3A_11] : memref<5200xi32, #tpu.memory_space<vmem>> -> memref<200xi32, #tpu.memory_space<vmem>>
      %dma_start3A_18 = arith.constant 0 : i32
      %dma_start3A_19 = arith.constant 0 : i32
      %dma_start3A_20 = tpu.memref_slice %arg3[%dma_start3A_18, %dma_start3A_19] : memref<10000x128xf32, #tpu.memory_space<hbm>> -> memref<10000x128xf32, #tpu.memory_space<hbm>>
      tpu.enqueue_indirect_dma source(%dma_start3A_20 : memref<10000x128xf32, #tpu.memory_space<hbm>>) target(%arg11 : memref<200x128xf32, #tpu.memory_space<vmem>>) offsets(%dma_start3A_17 : memref<200xi32, #tpu.memory_space<vmem>>) semaphore(%arg14 : memref<!tpu.dma_semaphore, #tpu.memory_space<semaphore_mem>>)
      %dma_start3A_21 = tpu.memref_slice %arg8[%add3A_13] : memref<5200xi32, #tpu.memory_space<vmem>> -> memref<200xi32, #tpu.memory_space<vmem>>
      %dma_start3A_22 = arith.constant 0 : i32
      %dma_start3A_23 = arith.constant 0 : i32
      %dma_start3A_24 = tpu.memref_slice %arg2[%dma_start3A_22, %dma_start3A_23] : memref<10000x128xf32, #tpu.memory_space<hbm>> -> memref<10000x128xf32, #tpu.memory_space<hbm>>
      tpu.enqueue_indirect_dma source(%dma_start3A_24 : memref<10000x128xf32, #tpu.memory_space<hbm>>) target(%arg12 : memref<200x128xf32, #tpu.memory_space<vmem>>) offsets(%dma_start3A_21 : memref<200xi32, #tpu.memory_space<vmem>>) semaphore(%arg15 : memref<!tpu.dma_semaphore, #tpu.memory_space<semaphore_mem>>)
      %dma_start3A_25 = tpu.memref_slice %arg9[%add3A_13] : memref<5200xi32, #tpu.memory_space<vmem>> -> memref<200xi32, #tpu.memory_space<vmem>>
      %dma_start3A_26 = arith.constant 0 : i32
      %dma_start3A_27 = arith.constant 0 : i32
      %dma_start3A_28 = tpu.memref_slice %arg3[%dma_start3A_26, %dma_start3A_27] : memref<10000x128xf32, #tpu.memory_space<hbm>> -> memref<10000x128xf32, #tpu.memory_space<hbm>>
      tpu.enqueue_indirect_dma source(%dma_start3A_28 : memref<10000x128xf32, #tpu.memory_space<hbm>>) target(%arg13 : memref<200x128xf32, #tpu.memory_space<vmem>>) offsets(%dma_start3A_25 : memref<200xi32, #tpu.memory_space<vmem>>) semaphore(%arg15 : memref<!tpu.dma_semaphore, #tpu.memory_space<semaphore_mem>>)
      %dma_wait3A = tpu.memref_slice %arg8[%add3A_11] : memref<5200xi32, #tpu.memory_space<vmem>> -> memref<200xi32, #tpu.memory_space<vmem>>
      %dma_wait3A_29 = arith.constant 0 : i32
      %dma_wait3A_30 = arith.constant 0 : i32
      %dma_wait3A_31 = tpu.memref_slice %arg2[%dma_wait3A_29, %dma_wait3A_30] : memref<10000x128xf32, #tpu.memory_space<hbm>> -> memref<10000x128xf32, #tpu.memory_space<hbm>>
      tpu.wait_indirect_dma semaphore(%arg14 : memref<!tpu.dma_semaphore, #tpu.memory_space<semaphore_mem>>) src(%dma_wait3A_31 : memref<10000x128xf32, #tpu.memory_space<hbm>>) dst(%arg10 : memref<200x128xf32, #tpu.memory_space<vmem>>)
      %dma_wait3A_32 = tpu.memref_slice %arg9[%add3A_11] : memref<5200xi32, #tpu.memory_space<vmem>> -> memref<200xi32, #tpu.memory_space<vmem>>
      %dma_wait3A_33 = arith.constant 0 : i32
      %dma_wait3A_34 = arith.constant 0 : i32
      %dma_wait3A_35 = tpu.memref_slice %arg3[%dma_wait3A_33, %dma_wait3A_34] : memref<10000x128xf32, #tpu.memory_space<hbm>> -> memref<10000x128xf32, #tpu.memory_space<hbm>>
      tpu.wait_indirect_dma semaphore(%arg14 : memref<!tpu.dma_semaphore, #tpu.memory_space<semaphore_mem>>) src(%dma_wait3A_35 : memref<10000x128xf32, #tpu.memory_space<hbm>>) dst(%arg11 : memref<200x128xf32, #tpu.memory_space<vmem>>)
      %add3A_36 = arith.addi %mul3A_2, %add3A_11 : i32
      %dma_start3A_37 = arith.constant 0 : i32
      %dma_start3A_38 = tpu.memref_slice %arg6[%add3A_36, %dma_start3A_37] : memref<166400x128xf32, #tpu.memory_space<hbm>> -> memref<200x128xf32, #tpu.memory_space<hbm>>
      %dma_start3A_39 = arith.constant 0 : i32
      %dma_start3A_40 = tpu.memref_slice %arg6[%add3A_36, %dma_start3A_39] : memref<166400x128xf32, #tpu.memory_space<hbm>> -> memref<200x128xf32, #tpu.memory_space<hbm>>
      tpu.enqueue_dma source(%arg10 : memref<200x128xf32, #tpu.memory_space<vmem>>) target(%dma_start3A_40 : memref<200x128xf32, #tpu.memory_space<hbm>>) target_semaphore(%arg16 : memref<!tpu.dma_semaphore, #tpu.memory_space<semaphore_mem>>)
      %add3A_41 = arith.addi %mul3A_2, %add3A_11 : i32
      %dma_start3A_42 = arith.constant 0 : i32
      %dma_start3A_43 = tpu.memref_slice %arg7[%add3A_41, %dma_start3A_42] : memref<166400x128xf32, #tpu.memory_space<hbm>> -> memref<200x128xf32, #tpu.memory_space<hbm>>
      %dma_start3A_44 = arith.constant 0 : i32
      %dma_start3A_45 = tpu.memref_slice %arg7[%add3A_41, %dma_start3A_44] : memref<166400x128xf32, #tpu.memory_space<hbm>> -> memref<200x128xf32, #tpu.memory_space<hbm>>
      tpu.enqueue_dma source(%arg11 : memref<200x128xf32, #tpu.memory_space<vmem>>) target(%dma_start3A_45 : memref<200x128xf32, #tpu.memory_space<hbm>>) target_semaphore(%arg16 : memref<!tpu.dma_semaphore, #tpu.memory_space<semaphore_mem>>)
      %dma_wait3A_46 = tpu.memref_slice %arg8[%add3A_13] : memref<5200xi32, #tpu.memory_space<vmem>> -> memref<200xi32, #tpu.memory_space<vmem>>
      %dma_wait3A_47 = arith.constant 0 : i32
      %dma_wait3A_48 = arith.constant 0 : i32
      %dma_wait3A_49 = tpu.memref_slice %arg2[%dma_wait3A_47, %dma_wait3A_48] : memref<10000x128xf32, #tpu.memory_space<hbm>> -> memref<10000x128xf32, #tpu.memory_space<hbm>>
      tpu.wait_indirect_dma semaphore(%arg15 : memref<!tpu.dma_semaphore, #tpu.memory_space<semaphore_mem>>) src(%dma_wait3A_49 : memref<10000x128xf32, #tpu.memory_space<hbm>>) dst(%arg12 : memref<200x128xf32, #tpu.memory_space<vmem>>)
      %dma_wait3A_50 = tpu.memref_slice %arg9[%add3A_13] : memref<5200xi32, #tpu.memory_space<vmem>> -> memref<200xi32, #tpu.memory_space<vmem>>
      %dma_wait3A_51 = arith.constant 0 : i32
      %dma_wait3A_52 = arith.constant 0 : i32
      %dma_wait3A_53 = tpu.memref_slice %arg3[%dma_wait3A_51, %dma_wait3A_52] : memref<10000x128xf32, #tpu.memory_space<hbm>> -> memref<10000x128xf32, #tpu.memory_space<hbm>>
      tpu.wait_indirect_dma semaphore(%arg15 : memref<!tpu.dma_semaphore, #tpu.memory_space<semaphore_mem>>) src(%dma_wait3A_53 : memref<10000x128xf32, #tpu.memory_space<hbm>>) dst(%arg13 : memref<200x128xf32, #tpu.memory_space<vmem>>)
      %add3A_54 = arith.addi %mul3A_2, %add3A_13 : i32
      %dma_start3A_55 = arith.constant 0 : i32
      %dma_start3A_56 = tpu.memref_slice %arg6[%add3A_54, %dma_start3A_55] : memref<166400x128xf32, #tpu.memory_space<hbm>> -> memref<200x128xf32, #tpu.memory_space<hbm>>
      %dma_start3A_57 = arith.constant 0 : i32
      %dma_start3A_58 = tpu.memref_slice %arg6[%add3A_54, %dma_start3A_57] : memref<166400x128xf32, #tpu.memory_space<hbm>> -> memref<200x128xf32, #tpu.memory_space<hbm>>
      tpu.enqueue_dma source(%arg12 : memref<200x128xf32, #tpu.memory_space<vmem>>) target(%dma_start3A_58 : memref<200x128xf32, #tpu.memory_space<hbm>>) target_semaphore(%arg17 : memref<!tpu.dma_semaphore, #tpu.memory_space<semaphore_mem>>)
      %add3A_59 = arith.addi %mul3A_2, %add3A_13 : i32
      %dma_start3A_60 = arith.constant 0 : i32
      %dma_start3A_61 = tpu.memref_slice %arg7[%add3A_59, %dma_start3A_60] : memref<166400x128xf32, #tpu.memory_space<hbm>> -> memref<200x128xf32, #tpu.memory_space<hbm>>
      %dma_start3A_62 = arith.constant 0 : i32
      %dma_start3A_63 = tpu.memref_slice %arg7[%add3A_59, %dma_start3A_62] : memref<166400x128xf32, #tpu.memory_space<hbm>> -> memref<200x128xf32, #tpu.memory_space<hbm>>
      tpu.enqueue_dma source(%arg13 : memref<200x128xf32, #tpu.memory_space<vmem>>) target(%dma_start3A_63 : memref<200x128xf32, #tpu.memory_space<hbm>>) target_semaphore(%arg17 : memref<!tpu.dma_semaphore, #tpu.memory_space<semaphore_mem>>)
      %dma_wait3A_64 = arith.constant 0 : i32
      %dma_wait3A_65 = tpu.memref_slice %arg6[%add3A_36, %dma_wait3A_64] : memref<166400x128xf32, #tpu.memory_space<hbm>> -> memref<200x128xf32, #tpu.memory_space<hbm>>
      %dma_wait3A_66 = arith.constant 0 : i32
      %dma_wait3A_67 = tpu.memref_slice %arg6[%add3A_36, %dma_wait3A_66] : memref<166400x128xf32, #tpu.memory_space<hbm>> -> memref<200x128xf32, #tpu.memory_space<hbm>>
      tpu.wait_dma2 semaphore(%arg16 : memref<!tpu.dma_semaphore, #tpu.memory_space<semaphore_mem>>) src(%arg10 : memref<200x128xf32, #tpu.memory_space<vmem>>) dst(%dma_wait3A_67 : memref<200x128xf32, #tpu.memory_space<hbm>>)
      %dma_wait3A_68 = arith.constant 0 : i32
      %dma_wait3A_69 = tpu.memref_slice %arg7[%add3A_41, %dma_wait3A_68] : memref<166400x128xf32, #tpu.memory_space<hbm>> -> memref<200x128xf32, #tpu.memory_space<hbm>>
      %dma_wait3A_70 = arith.constant 0 : i32
      %dma_wait3A_71 = tpu.memref_slice %arg7[%add3A_41, %dma_wait3A_70] : memref<166400x128xf32, #tpu.memory_space<hbm>> -> memref<200x128xf32, #tpu.memory_space<hbm>>
      tpu.wait_dma2 semaphore(%arg16 : memref<!tpu.dma_semaphore, #tpu.memory_space<semaphore_mem>>) src(%arg11 : memref<200x128xf32, #tpu.memory_space<vmem>>) dst(%dma_wait3A_71 : memref<200x128xf32, #tpu.memory_space<hbm>>)
      %dma_wait3A_72 = arith.constant 0 : i32
      %dma_wait3A_73 = tpu.memref_slice %arg6[%add3A_54, %dma_wait3A_72] : memref<166400x128xf32, #tpu.memory_space<hbm>> -> memref<200x128xf32, #tpu.memory_space<hbm>>
      %dma_wait3A_74 = arith.constant 0 : i32
      %dma_wait3A_75 = tpu.memref_slice %arg6[%add3A_54, %dma_wait3A_74] : memref<166400x128xf32, #tpu.memory_space<hbm>> -> memref<200x128xf32, #tpu.memory_space<hbm>>
      tpu.wait_dma2 semaphore(%arg17 : memref<!tpu.dma_semaphore, #tpu.memory_space<semaphore_mem>>) src(%arg12 : memref<200x128xf32, #tpu.memory_space<vmem>>) dst(%dma_wait3A_75 : memref<200x128xf32, #tpu.memory_space<hbm>>)
      %dma_wait3A_76 = arith.constant 0 : i32
      %dma_wait3A_77 = tpu.memref_slice %arg7[%add3A_59, %dma_wait3A_76] : memref<166400x128xf32, #tpu.memory_space<hbm>> -> memref<200x128xf32, #tpu.memory_space<hbm>>
      %dma_wait3A_78 = arith.constant 0 : i32
      %dma_wait3A_79 = tpu.memref_slice %arg7[%add3A_59, %dma_wait3A_78] : memref<166400x128xf32, #tpu.memory_space<hbm>> -> memref<200x128xf32, #tpu.memory_space<hbm>>
      tpu.wait_dma2 semaphore(%arg17 : memref<!tpu.dma_semaphore, #tpu.memory_space<semaphore_mem>>) src(%arg13 : memref<200x128xf32, #tpu.memory_space<vmem>>) dst(%dma_wait3A_79 : memref<200x128xf32, #tpu.memory_space<hbm>>)
    }
    %scan3A_6 = arith.constant 13 : i32
    return
  }
}

#map = affine_map<(d0, d1) -> (0, 0)>
#map1 = affine_map<(d0, d1) -> (0)>
module attributes {stable_mosaic.version = 14 : i64} {
  func.func @_gather_sc_body(%arg0: i32, %arg1: i32, %arg2: memref<10000x128xf32, #tpu.memory_space<hbm>>, %arg3: memref<10000x128xf32, #tpu.memory_space<hbm>>, %arg4: memref<153600xi32, #tpu.memory_space<hbm>>, %arg5: memref<153600xi32, #tpu.memory_space<hbm>>, %arg6: memref<153600x128xf32, #tpu.memory_space<hbm>>, %arg7: memref<153600x128xf32, #tpu.memory_space<hbm>>, %arg8: memref<4800xi32, #tpu.memory_space<vmem>>, %arg9: memref<4800xi32, #tpu.memory_space<vmem>>, %arg10: memref<200x128xf32, #tpu.memory_space<vmem>>, %arg11: memref<200x128xf32, #tpu.memory_space<vmem>>, %arg12: memref<200x128xf32, #tpu.memory_space<vmem>>, %arg13: memref<200x128xf32, #tpu.memory_space<vmem>>, %arg14: memref<!tpu.dma_semaphore, #tpu.memory_space<semaphore_mem>>, %arg15: memref<!tpu.dma_semaphore, #tpu.memory_space<semaphore_mem>>, %arg16: memref<!tpu.dma_semaphore, #tpu.memory_space<semaphore_mem>>, %arg17: memref<!tpu.dma_semaphore, #tpu.memory_space<semaphore_mem>>) attributes {dimension_semantics = [#tpu.dimension_semantics<core_parallel>, #tpu.dimension_semantics<subcore_parallel>], iteration_bounds = array<i64: 2, 16>, scalar_prefetch = 0 : i64, scratch_operands = 10 : i64, tpu.core_type = #tpu.core_type<sc_vector_subcore>, window_params = [{transform_indices = #map}, {transform_indices = #map}, {transform_indices = #map1}, {transform_indices = #map1}, {transform_indices = #map}, {transform_indices = #map}]} {
    %mul3A = arith.constant 2 : i32
    %mul3A_0 = arith.muli %arg1, %mul3A : i32
    %add3A = arith.addi %mul3A_0, %arg0 : i32
    %mul3A_1 = arith.constant 4800 : i32
    %mul3A_2 = arith.muli %add3A, %mul3A_1 : i32
    "tpu.region"() ({
      %run_scoped3A = tpu.sem_alloc : memref<!tpu.dma_semaphore, #tpu.memory_space<semaphore_mem>>
      %dma_start3A = tpu.memref_slice %arg4[%mul3A_2] : memref<153600xi32, #tpu.memory_space<hbm>> -> memref<4800xi32, #tpu.memory_space<hbm>>
      %dma_start3A_7 = tpu.memref_slice %arg4[%mul3A_2] : memref<153600xi32, #tpu.memory_space<hbm>> -> memref<4800xi32, #tpu.memory_space<hbm>>
      tpu.enqueue_dma source(%dma_start3A_7 : memref<4800xi32, #tpu.memory_space<hbm>>) target(%arg8 : memref<4800xi32, #tpu.memory_space<vmem>>) target_semaphore(%run_scoped3A : memref<!tpu.dma_semaphore, #tpu.memory_space<semaphore_mem>>)
      %dma_wait3A = tpu.memref_slice %arg4[%mul3A_2] : memref<153600xi32, #tpu.memory_space<hbm>> -> memref<4800xi32, #tpu.memory_space<hbm>>
      %dma_wait3A_8 = tpu.memref_slice %arg4[%mul3A_2] : memref<153600xi32, #tpu.memory_space<hbm>> -> memref<4800xi32, #tpu.memory_space<hbm>>
      tpu.wait_dma2 semaphore(%run_scoped3A : memref<!tpu.dma_semaphore, #tpu.memory_space<semaphore_mem>>) src(%dma_wait3A_8 : memref<4800xi32, #tpu.memory_space<hbm>>) dst(%arg8 : memref<4800xi32, #tpu.memory_space<vmem>>)
      tpu.yield
    }) : () -> ()
    "tpu.region"() ({
      %run_scoped3A = tpu.sem_alloc : memref<!tpu.dma_semaphore, #tpu.memory_space<semaphore_mem>>
      %dma_start3A = tpu.memref_slice %arg5[%mul3A_2] : memref<153600xi32, #tpu.memory_space<hbm>> -> memref<4800xi32, #tpu.memory_space<hbm>>
      %dma_start3A_7 = tpu.memref_slice %arg5[%mul3A_2] : memref<153600xi32, #tpu.memory_space<hbm>> -> memref<4800xi32, #tpu.memory_space<hbm>>
      tpu.enqueue_dma source(%dma_start3A_7 : memref<4800xi32, #tpu.memory_space<hbm>>) target(%arg9 : memref<4800xi32, #tpu.memory_space<vmem>>) target_semaphore(%run_scoped3A : memref<!tpu.dma_semaphore, #tpu.memory_space<semaphore_mem>>)
      %dma_wait3A = tpu.memref_slice %arg5[%mul3A_2] : memref<153600xi32, #tpu.memory_space<hbm>> -> memref<4800xi32, #tpu.memory_space<hbm>>
      %dma_wait3A_8 = tpu.memref_slice %arg5[%mul3A_2] : memref<153600xi32, #tpu.memory_space<hbm>> -> memref<4800xi32, #tpu.memory_space<hbm>>
      tpu.wait_dma2 semaphore(%run_scoped3A : memref<!tpu.dma_semaphore, #tpu.memory_space<semaphore_mem>>) src(%dma_wait3A_8 : memref<4800xi32, #tpu.memory_space<hbm>>) dst(%arg9 : memref<4800xi32, #tpu.memory_space<vmem>>)
      tpu.yield
    }) : () -> ()
    %scan3A = arith.constant 0 : i32
    %scan3A_3 = arith.constant 12 : i32
    %scan3A_4 = arith.addi %scan3A, %scan3A_3 : i32
    %scan3A_5 = arith.constant 1 : i32
    scf.for %scan3A_7 = %scan3A to %scan3A_4 step %scan3A_5  : i32 {
      %mul3A_8 = arith.constant 400 : i32
      %mul3A_9 = arith.muli %scan3A_7, %mul3A_8 : i32
      %add3A_10 = arith.constant 0 : i32
      %add3A_11 = arith.addi %add3A_10, %mul3A_9 : i32
      %add3A_12 = arith.constant 200 : i32
      %add3A_13 = arith.addi %add3A_11, %add3A_12 : i32
      %dma_start3A = tpu.memref_slice %arg8[%add3A_11] : memref<4800xi32, #tpu.memory_space<vmem>> -> memref<200xi32, #tpu.memory_space<vmem>>
      %dma_start3A_14 = arith.constant 0 : i32
      %dma_start3A_15 = arith.constant 0 : i32
      %dma_start3A_16 = tpu.memref_slice %arg2[%dma_start3A_14, %dma_start3A_15] : memref<10000x128xf32, #tpu.memory_space<hbm>> -> memref<10000x128xf32, #tpu.memory_space<hbm>>
      tpu.enqueue_indirect_dma source(%dma_start3A_16 : memref<10000x128xf32, #tpu.memory_space<hbm>>) target(%arg10 : memref<200x128xf32, #tpu.memory_space<vmem>>) offsets(%dma_start3A : memref<200xi32, #tpu.memory_space<vmem>>) semaphore(%arg14 : memref<!tpu.dma_semaphore, #tpu.memory_space<semaphore_mem>>)
      %dma_start3A_17 = tpu.memref_slice %arg9[%add3A_11] : memref<4800xi32, #tpu.memory_space<vmem>> -> memref<200xi32, #tpu.memory_space<vmem>>
      %dma_start3A_18 = arith.constant 0 : i32
      %dma_start3A_19 = arith.constant 0 : i32
      %dma_start3A_20 = tpu.memref_slice %arg3[%dma_start3A_18, %dma_start3A_19] : memref<10000x128xf32, #tpu.memory_space<hbm>> -> memref<10000x128xf32, #tpu.memory_space<hbm>>
      tpu.enqueue_indirect_dma source(%dma_start3A_20 : memref<10000x128xf32, #tpu.memory_space<hbm>>) target(%arg11 : memref<200x128xf32, #tpu.memory_space<vmem>>) offsets(%dma_start3A_17 : memref<200xi32, #tpu.memory_space<vmem>>) semaphore(%arg14 : memref<!tpu.dma_semaphore, #tpu.memory_space<semaphore_mem>>)
      %dma_start3A_21 = tpu.memref_slice %arg8[%add3A_13] : memref<4800xi32, #tpu.memory_space<vmem>> -> memref<200xi32, #tpu.memory_space<vmem>>
      %dma_start3A_22 = arith.constant 0 : i32
      %dma_start3A_23 = arith.constant 0 : i32
      %dma_start3A_24 = tpu.memref_slice %arg2[%dma_start3A_22, %dma_start3A_23] : memref<10000x128xf32, #tpu.memory_space<hbm>> -> memref<10000x128xf32, #tpu.memory_space<hbm>>
      tpu.enqueue_indirect_dma source(%dma_start3A_24 : memref<10000x128xf32, #tpu.memory_space<hbm>>) target(%arg12 : memref<200x128xf32, #tpu.memory_space<vmem>>) offsets(%dma_start3A_21 : memref<200xi32, #tpu.memory_space<vmem>>) semaphore(%arg15 : memref<!tpu.dma_semaphore, #tpu.memory_space<semaphore_mem>>)
      %dma_start3A_25 = tpu.memref_slice %arg9[%add3A_13] : memref<4800xi32, #tpu.memory_space<vmem>> -> memref<200xi32, #tpu.memory_space<vmem>>
      %dma_start3A_26 = arith.constant 0 : i32
      %dma_start3A_27 = arith.constant 0 : i32
      %dma_start3A_28 = tpu.memref_slice %arg3[%dma_start3A_26, %dma_start3A_27] : memref<10000x128xf32, #tpu.memory_space<hbm>> -> memref<10000x128xf32, #tpu.memory_space<hbm>>
      tpu.enqueue_indirect_dma source(%dma_start3A_28 : memref<10000x128xf32, #tpu.memory_space<hbm>>) target(%arg13 : memref<200x128xf32, #tpu.memory_space<vmem>>) offsets(%dma_start3A_25 : memref<200xi32, #tpu.memory_space<vmem>>) semaphore(%arg15 : memref<!tpu.dma_semaphore, #tpu.memory_space<semaphore_mem>>)
      %dma_wait3A = tpu.memref_slice %arg8[%add3A_11] : memref<4800xi32, #tpu.memory_space<vmem>> -> memref<200xi32, #tpu.memory_space<vmem>>
      %dma_wait3A_29 = arith.constant 0 : i32
      %dma_wait3A_30 = arith.constant 0 : i32
      %dma_wait3A_31 = tpu.memref_slice %arg2[%dma_wait3A_29, %dma_wait3A_30] : memref<10000x128xf32, #tpu.memory_space<hbm>> -> memref<10000x128xf32, #tpu.memory_space<hbm>>
      tpu.wait_indirect_dma semaphore(%arg14 : memref<!tpu.dma_semaphore, #tpu.memory_space<semaphore_mem>>) src(%dma_wait3A_31 : memref<10000x128xf32, #tpu.memory_space<hbm>>) dst(%arg10 : memref<200x128xf32, #tpu.memory_space<vmem>>)
      %dma_wait3A_32 = tpu.memref_slice %arg9[%add3A_11] : memref<4800xi32, #tpu.memory_space<vmem>> -> memref<200xi32, #tpu.memory_space<vmem>>
      %dma_wait3A_33 = arith.constant 0 : i32
      %dma_wait3A_34 = arith.constant 0 : i32
      %dma_wait3A_35 = tpu.memref_slice %arg3[%dma_wait3A_33, %dma_wait3A_34] : memref<10000x128xf32, #tpu.memory_space<hbm>> -> memref<10000x128xf32, #tpu.memory_space<hbm>>
      tpu.wait_indirect_dma semaphore(%arg14 : memref<!tpu.dma_semaphore, #tpu.memory_space<semaphore_mem>>) src(%dma_wait3A_35 : memref<10000x128xf32, #tpu.memory_space<hbm>>) dst(%arg11 : memref<200x128xf32, #tpu.memory_space<vmem>>)
      %add3A_36 = arith.addi %mul3A_2, %add3A_11 : i32
      %dma_start3A_37 = arith.constant 0 : i32
      %dma_start3A_38 = tpu.memref_slice %arg6[%add3A_36, %dma_start3A_37] : memref<153600x128xf32, #tpu.memory_space<hbm>> -> memref<200x128xf32, #tpu.memory_space<hbm>>
      %dma_start3A_39 = arith.constant 0 : i32
      %dma_start3A_40 = tpu.memref_slice %arg6[%add3A_36, %dma_start3A_39] : memref<153600x128xf32, #tpu.memory_space<hbm>> -> memref<200x128xf32, #tpu.memory_space<hbm>>
      tpu.enqueue_dma source(%arg10 : memref<200x128xf32, #tpu.memory_space<vmem>>) target(%dma_start3A_40 : memref<200x128xf32, #tpu.memory_space<hbm>>) target_semaphore(%arg16 : memref<!tpu.dma_semaphore, #tpu.memory_space<semaphore_mem>>)
      %add3A_41 = arith.addi %mul3A_2, %add3A_11 : i32
      %dma_start3A_42 = arith.constant 0 : i32
      %dma_start3A_43 = tpu.memref_slice %arg7[%add3A_41, %dma_start3A_42] : memref<153600x128xf32, #tpu.memory_space<hbm>> -> memref<200x128xf32, #tpu.memory_space<hbm>>
      %dma_start3A_44 = arith.constant 0 : i32
      %dma_start3A_45 = tpu.memref_slice %arg7[%add3A_41, %dma_start3A_44] : memref<153600x128xf32, #tpu.memory_space<hbm>> -> memref<200x128xf32, #tpu.memory_space<hbm>>
      tpu.enqueue_dma source(%arg11 : memref<200x128xf32, #tpu.memory_space<vmem>>) target(%dma_start3A_45 : memref<200x128xf32, #tpu.memory_space<hbm>>) target_semaphore(%arg16 : memref<!tpu.dma_semaphore, #tpu.memory_space<semaphore_mem>>)
      %dma_wait3A_46 = tpu.memref_slice %arg8[%add3A_13] : memref<4800xi32, #tpu.memory_space<vmem>> -> memref<200xi32, #tpu.memory_space<vmem>>
      %dma_wait3A_47 = arith.constant 0 : i32
      %dma_wait3A_48 = arith.constant 0 : i32
      %dma_wait3A_49 = tpu.memref_slice %arg2[%dma_wait3A_47, %dma_wait3A_48] : memref<10000x128xf32, #tpu.memory_space<hbm>> -> memref<10000x128xf32, #tpu.memory_space<hbm>>
      tpu.wait_indirect_dma semaphore(%arg15 : memref<!tpu.dma_semaphore, #tpu.memory_space<semaphore_mem>>) src(%dma_wait3A_49 : memref<10000x128xf32, #tpu.memory_space<hbm>>) dst(%arg12 : memref<200x128xf32, #tpu.memory_space<vmem>>)
      %dma_wait3A_50 = tpu.memref_slice %arg9[%add3A_13] : memref<4800xi32, #tpu.memory_space<vmem>> -> memref<200xi32, #tpu.memory_space<vmem>>
      %dma_wait3A_51 = arith.constant 0 : i32
      %dma_wait3A_52 = arith.constant 0 : i32
      %dma_wait3A_53 = tpu.memref_slice %arg3[%dma_wait3A_51, %dma_wait3A_52] : memref<10000x128xf32, #tpu.memory_space<hbm>> -> memref<10000x128xf32, #tpu.memory_space<hbm>>
      tpu.wait_indirect_dma semaphore(%arg15 : memref<!tpu.dma_semaphore, #tpu.memory_space<semaphore_mem>>) src(%dma_wait3A_53 : memref<10000x128xf32, #tpu.memory_space<hbm>>) dst(%arg13 : memref<200x128xf32, #tpu.memory_space<vmem>>)
      %add3A_54 = arith.addi %mul3A_2, %add3A_13 : i32
      %dma_start3A_55 = arith.constant 0 : i32
      %dma_start3A_56 = tpu.memref_slice %arg6[%add3A_54, %dma_start3A_55] : memref<153600x128xf32, #tpu.memory_space<hbm>> -> memref<200x128xf32, #tpu.memory_space<hbm>>
      %dma_start3A_57 = arith.constant 0 : i32
      %dma_start3A_58 = tpu.memref_slice %arg6[%add3A_54, %dma_start3A_57] : memref<153600x128xf32, #tpu.memory_space<hbm>> -> memref<200x128xf32, #tpu.memory_space<hbm>>
      tpu.enqueue_dma source(%arg12 : memref<200x128xf32, #tpu.memory_space<vmem>>) target(%dma_start3A_58 : memref<200x128xf32, #tpu.memory_space<hbm>>) target_semaphore(%arg17 : memref<!tpu.dma_semaphore, #tpu.memory_space<semaphore_mem>>)
      %add3A_59 = arith.addi %mul3A_2, %add3A_13 : i32
      %dma_start3A_60 = arith.constant 0 : i32
      %dma_start3A_61 = tpu.memref_slice %arg7[%add3A_59, %dma_start3A_60] : memref<153600x128xf32, #tpu.memory_space<hbm>> -> memref<200x128xf32, #tpu.memory_space<hbm>>
      %dma_start3A_62 = arith.constant 0 : i32
      %dma_start3A_63 = tpu.memref_slice %arg7[%add3A_59, %dma_start3A_62] : memref<153600x128xf32, #tpu.memory_space<hbm>> -> memref<200x128xf32, #tpu.memory_space<hbm>>
      tpu.enqueue_dma source(%arg13 : memref<200x128xf32, #tpu.memory_space<vmem>>) target(%dma_start3A_63 : memref<200x128xf32, #tpu.memory_space<hbm>>) target_semaphore(%arg17 : memref<!tpu.dma_semaphore, #tpu.memory_space<semaphore_mem>>)
      %dma_wait3A_64 = arith.constant 0 : i32
      %dma_wait3A_65 = tpu.memref_slice %arg6[%add3A_36, %dma_wait3A_64] : memref<153600x128xf32, #tpu.memory_space<hbm>> -> memref<200x128xf32, #tpu.memory_space<hbm>>
      %dma_wait3A_66 = arith.constant 0 : i32
      %dma_wait3A_67 = tpu.memref_slice %arg6[%add3A_36, %dma_wait3A_66] : memref<153600x128xf32, #tpu.memory_space<hbm>> -> memref<200x128xf32, #tpu.memory_space<hbm>>
      tpu.wait_dma2 semaphore(%arg16 : memref<!tpu.dma_semaphore, #tpu.memory_space<semaphore_mem>>) src(%arg10 : memref<200x128xf32, #tpu.memory_space<vmem>>) dst(%dma_wait3A_67 : memref<200x128xf32, #tpu.memory_space<hbm>>)
      %dma_wait3A_68 = arith.constant 0 : i32
      %dma_wait3A_69 = tpu.memref_slice %arg7[%add3A_41, %dma_wait3A_68] : memref<153600x128xf32, #tpu.memory_space<hbm>> -> memref<200x128xf32, #tpu.memory_space<hbm>>
      %dma_wait3A_70 = arith.constant 0 : i32
      %dma_wait3A_71 = tpu.memref_slice %arg7[%add3A_41, %dma_wait3A_70] : memref<153600x128xf32, #tpu.memory_space<hbm>> -> memref<200x128xf32, #tpu.memory_space<hbm>>
      tpu.wait_dma2 semaphore(%arg16 : memref<!tpu.dma_semaphore, #tpu.memory_space<semaphore_mem>>) src(%arg11 : memref<200x128xf32, #tpu.memory_space<vmem>>) dst(%dma_wait3A_71 : memref<200x128xf32, #tpu.memory_space<hbm>>)
      %dma_wait3A_72 = arith.constant 0 : i32
      %dma_wait3A_73 = tpu.memref_slice %arg6[%add3A_54, %dma_wait3A_72] : memref<153600x128xf32, #tpu.memory_space<hbm>> -> memref<200x128xf32, #tpu.memory_space<hbm>>
      %dma_wait3A_74 = arith.constant 0 : i32
      %dma_wait3A_75 = tpu.memref_slice %arg6[%add3A_54, %dma_wait3A_74] : memref<153600x128xf32, #tpu.memory_space<hbm>> -> memref<200x128xf32, #tpu.memory_space<hbm>>
      tpu.wait_dma2 semaphore(%arg17 : memref<!tpu.dma_semaphore, #tpu.memory_space<semaphore_mem>>) src(%arg12 : memref<200x128xf32, #tpu.memory_space<vmem>>) dst(%dma_wait3A_75 : memref<200x128xf32, #tpu.memory_space<hbm>>)
      %dma_wait3A_76 = arith.constant 0 : i32
      %dma_wait3A_77 = tpu.memref_slice %arg7[%add3A_59, %dma_wait3A_76] : memref<153600x128xf32, #tpu.memory_space<hbm>> -> memref<200x128xf32, #tpu.memory_space<hbm>>
      %dma_wait3A_78 = arith.constant 0 : i32
      %dma_wait3A_79 = tpu.memref_slice %arg7[%add3A_59, %dma_wait3A_78] : memref<153600x128xf32, #tpu.memory_space<hbm>> -> memref<200x128xf32, #tpu.memory_space<hbm>>
      tpu.wait_dma2 semaphore(%arg17 : memref<!tpu.dma_semaphore, #tpu.memory_space<semaphore_mem>>) src(%arg13 : memref<200x128xf32, #tpu.memory_space<vmem>>) dst(%dma_wait3A_79 : memref<200x128xf32, #tpu.memory_space<hbm>>)
    }
    %scan3A_6 = arith.constant 12 : i32
    return
  }
}

#map = affine_map<(d0, d1) -> (0, 0)>
#map1 = affine_map<(d0, d1) -> (0)>
#map2 = affine_map<(d0, d1) -> (0, 0, 0)>
module attributes {stable_mosaic.version = 14 : i64} {
  func.func @_scatter_sc_body(%arg0: i32, %arg1: i32, %arg2: memref<153600x136xf32, #tpu.memory_space<hbm>>, %arg3: memref<153600xi32, #tpu.memory_space<hbm>>, %arg4: memref<2x10112x136xf32, #tpu.memory_space<hbm>>, %arg5: memref<2x10112x136xf32, #tpu.memory_space<hbm>>, %arg6: memref<40xi32, #tpu.memory_space<vmem>>, %arg7: memref<40xi32, #tpu.memory_space<vmem>>, %arg8: memref<40x136xf32, #tpu.memory_space<vmem>>, %arg9: memref<40x136xf32, #tpu.memory_space<vmem>>, %arg10: memref<10112x136xf32, #tpu.memory_space<vmem_shared>>, %arg11: memref<!tpu.dma_semaphore, #tpu.memory_space<semaphore_mem>>, %arg12: memref<!tpu.dma_semaphore, #tpu.memory_space<semaphore_mem>>, %arg13: memref<!tpu.dma_semaphore, #tpu.memory_space<semaphore_mem>>, %arg14: memref<!tpu.dma_semaphore, #tpu.memory_space<semaphore_mem>>) attributes {dimension_semantics = [#tpu.dimension_semantics<core_parallel>, #tpu.dimension_semantics<subcore_parallel>], iteration_bounds = array<i64: 2, 16>, scalar_prefetch = 0 : i64, scratch_operands = 9 : i64, tpu.core_type = #tpu.core_type<sc_vector_subcore>, window_params = [{transform_indices = #map}, {transform_indices = #map1}, {transform_indices = #map2}, {transform_indices = #map2}]} {
    %mul3A = arith.constant 2 : i32
    %mul3A_0 = arith.muli %arg1, %mul3A : i32
    %add3A = arith.addi %mul3A_0, %arg0 : i32
    %mul3A_1 = arith.constant 4800 : i32
    %mul3A_2 = arith.muli %add3A, %mul3A_1 : i32
    %eq3A = arith.constant 0 : i32
    %eq3A_3 = arith.cmpi eq, %arg1, %eq3A : i32
    %convert_element_type3A = arith.extui %eq3A_3 : i1 to i32
    %cond3A = arith.constant 0 : i32
    %cond3A_4 = arith.cmpi ne, %convert_element_type3A, %cond3A : i32
    scf.if %cond3A_4 {
      "tpu.region"() ({
        %run_scoped3A = tpu.sem_alloc : memref<!tpu.dma_semaphore, #tpu.memory_space<semaphore_mem>>
        %dma_start3A = arith.constant 0 : i32
        %dma_start3A_12 = arith.constant 0 : i32
        %dma_start3A_13 = tpu.memref_slice %arg4[%arg0, %dma_start3A, %dma_start3A_12] : memref<2x10112x136xf32, #tpu.memory_space<hbm>> -> memref<1x10112x136xf32, #tpu.memory_space<hbm>>
        %dma_start3A_14 = tpu.memref_squeeze %dma_start3A_13 : memref<1x10112x136xf32, #tpu.memory_space<hbm>> -> memref<10112x136xf32, #tpu.memory_space<hbm>>
        tpu.enqueue_dma source(%dma_start3A_14 : memref<10112x136xf32, #tpu.memory_space<hbm>>) target(%arg10 : memref<10112x136xf32, #tpu.memory_space<vmem_shared>>) target_semaphore(%run_scoped3A : memref<!tpu.dma_semaphore, #tpu.memory_space<semaphore_mem>>)
        %dma_wait3A = arith.constant 0 : i32
        %dma_wait3A_15 = arith.constant 0 : i32
        %dma_wait3A_16 = tpu.memref_slice %arg4[%arg0, %dma_wait3A, %dma_wait3A_15] : memref<2x10112x136xf32, #tpu.memory_space<hbm>> -> memref<1x10112x136xf32, #tpu.memory_space<hbm>>
        %dma_wait3A_17 = tpu.memref_squeeze %dma_wait3A_16 : memref<1x10112x136xf32, #tpu.memory_space<hbm>> -> memref<10112x136xf32, #tpu.memory_space<hbm>>
        tpu.wait_dma2 semaphore(%run_scoped3A : memref<!tpu.dma_semaphore, #tpu.memory_space<semaphore_mem>>) src(%dma_wait3A_17 : memref<10112x136xf32, #tpu.memory_space<hbm>>) dst(%arg10 : memref<10112x136xf32, #tpu.memory_space<vmem_shared>>)
        tpu.yield
      }) : () -> ()
    } else {
    }
    %barrier3A = arith.constant 0 : index
    tpu.barrier barrier_id(%barrier3A)
    %scan3A = arith.constant 0 : i32
    %scan3A_5 = arith.constant 60 : i32
    %scan3A_6 = arith.addi %scan3A, %scan3A_5 : i32
    %scan3A_7 = arith.constant 1 : i32
    scf.for %scan3A_12 = %scan3A to %scan3A_6 step %scan3A_7  : i32 {
      %mul3A_13 = arith.constant 80 : i32
      %mul3A_14 = arith.muli %scan3A_12, %mul3A_13 : i32
      %add3A_15 = arith.constant 0 : i32
      %add3A_16 = arith.addi %add3A_15, %mul3A_14 : i32
      %add3A_17 = arith.addi %mul3A_2, %add3A_16 : i32
      %add3A_18 = arith.constant 40 : i32
      %add3A_19 = arith.addi %add3A_17, %add3A_18 : i32
      %dma_start3A = tpu.memref_slice %arg3[%add3A_17] : memref<153600xi32, #tpu.memory_space<hbm>> -> memref<40xi32, #tpu.memory_space<hbm>>
      %dma_start3A_20 = tpu.memref_slice %arg3[%add3A_17] : memref<153600xi32, #tpu.memory_space<hbm>> -> memref<40xi32, #tpu.memory_space<hbm>>
      tpu.enqueue_dma source(%dma_start3A_20 : memref<40xi32, #tpu.memory_space<hbm>>) target(%arg6 : memref<40xi32, #tpu.memory_space<vmem>>) target_semaphore(%arg11 : memref<!tpu.dma_semaphore, #tpu.memory_space<semaphore_mem>>)
      %dma_start3A_21 = arith.constant 0 : i32
      %dma_start3A_22 = tpu.memref_slice %arg2[%add3A_17, %dma_start3A_21] : memref<153600x136xf32, #tpu.memory_space<hbm>> -> memref<40x136xf32, #tpu.memory_space<hbm>>
      %dma_start3A_23 = arith.constant 0 : i32
      %dma_start3A_24 = tpu.memref_slice %arg2[%add3A_17, %dma_start3A_23] : memref<153600x136xf32, #tpu.memory_space<hbm>> -> memref<40x136xf32, #tpu.memory_space<hbm>>
      tpu.enqueue_dma source(%dma_start3A_24 : memref<40x136xf32, #tpu.memory_space<hbm>>) target(%arg8 : memref<40x136xf32, #tpu.memory_space<vmem>>) target_semaphore(%arg12 : memref<!tpu.dma_semaphore, #tpu.memory_space<semaphore_mem>>)
      %dma_start3A_25 = tpu.memref_slice %arg3[%add3A_19] : memref<153600xi32, #tpu.memory_space<hbm>> -> memref<40xi32, #tpu.memory_space<hbm>>
      %dma_start3A_26 = tpu.memref_slice %arg3[%add3A_19] : memref<153600xi32, #tpu.memory_space<hbm>> -> memref<40xi32, #tpu.memory_space<hbm>>
      tpu.enqueue_dma source(%dma_start3A_26 : memref<40xi32, #tpu.memory_space<hbm>>) target(%arg7 : memref<40xi32, #tpu.memory_space<vmem>>) target_semaphore(%arg13 : memref<!tpu.dma_semaphore, #tpu.memory_space<semaphore_mem>>)
      %dma_start3A_27 = arith.constant 0 : i32
      %dma_start3A_28 = tpu.memref_slice %arg2[%add3A_19, %dma_start3A_27] : memref<153600x136xf32, #tpu.memory_space<hbm>> -> memref<40x136xf32, #tpu.memory_space<hbm>>
      %dma_start3A_29 = arith.constant 0 : i32
      %dma_start3A_30 = tpu.memref_slice %arg2[%add3A_19, %dma_start3A_29] : memref<153600x136xf32, #tpu.memory_space<hbm>> -> memref<40x136xf32, #tpu.memory_space<hbm>>
      tpu.enqueue_dma source(%dma_start3A_30 : memref<40x136xf32, #tpu.memory_space<hbm>>) target(%arg9 : memref<40x136xf32, #tpu.memory_space<vmem>>) target_semaphore(%arg14 : memref<!tpu.dma_semaphore, #tpu.memory_space<semaphore_mem>>)
      %dma_wait3A = tpu.memref_slice %arg3[%add3A_17] : memref<153600xi32, #tpu.memory_space<hbm>> -> memref<40xi32, #tpu.memory_space<hbm>>
      %dma_wait3A_31 = tpu.memref_slice %arg3[%add3A_17] : memref<153600xi32, #tpu.memory_space<hbm>> -> memref<40xi32, #tpu.memory_space<hbm>>
      tpu.wait_dma2 semaphore(%arg11 : memref<!tpu.dma_semaphore, #tpu.memory_space<semaphore_mem>>) src(%dma_wait3A_31 : memref<40xi32, #tpu.memory_space<hbm>>) dst(%arg6 : memref<40xi32, #tpu.memory_space<vmem>>)
      %dma_wait3A_32 = arith.constant 0 : i32
      %dma_wait3A_33 = tpu.memref_slice %arg2[%add3A_17, %dma_wait3A_32] : memref<153600x136xf32, #tpu.memory_space<hbm>> -> memref<40x136xf32, #tpu.memory_space<hbm>>
      %dma_wait3A_34 = arith.constant 0 : i32
      %dma_wait3A_35 = tpu.memref_slice %arg2[%add3A_17, %dma_wait3A_34] : memref<153600x136xf32, #tpu.memory_space<hbm>> -> memref<40x136xf32, #tpu.memory_space<hbm>>
      tpu.wait_dma2 semaphore(%arg12 : memref<!tpu.dma_semaphore, #tpu.memory_space<semaphore_mem>>) src(%dma_wait3A_35 : memref<40x136xf32, #tpu.memory_space<hbm>>) dst(%arg8 : memref<40x136xf32, #tpu.memory_space<vmem>>)
      "tpu.region"() ({
        %run_scoped3A = tpu.sem_alloc : memref<!tpu.dma_semaphore, #tpu.memory_space<semaphore_mem>>
        %dma_start3A_42 = arith.constant 0 : i32
        %dma_start3A_43 = arith.constant 0 : i32
        %dma_start3A_44 = tpu.memref_slice %arg10[%dma_start3A_42, %dma_start3A_43] : memref<10112x136xf32, #tpu.memory_space<vmem_shared>> -> memref<10112x136xf32, #tpu.memory_space<vmem_shared>>
        tpu.enqueue_indirect_dma source(%arg8 : memref<40x136xf32, #tpu.memory_space<vmem>>) target(%dma_start3A_44 : memref<10112x136xf32, #tpu.memory_space<vmem_shared>>) offsets(%arg6 : memref<40xi32, #tpu.memory_space<vmem>>) semaphore(%run_scoped3A : memref<!tpu.dma_semaphore, #tpu.memory_space<semaphore_mem>>) {add = true}
        %dma_wait3A_45 = arith.constant 0 : i32
        %dma_wait3A_46 = arith.constant 0 : i32
        %dma_wait3A_47 = tpu.memref_slice %arg10[%dma_wait3A_45, %dma_wait3A_46] : memref<10112x136xf32, #tpu.memory_space<vmem_shared>> -> memref<10112x136xf32, #tpu.memory_space<vmem_shared>>
        tpu.wait_indirect_dma semaphore(%run_scoped3A : memref<!tpu.dma_semaphore, #tpu.memory_space<semaphore_mem>>) src(%arg8 : memref<40x136xf32, #tpu.memory_space<vmem>>) dst(%dma_wait3A_47 : memref<10112x136xf32, #tpu.memory_space<vmem_shared>>)
        tpu.yield
      }) : () -> ()
      %dma_wait3A_36 = tpu.memref_slice %arg3[%add3A_19] : memref<153600xi32, #tpu.memory_space<hbm>> -> memref<40xi32, #tpu.memory_space<hbm>>
      %dma_wait3A_37 = tpu.memref_slice %arg3[%add3A_19] : memref<153600xi32, #tpu.memory_space<hbm>> -> memref<40xi32, #tpu.memory_space<hbm>>
      tpu.wait_dma2 semaphore(%arg13 : memref<!tpu.dma_semaphore, #tpu.memory_space<semaphore_mem>>) src(%dma_wait3A_37 : memref<40xi32, #tpu.memory_space<hbm>>) dst(%arg7 : memref<40xi32, #tpu.memory_space<vmem>>)
      %dma_wait3A_38 = arith.constant 0 : i32
      %dma_wait3A_39 = tpu.memref_slice %arg2[%add3A_19, %dma_wait3A_38] : memref<153600x136xf32, #tpu.memory_space<hbm>> -> memref<40x136xf32, #tpu.memory_space<hbm>>
      %dma_wait3A_40 = arith.constant 0 : i32
      %dma_wait3A_41 = tpu.memref_slice %arg2[%add3A_19, %dma_wait3A_40] : memref<153600x136xf32, #tpu.memory_space<hbm>> -> memref<40x136xf32, #tpu.memory_space<hbm>>
      tpu.wait_dma2 semaphore(%arg14 : memref<!tpu.dma_semaphore, #tpu.memory_space<semaphore_mem>>) src(%dma_wait3A_41 : memref<40x136xf32, #tpu.memory_space<hbm>>) dst(%arg9 : memref<40x136xf32, #tpu.memory_space<vmem>>)
      "tpu.region"() ({
        %run_scoped3A = tpu.sem_alloc : memref<!tpu.dma_semaphore, #tpu.memory_space<semaphore_mem>>
        %dma_start3A_42 = arith.constant 0 : i32
        %dma_start3A_43 = arith.constant 0 : i32
        %dma_start3A_44 = tpu.memref_slice %arg10[%dma_start3A_42, %dma_start3A_43] : memref<10112x136xf32, #tpu.memory_space<vmem_shared>> -> memref<10112x136xf32, #tpu.memory_space<vmem_shared>>
        tpu.enqueue_indirect_dma source(%arg9 : memref<40x136xf32, #tpu.memory_space<vmem>>) target(%dma_start3A_44 : memref<10112x136xf32, #tpu.memory_space<vmem_shared>>) offsets(%arg7 : memref<40xi32, #tpu.memory_space<vmem>>) semaphore(%run_scoped3A : memref<!tpu.dma_semaphore, #tpu.memory_space<semaphore_mem>>) {add = true}
        %dma_wait3A_45 = arith.constant 0 : i32
        %dma_wait3A_46 = arith.constant 0 : i32
        %dma_wait3A_47 = tpu.memref_slice %arg10[%dma_wait3A_45, %dma_wait3A_46] : memref<10112x136xf32, #tpu.memory_space<vmem_shared>> -> memref<10112x136xf32, #tpu.memory_space<vmem_shared>>
        tpu.wait_indirect_dma semaphore(%run_scoped3A : memref<!tpu.dma_semaphore, #tpu.memory_space<semaphore_mem>>) src(%arg9 : memref<40x136xf32, #tpu.memory_space<vmem>>) dst(%dma_wait3A_47 : memref<10112x136xf32, #tpu.memory_space<vmem_shared>>)
        tpu.yield
      }) : () -> ()
    }
    %scan3A_8 = arith.constant 60 : i32
    %barrier3A_9 = arith.constant 0 : index
    tpu.barrier barrier_id(%barrier3A_9)
    %mul3A_10 = arith.constant 632 : i32
    %mul3A_11 = arith.muli %arg1, %mul3A_10 : i32
    "tpu.region"() ({
      %run_scoped3A = tpu.sem_alloc : memref<!tpu.dma_semaphore, #tpu.memory_space<semaphore_mem>>
      %dma_start3A = arith.constant 0 : i32
      %dma_start3A_12 = tpu.memref_slice %arg5[%arg0, %mul3A_11, %dma_start3A] : memref<2x10112x136xf32, #tpu.memory_space<hbm>> -> memref<1x632x136xf32, #tpu.memory_space<hbm>>
      %dma_start3A_13 = tpu.memref_squeeze %dma_start3A_12 : memref<1x632x136xf32, #tpu.memory_space<hbm>> -> memref<632x136xf32, #tpu.memory_space<hbm>>
      %dma_start3A_14 = arith.constant 0 : i32
      %dma_start3A_15 = tpu.memref_slice %arg10[%mul3A_11, %dma_start3A_14] : memref<10112x136xf32, #tpu.memory_space<vmem_shared>> -> memref<632x136xf32, #tpu.memory_space<vmem_shared>>
      tpu.enqueue_dma source(%dma_start3A_15 : memref<632x136xf32, #tpu.memory_space<vmem_shared>>) target(%dma_start3A_13 : memref<632x136xf32, #tpu.memory_space<hbm>>) target_semaphore(%run_scoped3A : memref<!tpu.dma_semaphore, #tpu.memory_space<semaphore_mem>>)
      %dma_wait3A = arith.constant 0 : i32
      %dma_wait3A_16 = tpu.memref_slice %arg5[%arg0, %mul3A_11, %dma_wait3A] : memref<2x10112x136xf32, #tpu.memory_space<hbm>> -> memref<1x632x136xf32, #tpu.memory_space<hbm>>
      %dma_wait3A_17 = tpu.memref_squeeze %dma_wait3A_16 : memref<1x632x136xf32, #tpu.memory_space<hbm>> -> memref<632x136xf32, #tpu.memory_space<hbm>>
      %dma_wait3A_18 = arith.constant 0 : i32
      %dma_wait3A_19 = tpu.memref_slice %arg10[%mul3A_11, %dma_wait3A_18] : memref<10112x136xf32, #tpu.memory_space<vmem_shared>> -> memref<632x136xf32, #tpu.memory_space<vmem_shared>>
      tpu.wait_dma2 semaphore(%run_scoped3A : memref<!tpu.dma_semaphore, #tpu.memory_space<semaphore_mem>>) src(%dma_wait3A_19 : memref<632x136xf32, #tpu.memory_space<vmem_shared>>) dst(%dma_wait3A_17 : memref<632x136xf32, #tpu.memory_space<hbm>>)
      tpu.yield
    }) : () -> ()
    return
  }
}

#map = affine_map<(d0, d1) -> (0, 0)>
#map1 = affine_map<(d0, d1) -> (0)>
module attributes {stable_mosaic.version = 14 : i64} {
  func.func @_gather_sc_body(%arg0: i32, %arg1: i32, %arg2: memref<10000x64xf32, #tpu.memory_space<hbm>>, %arg3: memref<10000x64xf32, #tpu.memory_space<hbm>>, %arg4: memref<153600xi32, #tpu.memory_space<hbm>>, %arg5: memref<153600xi32, #tpu.memory_space<hbm>>, %arg6: memref<153600x64xf32, #tpu.memory_space<hbm>>, %arg7: memref<153600x64xf32, #tpu.memory_space<hbm>>, %arg8: memref<4800xi32, #tpu.memory_space<vmem>>, %arg9: memref<4800xi32, #tpu.memory_space<vmem>>, %arg10: memref<200x64xf32, #tpu.memory_space<vmem>>, %arg11: memref<200x64xf32, #tpu.memory_space<vmem>>, %arg12: memref<200x64xf32, #tpu.memory_space<vmem>>, %arg13: memref<200x64xf32, #tpu.memory_space<vmem>>, %arg14: memref<!tpu.dma_semaphore, #tpu.memory_space<semaphore_mem>>, %arg15: memref<!tpu.dma_semaphore, #tpu.memory_space<semaphore_mem>>, %arg16: memref<!tpu.dma_semaphore, #tpu.memory_space<semaphore_mem>>, %arg17: memref<!tpu.dma_semaphore, #tpu.memory_space<semaphore_mem>>) attributes {dimension_semantics = [#tpu.dimension_semantics<core_parallel>, #tpu.dimension_semantics<subcore_parallel>], iteration_bounds = array<i64: 2, 16>, scalar_prefetch = 0 : i64, scratch_operands = 10 : i64, tpu.core_type = #tpu.core_type<sc_vector_subcore>, window_params = [{transform_indices = #map}, {transform_indices = #map}, {transform_indices = #map1}, {transform_indices = #map1}, {transform_indices = #map}, {transform_indices = #map}]} {
    %mul3A = arith.constant 2 : i32
    %mul3A_0 = arith.muli %arg1, %mul3A : i32
    %add3A = arith.addi %mul3A_0, %arg0 : i32
    %mul3A_1 = arith.constant 4800 : i32
    %mul3A_2 = arith.muli %add3A, %mul3A_1 : i32
    "tpu.region"() ({
      %run_scoped3A = tpu.sem_alloc : memref<!tpu.dma_semaphore, #tpu.memory_space<semaphore_mem>>
      %dma_start3A = tpu.memref_slice %arg4[%mul3A_2] : memref<153600xi32, #tpu.memory_space<hbm>> -> memref<4800xi32, #tpu.memory_space<hbm>>
      %dma_start3A_7 = tpu.memref_slice %arg4[%mul3A_2] : memref<153600xi32, #tpu.memory_space<hbm>> -> memref<4800xi32, #tpu.memory_space<hbm>>
      tpu.enqueue_dma source(%dma_start3A_7 : memref<4800xi32, #tpu.memory_space<hbm>>) target(%arg8 : memref<4800xi32, #tpu.memory_space<vmem>>) target_semaphore(%run_scoped3A : memref<!tpu.dma_semaphore, #tpu.memory_space<semaphore_mem>>)
      %dma_wait3A = tpu.memref_slice %arg4[%mul3A_2] : memref<153600xi32, #tpu.memory_space<hbm>> -> memref<4800xi32, #tpu.memory_space<hbm>>
      %dma_wait3A_8 = tpu.memref_slice %arg4[%mul3A_2] : memref<153600xi32, #tpu.memory_space<hbm>> -> memref<4800xi32, #tpu.memory_space<hbm>>
      tpu.wait_dma2 semaphore(%run_scoped3A : memref<!tpu.dma_semaphore, #tpu.memory_space<semaphore_mem>>) src(%dma_wait3A_8 : memref<4800xi32, #tpu.memory_space<hbm>>) dst(%arg8 : memref<4800xi32, #tpu.memory_space<vmem>>)
      tpu.yield
    }) : () -> ()
    "tpu.region"() ({
      %run_scoped3A = tpu.sem_alloc : memref<!tpu.dma_semaphore, #tpu.memory_space<semaphore_mem>>
      %dma_start3A = tpu.memref_slice %arg5[%mul3A_2] : memref<153600xi32, #tpu.memory_space<hbm>> -> memref<4800xi32, #tpu.memory_space<hbm>>
      %dma_start3A_7 = tpu.memref_slice %arg5[%mul3A_2] : memref<153600xi32, #tpu.memory_space<hbm>> -> memref<4800xi32, #tpu.memory_space<hbm>>
      tpu.enqueue_dma source(%dma_start3A_7 : memref<4800xi32, #tpu.memory_space<hbm>>) target(%arg9 : memref<4800xi32, #tpu.memory_space<vmem>>) target_semaphore(%run_scoped3A : memref<!tpu.dma_semaphore, #tpu.memory_space<semaphore_mem>>)
      %dma_wait3A = tpu.memref_slice %arg5[%mul3A_2] : memref<153600xi32, #tpu.memory_space<hbm>> -> memref<4800xi32, #tpu.memory_space<hbm>>
      %dma_wait3A_8 = tpu.memref_slice %arg5[%mul3A_2] : memref<153600xi32, #tpu.memory_space<hbm>> -> memref<4800xi32, #tpu.memory_space<hbm>>
      tpu.wait_dma2 semaphore(%run_scoped3A : memref<!tpu.dma_semaphore, #tpu.memory_space<semaphore_mem>>) src(%dma_wait3A_8 : memref<4800xi32, #tpu.memory_space<hbm>>) dst(%arg9 : memref<4800xi32, #tpu.memory_space<vmem>>)
      tpu.yield
    }) : () -> ()
    %scan3A = arith.constant 0 : i32
    %scan3A_3 = arith.constant 12 : i32
    %scan3A_4 = arith.addi %scan3A, %scan3A_3 : i32
    %scan3A_5 = arith.constant 1 : i32
    scf.for %scan3A_7 = %scan3A to %scan3A_4 step %scan3A_5  : i32 {
      %mul3A_8 = arith.constant 400 : i32
      %mul3A_9 = arith.muli %scan3A_7, %mul3A_8 : i32
      %add3A_10 = arith.constant 0 : i32
      %add3A_11 = arith.addi %add3A_10, %mul3A_9 : i32
      %add3A_12 = arith.constant 200 : i32
      %add3A_13 = arith.addi %add3A_11, %add3A_12 : i32
      %dma_start3A = tpu.memref_slice %arg8[%add3A_11] : memref<4800xi32, #tpu.memory_space<vmem>> -> memref<200xi32, #tpu.memory_space<vmem>>
      %dma_start3A_14 = arith.constant 0 : i32
      %dma_start3A_15 = arith.constant 0 : i32
      %dma_start3A_16 = tpu.memref_slice %arg2[%dma_start3A_14, %dma_start3A_15] : memref<10000x64xf32, #tpu.memory_space<hbm>> -> memref<10000x64xf32, #tpu.memory_space<hbm>>
      tpu.enqueue_indirect_dma source(%dma_start3A_16 : memref<10000x64xf32, #tpu.memory_space<hbm>>) target(%arg10 : memref<200x64xf32, #tpu.memory_space<vmem>>) offsets(%dma_start3A : memref<200xi32, #tpu.memory_space<vmem>>) semaphore(%arg14 : memref<!tpu.dma_semaphore, #tpu.memory_space<semaphore_mem>>)
      %dma_start3A_17 = tpu.memref_slice %arg9[%add3A_11] : memref<4800xi32, #tpu.memory_space<vmem>> -> memref<200xi32, #tpu.memory_space<vmem>>
      %dma_start3A_18 = arith.constant 0 : i32
      %dma_start3A_19 = arith.constant 0 : i32
      %dma_start3A_20 = tpu.memref_slice %arg3[%dma_start3A_18, %dma_start3A_19] : memref<10000x64xf32, #tpu.memory_space<hbm>> -> memref<10000x64xf32, #tpu.memory_space<hbm>>
      tpu.enqueue_indirect_dma source(%dma_start3A_20 : memref<10000x64xf32, #tpu.memory_space<hbm>>) target(%arg11 : memref<200x64xf32, #tpu.memory_space<vmem>>) offsets(%dma_start3A_17 : memref<200xi32, #tpu.memory_space<vmem>>) semaphore(%arg14 : memref<!tpu.dma_semaphore, #tpu.memory_space<semaphore_mem>>)
      %dma_start3A_21 = tpu.memref_slice %arg8[%add3A_13] : memref<4800xi32, #tpu.memory_space<vmem>> -> memref<200xi32, #tpu.memory_space<vmem>>
      %dma_start3A_22 = arith.constant 0 : i32
      %dma_start3A_23 = arith.constant 0 : i32
      %dma_start3A_24 = tpu.memref_slice %arg2[%dma_start3A_22, %dma_start3A_23] : memref<10000x64xf32, #tpu.memory_space<hbm>> -> memref<10000x64xf32, #tpu.memory_space<hbm>>
      tpu.enqueue_indirect_dma source(%dma_start3A_24 : memref<10000x64xf32, #tpu.memory_space<hbm>>) target(%arg12 : memref<200x64xf32, #tpu.memory_space<vmem>>) offsets(%dma_start3A_21 : memref<200xi32, #tpu.memory_space<vmem>>) semaphore(%arg15 : memref<!tpu.dma_semaphore, #tpu.memory_space<semaphore_mem>>)
      %dma_start3A_25 = tpu.memref_slice %arg9[%add3A_13] : memref<4800xi32, #tpu.memory_space<vmem>> -> memref<200xi32, #tpu.memory_space<vmem>>
      %dma_start3A_26 = arith.constant 0 : i32
      %dma_start3A_27 = arith.constant 0 : i32
      %dma_start3A_28 = tpu.memref_slice %arg3[%dma_start3A_26, %dma_start3A_27] : memref<10000x64xf32, #tpu.memory_space<hbm>> -> memref<10000x64xf32, #tpu.memory_space<hbm>>
      tpu.enqueue_indirect_dma source(%dma_start3A_28 : memref<10000x64xf32, #tpu.memory_space<hbm>>) target(%arg13 : memref<200x64xf32, #tpu.memory_space<vmem>>) offsets(%dma_start3A_25 : memref<200xi32, #tpu.memory_space<vmem>>) semaphore(%arg15 : memref<!tpu.dma_semaphore, #tpu.memory_space<semaphore_mem>>)
      %dma_wait3A = tpu.memref_slice %arg8[%add3A_11] : memref<4800xi32, #tpu.memory_space<vmem>> -> memref<200xi32, #tpu.memory_space<vmem>>
      %dma_wait3A_29 = arith.constant 0 : i32
      %dma_wait3A_30 = arith.constant 0 : i32
      %dma_wait3A_31 = tpu.memref_slice %arg2[%dma_wait3A_29, %dma_wait3A_30] : memref<10000x64xf32, #tpu.memory_space<hbm>> -> memref<10000x64xf32, #tpu.memory_space<hbm>>
      tpu.wait_indirect_dma semaphore(%arg14 : memref<!tpu.dma_semaphore, #tpu.memory_space<semaphore_mem>>) src(%dma_wait3A_31 : memref<10000x64xf32, #tpu.memory_space<hbm>>) dst(%arg10 : memref<200x64xf32, #tpu.memory_space<vmem>>)
      %dma_wait3A_32 = tpu.memref_slice %arg9[%add3A_11] : memref<4800xi32, #tpu.memory_space<vmem>> -> memref<200xi32, #tpu.memory_space<vmem>>
      %dma_wait3A_33 = arith.constant 0 : i32
      %dma_wait3A_34 = arith.constant 0 : i32
      %dma_wait3A_35 = tpu.memref_slice %arg3[%dma_wait3A_33, %dma_wait3A_34] : memref<10000x64xf32, #tpu.memory_space<hbm>> -> memref<10000x64xf32, #tpu.memory_space<hbm>>
      tpu.wait_indirect_dma semaphore(%arg14 : memref<!tpu.dma_semaphore, #tpu.memory_space<semaphore_mem>>) src(%dma_wait3A_35 : memref<10000x64xf32, #tpu.memory_space<hbm>>) dst(%arg11 : memref<200x64xf32, #tpu.memory_space<vmem>>)
      %add3A_36 = arith.addi %mul3A_2, %add3A_11 : i32
      %dma_start3A_37 = arith.constant 0 : i32
      %dma_start3A_38 = tpu.memref_slice %arg6[%add3A_36, %dma_start3A_37] : memref<153600x64xf32, #tpu.memory_space<hbm>> -> memref<200x64xf32, #tpu.memory_space<hbm>>
      %dma_start3A_39 = arith.constant 0 : i32
      %dma_start3A_40 = tpu.memref_slice %arg6[%add3A_36, %dma_start3A_39] : memref<153600x64xf32, #tpu.memory_space<hbm>> -> memref<200x64xf32, #tpu.memory_space<hbm>>
      tpu.enqueue_dma source(%arg10 : memref<200x64xf32, #tpu.memory_space<vmem>>) target(%dma_start3A_40 : memref<200x64xf32, #tpu.memory_space<hbm>>) target_semaphore(%arg16 : memref<!tpu.dma_semaphore, #tpu.memory_space<semaphore_mem>>)
      %add3A_41 = arith.addi %mul3A_2, %add3A_11 : i32
      %dma_start3A_42 = arith.constant 0 : i32
      %dma_start3A_43 = tpu.memref_slice %arg7[%add3A_41, %dma_start3A_42] : memref<153600x64xf32, #tpu.memory_space<hbm>> -> memref<200x64xf32, #tpu.memory_space<hbm>>
      %dma_start3A_44 = arith.constant 0 : i32
      %dma_start3A_45 = tpu.memref_slice %arg7[%add3A_41, %dma_start3A_44] : memref<153600x64xf32, #tpu.memory_space<hbm>> -> memref<200x64xf32, #tpu.memory_space<hbm>>
      tpu.enqueue_dma source(%arg11 : memref<200x64xf32, #tpu.memory_space<vmem>>) target(%dma_start3A_45 : memref<200x64xf32, #tpu.memory_space<hbm>>) target_semaphore(%arg16 : memref<!tpu.dma_semaphore, #tpu.memory_space<semaphore_mem>>)
      %dma_wait3A_46 = tpu.memref_slice %arg8[%add3A_13] : memref<4800xi32, #tpu.memory_space<vmem>> -> memref<200xi32, #tpu.memory_space<vmem>>
      %dma_wait3A_47 = arith.constant 0 : i32
      %dma_wait3A_48 = arith.constant 0 : i32
      %dma_wait3A_49 = tpu.memref_slice %arg2[%dma_wait3A_47, %dma_wait3A_48] : memref<10000x64xf32, #tpu.memory_space<hbm>> -> memref<10000x64xf32, #tpu.memory_space<hbm>>
      tpu.wait_indirect_dma semaphore(%arg15 : memref<!tpu.dma_semaphore, #tpu.memory_space<semaphore_mem>>) src(%dma_wait3A_49 : memref<10000x64xf32, #tpu.memory_space<hbm>>) dst(%arg12 : memref<200x64xf32, #tpu.memory_space<vmem>>)
      %dma_wait3A_50 = tpu.memref_slice %arg9[%add3A_13] : memref<4800xi32, #tpu.memory_space<vmem>> -> memref<200xi32, #tpu.memory_space<vmem>>
      %dma_wait3A_51 = arith.constant 0 : i32
      %dma_wait3A_52 = arith.constant 0 : i32
      %dma_wait3A_53 = tpu.memref_slice %arg3[%dma_wait3A_51, %dma_wait3A_52] : memref<10000x64xf32, #tpu.memory_space<hbm>> -> memref<10000x64xf32, #tpu.memory_space<hbm>>
      tpu.wait_indirect_dma semaphore(%arg15 : memref<!tpu.dma_semaphore, #tpu.memory_space<semaphore_mem>>) src(%dma_wait3A_53 : memref<10000x64xf32, #tpu.memory_space<hbm>>) dst(%arg13 : memref<200x64xf32, #tpu.memory_space<vmem>>)
      %add3A_54 = arith.addi %mul3A_2, %add3A_13 : i32
      %dma_start3A_55 = arith.constant 0 : i32
      %dma_start3A_56 = tpu.memref_slice %arg6[%add3A_54, %dma_start3A_55] : memref<153600x64xf32, #tpu.memory_space<hbm>> -> memref<200x64xf32, #tpu.memory_space<hbm>>
      %dma_start3A_57 = arith.constant 0 : i32
      %dma_start3A_58 = tpu.memref_slice %arg6[%add3A_54, %dma_start3A_57] : memref<153600x64xf32, #tpu.memory_space<hbm>> -> memref<200x64xf32, #tpu.memory_space<hbm>>
      tpu.enqueue_dma source(%arg12 : memref<200x64xf32, #tpu.memory_space<vmem>>) target(%dma_start3A_58 : memref<200x64xf32, #tpu.memory_space<hbm>>) target_semaphore(%arg17 : memref<!tpu.dma_semaphore, #tpu.memory_space<semaphore_mem>>)
      %add3A_59 = arith.addi %mul3A_2, %add3A_13 : i32
      %dma_start3A_60 = arith.constant 0 : i32
      %dma_start3A_61 = tpu.memref_slice %arg7[%add3A_59, %dma_start3A_60] : memref<153600x64xf32, #tpu.memory_space<hbm>> -> memref<200x64xf32, #tpu.memory_space<hbm>>
      %dma_start3A_62 = arith.constant 0 : i32
      %dma_start3A_63 = tpu.memref_slice %arg7[%add3A_59, %dma_start3A_62] : memref<153600x64xf32, #tpu.memory_space<hbm>> -> memref<200x64xf32, #tpu.memory_space<hbm>>
      tpu.enqueue_dma source(%arg13 : memref<200x64xf32, #tpu.memory_space<vmem>>) target(%dma_start3A_63 : memref<200x64xf32, #tpu.memory_space<hbm>>) target_semaphore(%arg17 : memref<!tpu.dma_semaphore, #tpu.memory_space<semaphore_mem>>)
      %dma_wait3A_64 = arith.constant 0 : i32
      %dma_wait3A_65 = tpu.memref_slice %arg6[%add3A_36, %dma_wait3A_64] : memref<153600x64xf32, #tpu.memory_space<hbm>> -> memref<200x64xf32, #tpu.memory_space<hbm>>
      %dma_wait3A_66 = arith.constant 0 : i32
      %dma_wait3A_67 = tpu.memref_slice %arg6[%add3A_36, %dma_wait3A_66] : memref<153600x64xf32, #tpu.memory_space<hbm>> -> memref<200x64xf32, #tpu.memory_space<hbm>>
      tpu.wait_dma2 semaphore(%arg16 : memref<!tpu.dma_semaphore, #tpu.memory_space<semaphore_mem>>) src(%arg10 : memref<200x64xf32, #tpu.memory_space<vmem>>) dst(%dma_wait3A_67 : memref<200x64xf32, #tpu.memory_space<hbm>>)
      %dma_wait3A_68 = arith.constant 0 : i32
      %dma_wait3A_69 = tpu.memref_slice %arg7[%add3A_41, %dma_wait3A_68] : memref<153600x64xf32, #tpu.memory_space<hbm>> -> memref<200x64xf32, #tpu.memory_space<hbm>>
      %dma_wait3A_70 = arith.constant 0 : i32
      %dma_wait3A_71 = tpu.memref_slice %arg7[%add3A_41, %dma_wait3A_70] : memref<153600x64xf32, #tpu.memory_space<hbm>> -> memref<200x64xf32, #tpu.memory_space<hbm>>
      tpu.wait_dma2 semaphore(%arg16 : memref<!tpu.dma_semaphore, #tpu.memory_space<semaphore_mem>>) src(%arg11 : memref<200x64xf32, #tpu.memory_space<vmem>>) dst(%dma_wait3A_71 : memref<200x64xf32, #tpu.memory_space<hbm>>)
      %dma_wait3A_72 = arith.constant 0 : i32
      %dma_wait3A_73 = tpu.memref_slice %arg6[%add3A_54, %dma_wait3A_72] : memref<153600x64xf32, #tpu.memory_space<hbm>> -> memref<200x64xf32, #tpu.memory_space<hbm>>
      %dma_wait3A_74 = arith.constant 0 : i32
      %dma_wait3A_75 = tpu.memref_slice %arg6[%add3A_54, %dma_wait3A_74] : memref<153600x64xf32, #tpu.memory_space<hbm>> -> memref<200x64xf32, #tpu.memory_space<hbm>>
      tpu.wait_dma2 semaphore(%arg17 : memref<!tpu.dma_semaphore, #tpu.memory_space<semaphore_mem>>) src(%arg12 : memref<200x64xf32, #tpu.memory_space<vmem>>) dst(%dma_wait3A_75 : memref<200x64xf32, #tpu.memory_space<hbm>>)
      %dma_wait3A_76 = arith.constant 0 : i32
      %dma_wait3A_77 = tpu.memref_slice %arg7[%add3A_59, %dma_wait3A_76] : memref<153600x64xf32, #tpu.memory_space<hbm>> -> memref<200x64xf32, #tpu.memory_space<hbm>>
      %dma_wait3A_78 = arith.constant 0 : i32
      %dma_wait3A_79 = tpu.memref_slice %arg7[%add3A_59, %dma_wait3A_78] : memref<153600x64xf32, #tpu.memory_space<hbm>> -> memref<200x64xf32, #tpu.memory_space<hbm>>
      tpu.wait_dma2 semaphore(%arg17 : memref<!tpu.dma_semaphore, #tpu.memory_space<semaphore_mem>>) src(%arg13 : memref<200x64xf32, #tpu.memory_space<vmem>>) dst(%dma_wait3A_79 : memref<200x64xf32, #tpu.memory_space<hbm>>)
    }
    %scan3A_6 = arith.constant 12 : i32
    return
  }
}

#map = affine_map<(d0, d1) -> (0, 0)>
#map1 = affine_map<(d0, d1) -> (0)>
module attributes {stable_mosaic.version = 14 : i64} {
  func.func @_gather_sc_body(%arg0: i32, %arg1: i32, %arg2: memref<10000x64xf32, #tpu.memory_space<hbm>>, %arg3: memref<10000x64xf32, #tpu.memory_space<hbm>>, %arg4: memref<166400xi32, #tpu.memory_space<hbm>>, %arg5: memref<166400xi32, #tpu.memory_space<hbm>>, %arg6: memref<166400x64xf32, #tpu.memory_space<hbm>>, %arg7: memref<166400x64xf32, #tpu.memory_space<hbm>>, %arg8: memref<5200xi32, #tpu.memory_space<vmem>>, %arg9: memref<5200xi32, #tpu.memory_space<vmem>>, %arg10: memref<200x64xf32, #tpu.memory_space<vmem>>, %arg11: memref<200x64xf32, #tpu.memory_space<vmem>>, %arg12: memref<200x64xf32, #tpu.memory_space<vmem>>, %arg13: memref<200x64xf32, #tpu.memory_space<vmem>>, %arg14: memref<!tpu.dma_semaphore, #tpu.memory_space<semaphore_mem>>, %arg15: memref<!tpu.dma_semaphore, #tpu.memory_space<semaphore_mem>>, %arg16: memref<!tpu.dma_semaphore, #tpu.memory_space<semaphore_mem>>, %arg17: memref<!tpu.dma_semaphore, #tpu.memory_space<semaphore_mem>>) attributes {dimension_semantics = [#tpu.dimension_semantics<core_parallel>, #tpu.dimension_semantics<subcore_parallel>], iteration_bounds = array<i64: 2, 16>, scalar_prefetch = 0 : i64, scratch_operands = 10 : i64, tpu.core_type = #tpu.core_type<sc_vector_subcore>, window_params = [{transform_indices = #map}, {transform_indices = #map}, {transform_indices = #map1}, {transform_indices = #map1}, {transform_indices = #map}, {transform_indices = #map}]} {
    %mul3A = arith.constant 2 : i32
    %mul3A_0 = arith.muli %arg1, %mul3A : i32
    %add3A = arith.addi %mul3A_0, %arg0 : i32
    %mul3A_1 = arith.constant 5200 : i32
    %mul3A_2 = arith.muli %add3A, %mul3A_1 : i32
    "tpu.region"() ({
      %run_scoped3A = tpu.sem_alloc : memref<!tpu.dma_semaphore, #tpu.memory_space<semaphore_mem>>
      %dma_start3A = tpu.memref_slice %arg4[%mul3A_2] : memref<166400xi32, #tpu.memory_space<hbm>> -> memref<5200xi32, #tpu.memory_space<hbm>>
      %dma_start3A_7 = tpu.memref_slice %arg4[%mul3A_2] : memref<166400xi32, #tpu.memory_space<hbm>> -> memref<5200xi32, #tpu.memory_space<hbm>>
      tpu.enqueue_dma source(%dma_start3A_7 : memref<5200xi32, #tpu.memory_space<hbm>>) target(%arg8 : memref<5200xi32, #tpu.memory_space<vmem>>) target_semaphore(%run_scoped3A : memref<!tpu.dma_semaphore, #tpu.memory_space<semaphore_mem>>)
      %dma_wait3A = tpu.memref_slice %arg4[%mul3A_2] : memref<166400xi32, #tpu.memory_space<hbm>> -> memref<5200xi32, #tpu.memory_space<hbm>>
      %dma_wait3A_8 = tpu.memref_slice %arg4[%mul3A_2] : memref<166400xi32, #tpu.memory_space<hbm>> -> memref<5200xi32, #tpu.memory_space<hbm>>
      tpu.wait_dma2 semaphore(%run_scoped3A : memref<!tpu.dma_semaphore, #tpu.memory_space<semaphore_mem>>) src(%dma_wait3A_8 : memref<5200xi32, #tpu.memory_space<hbm>>) dst(%arg8 : memref<5200xi32, #tpu.memory_space<vmem>>)
      tpu.yield
    }) : () -> ()
    "tpu.region"() ({
      %run_scoped3A = tpu.sem_alloc : memref<!tpu.dma_semaphore, #tpu.memory_space<semaphore_mem>>
      %dma_start3A = tpu.memref_slice %arg5[%mul3A_2] : memref<166400xi32, #tpu.memory_space<hbm>> -> memref<5200xi32, #tpu.memory_space<hbm>>
      %dma_start3A_7 = tpu.memref_slice %arg5[%mul3A_2] : memref<166400xi32, #tpu.memory_space<hbm>> -> memref<5200xi32, #tpu.memory_space<hbm>>
      tpu.enqueue_dma source(%dma_start3A_7 : memref<5200xi32, #tpu.memory_space<hbm>>) target(%arg9 : memref<5200xi32, #tpu.memory_space<vmem>>) target_semaphore(%run_scoped3A : memref<!tpu.dma_semaphore, #tpu.memory_space<semaphore_mem>>)
      %dma_wait3A = tpu.memref_slice %arg5[%mul3A_2] : memref<166400xi32, #tpu.memory_space<hbm>> -> memref<5200xi32, #tpu.memory_space<hbm>>
      %dma_wait3A_8 = tpu.memref_slice %arg5[%mul3A_2] : memref<166400xi32, #tpu.memory_space<hbm>> -> memref<5200xi32, #tpu.memory_space<hbm>>
      tpu.wait_dma2 semaphore(%run_scoped3A : memref<!tpu.dma_semaphore, #tpu.memory_space<semaphore_mem>>) src(%dma_wait3A_8 : memref<5200xi32, #tpu.memory_space<hbm>>) dst(%arg9 : memref<5200xi32, #tpu.memory_space<vmem>>)
      tpu.yield
    }) : () -> ()
    %scan3A = arith.constant 0 : i32
    %scan3A_3 = arith.constant 13 : i32
    %scan3A_4 = arith.addi %scan3A, %scan3A_3 : i32
    %scan3A_5 = arith.constant 1 : i32
    scf.for %scan3A_7 = %scan3A to %scan3A_4 step %scan3A_5  : i32 {
      %mul3A_8 = arith.constant 400 : i32
      %mul3A_9 = arith.muli %scan3A_7, %mul3A_8 : i32
      %add3A_10 = arith.constant 0 : i32
      %add3A_11 = arith.addi %add3A_10, %mul3A_9 : i32
      %add3A_12 = arith.constant 200 : i32
      %add3A_13 = arith.addi %add3A_11, %add3A_12 : i32
      %dma_start3A = tpu.memref_slice %arg8[%add3A_11] : memref<5200xi32, #tpu.memory_space<vmem>> -> memref<200xi32, #tpu.memory_space<vmem>>
      %dma_start3A_14 = arith.constant 0 : i32
      %dma_start3A_15 = arith.constant 0 : i32
      %dma_start3A_16 = tpu.memref_slice %arg2[%dma_start3A_14, %dma_start3A_15] : memref<10000x64xf32, #tpu.memory_space<hbm>> -> memref<10000x64xf32, #tpu.memory_space<hbm>>
      tpu.enqueue_indirect_dma source(%dma_start3A_16 : memref<10000x64xf32, #tpu.memory_space<hbm>>) target(%arg10 : memref<200x64xf32, #tpu.memory_space<vmem>>) offsets(%dma_start3A : memref<200xi32, #tpu.memory_space<vmem>>) semaphore(%arg14 : memref<!tpu.dma_semaphore, #tpu.memory_space<semaphore_mem>>)
      %dma_start3A_17 = tpu.memref_slice %arg9[%add3A_11] : memref<5200xi32, #tpu.memory_space<vmem>> -> memref<200xi32, #tpu.memory_space<vmem>>
      %dma_start3A_18 = arith.constant 0 : i32
      %dma_start3A_19 = arith.constant 0 : i32
      %dma_start3A_20 = tpu.memref_slice %arg3[%dma_start3A_18, %dma_start3A_19] : memref<10000x64xf32, #tpu.memory_space<hbm>> -> memref<10000x64xf32, #tpu.memory_space<hbm>>
      tpu.enqueue_indirect_dma source(%dma_start3A_20 : memref<10000x64xf32, #tpu.memory_space<hbm>>) target(%arg11 : memref<200x64xf32, #tpu.memory_space<vmem>>) offsets(%dma_start3A_17 : memref<200xi32, #tpu.memory_space<vmem>>) semaphore(%arg14 : memref<!tpu.dma_semaphore, #tpu.memory_space<semaphore_mem>>)
      %dma_start3A_21 = tpu.memref_slice %arg8[%add3A_13] : memref<5200xi32, #tpu.memory_space<vmem>> -> memref<200xi32, #tpu.memory_space<vmem>>
      %dma_start3A_22 = arith.constant 0 : i32
      %dma_start3A_23 = arith.constant 0 : i32
      %dma_start3A_24 = tpu.memref_slice %arg2[%dma_start3A_22, %dma_start3A_23] : memref<10000x64xf32, #tpu.memory_space<hbm>> -> memref<10000x64xf32, #tpu.memory_space<hbm>>
      tpu.enqueue_indirect_dma source(%dma_start3A_24 : memref<10000x64xf32, #tpu.memory_space<hbm>>) target(%arg12 : memref<200x64xf32, #tpu.memory_space<vmem>>) offsets(%dma_start3A_21 : memref<200xi32, #tpu.memory_space<vmem>>) semaphore(%arg15 : memref<!tpu.dma_semaphore, #tpu.memory_space<semaphore_mem>>)
      %dma_start3A_25 = tpu.memref_slice %arg9[%add3A_13] : memref<5200xi32, #tpu.memory_space<vmem>> -> memref<200xi32, #tpu.memory_space<vmem>>
      %dma_start3A_26 = arith.constant 0 : i32
      %dma_start3A_27 = arith.constant 0 : i32
      %dma_start3A_28 = tpu.memref_slice %arg3[%dma_start3A_26, %dma_start3A_27] : memref<10000x64xf32, #tpu.memory_space<hbm>> -> memref<10000x64xf32, #tpu.memory_space<hbm>>
      tpu.enqueue_indirect_dma source(%dma_start3A_28 : memref<10000x64xf32, #tpu.memory_space<hbm>>) target(%arg13 : memref<200x64xf32, #tpu.memory_space<vmem>>) offsets(%dma_start3A_25 : memref<200xi32, #tpu.memory_space<vmem>>) semaphore(%arg15 : memref<!tpu.dma_semaphore, #tpu.memory_space<semaphore_mem>>)
      %dma_wait3A = tpu.memref_slice %arg8[%add3A_11] : memref<5200xi32, #tpu.memory_space<vmem>> -> memref<200xi32, #tpu.memory_space<vmem>>
      %dma_wait3A_29 = arith.constant 0 : i32
      %dma_wait3A_30 = arith.constant 0 : i32
      %dma_wait3A_31 = tpu.memref_slice %arg2[%dma_wait3A_29, %dma_wait3A_30] : memref<10000x64xf32, #tpu.memory_space<hbm>> -> memref<10000x64xf32, #tpu.memory_space<hbm>>
      tpu.wait_indirect_dma semaphore(%arg14 : memref<!tpu.dma_semaphore, #tpu.memory_space<semaphore_mem>>) src(%dma_wait3A_31 : memref<10000x64xf32, #tpu.memory_space<hbm>>) dst(%arg10 : memref<200x64xf32, #tpu.memory_space<vmem>>)
      %dma_wait3A_32 = tpu.memref_slice %arg9[%add3A_11] : memref<5200xi32, #tpu.memory_space<vmem>> -> memref<200xi32, #tpu.memory_space<vmem>>
      %dma_wait3A_33 = arith.constant 0 : i32
      %dma_wait3A_34 = arith.constant 0 : i32
      %dma_wait3A_35 = tpu.memref_slice %arg3[%dma_wait3A_33, %dma_wait3A_34] : memref<10000x64xf32, #tpu.memory_space<hbm>> -> memref<10000x64xf32, #tpu.memory_space<hbm>>
      tpu.wait_indirect_dma semaphore(%arg14 : memref<!tpu.dma_semaphore, #tpu.memory_space<semaphore_mem>>) src(%dma_wait3A_35 : memref<10000x64xf32, #tpu.memory_space<hbm>>) dst(%arg11 : memref<200x64xf32, #tpu.memory_space<vmem>>)
      %add3A_36 = arith.addi %mul3A_2, %add3A_11 : i32
      %dma_start3A_37 = arith.constant 0 : i32
      %dma_start3A_38 = tpu.memref_slice %arg6[%add3A_36, %dma_start3A_37] : memref<166400x64xf32, #tpu.memory_space<hbm>> -> memref<200x64xf32, #tpu.memory_space<hbm>>
      %dma_start3A_39 = arith.constant 0 : i32
      %dma_start3A_40 = tpu.memref_slice %arg6[%add3A_36, %dma_start3A_39] : memref<166400x64xf32, #tpu.memory_space<hbm>> -> memref<200x64xf32, #tpu.memory_space<hbm>>
      tpu.enqueue_dma source(%arg10 : memref<200x64xf32, #tpu.memory_space<vmem>>) target(%dma_start3A_40 : memref<200x64xf32, #tpu.memory_space<hbm>>) target_semaphore(%arg16 : memref<!tpu.dma_semaphore, #tpu.memory_space<semaphore_mem>>)
      %add3A_41 = arith.addi %mul3A_2, %add3A_11 : i32
      %dma_start3A_42 = arith.constant 0 : i32
      %dma_start3A_43 = tpu.memref_slice %arg7[%add3A_41, %dma_start3A_42] : memref<166400x64xf32, #tpu.memory_space<hbm>> -> memref<200x64xf32, #tpu.memory_space<hbm>>
      %dma_start3A_44 = arith.constant 0 : i32
      %dma_start3A_45 = tpu.memref_slice %arg7[%add3A_41, %dma_start3A_44] : memref<166400x64xf32, #tpu.memory_space<hbm>> -> memref<200x64xf32, #tpu.memory_space<hbm>>
      tpu.enqueue_dma source(%arg11 : memref<200x64xf32, #tpu.memory_space<vmem>>) target(%dma_start3A_45 : memref<200x64xf32, #tpu.memory_space<hbm>>) target_semaphore(%arg16 : memref<!tpu.dma_semaphore, #tpu.memory_space<semaphore_mem>>)
      %dma_wait3A_46 = tpu.memref_slice %arg8[%add3A_13] : memref<5200xi32, #tpu.memory_space<vmem>> -> memref<200xi32, #tpu.memory_space<vmem>>
      %dma_wait3A_47 = arith.constant 0 : i32
      %dma_wait3A_48 = arith.constant 0 : i32
      %dma_wait3A_49 = tpu.memref_slice %arg2[%dma_wait3A_47, %dma_wait3A_48] : memref<10000x64xf32, #tpu.memory_space<hbm>> -> memref<10000x64xf32, #tpu.memory_space<hbm>>
      tpu.wait_indirect_dma semaphore(%arg15 : memref<!tpu.dma_semaphore, #tpu.memory_space<semaphore_mem>>) src(%dma_wait3A_49 : memref<10000x64xf32, #tpu.memory_space<hbm>>) dst(%arg12 : memref<200x64xf32, #tpu.memory_space<vmem>>)
      %dma_wait3A_50 = tpu.memref_slice %arg9[%add3A_13] : memref<5200xi32, #tpu.memory_space<vmem>> -> memref<200xi32, #tpu.memory_space<vmem>>
      %dma_wait3A_51 = arith.constant 0 : i32
      %dma_wait3A_52 = arith.constant 0 : i32
      %dma_wait3A_53 = tpu.memref_slice %arg3[%dma_wait3A_51, %dma_wait3A_52] : memref<10000x64xf32, #tpu.memory_space<hbm>> -> memref<10000x64xf32, #tpu.memory_space<hbm>>
      tpu.wait_indirect_dma semaphore(%arg15 : memref<!tpu.dma_semaphore, #tpu.memory_space<semaphore_mem>>) src(%dma_wait3A_53 : memref<10000x64xf32, #tpu.memory_space<hbm>>) dst(%arg13 : memref<200x64xf32, #tpu.memory_space<vmem>>)
      %add3A_54 = arith.addi %mul3A_2, %add3A_13 : i32
      %dma_start3A_55 = arith.constant 0 : i32
      %dma_start3A_56 = tpu.memref_slice %arg6[%add3A_54, %dma_start3A_55] : memref<166400x64xf32, #tpu.memory_space<hbm>> -> memref<200x64xf32, #tpu.memory_space<hbm>>
      %dma_start3A_57 = arith.constant 0 : i32
      %dma_start3A_58 = tpu.memref_slice %arg6[%add3A_54, %dma_start3A_57] : memref<166400x64xf32, #tpu.memory_space<hbm>> -> memref<200x64xf32, #tpu.memory_space<hbm>>
      tpu.enqueue_dma source(%arg12 : memref<200x64xf32, #tpu.memory_space<vmem>>) target(%dma_start3A_58 : memref<200x64xf32, #tpu.memory_space<hbm>>) target_semaphore(%arg17 : memref<!tpu.dma_semaphore, #tpu.memory_space<semaphore_mem>>)
      %add3A_59 = arith.addi %mul3A_2, %add3A_13 : i32
      %dma_start3A_60 = arith.constant 0 : i32
      %dma_start3A_61 = tpu.memref_slice %arg7[%add3A_59, %dma_start3A_60] : memref<166400x64xf32, #tpu.memory_space<hbm>> -> memref<200x64xf32, #tpu.memory_space<hbm>>
      %dma_start3A_62 = arith.constant 0 : i32
      %dma_start3A_63 = tpu.memref_slice %arg7[%add3A_59, %dma_start3A_62] : memref<166400x64xf32, #tpu.memory_space<hbm>> -> memref<200x64xf32, #tpu.memory_space<hbm>>
      tpu.enqueue_dma source(%arg13 : memref<200x64xf32, #tpu.memory_space<vmem>>) target(%dma_start3A_63 : memref<200x64xf32, #tpu.memory_space<hbm>>) target_semaphore(%arg17 : memref<!tpu.dma_semaphore, #tpu.memory_space<semaphore_mem>>)
      %dma_wait3A_64 = arith.constant 0 : i32
      %dma_wait3A_65 = tpu.memref_slice %arg6[%add3A_36, %dma_wait3A_64] : memref<166400x64xf32, #tpu.memory_space<hbm>> -> memref<200x64xf32, #tpu.memory_space<hbm>>
      %dma_wait3A_66 = arith.constant 0 : i32
      %dma_wait3A_67 = tpu.memref_slice %arg6[%add3A_36, %dma_wait3A_66] : memref<166400x64xf32, #tpu.memory_space<hbm>> -> memref<200x64xf32, #tpu.memory_space<hbm>>
      tpu.wait_dma2 semaphore(%arg16 : memref<!tpu.dma_semaphore, #tpu.memory_space<semaphore_mem>>) src(%arg10 : memref<200x64xf32, #tpu.memory_space<vmem>>) dst(%dma_wait3A_67 : memref<200x64xf32, #tpu.memory_space<hbm>>)
      %dma_wait3A_68 = arith.constant 0 : i32
      %dma_wait3A_69 = tpu.memref_slice %arg7[%add3A_41, %dma_wait3A_68] : memref<166400x64xf32, #tpu.memory_space<hbm>> -> memref<200x64xf32, #tpu.memory_space<hbm>>
      %dma_wait3A_70 = arith.constant 0 : i32
      %dma_wait3A_71 = tpu.memref_slice %arg7[%add3A_41, %dma_wait3A_70] : memref<166400x64xf32, #tpu.memory_space<hbm>> -> memref<200x64xf32, #tpu.memory_space<hbm>>
      tpu.wait_dma2 semaphore(%arg16 : memref<!tpu.dma_semaphore, #tpu.memory_space<semaphore_mem>>) src(%arg11 : memref<200x64xf32, #tpu.memory_space<vmem>>) dst(%dma_wait3A_71 : memref<200x64xf32, #tpu.memory_space<hbm>>)
      %dma_wait3A_72 = arith.constant 0 : i32
      %dma_wait3A_73 = tpu.memref_slice %arg6[%add3A_54, %dma_wait3A_72] : memref<166400x64xf32, #tpu.memory_space<hbm>> -> memref<200x64xf32, #tpu.memory_space<hbm>>
      %dma_wait3A_74 = arith.constant 0 : i32
      %dma_wait3A_75 = tpu.memref_slice %arg6[%add3A_54, %dma_wait3A_74] : memref<166400x64xf32, #tpu.memory_space<hbm>> -> memref<200x64xf32, #tpu.memory_space<hbm>>
      tpu.wait_dma2 semaphore(%arg17 : memref<!tpu.dma_semaphore, #tpu.memory_space<semaphore_mem>>) src(%arg12 : memref<200x64xf32, #tpu.memory_space<vmem>>) dst(%dma_wait3A_75 : memref<200x64xf32, #tpu.memory_space<hbm>>)
      %dma_wait3A_76 = arith.constant 0 : i32
      %dma_wait3A_77 = tpu.memref_slice %arg7[%add3A_59, %dma_wait3A_76] : memref<166400x64xf32, #tpu.memory_space<hbm>> -> memref<200x64xf32, #tpu.memory_space<hbm>>
      %dma_wait3A_78 = arith.constant 0 : i32
      %dma_wait3A_79 = tpu.memref_slice %arg7[%add3A_59, %dma_wait3A_78] : memref<166400x64xf32, #tpu.memory_space<hbm>> -> memref<200x64xf32, #tpu.memory_space<hbm>>
      tpu.wait_dma2 semaphore(%arg17 : memref<!tpu.dma_semaphore, #tpu.memory_space<semaphore_mem>>) src(%arg13 : memref<200x64xf32, #tpu.memory_space<vmem>>) dst(%dma_wait3A_79 : memref<200x64xf32, #tpu.memory_space<hbm>>)
    }
    %scan3A_6 = arith.constant 13 : i32
    return
  }
}

#map = affine_map<(d0, d1) -> (0, 0)>
#map1 = affine_map<(d0, d1) -> (0)>
#map2 = affine_map<(d0, d1) -> (0, 0, 0)>
module attributes {stable_mosaic.version = 14 : i64} {
  func.func @_scatter_sc_body(%arg0: i32, %arg1: i32, %arg2: memref<166400x72xf32, #tpu.memory_space<hbm>>, %arg3: memref<166400xi32, #tpu.memory_space<hbm>>, %arg4: memref<2x10112x72xf32, #tpu.memory_space<hbm>>, %arg5: memref<2x10112x72xf32, #tpu.memory_space<hbm>>, %arg6: memref<40xi32, #tpu.memory_space<vmem>>, %arg7: memref<40xi32, #tpu.memory_space<vmem>>, %arg8: memref<40x72xf32, #tpu.memory_space<vmem>>, %arg9: memref<40x72xf32, #tpu.memory_space<vmem>>, %arg10: memref<10112x72xf32, #tpu.memory_space<vmem_shared>>, %arg11: memref<!tpu.dma_semaphore, #tpu.memory_space<semaphore_mem>>, %arg12: memref<!tpu.dma_semaphore, #tpu.memory_space<semaphore_mem>>, %arg13: memref<!tpu.dma_semaphore, #tpu.memory_space<semaphore_mem>>, %arg14: memref<!tpu.dma_semaphore, #tpu.memory_space<semaphore_mem>>) attributes {dimension_semantics = [#tpu.dimension_semantics<core_parallel>, #tpu.dimension_semantics<subcore_parallel>], iteration_bounds = array<i64: 2, 16>, scalar_prefetch = 0 : i64, scratch_operands = 9 : i64, tpu.core_type = #tpu.core_type<sc_vector_subcore>, window_params = [{transform_indices = #map}, {transform_indices = #map1}, {transform_indices = #map2}, {transform_indices = #map2}]} {
    %mul3A = arith.constant 2 : i32
    %mul3A_0 = arith.muli %arg1, %mul3A : i32
    %add3A = arith.addi %mul3A_0, %arg0 : i32
    %mul3A_1 = arith.constant 5200 : i32
    %mul3A_2 = arith.muli %add3A, %mul3A_1 : i32
    %eq3A = arith.constant 0 : i32
    %eq3A_3 = arith.cmpi eq, %arg1, %eq3A : i32
    %convert_element_type3A = arith.extui %eq3A_3 : i1 to i32
    %cond3A = arith.constant 0 : i32
    %cond3A_4 = arith.cmpi ne, %convert_element_type3A, %cond3A : i32
    scf.if %cond3A_4 {
      "tpu.region"() ({
        %run_scoped3A = tpu.sem_alloc : memref<!tpu.dma_semaphore, #tpu.memory_space<semaphore_mem>>
        %dma_start3A = arith.constant 0 : i32
        %dma_start3A_12 = arith.constant 0 : i32
        %dma_start3A_13 = tpu.memref_slice %arg4[%arg0, %dma_start3A, %dma_start3A_12] : memref<2x10112x72xf32, #tpu.memory_space<hbm>> -> memref<1x10112x72xf32, #tpu.memory_space<hbm>>
        %dma_start3A_14 = tpu.memref_squeeze %dma_start3A_13 : memref<1x10112x72xf32, #tpu.memory_space<hbm>> -> memref<10112x72xf32, #tpu.memory_space<hbm>>
        tpu.enqueue_dma source(%dma_start3A_14 : memref<10112x72xf32, #tpu.memory_space<hbm>>) target(%arg10 : memref<10112x72xf32, #tpu.memory_space<vmem_shared>>) target_semaphore(%run_scoped3A : memref<!tpu.dma_semaphore, #tpu.memory_space<semaphore_mem>>)
        %dma_wait3A = arith.constant 0 : i32
        %dma_wait3A_15 = arith.constant 0 : i32
        %dma_wait3A_16 = tpu.memref_slice %arg4[%arg0, %dma_wait3A, %dma_wait3A_15] : memref<2x10112x72xf32, #tpu.memory_space<hbm>> -> memref<1x10112x72xf32, #tpu.memory_space<hbm>>
        %dma_wait3A_17 = tpu.memref_squeeze %dma_wait3A_16 : memref<1x10112x72xf32, #tpu.memory_space<hbm>> -> memref<10112x72xf32, #tpu.memory_space<hbm>>
        tpu.wait_dma2 semaphore(%run_scoped3A : memref<!tpu.dma_semaphore, #tpu.memory_space<semaphore_mem>>) src(%dma_wait3A_17 : memref<10112x72xf32, #tpu.memory_space<hbm>>) dst(%arg10 : memref<10112x72xf32, #tpu.memory_space<vmem_shared>>)
        tpu.yield
      }) : () -> ()
    } else {
    }
    %barrier3A = arith.constant 0 : index
    tpu.barrier barrier_id(%barrier3A)
    %scan3A = arith.constant 0 : i32
    %scan3A_5 = arith.constant 65 : i32
    %scan3A_6 = arith.addi %scan3A, %scan3A_5 : i32
    %scan3A_7 = arith.constant 1 : i32
    scf.for %scan3A_12 = %scan3A to %scan3A_6 step %scan3A_7  : i32 {
      %mul3A_13 = arith.constant 80 : i32
      %mul3A_14 = arith.muli %scan3A_12, %mul3A_13 : i32
      %add3A_15 = arith.constant 0 : i32
      %add3A_16 = arith.addi %add3A_15, %mul3A_14 : i32
      %add3A_17 = arith.addi %mul3A_2, %add3A_16 : i32
      %add3A_18 = arith.constant 40 : i32
      %add3A_19 = arith.addi %add3A_17, %add3A_18 : i32
      %dma_start3A = tpu.memref_slice %arg3[%add3A_17] : memref<166400xi32, #tpu.memory_space<hbm>> -> memref<40xi32, #tpu.memory_space<hbm>>
      %dma_start3A_20 = tpu.memref_slice %arg3[%add3A_17] : memref<166400xi32, #tpu.memory_space<hbm>> -> memref<40xi32, #tpu.memory_space<hbm>>
      tpu.enqueue_dma source(%dma_start3A_20 : memref<40xi32, #tpu.memory_space<hbm>>) target(%arg6 : memref<40xi32, #tpu.memory_space<vmem>>) target_semaphore(%arg11 : memref<!tpu.dma_semaphore, #tpu.memory_space<semaphore_mem>>)
      %dma_start3A_21 = arith.constant 0 : i32
      %dma_start3A_22 = tpu.memref_slice %arg2[%add3A_17, %dma_start3A_21] : memref<166400x72xf32, #tpu.memory_space<hbm>> -> memref<40x72xf32, #tpu.memory_space<hbm>>
      %dma_start3A_23 = arith.constant 0 : i32
      %dma_start3A_24 = tpu.memref_slice %arg2[%add3A_17, %dma_start3A_23] : memref<166400x72xf32, #tpu.memory_space<hbm>> -> memref<40x72xf32, #tpu.memory_space<hbm>>
      tpu.enqueue_dma source(%dma_start3A_24 : memref<40x72xf32, #tpu.memory_space<hbm>>) target(%arg8 : memref<40x72xf32, #tpu.memory_space<vmem>>) target_semaphore(%arg12 : memref<!tpu.dma_semaphore, #tpu.memory_space<semaphore_mem>>)
      %dma_start3A_25 = tpu.memref_slice %arg3[%add3A_19] : memref<166400xi32, #tpu.memory_space<hbm>> -> memref<40xi32, #tpu.memory_space<hbm>>
      %dma_start3A_26 = tpu.memref_slice %arg3[%add3A_19] : memref<166400xi32, #tpu.memory_space<hbm>> -> memref<40xi32, #tpu.memory_space<hbm>>
      tpu.enqueue_dma source(%dma_start3A_26 : memref<40xi32, #tpu.memory_space<hbm>>) target(%arg7 : memref<40xi32, #tpu.memory_space<vmem>>) target_semaphore(%arg13 : memref<!tpu.dma_semaphore, #tpu.memory_space<semaphore_mem>>)
      %dma_start3A_27 = arith.constant 0 : i32
      %dma_start3A_28 = tpu.memref_slice %arg2[%add3A_19, %dma_start3A_27] : memref<166400x72xf32, #tpu.memory_space<hbm>> -> memref<40x72xf32, #tpu.memory_space<hbm>>
      %dma_start3A_29 = arith.constant 0 : i32
      %dma_start3A_30 = tpu.memref_slice %arg2[%add3A_19, %dma_start3A_29] : memref<166400x72xf32, #tpu.memory_space<hbm>> -> memref<40x72xf32, #tpu.memory_space<hbm>>
      tpu.enqueue_dma source(%dma_start3A_30 : memref<40x72xf32, #tpu.memory_space<hbm>>) target(%arg9 : memref<40x72xf32, #tpu.memory_space<vmem>>) target_semaphore(%arg14 : memref<!tpu.dma_semaphore, #tpu.memory_space<semaphore_mem>>)
      %dma_wait3A = tpu.memref_slice %arg3[%add3A_17] : memref<166400xi32, #tpu.memory_space<hbm>> -> memref<40xi32, #tpu.memory_space<hbm>>
      %dma_wait3A_31 = tpu.memref_slice %arg3[%add3A_17] : memref<166400xi32, #tpu.memory_space<hbm>> -> memref<40xi32, #tpu.memory_space<hbm>>
      tpu.wait_dma2 semaphore(%arg11 : memref<!tpu.dma_semaphore, #tpu.memory_space<semaphore_mem>>) src(%dma_wait3A_31 : memref<40xi32, #tpu.memory_space<hbm>>) dst(%arg6 : memref<40xi32, #tpu.memory_space<vmem>>)
      %dma_wait3A_32 = arith.constant 0 : i32
      %dma_wait3A_33 = tpu.memref_slice %arg2[%add3A_17, %dma_wait3A_32] : memref<166400x72xf32, #tpu.memory_space<hbm>> -> memref<40x72xf32, #tpu.memory_space<hbm>>
      %dma_wait3A_34 = arith.constant 0 : i32
      %dma_wait3A_35 = tpu.memref_slice %arg2[%add3A_17, %dma_wait3A_34] : memref<166400x72xf32, #tpu.memory_space<hbm>> -> memref<40x72xf32, #tpu.memory_space<hbm>>
      tpu.wait_dma2 semaphore(%arg12 : memref<!tpu.dma_semaphore, #tpu.memory_space<semaphore_mem>>) src(%dma_wait3A_35 : memref<40x72xf32, #tpu.memory_space<hbm>>) dst(%arg8 : memref<40x72xf32, #tpu.memory_space<vmem>>)
      "tpu.region"() ({
        %run_scoped3A = tpu.sem_alloc : memref<!tpu.dma_semaphore, #tpu.memory_space<semaphore_mem>>
        %dma_start3A_42 = arith.constant 0 : i32
        %dma_start3A_43 = arith.constant 0 : i32
        %dma_start3A_44 = tpu.memref_slice %arg10[%dma_start3A_42, %dma_start3A_43] : memref<10112x72xf32, #tpu.memory_space<vmem_shared>> -> memref<10112x72xf32, #tpu.memory_space<vmem_shared>>
        tpu.enqueue_indirect_dma source(%arg8 : memref<40x72xf32, #tpu.memory_space<vmem>>) target(%dma_start3A_44 : memref<10112x72xf32, #tpu.memory_space<vmem_shared>>) offsets(%arg6 : memref<40xi32, #tpu.memory_space<vmem>>) semaphore(%run_scoped3A : memref<!tpu.dma_semaphore, #tpu.memory_space<semaphore_mem>>) {add = true}
        %dma_wait3A_45 = arith.constant 0 : i32
        %dma_wait3A_46 = arith.constant 0 : i32
        %dma_wait3A_47 = tpu.memref_slice %arg10[%dma_wait3A_45, %dma_wait3A_46] : memref<10112x72xf32, #tpu.memory_space<vmem_shared>> -> memref<10112x72xf32, #tpu.memory_space<vmem_shared>>
        tpu.wait_indirect_dma semaphore(%run_scoped3A : memref<!tpu.dma_semaphore, #tpu.memory_space<semaphore_mem>>) src(%arg8 : memref<40x72xf32, #tpu.memory_space<vmem>>) dst(%dma_wait3A_47 : memref<10112x72xf32, #tpu.memory_space<vmem_shared>>)
        tpu.yield
      }) : () -> ()
      %dma_wait3A_36 = tpu.memref_slice %arg3[%add3A_19] : memref<166400xi32, #tpu.memory_space<hbm>> -> memref<40xi32, #tpu.memory_space<hbm>>
      %dma_wait3A_37 = tpu.memref_slice %arg3[%add3A_19] : memref<166400xi32, #tpu.memory_space<hbm>> -> memref<40xi32, #tpu.memory_space<hbm>>
      tpu.wait_dma2 semaphore(%arg13 : memref<!tpu.dma_semaphore, #tpu.memory_space<semaphore_mem>>) src(%dma_wait3A_37 : memref<40xi32, #tpu.memory_space<hbm>>) dst(%arg7 : memref<40xi32, #tpu.memory_space<vmem>>)
      %dma_wait3A_38 = arith.constant 0 : i32
      %dma_wait3A_39 = tpu.memref_slice %arg2[%add3A_19, %dma_wait3A_38] : memref<166400x72xf32, #tpu.memory_space<hbm>> -> memref<40x72xf32, #tpu.memory_space<hbm>>
      %dma_wait3A_40 = arith.constant 0 : i32
      %dma_wait3A_41 = tpu.memref_slice %arg2[%add3A_19, %dma_wait3A_40] : memref<166400x72xf32, #tpu.memory_space<hbm>> -> memref<40x72xf32, #tpu.memory_space<hbm>>
      tpu.wait_dma2 semaphore(%arg14 : memref<!tpu.dma_semaphore, #tpu.memory_space<semaphore_mem>>) src(%dma_wait3A_41 : memref<40x72xf32, #tpu.memory_space<hbm>>) dst(%arg9 : memref<40x72xf32, #tpu.memory_space<vmem>>)
      "tpu.region"() ({
        %run_scoped3A = tpu.sem_alloc : memref<!tpu.dma_semaphore, #tpu.memory_space<semaphore_mem>>
        %dma_start3A_42 = arith.constant 0 : i32
        %dma_start3A_43 = arith.constant 0 : i32
        %dma_start3A_44 = tpu.memref_slice %arg10[%dma_start3A_42, %dma_start3A_43] : memref<10112x72xf32, #tpu.memory_space<vmem_shared>> -> memref<10112x72xf32, #tpu.memory_space<vmem_shared>>
        tpu.enqueue_indirect_dma source(%arg9 : memref<40x72xf32, #tpu.memory_space<vmem>>) target(%dma_start3A_44 : memref<10112x72xf32, #tpu.memory_space<vmem_shared>>) offsets(%arg7 : memref<40xi32, #tpu.memory_space<vmem>>) semaphore(%run_scoped3A : memref<!tpu.dma_semaphore, #tpu.memory_space<semaphore_mem>>) {add = true}
        %dma_wait3A_45 = arith.constant 0 : i32
        %dma_wait3A_46 = arith.constant 0 : i32
        %dma_wait3A_47 = tpu.memref_slice %arg10[%dma_wait3A_45, %dma_wait3A_46] : memref<10112x72xf32, #tpu.memory_space<vmem_shared>> -> memref<10112x72xf32, #tpu.memory_space<vmem_shared>>
        tpu.wait_indirect_dma semaphore(%run_scoped3A : memref<!tpu.dma_semaphore, #tpu.memory_space<semaphore_mem>>) src(%arg9 : memref<40x72xf32, #tpu.memory_space<vmem>>) dst(%dma_wait3A_47 : memref<10112x72xf32, #tpu.memory_space<vmem_shared>>)
        tpu.yield
      }) : () -> ()
    }
    %scan3A_8 = arith.constant 65 : i32
    %barrier3A_9 = arith.constant 0 : index
    tpu.barrier barrier_id(%barrier3A_9)
    %mul3A_10 = arith.constant 632 : i32
    %mul3A_11 = arith.muli %arg1, %mul3A_10 : i32
    "tpu.region"() ({
      %run_scoped3A = tpu.sem_alloc : memref<!tpu.dma_semaphore, #tpu.memory_space<semaphore_mem>>
      %dma_start3A = arith.constant 0 : i32
      %dma_start3A_12 = tpu.memref_slice %arg5[%arg0, %mul3A_11, %dma_start3A] : memref<2x10112x72xf32, #tpu.memory_space<hbm>> -> memref<1x632x72xf32, #tpu.memory_space<hbm>>
      %dma_start3A_13 = tpu.memref_squeeze %dma_start3A_12 : memref<1x632x72xf32, #tpu.memory_space<hbm>> -> memref<632x72xf32, #tpu.memory_space<hbm>>
      %dma_start3A_14 = arith.constant 0 : i32
      %dma_start3A_15 = tpu.memref_slice %arg10[%mul3A_11, %dma_start3A_14] : memref<10112x72xf32, #tpu.memory_space<vmem_shared>> -> memref<632x72xf32, #tpu.memory_space<vmem_shared>>
      tpu.enqueue_dma source(%dma_start3A_15 : memref<632x72xf32, #tpu.memory_space<vmem_shared>>) target(%dma_start3A_13 : memref<632x72xf32, #tpu.memory_space<hbm>>) target_semaphore(%run_scoped3A : memref<!tpu.dma_semaphore, #tpu.memory_space<semaphore_mem>>)
      %dma_wait3A = arith.constant 0 : i32
      %dma_wait3A_16 = tpu.memref_slice %arg5[%arg0, %mul3A_11, %dma_wait3A] : memref<2x10112x72xf32, #tpu.memory_space<hbm>> -> memref<1x632x72xf32, #tpu.memory_space<hbm>>
      %dma_wait3A_17 = tpu.memref_squeeze %dma_wait3A_16 : memref<1x632x72xf32, #tpu.memory_space<hbm>> -> memref<632x72xf32, #tpu.memory_space<hbm>>
      %dma_wait3A_18 = arith.constant 0 : i32
      %dma_wait3A_19 = tpu.memref_slice %arg10[%mul3A_11, %dma_wait3A_18] : memref<10112x72xf32, #tpu.memory_space<vmem_shared>> -> memref<632x72xf32, #tpu.memory_space<vmem_shared>>
      tpu.wait_dma2 semaphore(%run_scoped3A : memref<!tpu.dma_semaphore, #tpu.memory_space<semaphore_mem>>) src(%dma_wait3A_19 : memref<632x72xf32, #tpu.memory_space<vmem_shared>>) dst(%dma_wait3A_17 : memref<632x72xf32, #tpu.memory_space<hbm>>)
      tpu.yield
    }) : () -> ()
    return
  }
}

#map = affine_map<(d0, d1) -> (0, 0)>
#map1 = affine_map<(d0, d1) -> (0)>
#map2 = affine_map<(d0, d1) -> (0, 0, 0)>
module attributes {stable_mosaic.version = 14 : i64} {
  func.func @_scatter_sc_body(%arg0: i32, %arg1: i32, %arg2: memref<153600x72xf32, #tpu.memory_space<hbm>>, %arg3: memref<153600xi32, #tpu.memory_space<hbm>>, %arg4: memref<2x10112x72xf32, #tpu.memory_space<hbm>>, %arg5: memref<2x10112x72xf32, #tpu.memory_space<hbm>>, %arg6: memref<40xi32, #tpu.memory_space<vmem>>, %arg7: memref<40xi32, #tpu.memory_space<vmem>>, %arg8: memref<40x72xf32, #tpu.memory_space<vmem>>, %arg9: memref<40x72xf32, #tpu.memory_space<vmem>>, %arg10: memref<10112x72xf32, #tpu.memory_space<vmem_shared>>, %arg11: memref<!tpu.dma_semaphore, #tpu.memory_space<semaphore_mem>>, %arg12: memref<!tpu.dma_semaphore, #tpu.memory_space<semaphore_mem>>, %arg13: memref<!tpu.dma_semaphore, #tpu.memory_space<semaphore_mem>>, %arg14: memref<!tpu.dma_semaphore, #tpu.memory_space<semaphore_mem>>) attributes {dimension_semantics = [#tpu.dimension_semantics<core_parallel>, #tpu.dimension_semantics<subcore_parallel>], iteration_bounds = array<i64: 2, 16>, scalar_prefetch = 0 : i64, scratch_operands = 9 : i64, tpu.core_type = #tpu.core_type<sc_vector_subcore>, window_params = [{transform_indices = #map}, {transform_indices = #map1}, {transform_indices = #map2}, {transform_indices = #map2}]} {
    %mul3A = arith.constant 2 : i32
    %mul3A_0 = arith.muli %arg1, %mul3A : i32
    %add3A = arith.addi %mul3A_0, %arg0 : i32
    %mul3A_1 = arith.constant 4800 : i32
    %mul3A_2 = arith.muli %add3A, %mul3A_1 : i32
    %eq3A = arith.constant 0 : i32
    %eq3A_3 = arith.cmpi eq, %arg1, %eq3A : i32
    %convert_element_type3A = arith.extui %eq3A_3 : i1 to i32
    %cond3A = arith.constant 0 : i32
    %cond3A_4 = arith.cmpi ne, %convert_element_type3A, %cond3A : i32
    scf.if %cond3A_4 {
      "tpu.region"() ({
        %run_scoped3A = tpu.sem_alloc : memref<!tpu.dma_semaphore, #tpu.memory_space<semaphore_mem>>
        %dma_start3A = arith.constant 0 : i32
        %dma_start3A_12 = arith.constant 0 : i32
        %dma_start3A_13 = tpu.memref_slice %arg4[%arg0, %dma_start3A, %dma_start3A_12] : memref<2x10112x72xf32, #tpu.memory_space<hbm>> -> memref<1x10112x72xf32, #tpu.memory_space<hbm>>
        %dma_start3A_14 = tpu.memref_squeeze %dma_start3A_13 : memref<1x10112x72xf32, #tpu.memory_space<hbm>> -> memref<10112x72xf32, #tpu.memory_space<hbm>>
        tpu.enqueue_dma source(%dma_start3A_14 : memref<10112x72xf32, #tpu.memory_space<hbm>>) target(%arg10 : memref<10112x72xf32, #tpu.memory_space<vmem_shared>>) target_semaphore(%run_scoped3A : memref<!tpu.dma_semaphore, #tpu.memory_space<semaphore_mem>>)
        %dma_wait3A = arith.constant 0 : i32
        %dma_wait3A_15 = arith.constant 0 : i32
        %dma_wait3A_16 = tpu.memref_slice %arg4[%arg0, %dma_wait3A, %dma_wait3A_15] : memref<2x10112x72xf32, #tpu.memory_space<hbm>> -> memref<1x10112x72xf32, #tpu.memory_space<hbm>>
        %dma_wait3A_17 = tpu.memref_squeeze %dma_wait3A_16 : memref<1x10112x72xf32, #tpu.memory_space<hbm>> -> memref<10112x72xf32, #tpu.memory_space<hbm>>
        tpu.wait_dma2 semaphore(%run_scoped3A : memref<!tpu.dma_semaphore, #tpu.memory_space<semaphore_mem>>) src(%dma_wait3A_17 : memref<10112x72xf32, #tpu.memory_space<hbm>>) dst(%arg10 : memref<10112x72xf32, #tpu.memory_space<vmem_shared>>)
        tpu.yield
      }) : () -> ()
    } else {
    }
    %barrier3A = arith.constant 0 : index
    tpu.barrier barrier_id(%barrier3A)
    %scan3A = arith.constant 0 : i32
    %scan3A_5 = arith.constant 60 : i32
    %scan3A_6 = arith.addi %scan3A, %scan3A_5 : i32
    %scan3A_7 = arith.constant 1 : i32
    scf.for %scan3A_12 = %scan3A to %scan3A_6 step %scan3A_7  : i32 {
      %mul3A_13 = arith.constant 80 : i32
      %mul3A_14 = arith.muli %scan3A_12, %mul3A_13 : i32
      %add3A_15 = arith.constant 0 : i32
      %add3A_16 = arith.addi %add3A_15, %mul3A_14 : i32
      %add3A_17 = arith.addi %mul3A_2, %add3A_16 : i32
      %add3A_18 = arith.constant 40 : i32
      %add3A_19 = arith.addi %add3A_17, %add3A_18 : i32
      %dma_start3A = tpu.memref_slice %arg3[%add3A_17] : memref<153600xi32, #tpu.memory_space<hbm>> -> memref<40xi32, #tpu.memory_space<hbm>>
      %dma_start3A_20 = tpu.memref_slice %arg3[%add3A_17] : memref<153600xi32, #tpu.memory_space<hbm>> -> memref<40xi32, #tpu.memory_space<hbm>>
      tpu.enqueue_dma source(%dma_start3A_20 : memref<40xi32, #tpu.memory_space<hbm>>) target(%arg6 : memref<40xi32, #tpu.memory_space<vmem>>) target_semaphore(%arg11 : memref<!tpu.dma_semaphore, #tpu.memory_space<semaphore_mem>>)
      %dma_start3A_21 = arith.constant 0 : i32
      %dma_start3A_22 = tpu.memref_slice %arg2[%add3A_17, %dma_start3A_21] : memref<153600x72xf32, #tpu.memory_space<hbm>> -> memref<40x72xf32, #tpu.memory_space<hbm>>
      %dma_start3A_23 = arith.constant 0 : i32
      %dma_start3A_24 = tpu.memref_slice %arg2[%add3A_17, %dma_start3A_23] : memref<153600x72xf32, #tpu.memory_space<hbm>> -> memref<40x72xf32, #tpu.memory_space<hbm>>
      tpu.enqueue_dma source(%dma_start3A_24 : memref<40x72xf32, #tpu.memory_space<hbm>>) target(%arg8 : memref<40x72xf32, #tpu.memory_space<vmem>>) target_semaphore(%arg12 : memref<!tpu.dma_semaphore, #tpu.memory_space<semaphore_mem>>)
      %dma_start3A_25 = tpu.memref_slice %arg3[%add3A_19] : memref<153600xi32, #tpu.memory_space<hbm>> -> memref<40xi32, #tpu.memory_space<hbm>>
      %dma_start3A_26 = tpu.memref_slice %arg3[%add3A_19] : memref<153600xi32, #tpu.memory_space<hbm>> -> memref<40xi32, #tpu.memory_space<hbm>>
      tpu.enqueue_dma source(%dma_start3A_26 : memref<40xi32, #tpu.memory_space<hbm>>) target(%arg7 : memref<40xi32, #tpu.memory_space<vmem>>) target_semaphore(%arg13 : memref<!tpu.dma_semaphore, #tpu.memory_space<semaphore_mem>>)
      %dma_start3A_27 = arith.constant 0 : i32
      %dma_start3A_28 = tpu.memref_slice %arg2[%add3A_19, %dma_start3A_27] : memref<153600x72xf32, #tpu.memory_space<hbm>> -> memref<40x72xf32, #tpu.memory_space<hbm>>
      %dma_start3A_29 = arith.constant 0 : i32
      %dma_start3A_30 = tpu.memref_slice %arg2[%add3A_19, %dma_start3A_29] : memref<153600x72xf32, #tpu.memory_space<hbm>> -> memref<40x72xf32, #tpu.memory_space<hbm>>
      tpu.enqueue_dma source(%dma_start3A_30 : memref<40x72xf32, #tpu.memory_space<hbm>>) target(%arg9 : memref<40x72xf32, #tpu.memory_space<vmem>>) target_semaphore(%arg14 : memref<!tpu.dma_semaphore, #tpu.memory_space<semaphore_mem>>)
      %dma_wait3A = tpu.memref_slice %arg3[%add3A_17] : memref<153600xi32, #tpu.memory_space<hbm>> -> memref<40xi32, #tpu.memory_space<hbm>>
      %dma_wait3A_31 = tpu.memref_slice %arg3[%add3A_17] : memref<153600xi32, #tpu.memory_space<hbm>> -> memref<40xi32, #tpu.memory_space<hbm>>
      tpu.wait_dma2 semaphore(%arg11 : memref<!tpu.dma_semaphore, #tpu.memory_space<semaphore_mem>>) src(%dma_wait3A_31 : memref<40xi32, #tpu.memory_space<hbm>>) dst(%arg6 : memref<40xi32, #tpu.memory_space<vmem>>)
      %dma_wait3A_32 = arith.constant 0 : i32
      %dma_wait3A_33 = tpu.memref_slice %arg2[%add3A_17, %dma_wait3A_32] : memref<153600x72xf32, #tpu.memory_space<hbm>> -> memref<40x72xf32, #tpu.memory_space<hbm>>
      %dma_wait3A_34 = arith.constant 0 : i32
      %dma_wait3A_35 = tpu.memref_slice %arg2[%add3A_17, %dma_wait3A_34] : memref<153600x72xf32, #tpu.memory_space<hbm>> -> memref<40x72xf32, #tpu.memory_space<hbm>>
      tpu.wait_dma2 semaphore(%arg12 : memref<!tpu.dma_semaphore, #tpu.memory_space<semaphore_mem>>) src(%dma_wait3A_35 : memref<40x72xf32, #tpu.memory_space<hbm>>) dst(%arg8 : memref<40x72xf32, #tpu.memory_space<vmem>>)
      "tpu.region"() ({
        %run_scoped3A = tpu.sem_alloc : memref<!tpu.dma_semaphore, #tpu.memory_space<semaphore_mem>>
        %dma_start3A_42 = arith.constant 0 : i32
        %dma_start3A_43 = arith.constant 0 : i32
        %dma_start3A_44 = tpu.memref_slice %arg10[%dma_start3A_42, %dma_start3A_43] : memref<10112x72xf32, #tpu.memory_space<vmem_shared>> -> memref<10112x72xf32, #tpu.memory_space<vmem_shared>>
        tpu.enqueue_indirect_dma source(%arg8 : memref<40x72xf32, #tpu.memory_space<vmem>>) target(%dma_start3A_44 : memref<10112x72xf32, #tpu.memory_space<vmem_shared>>) offsets(%arg6 : memref<40xi32, #tpu.memory_space<vmem>>) semaphore(%run_scoped3A : memref<!tpu.dma_semaphore, #tpu.memory_space<semaphore_mem>>) {add = true}
        %dma_wait3A_45 = arith.constant 0 : i32
        %dma_wait3A_46 = arith.constant 0 : i32
        %dma_wait3A_47 = tpu.memref_slice %arg10[%dma_wait3A_45, %dma_wait3A_46] : memref<10112x72xf32, #tpu.memory_space<vmem_shared>> -> memref<10112x72xf32, #tpu.memory_space<vmem_shared>>
        tpu.wait_indirect_dma semaphore(%run_scoped3A : memref<!tpu.dma_semaphore, #tpu.memory_space<semaphore_mem>>) src(%arg8 : memref<40x72xf32, #tpu.memory_space<vmem>>) dst(%dma_wait3A_47 : memref<10112x72xf32, #tpu.memory_space<vmem_shared>>)
        tpu.yield
      }) : () -> ()
      %dma_wait3A_36 = tpu.memref_slice %arg3[%add3A_19] : memref<153600xi32, #tpu.memory_space<hbm>> -> memref<40xi32, #tpu.memory_space<hbm>>
      %dma_wait3A_37 = tpu.memref_slice %arg3[%add3A_19] : memref<153600xi32, #tpu.memory_space<hbm>> -> memref<40xi32, #tpu.memory_space<hbm>>
      tpu.wait_dma2 semaphore(%arg13 : memref<!tpu.dma_semaphore, #tpu.memory_space<semaphore_mem>>) src(%dma_wait3A_37 : memref<40xi32, #tpu.memory_space<hbm>>) dst(%arg7 : memref<40xi32, #tpu.memory_space<vmem>>)
      %dma_wait3A_38 = arith.constant 0 : i32
      %dma_wait3A_39 = tpu.memref_slice %arg2[%add3A_19, %dma_wait3A_38] : memref<153600x72xf32, #tpu.memory_space<hbm>> -> memref<40x72xf32, #tpu.memory_space<hbm>>
      %dma_wait3A_40 = arith.constant 0 : i32
      %dma_wait3A_41 = tpu.memref_slice %arg2[%add3A_19, %dma_wait3A_40] : memref<153600x72xf32, #tpu.memory_space<hbm>> -> memref<40x72xf32, #tpu.memory_space<hbm>>
      tpu.wait_dma2 semaphore(%arg14 : memref<!tpu.dma_semaphore, #tpu.memory_space<semaphore_mem>>) src(%dma_wait3A_41 : memref<40x72xf32, #tpu.memory_space<hbm>>) dst(%arg9 : memref<40x72xf32, #tpu.memory_space<vmem>>)
      "tpu.region"() ({
        %run_scoped3A = tpu.sem_alloc : memref<!tpu.dma_semaphore, #tpu.memory_space<semaphore_mem>>
        %dma_start3A_42 = arith.constant 0 : i32
        %dma_start3A_43 = arith.constant 0 : i32
        %dma_start3A_44 = tpu.memref_slice %arg10[%dma_start3A_42, %dma_start3A_43] : memref<10112x72xf32, #tpu.memory_space<vmem_shared>> -> memref<10112x72xf32, #tpu.memory_space<vmem_shared>>
        tpu.enqueue_indirect_dma source(%arg9 : memref<40x72xf32, #tpu.memory_space<vmem>>) target(%dma_start3A_44 : memref<10112x72xf32, #tpu.memory_space<vmem_shared>>) offsets(%arg7 : memref<40xi32, #tpu.memory_space<vmem>>) semaphore(%run_scoped3A : memref<!tpu.dma_semaphore, #tpu.memory_space<semaphore_mem>>) {add = true}
        %dma_wait3A_45 = arith.constant 0 : i32
        %dma_wait3A_46 = arith.constant 0 : i32
        %dma_wait3A_47 = tpu.memref_slice %arg10[%dma_wait3A_45, %dma_wait3A_46] : memref<10112x72xf32, #tpu.memory_space<vmem_shared>> -> memref<10112x72xf32, #tpu.memory_space<vmem_shared>>
        tpu.wait_indirect_dma semaphore(%run_scoped3A : memref<!tpu.dma_semaphore, #tpu.memory_space<semaphore_mem>>) src(%arg9 : memref<40x72xf32, #tpu.memory_space<vmem>>) dst(%dma_wait3A_47 : memref<10112x72xf32, #tpu.memory_space<vmem_shared>>)
        tpu.yield
      }) : () -> ()
    }
    %scan3A_8 = arith.constant 60 : i32
    %barrier3A_9 = arith.constant 0 : index
    tpu.barrier barrier_id(%barrier3A_9)
    %mul3A_10 = arith.constant 632 : i32
    %mul3A_11 = arith.muli %arg1, %mul3A_10 : i32
    "tpu.region"() ({
      %run_scoped3A = tpu.sem_alloc : memref<!tpu.dma_semaphore, #tpu.memory_space<semaphore_mem>>
      %dma_start3A = arith.constant 0 : i32
      %dma_start3A_12 = tpu.memref_slice %arg5[%arg0, %mul3A_11, %dma_start3A] : memref<2x10112x72xf32, #tpu.memory_space<hbm>> -> memref<1x632x72xf32, #tpu.memory_space<hbm>>
      %dma_start3A_13 = tpu.memref_squeeze %dma_start3A_12 : memref<1x632x72xf32, #tpu.memory_space<hbm>> -> memref<632x72xf32, #tpu.memory_space<hbm>>
      %dma_start3A_14 = arith.constant 0 : i32
      %dma_start3A_15 = tpu.memref_slice %arg10[%mul3A_11, %dma_start3A_14] : memref<10112x72xf32, #tpu.memory_space<vmem_shared>> -> memref<632x72xf32, #tpu.memory_space<vmem_shared>>
      tpu.enqueue_dma source(%dma_start3A_15 : memref<632x72xf32, #tpu.memory_space<vmem_shared>>) target(%dma_start3A_13 : memref<632x72xf32, #tpu.memory_space<hbm>>) target_semaphore(%run_scoped3A : memref<!tpu.dma_semaphore, #tpu.memory_space<semaphore_mem>>)
      %dma_wait3A = arith.constant 0 : i32
      %dma_wait3A_16 = tpu.memref_slice %arg5[%arg0, %mul3A_11, %dma_wait3A] : memref<2x10112x72xf32, #tpu.memory_space<hbm>> -> memref<1x632x72xf32, #tpu.memory_space<hbm>>
      %dma_wait3A_17 = tpu.memref_squeeze %dma_wait3A_16 : memref<1x632x72xf32, #tpu.memory_space<hbm>> -> memref<632x72xf32, #tpu.memory_space<hbm>>
      %dma_wait3A_18 = arith.constant 0 : i32
      %dma_wait3A_19 = tpu.memref_slice %arg10[%mul3A_11, %dma_wait3A_18] : memref<10112x72xf32, #tpu.memory_space<vmem_shared>> -> memref<632x72xf32, #tpu.memory_space<vmem_shared>>
      tpu.wait_dma2 semaphore(%run_scoped3A : memref<!tpu.dma_semaphore, #tpu.memory_space<semaphore_mem>>) src(%dma_wait3A_19 : memref<632x72xf32, #tpu.memory_space<vmem_shared>>) dst(%dma_wait3A_17 : memref<632x72xf32, #tpu.memory_space<hbm>>)
      tpu.yield
    }) : () -> ()
    return
  }
}

#map = affine_map<(d0, d1) -> (0, 0)>
#map1 = affine_map<(d0, d1) -> (0)>
module attributes {stable_mosaic.version = 14 : i64} {
  func.func @_cand_sc_body(%arg0: i32, %arg1: i32, %arg2: memref<10000x64xf32, #tpu.memory_space<hbm>>, %arg3: memref<102400xi32, #tpu.memory_space<hbm>>, %arg4: memref<102400xi32, #tpu.memory_space<hbm>>, %arg5: memref<102400x64xf32, #tpu.memory_space<hbm>>, %arg6: memref<102400x64xf32, #tpu.memory_space<hbm>>, %arg7: memref<640xi32, #tpu.memory_space<vmem>>, %arg8: memref<640xi32, #tpu.memory_space<vmem>>, %arg9: memref<640x64xf32, #tpu.memory_space<vmem>>, %arg10: memref<640x64xf32, #tpu.memory_space<vmem>>, %arg11: memref<!tpu.dma_semaphore, #tpu.memory_space<semaphore_mem>>, %arg12: memref<!tpu.dma_semaphore, #tpu.memory_space<semaphore_mem>>, %arg13: memref<!tpu.dma_semaphore, #tpu.memory_space<semaphore_mem>>, %arg14: memref<!tpu.dma_semaphore, #tpu.memory_space<semaphore_mem>>, %arg15: memref<!tpu.dma_semaphore, #tpu.memory_space<semaphore_mem>>, %arg16: memref<!tpu.dma_semaphore, #tpu.memory_space<semaphore_mem>>) attributes {dimension_semantics = [#tpu.dimension_semantics<core_parallel>, #tpu.dimension_semantics<subcore_parallel>], iteration_bounds = array<i64: 2, 16>, scalar_prefetch = 0 : i64, scratch_operands = 10 : i64, tpu.core_type = #tpu.core_type<sc_vector_subcore>, window_params = [{transform_indices = #map}, {transform_indices = #map1}, {transform_indices = #map1}, {transform_indices = #map}, {transform_indices = #map}]} {
    %mul3A = arith.constant 2 : i32
    %mul3A_0 = arith.muli %arg1, %mul3A : i32
    %add3A = arith.addi %mul3A_0, %arg0 : i32
    %mul3A_1 = arith.constant 3200 : i32
    %mul3A_2 = arith.muli %add3A, %mul3A_1 : i32
    %scan3A = arith.constant 0 : i32
    %scan3A_3 = arith.constant 5 : i32
    %scan3A_4 = arith.addi %scan3A, %scan3A_3 : i32
    %scan3A_5 = arith.constant 1 : i32
    scf.for %scan3A_7 = %scan3A to %scan3A_4 step %scan3A_5  : i32 {
      %mul3A_8 = arith.constant 640 : i32
      %mul3A_9 = arith.muli %scan3A_7, %mul3A_8 : i32
      %add3A_10 = arith.constant 0 : i32
      %add3A_11 = arith.addi %add3A_10, %mul3A_9 : i32
      %add3A_12 = arith.addi %mul3A_2, %add3A_11 : i32
      %dma_start3A = tpu.memref_slice %arg3[%add3A_12] : memref<102400xi32, #tpu.memory_space<hbm>> -> memref<640xi32, #tpu.memory_space<hbm>>
      %dma_start3A_13 = tpu.memref_slice %arg3[%add3A_12] : memref<102400xi32, #tpu.memory_space<hbm>> -> memref<640xi32, #tpu.memory_space<hbm>>
      tpu.enqueue_dma source(%dma_start3A_13 : memref<640xi32, #tpu.memory_space<hbm>>) target(%arg7 : memref<640xi32, #tpu.memory_space<vmem>>) target_semaphore(%arg11 : memref<!tpu.dma_semaphore, #tpu.memory_space<semaphore_mem>>)
      %dma_start3A_14 = tpu.memref_slice %arg4[%add3A_12] : memref<102400xi32, #tpu.memory_space<hbm>> -> memref<640xi32, #tpu.memory_space<hbm>>
      %dma_start3A_15 = tpu.memref_slice %arg4[%add3A_12] : memref<102400xi32, #tpu.memory_space<hbm>> -> memref<640xi32, #tpu.memory_space<hbm>>
      tpu.enqueue_dma source(%dma_start3A_15 : memref<640xi32, #tpu.memory_space<hbm>>) target(%arg8 : memref<640xi32, #tpu.memory_space<vmem>>) target_semaphore(%arg12 : memref<!tpu.dma_semaphore, #tpu.memory_space<semaphore_mem>>)
      %dma_wait3A = tpu.memref_slice %arg3[%add3A_12] : memref<102400xi32, #tpu.memory_space<hbm>> -> memref<640xi32, #tpu.memory_space<hbm>>
      %dma_wait3A_16 = tpu.memref_slice %arg3[%add3A_12] : memref<102400xi32, #tpu.memory_space<hbm>> -> memref<640xi32, #tpu.memory_space<hbm>>
      tpu.wait_dma2 semaphore(%arg11 : memref<!tpu.dma_semaphore, #tpu.memory_space<semaphore_mem>>) src(%dma_wait3A_16 : memref<640xi32, #tpu.memory_space<hbm>>) dst(%arg7 : memref<640xi32, #tpu.memory_space<vmem>>)
      %dma_start3A_17 = arith.constant 0 : i32
      %dma_start3A_18 = arith.constant 0 : i32
      %dma_start3A_19 = tpu.memref_slice %arg2[%dma_start3A_17, %dma_start3A_18] : memref<10000x64xf32, #tpu.memory_space<hbm>> -> memref<10000x64xf32, #tpu.memory_space<hbm>>
      tpu.enqueue_indirect_dma source(%dma_start3A_19 : memref<10000x64xf32, #tpu.memory_space<hbm>>) target(%arg9 : memref<640x64xf32, #tpu.memory_space<vmem>>) offsets(%arg7 : memref<640xi32, #tpu.memory_space<vmem>>) semaphore(%arg13 : memref<!tpu.dma_semaphore, #tpu.memory_space<semaphore_mem>>)
      %dma_wait3A_20 = tpu.memref_slice %arg4[%add3A_12] : memref<102400xi32, #tpu.memory_space<hbm>> -> memref<640xi32, #tpu.memory_space<hbm>>
      %dma_wait3A_21 = tpu.memref_slice %arg4[%add3A_12] : memref<102400xi32, #tpu.memory_space<hbm>> -> memref<640xi32, #tpu.memory_space<hbm>>
      tpu.wait_dma2 semaphore(%arg12 : memref<!tpu.dma_semaphore, #tpu.memory_space<semaphore_mem>>) src(%dma_wait3A_21 : memref<640xi32, #tpu.memory_space<hbm>>) dst(%arg8 : memref<640xi32, #tpu.memory_space<vmem>>)
      %dma_start3A_22 = arith.constant 0 : i32
      %dma_start3A_23 = arith.constant 0 : i32
      %dma_start3A_24 = tpu.memref_slice %arg2[%dma_start3A_22, %dma_start3A_23] : memref<10000x64xf32, #tpu.memory_space<hbm>> -> memref<10000x64xf32, #tpu.memory_space<hbm>>
      tpu.enqueue_indirect_dma source(%dma_start3A_24 : memref<10000x64xf32, #tpu.memory_space<hbm>>) target(%arg10 : memref<640x64xf32, #tpu.memory_space<vmem>>) offsets(%arg8 : memref<640xi32, #tpu.memory_space<vmem>>) semaphore(%arg14 : memref<!tpu.dma_semaphore, #tpu.memory_space<semaphore_mem>>)
      %dma_wait3A_25 = arith.constant 0 : i32
      %dma_wait3A_26 = arith.constant 0 : i32
      %dma_wait3A_27 = tpu.memref_slice %arg2[%dma_wait3A_25, %dma_wait3A_26] : memref<10000x64xf32, #tpu.memory_space<hbm>> -> memref<10000x64xf32, #tpu.memory_space<hbm>>
      tpu.wait_indirect_dma semaphore(%arg13 : memref<!tpu.dma_semaphore, #tpu.memory_space<semaphore_mem>>) src(%dma_wait3A_27 : memref<10000x64xf32, #tpu.memory_space<hbm>>) dst(%arg9 : memref<640x64xf32, #tpu.memory_space<vmem>>)
      %dma_start3A_28 = arith.constant 0 : i32
      %dma_start3A_29 = tpu.memref_slice %arg5[%add3A_12, %dma_start3A_28] : memref<102400x64xf32, #tpu.memory_space<hbm>> -> memref<640x64xf32, #tpu.memory_space<hbm>>
      %dma_start3A_30 = arith.constant 0 : i32
      %dma_start3A_31 = tpu.memref_slice %arg5[%add3A_12, %dma_start3A_30] : memref<102400x64xf32, #tpu.memory_space<hbm>> -> memref<640x64xf32, #tpu.memory_space<hbm>>
      tpu.enqueue_dma source(%arg9 : memref<640x64xf32, #tpu.memory_space<vmem>>) target(%dma_start3A_31 : memref<640x64xf32, #tpu.memory_space<hbm>>) target_semaphore(%arg15 : memref<!tpu.dma_semaphore, #tpu.memory_space<semaphore_mem>>)
      %dma_wait3A_32 = arith.constant 0 : i32
      %dma_wait3A_33 = arith.constant 0 : i32
      %dma_wait3A_34 = tpu.memref_slice %arg2[%dma_wait3A_32, %dma_wait3A_33] : memref<10000x64xf32, #tpu.memory_space<hbm>> -> memref<10000x64xf32, #tpu.memory_space<hbm>>
      tpu.wait_indirect_dma semaphore(%arg14 : memref<!tpu.dma_semaphore, #tpu.memory_space<semaphore_mem>>) src(%dma_wait3A_34 : memref<10000x64xf32, #tpu.memory_space<hbm>>) dst(%arg10 : memref<640x64xf32, #tpu.memory_space<vmem>>)
      %dma_start3A_35 = arith.constant 0 : i32
      %dma_start3A_36 = tpu.memref_slice %arg6[%add3A_12, %dma_start3A_35] : memref<102400x64xf32, #tpu.memory_space<hbm>> -> memref<640x64xf32, #tpu.memory_space<hbm>>
      %dma_start3A_37 = arith.constant 0 : i32
      %dma_start3A_38 = tpu.memref_slice %arg6[%add3A_12, %dma_start3A_37] : memref<102400x64xf32, #tpu.memory_space<hbm>> -> memref<640x64xf32, #tpu.memory_space<hbm>>
      tpu.enqueue_dma source(%arg10 : memref<640x64xf32, #tpu.memory_space<vmem>>) target(%dma_start3A_38 : memref<640x64xf32, #tpu.memory_space<hbm>>) target_semaphore(%arg16 : memref<!tpu.dma_semaphore, #tpu.memory_space<semaphore_mem>>)
      %dma_wait3A_39 = arith.constant 0 : i32
      %dma_wait3A_40 = tpu.memref_slice %arg5[%add3A_12, %dma_wait3A_39] : memref<102400x64xf32, #tpu.memory_space<hbm>> -> memref<640x64xf32, #tpu.memory_space<hbm>>
      %dma_wait3A_41 = arith.constant 0 : i32
      %dma_wait3A_42 = tpu.memref_slice %arg5[%add3A_12, %dma_wait3A_41] : memref<102400x64xf32, #tpu.memory_space<hbm>> -> memref<640x64xf32, #tpu.memory_space<hbm>>
      tpu.wait_dma2 semaphore(%arg15 : memref<!tpu.dma_semaphore, #tpu.memory_space<semaphore_mem>>) src(%arg9 : memref<640x64xf32, #tpu.memory_space<vmem>>) dst(%dma_wait3A_42 : memref<640x64xf32, #tpu.memory_space<hbm>>)
      %dma_wait3A_43 = arith.constant 0 : i32
      %dma_wait3A_44 = tpu.memref_slice %arg6[%add3A_12, %dma_wait3A_43] : memref<102400x64xf32, #tpu.memory_space<hbm>> -> memref<640x64xf32, #tpu.memory_space<hbm>>
      %dma_wait3A_45 = arith.constant 0 : i32
      %dma_wait3A_46 = tpu.memref_slice %arg6[%add3A_12, %dma_wait3A_45] : memref<102400x64xf32, #tpu.memory_space<hbm>> -> memref<640x64xf32, #tpu.memory_space<hbm>>
      tpu.wait_dma2 semaphore(%arg16 : memref<!tpu.dma_semaphore, #tpu.memory_space<semaphore_mem>>) src(%arg10 : memref<640x64xf32, #tpu.memory_space<vmem>>) dst(%dma_wait3A_46 : memref<640x64xf32, #tpu.memory_space<hbm>>)
    }
    %scan3A_6 = arith.constant 5 : i32
    return
  }
}

#map = affine_map<(d0, d1) -> (0, 0)>
#map1 = affine_map<(d0, d1) -> (0)>
module attributes {stable_mosaic.version = 14 : i64} {
  func.func @_cand_sc_body(%arg0: i32, %arg1: i32, %arg2: memref<10000x64xf32, #tpu.memory_space<hbm>>, %arg3: memref<102400xi32, #tpu.memory_space<hbm>>, %arg4: memref<102400xi32, #tpu.memory_space<hbm>>, %arg5: memref<102400x64xf32, #tpu.memory_space<hbm>>, %arg6: memref<102400x64xf32, #tpu.memory_space<hbm>>, %arg7: memref<640xi32, #tpu.memory_space<vmem>>, %arg8: memref<640xi32, #tpu.memory_space<vmem>>, %arg9: memref<640x64xf32, #tpu.memory_space<vmem>>, %arg10: memref<640x64xf32, #tpu.memory_space<vmem>>, %arg11: memref<!tpu.dma_semaphore, #tpu.memory_space<semaphore_mem>>, %arg12: memref<!tpu.dma_semaphore, #tpu.memory_space<semaphore_mem>>, %arg13: memref<!tpu.dma_semaphore, #tpu.memory_space<semaphore_mem>>, %arg14: memref<!tpu.dma_semaphore, #tpu.memory_space<semaphore_mem>>, %arg15: memref<!tpu.dma_semaphore, #tpu.memory_space<semaphore_mem>>, %arg16: memref<!tpu.dma_semaphore, #tpu.memory_space<semaphore_mem>>) attributes {dimension_semantics = [#tpu.dimension_semantics<core_parallel>, #tpu.dimension_semantics<subcore_parallel>], iteration_bounds = array<i64: 2, 16>, scalar_prefetch = 0 : i64, scratch_operands = 10 : i64, tpu.core_type = #tpu.core_type<sc_vector_subcore>, window_params = [{transform_indices = #map}, {transform_indices = #map1}, {transform_indices = #map1}, {transform_indices = #map}, {transform_indices = #map}]} {
    %mul3A = arith.constant 2 : i32
    %mul3A_0 = arith.muli %arg1, %mul3A : i32
    %add3A = arith.addi %mul3A_0, %arg0 : i32
    %mul3A_1 = arith.constant 3200 : i32
    %mul3A_2 = arith.muli %add3A, %mul3A_1 : i32
    %scan3A = arith.constant 0 : i32
    %scan3A_3 = arith.constant 5 : i32
    %scan3A_4 = arith.addi %scan3A, %scan3A_3 : i32
    %scan3A_5 = arith.constant 1 : i32
    scf.for %scan3A_7 = %scan3A to %scan3A_4 step %scan3A_5  : i32 {
      %mul3A_8 = arith.constant 640 : i32
      %mul3A_9 = arith.muli %scan3A_7, %mul3A_8 : i32
      %add3A_10 = arith.constant 0 : i32
      %add3A_11 = arith.addi %add3A_10, %mul3A_9 : i32
      %add3A_12 = arith.addi %mul3A_2, %add3A_11 : i32
      %dma_start3A = tpu.memref_slice %arg3[%add3A_12] : memref<102400xi32, #tpu.memory_space<hbm>> -> memref<640xi32, #tpu.memory_space<hbm>>
      %dma_start3A_13 = tpu.memref_slice %arg3[%add3A_12] : memref<102400xi32, #tpu.memory_space<hbm>> -> memref<640xi32, #tpu.memory_space<hbm>>
      tpu.enqueue_dma source(%dma_start3A_13 : memref<640xi32, #tpu.memory_space<hbm>>) target(%arg7 : memref<640xi32, #tpu.memory_space<vmem>>) target_semaphore(%arg11 : memref<!tpu.dma_semaphore, #tpu.memory_space<semaphore_mem>>)
      %dma_start3A_14 = tpu.memref_slice %arg4[%add3A_12] : memref<102400xi32, #tpu.memory_space<hbm>> -> memref<640xi32, #tpu.memory_space<hbm>>
      %dma_start3A_15 = tpu.memref_slice %arg4[%add3A_12] : memref<102400xi32, #tpu.memory_space<hbm>> -> memref<640xi32, #tpu.memory_space<hbm>>
      tpu.enqueue_dma source(%dma_start3A_15 : memref<640xi32, #tpu.memory_space<hbm>>) target(%arg8 : memref<640xi32, #tpu.memory_space<vmem>>) target_semaphore(%arg12 : memref<!tpu.dma_semaphore, #tpu.memory_space<semaphore_mem>>)
      %dma_wait3A = tpu.memref_slice %arg3[%add3A_12] : memref<102400xi32, #tpu.memory_space<hbm>> -> memref<640xi32, #tpu.memory_space<hbm>>
      %dma_wait3A_16 = tpu.memref_slice %arg3[%add3A_12] : memref<102400xi32, #tpu.memory_space<hbm>> -> memref<640xi32, #tpu.memory_space<hbm>>
      tpu.wait_dma2 semaphore(%arg11 : memref<!tpu.dma_semaphore, #tpu.memory_space<semaphore_mem>>) src(%dma_wait3A_16 : memref<640xi32, #tpu.memory_space<hbm>>) dst(%arg7 : memref<640xi32, #tpu.memory_space<vmem>>)
      %dma_start3A_17 = arith.constant 0 : i32
      %dma_start3A_18 = arith.constant 0 : i32
      %dma_start3A_19 = tpu.memref_slice %arg2[%dma_start3A_17, %dma_start3A_18] : memref<10000x64xf32, #tpu.memory_space<hbm>> -> memref<10000x64xf32, #tpu.memory_space<hbm>>
      tpu.enqueue_indirect_dma source(%dma_start3A_19 : memref<10000x64xf32, #tpu.memory_space<hbm>>) target(%arg9 : memref<640x64xf32, #tpu.memory_space<vmem>>) offsets(%arg7 : memref<640xi32, #tpu.memory_space<vmem>>) semaphore(%arg13 : memref<!tpu.dma_semaphore, #tpu.memory_space<semaphore_mem>>)
      %dma_wait3A_20 = tpu.memref_slice %arg4[%add3A_12] : memref<102400xi32, #tpu.memory_space<hbm>> -> memref<640xi32, #tpu.memory_space<hbm>>
      %dma_wait3A_21 = tpu.memref_slice %arg4[%add3A_12] : memref<102400xi32, #tpu.memory_space<hbm>> -> memref<640xi32, #tpu.memory_space<hbm>>
      tpu.wait_dma2 semaphore(%arg12 : memref<!tpu.dma_semaphore, #tpu.memory_space<semaphore_mem>>) src(%dma_wait3A_21 : memref<640xi32, #tpu.memory_space<hbm>>) dst(%arg8 : memref<640xi32, #tpu.memory_space<vmem>>)
      %dma_start3A_22 = arith.constant 0 : i32
      %dma_start3A_23 = arith.constant 0 : i32
      %dma_start3A_24 = tpu.memref_slice %arg2[%dma_start3A_22, %dma_start3A_23] : memref<10000x64xf32, #tpu.memory_space<hbm>> -> memref<10000x64xf32, #tpu.memory_space<hbm>>
      tpu.enqueue_indirect_dma source(%dma_start3A_24 : memref<10000x64xf32, #tpu.memory_space<hbm>>) target(%arg10 : memref<640x64xf32, #tpu.memory_space<vmem>>) offsets(%arg8 : memref<640xi32, #tpu.memory_space<vmem>>) semaphore(%arg14 : memref<!tpu.dma_semaphore, #tpu.memory_space<semaphore_mem>>)
      %dma_wait3A_25 = arith.constant 0 : i32
      %dma_wait3A_26 = arith.constant 0 : i32
      %dma_wait3A_27 = tpu.memref_slice %arg2[%dma_wait3A_25, %dma_wait3A_26] : memref<10000x64xf32, #tpu.memory_space<hbm>> -> memref<10000x64xf32, #tpu.memory_space<hbm>>
      tpu.wait_indirect_dma semaphore(%arg13 : memref<!tpu.dma_semaphore, #tpu.memory_space<semaphore_mem>>) src(%dma_wait3A_27 : memref<10000x64xf32, #tpu.memory_space<hbm>>) dst(%arg9 : memref<640x64xf32, #tpu.memory_space<vmem>>)
      %dma_start3A_28 = arith.constant 0 : i32
      %dma_start3A_29 = tpu.memref_slice %arg5[%add3A_12, %dma_start3A_28] : memref<102400x64xf32, #tpu.memory_space<hbm>> -> memref<640x64xf32, #tpu.memory_space<hbm>>
      %dma_start3A_30 = arith.constant 0 : i32
      %dma_start3A_31 = tpu.memref_slice %arg5[%add3A_12, %dma_start3A_30] : memref<102400x64xf32, #tpu.memory_space<hbm>> -> memref<640x64xf32, #tpu.memory_space<hbm>>
      tpu.enqueue_dma source(%arg9 : memref<640x64xf32, #tpu.memory_space<vmem>>) target(%dma_start3A_31 : memref<640x64xf32, #tpu.memory_space<hbm>>) target_semaphore(%arg15 : memref<!tpu.dma_semaphore, #tpu.memory_space<semaphore_mem>>)
      %dma_wait3A_32 = arith.constant 0 : i32
      %dma_wait3A_33 = arith.constant 0 : i32
      %dma_wait3A_34 = tpu.memref_slice %arg2[%dma_wait3A_32, %dma_wait3A_33] : memref<10000x64xf32, #tpu.memory_space<hbm>> -> memref<10000x64xf32, #tpu.memory_space<hbm>>
      tpu.wait_indirect_dma semaphore(%arg14 : memref<!tpu.dma_semaphore, #tpu.memory_space<semaphore_mem>>) src(%dma_wait3A_34 : memref<10000x64xf32, #tpu.memory_space<hbm>>) dst(%arg10 : memref<640x64xf32, #tpu.memory_space<vmem>>)
      %dma_start3A_35 = arith.constant 0 : i32
      %dma_start3A_36 = tpu.memref_slice %arg6[%add3A_12, %dma_start3A_35] : memref<102400x64xf32, #tpu.memory_space<hbm>> -> memref<640x64xf32, #tpu.memory_space<hbm>>
      %dma_start3A_37 = arith.constant 0 : i32
      %dma_start3A_38 = tpu.memref_slice %arg6[%add3A_12, %dma_start3A_37] : memref<102400x64xf32, #tpu.memory_space<hbm>> -> memref<640x64xf32, #tpu.memory_space<hbm>>
      tpu.enqueue_dma source(%arg10 : memref<640x64xf32, #tpu.memory_space<vmem>>) target(%dma_start3A_38 : memref<640x64xf32, #tpu.memory_space<hbm>>) target_semaphore(%arg16 : memref<!tpu.dma_semaphore, #tpu.memory_space<semaphore_mem>>)
      %dma_wait3A_39 = arith.constant 0 : i32
      %dma_wait3A_40 = tpu.memref_slice %arg5[%add3A_12, %dma_wait3A_39] : memref<102400x64xf32, #tpu.memory_space<hbm>> -> memref<640x64xf32, #tpu.memory_space<hbm>>
      %dma_wait3A_41 = arith.constant 0 : i32
      %dma_wait3A_42 = tpu.memref_slice %arg5[%add3A_12, %dma_wait3A_41] : memref<102400x64xf32, #tpu.memory_space<hbm>> -> memref<640x64xf32, #tpu.memory_space<hbm>>
      tpu.wait_dma2 semaphore(%arg15 : memref<!tpu.dma_semaphore, #tpu.memory_space<semaphore_mem>>) src(%arg9 : memref<640x64xf32, #tpu.memory_space<vmem>>) dst(%dma_wait3A_42 : memref<640x64xf32, #tpu.memory_space<hbm>>)
      %dma_wait3A_43 = arith.constant 0 : i32
      %dma_wait3A_44 = tpu.memref_slice %arg6[%add3A_12, %dma_wait3A_43] : memref<102400x64xf32, #tpu.memory_space<hbm>> -> memref<640x64xf32, #tpu.memory_space<hbm>>
      %dma_wait3A_45 = arith.constant 0 : i32
      %dma_wait3A_46 = tpu.memref_slice %arg6[%add3A_12, %dma_wait3A_45] : memref<102400x64xf32, #tpu.memory_space<hbm>> -> memref<640x64xf32, #tpu.memory_space<hbm>>
      tpu.wait_dma2 semaphore(%arg16 : memref<!tpu.dma_semaphore, #tpu.memory_space<semaphore_mem>>) src(%arg10 : memref<640x64xf32, #tpu.memory_space<vmem>>) dst(%dma_wait3A_46 : memref<640x64xf32, #tpu.memory_space<hbm>>)
    }
    %scan3A_6 = arith.constant 5 : i32
    return
  }
}

module attributes {stable_mosaic.version = 14 : i64} {
  func.func @_node_pre_body(%arg0: memref<10000x128xf32, #tpu.memory_space<vmem>>, %arg1: memref<128x128xf32, #tpu.memory_space<vmem>>, %arg2: memref<1x128xf32, #tpu.memory_space<vmem>>, %arg3: memref<128x128xf32, #tpu.memory_space<vmem>>, %arg4: memref<1x128xf32, #tpu.memory_space<vmem>>, %arg5: memref<10000x128xf32, #tpu.memory_space<vmem>>, %arg6: memref<10000x128xf32, #tpu.memory_space<vmem>>) attributes {dimension_semantics = [], scalar_prefetch = 0 : i64, scratch_operands = 0 : i64, tpu.core_type = #tpu.core_type<tc>} {
    %get3A = arith.constant 0 : index
    %get3A_0 = arith.constant 0 : index
    %get3A_1 = vector.load %arg0[%get3A, %get3A_0] : memref<10000x128xf32, #tpu.memory_space<vmem>>, vector<10000x128xf32>
    %get3A_2 = arith.constant 0 : index
    %get3A_3 = arith.constant 0 : index
    %get3A_4 = vector.load %arg1[%get3A_2, %get3A_3] : memref<128x128xf32, #tpu.memory_space<vmem>>, vector<128x128xf32>
    %dot_general3A = arith.constant dense<0.000000e+00> : vector<10000x128xf32>
    %dot_general3A_5 = tpu.matmul %get3A_1, %get3A_4, %dot_general3A {dimension_numbers = #tpu.dot_dimension_numbers<[1], [0], [0], [1], [0, 0, 1, 1], [], []>, transpose_lhs_hint = false} : vector<10000x128xf32>, vector<128x128xf32>, vector<10000x128xf32> -> vector<10000x128xf32>
    %get3A_6 = arith.constant 0 : index
    %get3A_7 = arith.constant 0 : index
    %get3A_8 = vector.load %arg2[%get3A_6, %get3A_7] : memref<1x128xf32, #tpu.memory_space<vmem>>, vector<1x128xf32>
    %add3A = vector.broadcast %get3A_8 : vector<1x128xf32> to vector<10000x128xf32>
    %add3A_9 = arith.addf %dot_general3A_5, %add3A : vector<10000x128xf32>
    %swap3A = arith.constant 0 : index
    %swap3A_10 = arith.constant 0 : index
    %swap3A_11 = vector.load %arg5[%swap3A, %swap3A_10] : memref<10000x128xf32, #tpu.memory_space<vmem>>, vector<10000x128xf32>
    tpu.vector_store %arg5[%swap3A, %swap3A_10], %add3A_9 {strides = array<i32>} : memref<10000x128xf32, #tpu.memory_space<vmem>>, vector<10000x128xf32>,
    %get3A_12 = arith.constant 0 : index
    %get3A_13 = arith.constant 0 : index
    %get3A_14 = vector.load %arg3[%get3A_12, %get3A_13] : memref<128x128xf32, #tpu.memory_space<vmem>>, vector<128x128xf32>
    %dot_general3A_15 = arith.constant dense<0.000000e+00> : vector<10000x128xf32>
    %dot_general3A_16 = tpu.matmul %get3A_1, %get3A_14, %dot_general3A_15 {dimension_numbers = #tpu.dot_dimension_numbers<[1], [0], [0], [1], [0, 0, 1, 1], [], []>, transpose_lhs_hint = false} : vector<10000x128xf32>, vector<128x128xf32>, vector<10000x128xf32> -> vector<10000x128xf32>
    %get3A_17 = arith.constant 0 : index
    %get3A_18 = arith.constant 0 : index
    %get3A_19 = vector.load %arg4[%get3A_17, %get3A_18] : memref<1x128xf32, #tpu.memory_space<vmem>>, vector<1x128xf32>
    %add3A_20 = vector.broadcast %get3A_19 : vector<1x128xf32> to vector<10000x128xf32>
    %add3A_21 = arith.addf %dot_general3A_16, %add3A_20 : vector<10000x128xf32>
    %swap3A_22 = arith.constant 0 : index
    %swap3A_23 = arith.constant 0 : index
    %swap3A_24 = vector.load %arg6[%swap3A_22, %swap3A_23] : memref<10000x128xf32, #tpu.memory_space<vmem>>, vector<10000x128xf32>
    tpu.vector_store %arg6[%swap3A_22, %swap3A_23], %add3A_21 {strides = array<i32>} : memref<10000x128xf32, #tpu.memory_space<vmem>>, vector<10000x128xf32>,
    return
  }
}

module attributes {stable_mosaic.version = 14 : i64} {
  func.func @_edge_math_body(%arg0: i32, %arg1: memref<3200x128xf32, #tpu.memory_space<vmem>>, %arg2: memref<3200x128xf32, #tpu.memory_space<vmem>>, %arg3: memref<3200x16xf32, #tpu.memory_space<vmem>>, %arg4: memref<16x128xf32, #tpu.memory_space<vmem>>, %arg5: memref<1x128xf32, #tpu.memory_space<vmem>>, %arg6: memref<3200x136xf32, #tpu.memory_space<vmem>>) attributes {dimension_semantics = [#tpu.dimension_semantics<arbitrary>], iteration_bounds = array<i64: 48>, scalar_prefetch = 0 : i64, scratch_operands = 0 : i64, tpu.core_type = #tpu.core_type<tc>, window_params = [{transform_indices = @transform_0, window_bounds = array<i64: 3200, 128>}, {transform_indices = @transform_1, window_bounds = array<i64: 3200, 128>}, {transform_indices = @transform_2, window_bounds = array<i64: 3200, 16>}, {pipeline_mode = #tpu.pipeline_mode<synchronous>, transform_indices = @transform_3, window_bounds = array<i64: 16, 128>}, {pipeline_mode = #tpu.pipeline_mode<synchronous>, transform_indices = @transform_4, window_bounds = array<i64: 1, 128>}, {transform_indices = @transform_5, window_bounds = array<i64: 3200, 136>}]} {
    %get3A = arith.constant 0 : index
    %get3A_0 = arith.constant 0 : index
    %get3A_1 = vector.load %arg1[%get3A, %get3A_0] : memref<3200x128xf32, #tpu.memory_space<vmem>>, vector<3200x128xf32>
    %get3A_2 = arith.constant 0 : index
    %get3A_3 = arith.constant 0 : index
    %get3A_4 = vector.load %arg3[%get3A_2, %get3A_3] : memref<3200x16xf32, #tpu.memory_space<vmem>>, vector<3200x16xf32>
    %get3A_5 = arith.constant 0 : index
    %get3A_6 = arith.constant 0 : index
    %get3A_7 = vector.load %arg4[%get3A_5, %get3A_6] : memref<16x128xf32, #tpu.memory_space<vmem>>, vector<16x128xf32>
    %dot_general3A = arith.constant dense<0.000000e+00> : vector<3200x128xf32>
    %dot_general3A_8 = tpu.matmul %get3A_4, %get3A_7, %dot_general3A {dimension_numbers = #tpu.dot_dimension_numbers<[1], [0], [0], [1], [0, 0, 1, 1], [], []>, transpose_lhs_hint = false} : vector<3200x16xf32>, vector<16x128xf32>, vector<3200x128xf32> -> vector<3200x128xf32>
    %get3A_9 = arith.constant 0 : index
    %get3A_10 = arith.constant 0 : index
    %get3A_11 = vector.load %arg2[%get3A_9, %get3A_10] : memref<3200x128xf32, #tpu.memory_space<vmem>>, vector<3200x128xf32>
    %add3A = arith.addf %get3A_1, %get3A_11 : vector<3200x128xf32>
    %add3A_12 = arith.addf %add3A, %dot_general3A_8 : vector<3200x128xf32>
    %mul3A = arith.constant 2.000000e-01 : f32
    %mul3A_13 = vector.broadcast %mul3A : f32 to vector<3200x128xf32>
    %mul3A_14 = arith.mulf %mul3A_13, %add3A_12 : vector<3200x128xf32>
    %max3A = arith.maximumf %add3A_12, %mul3A_14 : vector<3200x128xf32>
    %get3A_15 = arith.constant 0 : index
    %get3A_16 = arith.constant 0 : index
    %get3A_17 = vector.load %arg5[%get3A_15, %get3A_16] : memref<1x128xf32, #tpu.memory_space<vmem>>, vector<1x128xf32>
    %mul3A_18 = vector.broadcast %get3A_17 : vector<1x128xf32> to vector<3200x128xf32>
    %mul3A_19 = arith.mulf %max3A, %mul3A_18 : vector<3200x128xf32>
    %slice3A = vector.extract_strided_slice %mul3A_19 {offsets = [0, 0], sizes = [3200, 64], strides = [1, 1]} : vector<3200x128xf32> to vector<3200x64xf32>
    %reduce_sum3A = arith.constant dense<0.000000e+00> : vector<3200xf32>
    %reduce_sum3A_20 = vector.multi_reduction <add>, %slice3A, %reduce_sum3A [1] : vector<3200x64xf32> to vector<3200xf32>
    %broadcast_in_dim3A = vector.shape_cast %reduce_sum3A_20 : vector<3200xf32> to vector<3200x1xf32>
    %exp3A = math.exp %broadcast_in_dim3A : vector<3200x1xf32>
    %broadcast_in_dim3A_21 = vector.shape_cast %exp3A : vector<3200x1xf32> to vector<3200x1xf32>
    %broadcast_in_dim3A_22 = vector.broadcast %broadcast_in_dim3A_21 : vector<3200x1xf32> to vector<3200x64xf32>
    %slice3A_23 = vector.extract_strided_slice %mul3A_19 {offsets = [0, 64], sizes = [3200, 64], strides = [1, 1]} : vector<3200x128xf32> to vector<3200x64xf32>
    %reduce_sum3A_24 = arith.constant dense<0.000000e+00> : vector<3200xf32>
    %reduce_sum3A_25 = vector.multi_reduction <add>, %slice3A_23, %reduce_sum3A_24 [1] : vector<3200x64xf32> to vector<3200xf32>
    %broadcast_in_dim3A_26 = vector.shape_cast %reduce_sum3A_25 : vector<3200xf32> to vector<3200x1xf32>
    %exp3A_27 = math.exp %broadcast_in_dim3A_26 : vector<3200x1xf32>
    %broadcast_in_dim3A_28 = vector.shape_cast %exp3A_27 : vector<3200x1xf32> to vector<3200x1xf32>
    %broadcast_in_dim3A_29 = vector.broadcast %broadcast_in_dim3A_28 : vector<3200x1xf32> to vector<3200x64xf32>
    %broadcast_in_dim3A_30 = arith.constant 0.000000e+00 : f32
    %broadcast_in_dim3A_31 = vector.broadcast %broadcast_in_dim3A_30 : f32 to vector<3200x6xf32>
    %concatenate3A = tpu.concatenate %broadcast_in_dim3A_22, %broadcast_in_dim3A_29 in 1 : vector<3200x64xf32>, vector<3200x64xf32> -> vector<3200x128xf32>
    %mul3A_32 = arith.mulf %get3A_1, %concatenate3A : vector<3200x128xf32>
    %concatenate3A_33 = tpu.concatenate %mul3A_32, %exp3A, %exp3A_27, %broadcast_in_dim3A_31 in 1 : vector<3200x128xf32>, vector<3200x1xf32>, vector<3200x1xf32>, vector<3200x6xf32> -> vector<3200x136xf32>
    %swap3A = arith.constant 0 : index
    %swap3A_34 = arith.constant 0 : index
    %swap3A_35 = vector.load %arg6[%swap3A, %swap3A_34] : memref<3200x136xf32, #tpu.memory_space<vmem>>, vector<3200x136xf32>
    tpu.vector_store %arg6[%swap3A, %swap3A_34], %concatenate3A_33 {strides = array<i32>} : memref<3200x136xf32, #tpu.memory_space<vmem>>, vector<3200x136xf32>,
    return
  }
  func.func @transform_0(%arg0: i32) -> (i32, i32) {
    %c0_i32 = arith.constant 0 : i32
    %c0_i32_0 = arith.constant 0 : i32
    return %arg0, %c0_i32 : i32, i32
  }
  func.func @transform_1(%arg0: i32) -> (i32, i32) {
    %c0_i32 = arith.constant 0 : i32
    %c0_i32_0 = arith.constant 0 : i32
    return %arg0, %c0_i32 : i32, i32
  }
  func.func @transform_2(%arg0: i32) -> (i32, i32) {
    %c0_i32 = arith.constant 0 : i32
    %c0_i32_0 = arith.constant 0 : i32
    return %arg0, %c0_i32 : i32, i32
  }
  func.func @transform_3(%arg0: i32) -> (i32, i32) {
    %c0_i32 = arith.constant 0 : i32
    %c0_i32_0 = arith.constant 0 : i32
    %c0_i32_1 = arith.constant 0 : i32
    return %c0_i32, %c0_i32_0 : i32, i32
  }
  func.func @transform_4(%arg0: i32) -> (i32, i32) {
    %c0_i32 = arith.constant 0 : i32
    %c0_i32_0 = arith.constant 0 : i32
    %c0_i32_1 = arith.constant 0 : i32
    return %c0_i32, %c0_i32_0 : i32, i32
  }
  func.func @transform_5(%arg0: i32) -> (i32, i32) {
    %c0_i32 = arith.constant 0 : i32
    %c0_i32_0 = arith.constant 0 : i32
    return %arg0, %c0_i32 : i32, i32
  }
}

module attributes {stable_mosaic.version = 14 : i64} {
  func.func @_edge_math_body(%arg0: i32, %arg1: memref<3200x128xf32, #tpu.memory_space<vmem>>, %arg2: memref<3200x128xf32, #tpu.memory_space<vmem>>, %arg3: memref<3200x16xf32, #tpu.memory_space<vmem>>, %arg4: memref<16x128xf32, #tpu.memory_space<vmem>>, %arg5: memref<1x128xf32, #tpu.memory_space<vmem>>, %arg6: memref<3200x136xf32, #tpu.memory_space<vmem>>) attributes {dimension_semantics = [#tpu.dimension_semantics<arbitrary>], iteration_bounds = array<i64: 52>, scalar_prefetch = 0 : i64, scratch_operands = 0 : i64, tpu.core_type = #tpu.core_type<tc>, window_params = [{transform_indices = @transform_0, window_bounds = array<i64: 3200, 128>}, {transform_indices = @transform_1, window_bounds = array<i64: 3200, 128>}, {transform_indices = @transform_2, window_bounds = array<i64: 3200, 16>}, {pipeline_mode = #tpu.pipeline_mode<synchronous>, transform_indices = @transform_3, window_bounds = array<i64: 16, 128>}, {pipeline_mode = #tpu.pipeline_mode<synchronous>, transform_indices = @transform_4, window_bounds = array<i64: 1, 128>}, {transform_indices = @transform_5, window_bounds = array<i64: 3200, 136>}]} {
    %get3A = arith.constant 0 : index
    %get3A_0 = arith.constant 0 : index
    %get3A_1 = vector.load %arg1[%get3A, %get3A_0] : memref<3200x128xf32, #tpu.memory_space<vmem>>, vector<3200x128xf32>
    %get3A_2 = arith.constant 0 : index
    %get3A_3 = arith.constant 0 : index
    %get3A_4 = vector.load %arg3[%get3A_2, %get3A_3] : memref<3200x16xf32, #tpu.memory_space<vmem>>, vector<3200x16xf32>
    %get3A_5 = arith.constant 0 : index
    %get3A_6 = arith.constant 0 : index
    %get3A_7 = vector.load %arg4[%get3A_5, %get3A_6] : memref<16x128xf32, #tpu.memory_space<vmem>>, vector<16x128xf32>
    %dot_general3A = arith.constant dense<0.000000e+00> : vector<3200x128xf32>
    %dot_general3A_8 = tpu.matmul %get3A_4, %get3A_7, %dot_general3A {dimension_numbers = #tpu.dot_dimension_numbers<[1], [0], [0], [1], [0, 0, 1, 1], [], []>, transpose_lhs_hint = false} : vector<3200x16xf32>, vector<16x128xf32>, vector<3200x128xf32> -> vector<3200x128xf32>
    %get3A_9 = arith.constant 0 : index
    %get3A_10 = arith.constant 0 : index
    %get3A_11 = vector.load %arg2[%get3A_9, %get3A_10] : memref<3200x128xf32, #tpu.memory_space<vmem>>, vector<3200x128xf32>
    %add3A = arith.addf %get3A_1, %get3A_11 : vector<3200x128xf32>
    %add3A_12 = arith.addf %add3A, %dot_general3A_8 : vector<3200x128xf32>
    %mul3A = arith.constant 2.000000e-01 : f32
    %mul3A_13 = vector.broadcast %mul3A : f32 to vector<3200x128xf32>
    %mul3A_14 = arith.mulf %mul3A_13, %add3A_12 : vector<3200x128xf32>
    %max3A = arith.maximumf %add3A_12, %mul3A_14 : vector<3200x128xf32>
    %get3A_15 = arith.constant 0 : index
    %get3A_16 = arith.constant 0 : index
    %get3A_17 = vector.load %arg5[%get3A_15, %get3A_16] : memref<1x128xf32, #tpu.memory_space<vmem>>, vector<1x128xf32>
    %mul3A_18 = vector.broadcast %get3A_17 : vector<1x128xf32> to vector<3200x128xf32>
    %mul3A_19 = arith.mulf %max3A, %mul3A_18 : vector<3200x128xf32>
    %slice3A = vector.extract_strided_slice %mul3A_19 {offsets = [0, 0], sizes = [3200, 64], strides = [1, 1]} : vector<3200x128xf32> to vector<3200x64xf32>
    %reduce_sum3A = arith.constant dense<0.000000e+00> : vector<3200xf32>
    %reduce_sum3A_20 = vector.multi_reduction <add>, %slice3A, %reduce_sum3A [1] : vector<3200x64xf32> to vector<3200xf32>
    %broadcast_in_dim3A = vector.shape_cast %reduce_sum3A_20 : vector<3200xf32> to vector<3200x1xf32>
    %exp3A = math.exp %broadcast_in_dim3A : vector<3200x1xf32>
    %broadcast_in_dim3A_21 = vector.shape_cast %exp3A : vector<3200x1xf32> to vector<3200x1xf32>
    %broadcast_in_dim3A_22 = vector.broadcast %broadcast_in_dim3A_21 : vector<3200x1xf32> to vector<3200x64xf32>
    %slice3A_23 = vector.extract_strided_slice %mul3A_19 {offsets = [0, 64], sizes = [3200, 64], strides = [1, 1]} : vector<3200x128xf32> to vector<3200x64xf32>
    %reduce_sum3A_24 = arith.constant dense<0.000000e+00> : vector<3200xf32>
    %reduce_sum3A_25 = vector.multi_reduction <add>, %slice3A_23, %reduce_sum3A_24 [1] : vector<3200x64xf32> to vector<3200xf32>
    %broadcast_in_dim3A_26 = vector.shape_cast %reduce_sum3A_25 : vector<3200xf32> to vector<3200x1xf32>
    %exp3A_27 = math.exp %broadcast_in_dim3A_26 : vector<3200x1xf32>
    %broadcast_in_dim3A_28 = vector.shape_cast %exp3A_27 : vector<3200x1xf32> to vector<3200x1xf32>
    %broadcast_in_dim3A_29 = vector.broadcast %broadcast_in_dim3A_28 : vector<3200x1xf32> to vector<3200x64xf32>
    %broadcast_in_dim3A_30 = arith.constant 0.000000e+00 : f32
    %broadcast_in_dim3A_31 = vector.broadcast %broadcast_in_dim3A_30 : f32 to vector<3200x6xf32>
    %concatenate3A = tpu.concatenate %broadcast_in_dim3A_22, %broadcast_in_dim3A_29 in 1 : vector<3200x64xf32>, vector<3200x64xf32> -> vector<3200x128xf32>
    %mul3A_32 = arith.mulf %get3A_1, %concatenate3A : vector<3200x128xf32>
    %concatenate3A_33 = tpu.concatenate %mul3A_32, %exp3A, %exp3A_27, %broadcast_in_dim3A_31 in 1 : vector<3200x128xf32>, vector<3200x1xf32>, vector<3200x1xf32>, vector<3200x6xf32> -> vector<3200x136xf32>
    %swap3A = arith.constant 0 : index
    %swap3A_34 = arith.constant 0 : index
    %swap3A_35 = vector.load %arg6[%swap3A, %swap3A_34] : memref<3200x136xf32, #tpu.memory_space<vmem>>, vector<3200x136xf32>
    tpu.vector_store %arg6[%swap3A, %swap3A_34], %concatenate3A_33 {strides = array<i32>} : memref<3200x136xf32, #tpu.memory_space<vmem>>, vector<3200x136xf32>,
    return
  }
  func.func @transform_0(%arg0: i32) -> (i32, i32) {
    %c0_i32 = arith.constant 0 : i32
    %c0_i32_0 = arith.constant 0 : i32
    return %arg0, %c0_i32 : i32, i32
  }
  func.func @transform_1(%arg0: i32) -> (i32, i32) {
    %c0_i32 = arith.constant 0 : i32
    %c0_i32_0 = arith.constant 0 : i32
    return %arg0, %c0_i32 : i32, i32
  }
  func.func @transform_2(%arg0: i32) -> (i32, i32) {
    %c0_i32 = arith.constant 0 : i32
    %c0_i32_0 = arith.constant 0 : i32
    return %arg0, %c0_i32 : i32, i32
  }
  func.func @transform_3(%arg0: i32) -> (i32, i32) {
    %c0_i32 = arith.constant 0 : i32
    %c0_i32_0 = arith.constant 0 : i32
    %c0_i32_1 = arith.constant 0 : i32
    return %c0_i32, %c0_i32_0 : i32, i32
  }
  func.func @transform_4(%arg0: i32) -> (i32, i32) {
    %c0_i32 = arith.constant 0 : i32
    %c0_i32_0 = arith.constant 0 : i32
    %c0_i32_1 = arith.constant 0 : i32
    return %c0_i32, %c0_i32_0 : i32, i32
  }
  func.func @transform_5(%arg0: i32) -> (i32, i32) {
    %c0_i32 = arith.constant 0 : i32
    %c0_i32_0 = arith.constant 0 : i32
    return %arg0, %c0_i32 : i32, i32
  }
}

module attributes {stable_mosaic.version = 14 : i64} {
  func.func @_l1_post_body(%arg0: memref<2x10112x136xf32, #tpu.memory_space<vmem>>, %arg1: memref<1x128xf32, #tpu.memory_space<vmem>>, %arg2: memref<128x64xf32, #tpu.memory_space<vmem>>, %arg3: memref<1x64xf32, #tpu.memory_space<vmem>>, %arg4: memref<128x64xf32, #tpu.memory_space<vmem>>, %arg5: memref<1x64xf32, #tpu.memory_space<vmem>>, %arg6: memref<10000x64xf32, #tpu.memory_space<vmem>>, %arg7: memref<10000x64xf32, #tpu.memory_space<vmem>>) attributes {dimension_semantics = [], scalar_prefetch = 0 : i64, scratch_operands = 0 : i64, tpu.core_type = #tpu.core_type<tc>} {
    %get3A = arith.constant 0 : index
    %get3A_0 = arith.constant 0 : index
    %get3A_1 = arith.constant 0 : index
    %get3A_2 = vector.load %arg0[%get3A, %get3A_0, %get3A_1] : memref<2x10112x136xf32, #tpu.memory_space<vmem>>, vector<1x10112x136xf32>
    %get3A_3 = vector.shape_cast %get3A_2 : vector<1x10112x136xf32> to vector<10112x136xf32>
    %get3A_4 = arith.constant 1 : index
    %get3A_5 = arith.constant 0 : index
    %get3A_6 = arith.constant 0 : index
    %get3A_7 = vector.load %arg0[%get3A_4, %get3A_5, %get3A_6] : memref<2x10112x136xf32, #tpu.memory_space<vmem>>, vector<1x10112x136xf32>
    %get3A_8 = vector.shape_cast %get3A_7 : vector<1x10112x136xf32> to vector<10112x136xf32>
    %add3A = arith.addf %get3A_3, %get3A_8 : vector<10112x136xf32>
    %slice3A = vector.extract_strided_slice %add3A {offsets = [0, 0], sizes = [10000, 128], strides = [1, 1]} : vector<10112x136xf32> to vector<10000x128xf32>
    %slice3A_9 = vector.extract_strided_slice %add3A {offsets = [0, 128], sizes = [10000, 2], strides = [1, 1]} : vector<10112x136xf32> to vector<10000x2xf32>
    %add3A_10 = arith.constant 1.000000e-16 : f32
    %add3A_11 = vector.broadcast %add3A_10 : f32 to vector<10000x2xf32>
    %add3A_12 = arith.addf %slice3A_9, %add3A_11 : vector<10000x2xf32>
    %div3A = arith.constant 1.000000e+00 : f32
    %div3A_13 = vector.broadcast %div3A : f32 to vector<10000x2xf32>
    %div3A_14 = arith.divf %div3A_13, %add3A_12 : vector<10000x2xf32>
    %slice3A_15 = vector.extract_strided_slice %div3A_14 {offsets = [0, 0], sizes = [10000, 1], strides = [1, 1]} : vector<10000x2xf32> to vector<10000x1xf32>
    %broadcast_in_dim3A = vector.shape_cast %slice3A_15 : vector<10000x1xf32> to vector<10000x1xf32>
    %broadcast_in_dim3A_16 = vector.broadcast %broadcast_in_dim3A : vector<10000x1xf32> to vector<10000x64xf32>
    %slice3A_17 = vector.extract_strided_slice %div3A_14 {offsets = [0, 1], sizes = [10000, 1], strides = [1, 1]} : vector<10000x2xf32> to vector<10000x1xf32>
    %broadcast_in_dim3A_18 = vector.shape_cast %slice3A_17 : vector<10000x1xf32> to vector<10000x1xf32>
    %broadcast_in_dim3A_19 = vector.broadcast %broadcast_in_dim3A_18 : vector<10000x1xf32> to vector<10000x64xf32>
    %concatenate3A = tpu.concatenate %broadcast_in_dim3A_16, %broadcast_in_dim3A_19 in 1 : vector<10000x64xf32>, vector<10000x64xf32> -> vector<10000x128xf32>
    %mul3A = arith.mulf %slice3A, %concatenate3A : vector<10000x128xf32>
    %get3A_20 = arith.constant 0 : index
    %get3A_21 = arith.constant 0 : index
    %get3A_22 = vector.load %arg1[%get3A_20, %get3A_21] : memref<1x128xf32, #tpu.memory_space<vmem>>, vector<1x128xf32>
    %add3A_23 = vector.broadcast %get3A_22 : vector<1x128xf32> to vector<10000x128xf32>
    %add3A_24 = arith.addf %mul3A, %add3A_23 : vector<10000x128xf32>
    %max3A = arith.constant 0.000000e+00 : f32
    %max3A_25 = vector.broadcast %max3A : f32 to vector<10000x128xf32>
    %max3A_26 = arith.maximumf %add3A_24, %max3A_25 : vector<10000x128xf32>
    %get3A_27 = arith.constant 0 : index
    %get3A_28 = arith.constant 0 : index
    %get3A_29 = vector.load %arg2[%get3A_27, %get3A_28] : memref<128x64xf32, #tpu.memory_space<vmem>>, vector<128x64xf32>
    %dot_general3A = arith.constant dense<0.000000e+00> : vector<10000x64xf32>
    %dot_general3A_30 = tpu.matmul %max3A_26, %get3A_29, %dot_general3A {dimension_numbers = #tpu.dot_dimension_numbers<[1], [0], [0], [1], [0, 0, 1, 1], [], []>, transpose_lhs_hint = false} : vector<10000x128xf32>, vector<128x64xf32>, vector<10000x64xf32> -> vector<10000x64xf32>
    %get3A_31 = arith.constant 0 : index
    %get3A_32 = arith.constant 0 : index
    %get3A_33 = vector.load %arg3[%get3A_31, %get3A_32] : memref<1x64xf32, #tpu.memory_space<vmem>>, vector<1x64xf32>
    %add3A_34 = vector.broadcast %get3A_33 : vector<1x64xf32> to vector<10000x64xf32>
    %add3A_35 = arith.addf %dot_general3A_30, %add3A_34 : vector<10000x64xf32>
    %swap3A = arith.constant 0 : index
    %swap3A_36 = arith.constant 0 : index
    %swap3A_37 = vector.load %arg6[%swap3A, %swap3A_36] : memref<10000x64xf32, #tpu.memory_space<vmem>>, vector<10000x64xf32>
    tpu.vector_store %arg6[%swap3A, %swap3A_36], %add3A_35 {strides = array<i32>} : memref<10000x64xf32, #tpu.memory_space<vmem>>, vector<10000x64xf32>,
    %get3A_38 = arith.constant 0 : index
    %get3A_39 = arith.constant 0 : index
    %get3A_40 = vector.load %arg4[%get3A_38, %get3A_39] : memref<128x64xf32, #tpu.memory_space<vmem>>, vector<128x64xf32>
    %dot_general3A_41 = arith.constant dense<0.000000e+00> : vector<10000x64xf32>
    %dot_general3A_42 = tpu.matmul %max3A_26, %get3A_40, %dot_general3A_41 {dimension_numbers = #tpu.dot_dimension_numbers<[1], [0], [0], [1], [0, 0, 1, 1], [], []>, transpose_lhs_hint = false} : vector<10000x128xf32>, vector<128x64xf32>, vector<10000x64xf32> -> vector<10000x64xf32>
    %get3A_43 = arith.constant 0 : index
    %get3A_44 = arith.constant 0 : index
    %get3A_45 = vector.load %arg5[%get3A_43, %get3A_44] : memref<1x64xf32, #tpu.memory_space<vmem>>, vector<1x64xf32>
    %add3A_46 = vector.broadcast %get3A_45 : vector<1x64xf32> to vector<10000x64xf32>
    %add3A_47 = arith.addf %dot_general3A_42, %add3A_46 : vector<10000x64xf32>
    %swap3A_48 = arith.constant 0 : index
    %swap3A_49 = arith.constant 0 : index
    %swap3A_50 = vector.load %arg7[%swap3A_48, %swap3A_49] : memref<10000x64xf32, #tpu.memory_space<vmem>>, vector<10000x64xf32>
    tpu.vector_store %arg7[%swap3A_48, %swap3A_49], %add3A_47 {strides = array<i32>} : memref<10000x64xf32, #tpu.memory_space<vmem>>, vector<10000x64xf32>,
    return
  }
}

module attributes {stable_mosaic.version = 14 : i64} {
  func.func @_edge_math_body(%arg0: i32, %arg1: memref<3200x64xf32, #tpu.memory_space<vmem>>, %arg2: memref<3200x64xf32, #tpu.memory_space<vmem>>, %arg3: memref<3200x16xf32, #tpu.memory_space<vmem>>, %arg4: memref<16x64xf32, #tpu.memory_space<vmem>>, %arg5: memref<1x64xf32, #tpu.memory_space<vmem>>, %arg6: memref<3200x72xf32, #tpu.memory_space<vmem>>) attributes {dimension_semantics = [#tpu.dimension_semantics<arbitrary>], iteration_bounds = array<i64: 48>, scalar_prefetch = 0 : i64, scratch_operands = 0 : i64, tpu.core_type = #tpu.core_type<tc>, window_params = [{transform_indices = @transform_0, window_bounds = array<i64: 3200, 64>}, {transform_indices = @transform_1, window_bounds = array<i64: 3200, 64>}, {transform_indices = @transform_2, window_bounds = array<i64: 3200, 16>}, {pipeline_mode = #tpu.pipeline_mode<synchronous>, transform_indices = @transform_3, window_bounds = array<i64: 16, 64>}, {pipeline_mode = #tpu.pipeline_mode<synchronous>, transform_indices = @transform_4, window_bounds = array<i64: 1, 64>}, {transform_indices = @transform_5, window_bounds = array<i64: 3200, 72>}]} {
    %get3A = arith.constant 0 : index
    %get3A_0 = arith.constant 0 : index
    %get3A_1 = vector.load %arg1[%get3A, %get3A_0] : memref<3200x64xf32, #tpu.memory_space<vmem>>, vector<3200x64xf32>
    %get3A_2 = arith.constant 0 : index
    %get3A_3 = arith.constant 0 : index
    %get3A_4 = vector.load %arg3[%get3A_2, %get3A_3] : memref<3200x16xf32, #tpu.memory_space<vmem>>, vector<3200x16xf32>
    %get3A_5 = arith.constant 0 : index
    %get3A_6 = arith.constant 0 : index
    %get3A_7 = vector.load %arg4[%get3A_5, %get3A_6] : memref<16x64xf32, #tpu.memory_space<vmem>>, vector<16x64xf32>
    %dot_general3A = arith.constant dense<0.000000e+00> : vector<3200x64xf32>
    %dot_general3A_8 = tpu.matmul %get3A_4, %get3A_7, %dot_general3A {dimension_numbers = #tpu.dot_dimension_numbers<[1], [0], [0], [1], [0, 0, 1, 1], [], []>, transpose_lhs_hint = false} : vector<3200x16xf32>, vector<16x64xf32>, vector<3200x64xf32> -> vector<3200x64xf32>
    %get3A_9 = arith.constant 0 : index
    %get3A_10 = arith.constant 0 : index
    %get3A_11 = vector.load %arg2[%get3A_9, %get3A_10] : memref<3200x64xf32, #tpu.memory_space<vmem>>, vector<3200x64xf32>
    %add3A = arith.addf %get3A_1, %get3A_11 : vector<3200x64xf32>
    %add3A_12 = arith.addf %add3A, %dot_general3A_8 : vector<3200x64xf32>
    %mul3A = arith.constant 2.000000e-01 : f32
    %mul3A_13 = vector.broadcast %mul3A : f32 to vector<3200x64xf32>
    %mul3A_14 = arith.mulf %mul3A_13, %add3A_12 : vector<3200x64xf32>
    %max3A = arith.maximumf %add3A_12, %mul3A_14 : vector<3200x64xf32>
    %get3A_15 = arith.constant 0 : index
    %get3A_16 = arith.constant 0 : index
    %get3A_17 = vector.load %arg5[%get3A_15, %get3A_16] : memref<1x64xf32, #tpu.memory_space<vmem>>, vector<1x64xf32>
    %mul3A_18 = vector.broadcast %get3A_17 : vector<1x64xf32> to vector<3200x64xf32>
    %mul3A_19 = arith.mulf %max3A, %mul3A_18 : vector<3200x64xf32>
    %reduce_sum3A = arith.constant dense<0.000000e+00> : vector<3200xf32>
    %reduce_sum3A_20 = vector.multi_reduction <add>, %mul3A_19, %reduce_sum3A [1] : vector<3200x64xf32> to vector<3200xf32>
    %broadcast_in_dim3A = vector.shape_cast %reduce_sum3A_20 : vector<3200xf32> to vector<3200x1xf32>
    %exp3A = math.exp %broadcast_in_dim3A : vector<3200x1xf32>
    %broadcast_in_dim3A_21 = vector.shape_cast %exp3A : vector<3200x1xf32> to vector<3200x1xf32>
    %broadcast_in_dim3A_22 = vector.broadcast %broadcast_in_dim3A_21 : vector<3200x1xf32> to vector<3200x64xf32>
    %broadcast_in_dim3A_23 = arith.constant 0.000000e+00 : f32
    %broadcast_in_dim3A_24 = vector.broadcast %broadcast_in_dim3A_23 : f32 to vector<3200x7xf32>
    %mul3A_25 = arith.mulf %get3A_1, %broadcast_in_dim3A_22 : vector<3200x64xf32>
    %concatenate3A = tpu.concatenate %mul3A_25, %exp3A, %broadcast_in_dim3A_24 in 1 : vector<3200x64xf32>, vector<3200x1xf32>, vector<3200x7xf32> -> vector<3200x72xf32>
    %swap3A = arith.constant 0 : index
    %swap3A_26 = arith.constant 0 : index
    %swap3A_27 = vector.load %arg6[%swap3A, %swap3A_26] : memref<3200x72xf32, #tpu.memory_space<vmem>>, vector<3200x72xf32>
    tpu.vector_store %arg6[%swap3A, %swap3A_26], %concatenate3A {strides = array<i32>} : memref<3200x72xf32, #tpu.memory_space<vmem>>, vector<3200x72xf32>,
    return
  }
  func.func @transform_0(%arg0: i32) -> (i32, i32) {
    %c0_i32 = arith.constant 0 : i32
    %c0_i32_0 = arith.constant 0 : i32
    return %arg0, %c0_i32 : i32, i32
  }
  func.func @transform_1(%arg0: i32) -> (i32, i32) {
    %c0_i32 = arith.constant 0 : i32
    %c0_i32_0 = arith.constant 0 : i32
    return %arg0, %c0_i32 : i32, i32
  }
  func.func @transform_2(%arg0: i32) -> (i32, i32) {
    %c0_i32 = arith.constant 0 : i32
    %c0_i32_0 = arith.constant 0 : i32
    return %arg0, %c0_i32 : i32, i32
  }
  func.func @transform_3(%arg0: i32) -> (i32, i32) {
    %c0_i32 = arith.constant 0 : i32
    %c0_i32_0 = arith.constant 0 : i32
    %c0_i32_1 = arith.constant 0 : i32
    return %c0_i32, %c0_i32_0 : i32, i32
  }
  func.func @transform_4(%arg0: i32) -> (i32, i32) {
    %c0_i32 = arith.constant 0 : i32
    %c0_i32_0 = arith.constant 0 : i32
    %c0_i32_1 = arith.constant 0 : i32
    return %c0_i32, %c0_i32_0 : i32, i32
  }
  func.func @transform_5(%arg0: i32) -> (i32, i32) {
    %c0_i32 = arith.constant 0 : i32
    %c0_i32_0 = arith.constant 0 : i32
    return %arg0, %c0_i32 : i32, i32
  }
}

module attributes {stable_mosaic.version = 14 : i64} {
  func.func @_edge_math_body(%arg0: i32, %arg1: memref<3200x64xf32, #tpu.memory_space<vmem>>, %arg2: memref<3200x64xf32, #tpu.memory_space<vmem>>, %arg3: memref<3200x16xf32, #tpu.memory_space<vmem>>, %arg4: memref<16x64xf32, #tpu.memory_space<vmem>>, %arg5: memref<1x64xf32, #tpu.memory_space<vmem>>, %arg6: memref<3200x72xf32, #tpu.memory_space<vmem>>) attributes {dimension_semantics = [#tpu.dimension_semantics<arbitrary>], iteration_bounds = array<i64: 52>, scalar_prefetch = 0 : i64, scratch_operands = 0 : i64, tpu.core_type = #tpu.core_type<tc>, window_params = [{transform_indices = @transform_0, window_bounds = array<i64: 3200, 64>}, {transform_indices = @transform_1, window_bounds = array<i64: 3200, 64>}, {transform_indices = @transform_2, window_bounds = array<i64: 3200, 16>}, {pipeline_mode = #tpu.pipeline_mode<synchronous>, transform_indices = @transform_3, window_bounds = array<i64: 16, 64>}, {pipeline_mode = #tpu.pipeline_mode<synchronous>, transform_indices = @transform_4, window_bounds = array<i64: 1, 64>}, {transform_indices = @transform_5, window_bounds = array<i64: 3200, 72>}]} {
    %get3A = arith.constant 0 : index
    %get3A_0 = arith.constant 0 : index
    %get3A_1 = vector.load %arg1[%get3A, %get3A_0] : memref<3200x64xf32, #tpu.memory_space<vmem>>, vector<3200x64xf32>
    %get3A_2 = arith.constant 0 : index
    %get3A_3 = arith.constant 0 : index
    %get3A_4 = vector.load %arg3[%get3A_2, %get3A_3] : memref<3200x16xf32, #tpu.memory_space<vmem>>, vector<3200x16xf32>
    %get3A_5 = arith.constant 0 : index
    %get3A_6 = arith.constant 0 : index
    %get3A_7 = vector.load %arg4[%get3A_5, %get3A_6] : memref<16x64xf32, #tpu.memory_space<vmem>>, vector<16x64xf32>
    %dot_general3A = arith.constant dense<0.000000e+00> : vector<3200x64xf32>
    %dot_general3A_8 = tpu.matmul %get3A_4, %get3A_7, %dot_general3A {dimension_numbers = #tpu.dot_dimension_numbers<[1], [0], [0], [1], [0, 0, 1, 1], [], []>, transpose_lhs_hint = false} : vector<3200x16xf32>, vector<16x64xf32>, vector<3200x64xf32> -> vector<3200x64xf32>
    %get3A_9 = arith.constant 0 : index
    %get3A_10 = arith.constant 0 : index
    %get3A_11 = vector.load %arg2[%get3A_9, %get3A_10] : memref<3200x64xf32, #tpu.memory_space<vmem>>, vector<3200x64xf32>
    %add3A = arith.addf %get3A_1, %get3A_11 : vector<3200x64xf32>
    %add3A_12 = arith.addf %add3A, %dot_general3A_8 : vector<3200x64xf32>
    %mul3A = arith.constant 2.000000e-01 : f32
    %mul3A_13 = vector.broadcast %mul3A : f32 to vector<3200x64xf32>
    %mul3A_14 = arith.mulf %mul3A_13, %add3A_12 : vector<3200x64xf32>
    %max3A = arith.maximumf %add3A_12, %mul3A_14 : vector<3200x64xf32>
    %get3A_15 = arith.constant 0 : index
    %get3A_16 = arith.constant 0 : index
    %get3A_17 = vector.load %arg5[%get3A_15, %get3A_16] : memref<1x64xf32, #tpu.memory_space<vmem>>, vector<1x64xf32>
    %mul3A_18 = vector.broadcast %get3A_17 : vector<1x64xf32> to vector<3200x64xf32>
    %mul3A_19 = arith.mulf %max3A, %mul3A_18 : vector<3200x64xf32>
    %reduce_sum3A = arith.constant dense<0.000000e+00> : vector<3200xf32>
    %reduce_sum3A_20 = vector.multi_reduction <add>, %mul3A_19, %reduce_sum3A [1] : vector<3200x64xf32> to vector<3200xf32>
    %broadcast_in_dim3A = vector.shape_cast %reduce_sum3A_20 : vector<3200xf32> to vector<3200x1xf32>
    %exp3A = math.exp %broadcast_in_dim3A : vector<3200x1xf32>
    %broadcast_in_dim3A_21 = vector.shape_cast %exp3A : vector<3200x1xf32> to vector<3200x1xf32>
    %broadcast_in_dim3A_22 = vector.broadcast %broadcast_in_dim3A_21 : vector<3200x1xf32> to vector<3200x64xf32>
    %broadcast_in_dim3A_23 = arith.constant 0.000000e+00 : f32
    %broadcast_in_dim3A_24 = vector.broadcast %broadcast_in_dim3A_23 : f32 to vector<3200x7xf32>
    %mul3A_25 = arith.mulf %get3A_1, %broadcast_in_dim3A_22 : vector<3200x64xf32>
    %concatenate3A = tpu.concatenate %mul3A_25, %exp3A, %broadcast_in_dim3A_24 in 1 : vector<3200x64xf32>, vector<3200x1xf32>, vector<3200x7xf32> -> vector<3200x72xf32>
    %swap3A = arith.constant 0 : index
    %swap3A_26 = arith.constant 0 : index
    %swap3A_27 = vector.load %arg6[%swap3A, %swap3A_26] : memref<3200x72xf32, #tpu.memory_space<vmem>>, vector<3200x72xf32>
    tpu.vector_store %arg6[%swap3A, %swap3A_26], %concatenate3A {strides = array<i32>} : memref<3200x72xf32, #tpu.memory_space<vmem>>, vector<3200x72xf32>,
    return
  }
  func.func @transform_0(%arg0: i32) -> (i32, i32) {
    %c0_i32 = arith.constant 0 : i32
    %c0_i32_0 = arith.constant 0 : i32
    return %arg0, %c0_i32 : i32, i32
  }
  func.func @transform_1(%arg0: i32) -> (i32, i32) {
    %c0_i32 = arith.constant 0 : i32
    %c0_i32_0 = arith.constant 0 : i32
    return %arg0, %c0_i32 : i32, i32
  }
  func.func @transform_2(%arg0: i32) -> (i32, i32) {
    %c0_i32 = arith.constant 0 : i32
    %c0_i32_0 = arith.constant 0 : i32
    return %arg0, %c0_i32 : i32, i32
  }
  func.func @transform_3(%arg0: i32) -> (i32, i32) {
    %c0_i32 = arith.constant 0 : i32
    %c0_i32_0 = arith.constant 0 : i32
    %c0_i32_1 = arith.constant 0 : i32
    return %c0_i32, %c0_i32_0 : i32, i32
  }
  func.func @transform_4(%arg0: i32) -> (i32, i32) {
    %c0_i32 = arith.constant 0 : i32
    %c0_i32_0 = arith.constant 0 : i32
    %c0_i32_1 = arith.constant 0 : i32
    return %c0_i32, %c0_i32_0 : i32, i32
  }
  func.func @transform_5(%arg0: i32) -> (i32, i32) {
    %c0_i32 = arith.constant 0 : i32
    %c0_i32_0 = arith.constant 0 : i32
    return %arg0, %c0_i32 : i32, i32
  }
}

module attributes {stable_mosaic.version = 14 : i64} {
  func.func @_l2_post_body(%arg0: memref<2x10112x72xf32, #tpu.memory_space<vmem>>, %arg1: memref<1x64xf32, #tpu.memory_space<vmem>>, %arg2: memref<10000x64xf32, #tpu.memory_space<vmem>>) attributes {dimension_semantics = [], scalar_prefetch = 0 : i64, scratch_operands = 0 : i64, tpu.core_type = #tpu.core_type<tc>} {
    %get3A = arith.constant 0 : index
    %get3A_0 = arith.constant 0 : index
    %get3A_1 = arith.constant 0 : index
    %get3A_2 = vector.load %arg0[%get3A, %get3A_0, %get3A_1] : memref<2x10112x72xf32, #tpu.memory_space<vmem>>, vector<1x10112x72xf32>
    %get3A_3 = vector.shape_cast %get3A_2 : vector<1x10112x72xf32> to vector<10112x72xf32>
    %get3A_4 = arith.constant 1 : index
    %get3A_5 = arith.constant 0 : index
    %get3A_6 = arith.constant 0 : index
    %get3A_7 = vector.load %arg0[%get3A_4, %get3A_5, %get3A_6] : memref<2x10112x72xf32, #tpu.memory_space<vmem>>, vector<1x10112x72xf32>
    %get3A_8 = vector.shape_cast %get3A_7 : vector<1x10112x72xf32> to vector<10112x72xf32>
    %add3A = arith.addf %get3A_3, %get3A_8 : vector<10112x72xf32>
    %slice3A = vector.extract_strided_slice %add3A {offsets = [0, 0], sizes = [10000, 64], strides = [1, 1]} : vector<10112x72xf32> to vector<10000x64xf32>
    %slice3A_9 = vector.extract_strided_slice %add3A {offsets = [0, 64], sizes = [10000, 1], strides = [1, 1]} : vector<10112x72xf32> to vector<10000x1xf32>
    %add3A_10 = arith.constant 1.000000e-16 : f32
    %add3A_11 = vector.broadcast %add3A_10 : f32 to vector<10000x1xf32>
    %add3A_12 = arith.addf %slice3A_9, %add3A_11 : vector<10000x1xf32>
    %div3A = arith.constant 1.000000e+00 : f32
    %div3A_13 = vector.broadcast %div3A : f32 to vector<10000x1xf32>
    %div3A_14 = arith.divf %div3A_13, %add3A_12 : vector<10000x1xf32>
    %broadcast_in_dim3A = vector.shape_cast %div3A_14 : vector<10000x1xf32> to vector<10000x1xf32>
    %broadcast_in_dim3A_15 = vector.broadcast %broadcast_in_dim3A : vector<10000x1xf32> to vector<10000x64xf32>
    %mul3A = arith.mulf %slice3A, %broadcast_in_dim3A_15 : vector<10000x64xf32>
    %get3A_16 = arith.constant 0 : index
    %get3A_17 = arith.constant 0 : index
    %get3A_18 = vector.load %arg1[%get3A_16, %get3A_17] : memref<1x64xf32, #tpu.memory_space<vmem>>, vector<1x64xf32>
    %add3A_19 = vector.broadcast %get3A_18 : vector<1x64xf32> to vector<10000x64xf32>
    %add3A_20 = arith.addf %mul3A, %add3A_19 : vector<10000x64xf32>
    %max3A = arith.constant 0.000000e+00 : f32
    %max3A_21 = vector.broadcast %max3A : f32 to vector<10000x64xf32>
    %max3A_22 = arith.maximumf %add3A_20, %max3A_21 : vector<10000x64xf32>
    %swap3A = arith.constant 0 : index
    %swap3A_23 = arith.constant 0 : index
    %swap3A_24 = vector.load %arg2[%swap3A, %swap3A_23] : memref<10000x64xf32, #tpu.memory_space<vmem>>, vector<10000x64xf32>
    tpu.vector_store %arg2[%swap3A, %swap3A_23], %max3A_22 {strides = array<i32>} : memref<10000x64xf32, #tpu.memory_space<vmem>>, vector<10000x64xf32>,
    return
  }
}

module attributes {stable_mosaic.version = 14 : i64} {
  func.func @_score_body(%arg0: i32, %arg1: memref<3200x64xf32, #tpu.memory_space<vmem>>, %arg2: memref<3200x64xf32, #tpu.memory_space<vmem>>, %arg3: memref<3200x16xf32, #tpu.memory_space<vmem>>, %arg4: memref<16x64xf32, #tpu.memory_space<vmem>>, %arg5: memref<1x64xf32, #tpu.memory_space<vmem>>, %arg6: memref<64x64xf32, #tpu.memory_space<vmem>>, %arg7: memref<1x64xf32, #tpu.memory_space<vmem>>, %arg8: memref<256x64xf32, #tpu.memory_space<vmem>>, %arg9: memref<1x64xf32, #tpu.memory_space<vmem>>, %arg10: memref<64x1xf32, #tpu.memory_space<vmem>>, %arg11: memref<1x1xf32, #tpu.memory_space<vmem>>, %arg12: memref<3200x1xf32, #tpu.memory_space<vmem>>) attributes {dimension_semantics = [#tpu.dimension_semantics<arbitrary>], iteration_bounds = array<i64: 32>, scalar_prefetch = 0 : i64, scratch_operands = 0 : i64, tpu.core_type = #tpu.core_type<tc>, window_params = [{transform_indices = @transform_0, window_bounds = array<i64: 3200, 64>}, {transform_indices = @transform_1, window_bounds = array<i64: 3200, 64>}, {transform_indices = @transform_2, window_bounds = array<i64: 3200, 16>}, {pipeline_mode = #tpu.pipeline_mode<synchronous>, transform_indices = @transform_3, window_bounds = array<i64: 16, 64>}, {pipeline_mode = #tpu.pipeline_mode<synchronous>, transform_indices = @transform_4, window_bounds = array<i64: 1, 64>}, {pipeline_mode = #tpu.pipeline_mode<synchronous>, transform_indices = @transform_5, window_bounds = array<i64: 64, 64>}, {pipeline_mode = #tpu.pipeline_mode<synchronous>, transform_indices = @transform_6, window_bounds = array<i64: 1, 64>}, {pipeline_mode = #tpu.pipeline_mode<synchronous>, transform_indices = @transform_7, window_bounds = array<i64: 256, 64>}, {pipeline_mode = #tpu.pipeline_mode<synchronous>, transform_indices = @transform_8, window_bounds = array<i64: 1, 64>}, {pipeline_mode = #tpu.pipeline_mode<synchronous>, transform_indices = @transform_9, window_bounds = array<i64: 64, 1>}, {pipeline_mode = #tpu.pipeline_mode<synchronous>, transform_indices = @transform_10, window_bounds = array<i64: 1, 1>}, {transform_indices = @transform_11, window_bounds = array<i64: 3200, 1>}]} {
    %get3A = arith.constant 0 : index
    %get3A_0 = arith.constant 0 : index
    %get3A_1 = vector.load %arg1[%get3A, %get3A_0] : memref<3200x64xf32, #tpu.memory_space<vmem>>, vector<3200x64xf32>
    %get3A_2 = arith.constant 0 : index
    %get3A_3 = arith.constant 0 : index
    %get3A_4 = vector.load %arg2[%get3A_2, %get3A_3] : memref<3200x64xf32, #tpu.memory_space<vmem>>, vector<3200x64xf32>
    %get3A_5 = arith.constant 0 : index
    %get3A_6 = arith.constant 0 : index
    %get3A_7 = vector.load %arg3[%get3A_5, %get3A_6] : memref<3200x16xf32, #tpu.memory_space<vmem>>, vector<3200x16xf32>
    %get3A_8 = arith.constant 0 : index
    %get3A_9 = arith.constant 0 : index
    %get3A_10 = vector.load %arg4[%get3A_8, %get3A_9] : memref<16x64xf32, #tpu.memory_space<vmem>>, vector<16x64xf32>
    %dot_general3A = arith.constant dense<0.000000e+00> : vector<3200x64xf32>
    %dot_general3A_11 = tpu.matmul %get3A_7, %get3A_10, %dot_general3A {dimension_numbers = #tpu.dot_dimension_numbers<[1], [0], [0], [1], [0, 0, 1, 1], [], []>, transpose_lhs_hint = false} : vector<3200x16xf32>, vector<16x64xf32>, vector<3200x64xf32> -> vector<3200x64xf32>
    %get3A_12 = arith.constant 0 : index
    %get3A_13 = arith.constant 0 : index
    %get3A_14 = vector.load %arg5[%get3A_12, %get3A_13] : memref<1x64xf32, #tpu.memory_space<vmem>>, vector<1x64xf32>
    %add3A = vector.broadcast %get3A_14 : vector<1x64xf32> to vector<3200x64xf32>
    %add3A_15 = arith.addf %dot_general3A_11, %add3A : vector<3200x64xf32>
    %max3A = arith.constant 0.000000e+00 : f32
    %max3A_16 = vector.broadcast %max3A : f32 to vector<3200x64xf32>
    %max3A_17 = arith.maximumf %add3A_15, %max3A_16 : vector<3200x64xf32>
    %get3A_18 = arith.constant 0 : index
    %get3A_19 = arith.constant 0 : index
    %get3A_20 = vector.load %arg6[%get3A_18, %get3A_19] : memref<64x64xf32, #tpu.memory_space<vmem>>, vector<64x64xf32>
    %dot_general3A_21 = arith.constant dense<0.000000e+00> : vector<3200x64xf32>
    %dot_general3A_22 = tpu.matmul %max3A_17, %get3A_20, %dot_general3A_21 {dimension_numbers = #tpu.dot_dimension_numbers<[1], [0], [0], [1], [0, 0, 1, 1], [], []>, transpose_lhs_hint = false} : vector<3200x64xf32>, vector<64x64xf32>, vector<3200x64xf32> -> vector<3200x64xf32>
    %get3A_23 = arith.constant 0 : index
    %get3A_24 = arith.constant 0 : index
    %get3A_25 = vector.load %arg7[%get3A_23, %get3A_24] : memref<1x64xf32, #tpu.memory_space<vmem>>, vector<1x64xf32>
    %add3A_26 = vector.broadcast %get3A_25 : vector<1x64xf32> to vector<3200x64xf32>
    %add3A_27 = arith.addf %dot_general3A_22, %add3A_26 : vector<3200x64xf32>
    %max3A_28 = arith.constant 0.000000e+00 : f32
    %max3A_29 = vector.broadcast %max3A_28 : f32 to vector<3200x64xf32>
    %max3A_30 = arith.maximumf %add3A_27, %max3A_29 : vector<3200x64xf32>
    %sub3A = arith.subf %get3A_1, %get3A_4 : vector<3200x64xf32>
    %abs3A = math.absf %sub3A : vector<3200x64xf32>
    %concatenate3A = tpu.concatenate %get3A_1, %get3A_4, %abs3A, %max3A_30 in 1 : vector<3200x64xf32>, vector<3200x64xf32>, vector<3200x64xf32>, vector<3200x64xf32> -> vector<3200x256xf32>
    %get3A_31 = arith.constant 0 : index
    %get3A_32 = arith.constant 0 : index
    %get3A_33 = vector.load %arg8[%get3A_31, %get3A_32] : memref<256x64xf32, #tpu.memory_space<vmem>>, vector<256x64xf32>
    %dot_general3A_34 = arith.constant dense<0.000000e+00> : vector<3200x64xf32>
    %dot_general3A_35 = tpu.matmul %concatenate3A, %get3A_33, %dot_general3A_34 {dimension_numbers = #tpu.dot_dimension_numbers<[1], [0], [0], [1], [0, 0, 1, 1], [], []>, transpose_lhs_hint = false} : vector<3200x256xf32>, vector<256x64xf32>, vector<3200x64xf32> -> vector<3200x64xf32>
    %get3A_36 = arith.constant 0 : index
    %get3A_37 = arith.constant 0 : index
    %get3A_38 = vector.load %arg9[%get3A_36, %get3A_37] : memref<1x64xf32, #tpu.memory_space<vmem>>, vector<1x64xf32>
    %add3A_39 = vector.broadcast %get3A_38 : vector<1x64xf32> to vector<3200x64xf32>
    %add3A_40 = arith.addf %dot_general3A_35, %add3A_39 : vector<3200x64xf32>
    %max3A_41 = arith.constant 0.000000e+00 : f32
    %max3A_42 = vector.broadcast %max3A_41 : f32 to vector<3200x64xf32>
    %max3A_43 = arith.maximumf %add3A_40, %max3A_42 : vector<3200x64xf32>
    %get3A_44 = arith.constant 0 : index
    %get3A_45 = arith.constant 0 : index
    %get3A_46 = vector.load %arg10[%get3A_44, %get3A_45] : memref<64x1xf32, #tpu.memory_space<vmem>>, vector<64x1xf32>
    %dot_general3A_47 = arith.constant dense<0.000000e+00> : vector<3200x1xf32>
    %dot_general3A_48 = tpu.matmul %max3A_43, %get3A_46, %dot_general3A_47 {dimension_numbers = #tpu.dot_dimension_numbers<[1], [0], [0], [1], [0, 0, 1, 1], [], []>, transpose_lhs_hint = false} : vector<3200x64xf32>, vector<64x1xf32>, vector<3200x1xf32> -> vector<3200x1xf32>
    %get3A_49 = arith.constant 0 : index
    %get3A_50 = arith.constant 0 : index
    %get3A_51 = vector.load %arg11[%get3A_49, %get3A_50] : memref<1x1xf32, #tpu.memory_space<vmem>>, vector<1x1xf32>
    %add3A_52 = vector.broadcast %get3A_51 : vector<1x1xf32> to vector<3200x1xf32>
    %add3A_53 = arith.addf %dot_general3A_48, %add3A_52 : vector<3200x1xf32>
    %swap3A = arith.constant 0 : index
    %swap3A_54 = arith.constant 0 : index
    %swap3A_55 = vector.load %arg12[%swap3A, %swap3A_54] : memref<3200x1xf32, #tpu.memory_space<vmem>>, vector<3200x1xf32>
    tpu.vector_store %arg12[%swap3A, %swap3A_54], %add3A_53 {strides = array<i32>} : memref<3200x1xf32, #tpu.memory_space<vmem>>, vector<3200x1xf32>,
    return
  }
  func.func @transform_0(%arg0: i32) -> (i32, i32) {
    %c0_i32 = arith.constant 0 : i32
    %c0_i32_0 = arith.constant 0 : i32
    return %arg0, %c0_i32 : i32, i32
  }
  func.func @transform_1(%arg0: i32) -> (i32, i32) {
    %c0_i32 = arith.constant 0 : i32
    %c0_i32_0 = arith.constant 0 : i32
    return %arg0, %c0_i32 : i32, i32
  }
  func.func @transform_2(%arg0: i32) -> (i32, i32) {
    %c0_i32 = arith.constant 0 : i32
    %c0_i32_0 = arith.constant 0 : i32
    return %arg0, %c0_i32 : i32, i32
  }
  func.func @transform_3(%arg0: i32) -> (i32, i32) {
    %c0_i32 = arith.constant 0 : i32
    %c0_i32_0 = arith.constant 0 : i32
    %c0_i32_1 = arith.constant 0 : i32
    return %c0_i32, %c0_i32_0 : i32, i32
  }
  func.func @transform_4(%arg0: i32) -> (i32, i32) {
    %c0_i32 = arith.constant 0 : i32
    %c0_i32_0 = arith.constant 0 : i32
    %c0_i32_1 = arith.constant 0 : i32
    return %c0_i32, %c0_i32_0 : i32, i32
  }
  func.func @transform_5(%arg0: i32) -> (i32, i32) {
    %c0_i32 = arith.constant 0 : i32
    %c0_i32_0 = arith.constant 0 : i32
    %c0_i32_1 = arith.constant 0 : i32
    return %c0_i32, %c0_i32_0 : i32, i32
  }
  func.func @transform_6(%arg0: i32) -> (i32, i32) {
    %c0_i32 = arith.constant 0 : i32
    %c0_i32_0 = arith.constant 0 : i32
    %c0_i32_1 = arith.constant 0 : i32
    return %c0_i32, %c0_i32_0 : i32, i32
  }
  func.func @transform_7(%arg0: i32) -> (i32, i32) {
    %c0_i32 = arith.constant 0 : i32
    %c0_i32_0 = arith.constant 0 : i32
    %c0_i32_1 = arith.constant 0 : i32
    return %c0_i32, %c0_i32_0 : i32, i32
  }
  func.func @transform_8(%arg0: i32) -> (i32, i32) {
    %c0_i32 = arith.constant 0 : i32
    %c0_i32_0 = arith.constant 0 : i32
    %c0_i32_1 = arith.constant 0 : i32
    return %c0_i32, %c0_i32_0 : i32, i32
  }
  func.func @transform_9(%arg0: i32) -> (i32, i32) {
    %c0_i32 = arith.constant 0 : i32
    %c0_i32_0 = arith.constant 0 : i32
    %c0_i32_1 = arith.constant 0 : i32
    return %c0_i32, %c0_i32_0 : i32, i32
  }
  func.func @transform_10(%arg0: i32) -> (i32, i32) {
    %c0_i32 = arith.constant 0 : i32
    %c0_i32_0 = arith.constant 0 : i32
    %c0_i32_1 = arith.constant 0 : i32
    return %c0_i32, %c0_i32_0 : i32, i32
  }
  func.func @transform_11(%arg0: i32) -> (i32, i32) {
    %c0_i32 = arith.constant 0 : i32
    %c0_i32_0 = arith.constant 0 : i32
    return %arg0, %c0_i32 : i32, i32
  }
}

</mosaic_0001>

<sc_bundles>
// kernel: kernel.21.cloned.1.call-start
scs
__scs_entry_jumppad:
0x0: {  	(pc) =	sbr.rel $0x88, $3  }
0x1: {  	(tag) =	ssettag $0x0;
	lr =	simm.s32 $0x1  }
0x2: {  	[smem:$0x3F86] =	sst lr;
	_ =	strace $0xD0000000  }
0x3: {  	_ = 	snop  }
0x4: {  	_ = 	snop  }
0x5: {  	_ = 	snop  }
0x6: {  	_ = 	snop  }
0x7: {  	_ = 	snop  }
__scs_overlays_trampoline_lowered:
0x8: {  	[smem:$0x3F95] =	sst s0  }
0x9: {  	[smem:$0x3F96] =	sst s1  }
0xa: {  	[smem:$0x3F97] =	sst s2  }
0xb: {  	[smem:$0x3F98] =	sst s3  }
0xc: {  	[smem:$0x3F99] =	sst s4  }
0xd: {  	[smem:$0x3F9A] =	sst s5  }
0xe: {  	[smem:$0x3F9B] =	sst s6  }
0xf: {  	[smem:$0x3F9C] =	sst s7  }
0x10: {  	[smem:$0x3F9D] =	sst s8  }
0x11: {  	[smem:$0x3F9E] =	sst s9;
	s0 =	simm.s32 @!p0 $0x0  }
0x12: {  	s1 =	sld [smem:$0x3F84];
	s0 =	simm.s32 @p0 $0x1  }
0x13: {  	[smem:$0x3F9F] =	sst s0;
	s0 =	simm.s32 @!p1 $0x0  }
0x14: {  	s2 =	sld [smem:$0x3F83];
	s0 =	simm.s32 @p1 $0x1  }
0x15: {  	[smem:$0x3FA0] =	sst s0;
	s0 =	simm.s32 @!p2 $0x0  }
0x16: {  	s3 =	sld [smem:$0x3FDB];
	s0 =	simm.s32 @p2 $0x1  }
0x17: {  	s4 =	simm.s32 $0x1BF5;
	[smem:$0x3FA2] =	sst s0  }
0x18: {  	s0 =	sld [smem:$0x3F85];
	_ =	swait.ge [sflag:s4], $0x0  }
0x19: {  	s7 =	sld [smem:$0x3F86]  }
0x1a: {  	s8 =	sadd.s32 $0xFFFFE003, lr  }
0x1b: {  	s9 =	sadd.s32 $0xFFFFFEF7, lr;
	s5 =	simm.s32 $0xFFFFFFFF;
	p2 =	slt.u32 s8, $0xFFFFF086  }
0x1c: {  	p1 =	slt.u32 s9, $0xF7A;
	s5 =	simm.s32 @!p2 $0x0  }
0x1d: {  	s5 =	simm.s32 @p1 $0x1;
	p0 =	seq.s32 s7, s2  }
0x1e: {  	s7 =	smul.u32 @!p0 $0xF7A, s2;
	p2 =	seq.s32 @!p0 s5, $0x0  }
0x1f: {  	s9 =	smul.u32 $0xF7A, s1;
	s8 =	simm.s32 @!p0 $0x1BF5;
	p2 =	por !p2, p0  }
0x20: {  	[sflag:s8] =	ssyncset.s32 @!p0 $0xFFFFF086;
	s6 =	sadd.s32 @!p0 s3, s7;
	s7 =	simm.s32 @!p0 $0x108  }
0x21: {  	s3 =	sadd.s32 s3, s9;
	s6 =	sadd.s32 @!p0 $0x88, s6;
	s7 =	simm.s32 @p2 $0x1082  }
0x22: {  	[simem:s7], [sflag:s8] =	dma.local @!p0 [hbm:s6], $0xF7A  }
0x23: {  	s9 =	sor.u32 $0xD0000000, s2;
	s6 =	simm.s32 $0x108;
	_ =	swait.ge @!p0 [sflag:s8], $0x0  }
0x24: {  	s3 =	sadd.s32 $0x88, s3;
	s6 =	simm.s32 @!p1 $0x1082;
	[sflag:s4] =	ssyncset.s32 $0xFFFFF086  }
0x25: {  	[simem:s6], [sflag:s4] =	dma.local [hbm:s3], $0xF7A  }
0x26: {  	[smem:$0x3F86] =	sst s1;
	(tag) =	ssettag s2;
	_ =	strace s9  }
0x27: {  	s1 =	sld [smem:$0x3F96]  }
0x28: {  	s2 =	sld [smem:$0x3F97]  }
0x29: {  	s4 =	sld [smem:$0x3F99]  }
0x2a: {  	p0 =	seq.s32 s5, $0x0;
	s5 =	sld [smem:$0x3F9A]  }
0x2b: {  	s6 =	sld [smem:$0x3F9B]  }
0x2c: {  	s7 =	sld [smem:$0x3F9C]  }
0x2d: {  	s3 =	simm.s32 $0x108;
	s8 =	sld [smem:$0x3F9D]  }
0x2e: {  	s3 =	simm.s32 @!p0 $0x1082;
	s9 =	sld [smem:$0x3F9E]  }
0x2f: {  	lr =	sadd.s32 s0, s3;
	s0 =	sld [smem:$0x3F95]  }
0x30: {  	s3 =	sld [smem:$0x3F98]  }
0x31: {  	[smem:$0x3FA1] =	sst s10  }
0x32: {  	s10 =	sld [smem:$0x3F9F];
	_ =	sdelay $0x3  }
0x33: {  	p0 =	seq.s32 s10, $0x1;
	s10 =	sld [smem:$0x3FA1];
	_ =	sdelay $0x3  }
0x34: {  	[smem:$0x3FA1] =	sst s10  }
0x35: {  	s10 =	sld [smem:$0x3FA0];
	_ =	sdelay $0x3  }
0x36: {  	p1 =	seq.s32 s10, $0x1;
	s10 =	sld [smem:$0x3FA1];
	_ =	sdelay $0x3  }
0x37: {  	[smem:$0x3FA1] =	sst s10  }
0x38: {  	s10 =	sld [smem:$0x3FA2]  }
0x39: {  	_ = 	snop;
	(pc) =	sbr.ind lr, $3  }
0x3a: {  	_ = 	snop  }
0x3b: {  	_ = 	snop  }
0x3c: {  	p2 =	seq.s32 s10, $0x1;
	s10 =	sld [smem:$0x3FA1]  }
0x3d: {  	_ =	shalt  }
0x3e: {  	_ =	shalt  }
0x3f: {  	_ =	shalt  }
0x40: {  	_ =	shalt  }
0x41: {  	_ =	shalt  }
0x42: {  	_ =	shalt  }
0x43: {  	_ =	shalt  }
0x44: {  	_ =	shalt  }
0x45: {  	_ =	shalt  }
0x46: {  	_ =	shalt  }
0x47: {  	_ =	shalt  }
0x48: {  	_ =	shalt  }
0x49: {  	_ =	shalt  }
0x4a: {  	_ =	shalt  }
0x4b: {  	_ =	shalt  }
0x4c: {  	_ =	shalt  }
0x4d: {  	_ =	shalt  }
0x4e: {  	_ =	shalt  }
0x4f: {  	_ =	shalt  }
0x50: {  	_ =	shalt  }
0x51: {  	_ =	shalt  }
0x52: {  	_ =	shalt  }
0x53: {  	_ =	shalt  }
0x54: {  	_ =	shalt  }
0x55: {  	_ =	shalt  }
0x56: {  	_ =	shalt  }
0x57: {  	_ =	shalt  }
0x58: {  	_ =	shalt  }
0x59: {  	_ =	shalt  }
0x5a: {  	_ =	shalt  }
0x5b: {  	_ =	shalt  }
0x5c: {  	_ =	shalt  }
0x5d: {  	_ =	shalt  }
0x5e: {  	_ =	shalt  }
0x5f: {  	_ =	shalt  }
0x60: {  	_ =	shalt  }
0x61: {  	_ =	shalt  }
0x62: {  	_ =	shalt  }
0x63: {  	_ =	shalt  }
0x64: {  	_ =	shalt  }
0x65: {  	_ =	shalt  }
0x66: {  	_ =	shalt  }
0x67: {  	_ =	shalt  }
0x68: {  	_ =	shalt  }
0x69: {  	_ =	shalt  }
0x6a: {  	_ =	shalt  }
0x6b: {  	_ =	shalt  }
0x6c: {  	_ =	shalt  }
0x6d: {  	_ =	shalt  }
0x6e: {  	_ =	shalt  }
0x6f: {  	_ =	shalt  }
0x70: {  	_ =	shalt  }
0x71: {  	_ =	shalt  }
0x72: {  	_ =	shalt  }
0x73: {  	_ =	shalt  }
0x74: {  	_ =	shalt  }
0x75: {  	_ =	shalt  }
0x76: {  	_ =	shalt  }
0x77: {  	_ =	shalt  }
0x78: {  	_ =	shalt  }
0x79: {  	_ =	shalt  }
0x7a: {  	_ =	shalt  }
0x7b: {  	_ =	shalt  }
0x7c: {  	_ =	shalt  }
0x7d: {  	_ =	shalt  }
0x7e: {  	_ =	shalt  }
0x7f: {  	_ =	shalt  }
0x80: {  	_ =	shalt  }
0x81: {  	_ =	shalt  }
0x82: {  	_ =	shalt  }
0x83: {  	_ =	shalt  }
0x84: {  	_ =	shalt  }
0x85: {  	_ =	shalt  }
0x86: {  	_ =	shalt  }
0x87: {  	_ =	shalt  }
.Lfunc_end0:
.L_simem_size_0:
called_computation_lowered:
.L_overlay_start_0:
0x88: {  	s2 =	sld [smem:$0x3FD9]  }
0x89: {  	s3 =	sld [smem:$0x3FFE];
	_ =	sdelay $0x1  }
0x8a: {  	s1 =	srdreg.scid  }
0x8b: {  	s0 =	sand.u32 $0x1, s1  }
0x8c: {  	s16 =	sshll.u32 s0, $0xA;
	s2 =	sadd.s32 s3, s2  }
0x8d: {  	s2 =	sadd.s32 s2, s16  }
0x8e: {  	[smem:$0x3FAD] =	sst s2  }
0x8f: {  	_ = 	snop  }
0x90: {  	(tm) =	ssettm $0x1  }
0x91: {  	s17 =	sld [smem:$0x3FFB];
	_ =	sdelay $0x3  }
0x92: {  	_ =	strace s17  }
0x93: {  	s2 =	sld [smem:$0x3FFC];
	_ =	sdelay $0x3  }
0x94: {  	_ =	strace s2  }
0x95: {  	s2 =	sld [smem:$0x3FFD];
	_ =	sdelay $0x3  }
0x96: {  	_ =	strace s2  }
0x97: {  	_ =	strace $0x8FFFFFFF  }
0x98: {  	s18 =	sld [smem:$0x3FDB];
	_ =	sdelay $0x1  }
0x99: {  	s19 =	simm.s32 $_scs_section_size  }
0x9a: {  	s4 =	simm.s32 $_size__tile_overlayer_lowered;
	s5 =	simm.s32 $_tile_overlayer_lowered  }
0x9b: {  	s22 =	simm.s32 $0x1BFF;
	s21 =	sshll.u32 s5, $0x1;
	s2 =	sadd.s32 s19, s18  }
0x9c: {  	s6 =	simm.s32 $0x0;
	s20 =	sshll.u32 s4, $0x1;
	s4 =	sadd.s32 s21, s2  }
0x9d: {  	[timem:s6], [sflag:s22] =	dma.local [hbm:s4], s20  }
0x9e: {  	_ =	swait.ge [sflag:s22], s20  }
0x9f: {  	s3 =	ssub.s32 $0x0, s20;
	[sflag:s22] =	ssyncset.done $0x0  }
0xa0: {  	[sflag:s22] =	ssyncadd.s32 s3;
	_ =	sdelay $0x1  }
0xa1: {  	s23 =	simm.s32 $0x1B8B  }
0xa2: {  	_ =	swait.ge [sflag:s23], $0x1  }
0xa3: {  	[sflag:s23] =	ssyncset.done $0x0  }
0xa4: {  	s25 =	simm.s32 $0x1B8E;
	s24 =	sld [smem:$0x3FFE];
	[sflag:s23] =	ssyncadd.s32 $0xFFFFFFFF  }
0xa5: {  	s26 =	simm.s32 $execute0_lowered;
	[smem:$0x3FD2] =	sst s25  }
0xa6: {  	s4 =	sshll.u32 s26, $0x1;
	_ =	strace $0x80000046;
	[dreg:$0x1] =	wrdreg $0xFFFFFFFF  }
0xa7: {  	s28 =	simm.s32 $_size_execute0_lowered;
	s2 =	sadd.s32 s2, s4;
	[dreg:$0x0] =	wrdreg $0x0  }
0xa8: {  	s4 =	sshll.u32 s28, $0x1;
	[dreg:$0x2] =	wrdreg s2  }
0xa9: {  	[dreg:$0x3] =	wrdreg s4  }
0xaa: {  	[dreg:$0x4] =	wrdreg $0xC0  }
0xab: {  	_ =	task [dreg:s6], $0x5FFFF  }
0xac: {  	[dreg:$0x1] =	wrdreg $0xFFFFFFFF  }
0xad: {  	[dreg:$0x0] =	wrdreg $0x60  }
0xae: {  	[dreg:$0x2] =	wrdreg s24  }
0xaf: {  	[dreg:$0x3] =	wrdreg $0xA  }
0xb0: {  	_ =	task.clear_ibuf [dreg:s6], $0x4FFFF;
	_ =	strace $0x90000046  }
0xb1: {  	s29 =	simm.s32 $0xA;
	_ =	strace $0x80000048  }
0xb2: {  	_ =	swait.ge [sflag:s29], $0x1  }
0xb3: {  	[sflag:s29] =	ssyncadd.s32 $0xFFFFFFFF  }
0xb4: {  	_ =	strace $0x90000048  }
0xb5: {  	_ =	sfence  }
0xb6: {  	s30 =	sld [smem:$0x0];
	_ =	sdelay $0x2  }
0xb7: {  	s31 =	sshll.u32 s1, $0xD;
	s1 =	sshrl.u32 s1, $0x2  }
0xb8: {  	s3 =	sand.u32 $0x4000, s31;
	s1 =	sadd.s32 s1, s30  }
0xb9: {  	s0 =	sor.u32 s3, s0;
	s1 =	sshll.u32 s1, $0x11  }
0xba: {  	s0 =	sor.u32 s1, s0  }
0xbb: {  	s0 =	sadd.s32 $0x8F2B, s0  }
0xbc: {  	[sflag:s0] =	ssyncadd.remote.s32 $0x1  }
0xbd: {  	_ =	sfence.sel $0xFFFF  }
0xbe: {  	[dreg:$0x0] =	wrdreg $0xFFFFFFFF;
	(pc) =	sbr.abs _section_cstart, $3  }
0xbf: {  	[dreg:$0x1] =	wrdreg $0xFFFFFFFF  }
0xc0: {  	_ =	task.clear_ibuf [dreg:s6], $0x2FFFF;
	_ =	strace $0x9FFFFFFF  }
0xc1: {  	(tm) =	ssettm $0x7FFFFFFF  }
tec
execute0_lowered:
.L_overlay_start_1:
0x0: {  	(tag) =	ssettag $0x1  }
0x1: {  	s1 =	srdreg.scid  }
0x2: {  	s0 =	stileid.u32;
	s6 =	rddreg [dreg:$0x0];
	s2 =	simm.s32 $0x0  }
0x3: {  	s14 =	simm.s32 $0xC8;
	s15 =	simm.s32 $0x2580;
	s16 =	simm.s32 $0x8980  }
0x4: {  	s17 =	simm.s32 $0xED80;
	s18 =	simm.s32 $0x15180;
	s19 =	simm.s32 $0x1  }
0x5: {  	s20 =	simm.s32 $0x2;
	s21 =	simm.s32 $0x3;
	s22 =	simm.s32 $0x4  }
0x6: {  	s23 =	simm.s32 $0x0;
	s7 =	sand.u32 $0x1, s1;
	s9 =	smul.u32 $0x2580, s0  }
0x7: {  	s30 =	sshll.u32 s0, $0x1;
	s1 =	rddreg [dreg:$0x1];
	s13 =	smul.u32 $0x25800, s0  }
0x8: {  	[smem:$0x7FF] =	sst s2;
	s3 =	sor.u32 s7, s30;
	s11 =	smul.u32 $0x12C0, s7  }
0x9: {  	_ =	strace $0x80000047;
	s10 =	ssub.s32 $0x2, s7;
	s31 =	smul.u32 $0x12C00, s7  }
0xa: {  	s4 =	smul.u32 $0x12C0, s3;
	s3 =	sadd.s32 $0x12400, s6;
	s12 =	sshrl.u32 s10, $0x1  }
0xb: {  	s10 =	ssub.s32 s10, s12;
	s9 =	sadd.s32 s11, s9;
	s12 =	simm.s32 $0x5  }
0xc: {  	s5 =	sshrl.u32 s4, $0x3;
	s4 =	sadd.s32 $0x39600, s6;
	s11 =	sshll.u32 s9, $0x4  }
0xd: {  	s9 =	smax.u32 s10, $0x1;
	s10 =	sadd.s32 s31, s13;
	s13 =	simm.s32 $0x12C0  }
0xe: {  	s8 =	sadd.s32 s5, s6;
	s5 =	sadd.s32 $0x60800, s6;
	s6 =	sadd.s32 $0x2B8800, s6  }
0xf: {  	s11 =	sadd.s32 $0xC80, s11;
	s7 =	sadd.s32 $0x8C00, s8;
	s8 =	sadd.s32 $0xD800, s8  }
.LBB2_1:
0x10: {  	[tilespmem:s2], [sflag:$0x5] =	stream.linear.gather [hbm4b:s7+s2], $0x12C0, $0x38;
	[tilespmem:$0x1B580] =	vst v63  }
0x11: {  	_ =	swait.ge [sflag:s12], $0x12C0  }
0x12: {  	[sflag:s12] =	ssyncset.done $0x0  }
0x13: {  	[sflag:s12] =	ssyncadd.s32 $0xFFFFED40  }
0x14: {  	[tilespmem:s13], [sflag:$0x5] =	stream.linear.gather [hbm4b:s8+s2], $0x12C0, $0x38;
	[tilespmem:$0x1B580] =	vst v63  }
0x15: {  	_ =	swait.ge [sflag:s12], $0x12C0  }
0x16: {  	[sflag:s12] =	ssyncset.done $0x0  }
0x17: {  	s24 =	simm.s32 $0x0;
	[sflag:s12] =	ssyncadd.s32 $0xFFFFED40  }
0x18: {  	[tilespmem:s15], [sflag:$0x1] =	stream.indirect.gather [hbm4b:s3+s14], $0x80, s24, s14, $0xb8;
	[tilespmem:$0x1B580] =	vst v63  }
0x19: {  	s30 =	simm.s32 $0x12C0  }
0x1a: {  	[tilespmem:s16], [sflag:$0x1] =	stream.indirect.gather [hbm4b:s4+s14], $0x80, s30, s14, $0xb8;
	[tilespmem:$0x1B580] =	vst v63  }
0x1b: {  	s31 =	simm.s32 $0xC8  }
0x1c: {  	[tilespmem:s17], [sflag:$0x2] =	stream.indirect.gather [hbm4b:s3+s14], $0x80, s31, s14, $0xb8;
	[tilespmem:$0x1B580] =	vst v63  }
0x1d: {  	s25 =	simm.s32 $0x1388  }
0x1e: {  	[tilespmem:s18], [sflag:$0x2] =	stream.indirect.gather [hbm4b:s4+s14], $0x80, s25, s14, $0xb8;
	[tilespmem:$0x1B580] =	vst v63  }
0x1f: {  	_ =	swait.ge [sflag:s19], $0x6400  }
0x20: {  	[sflag:s19] =	ssyncset.done $0x0  }
0x21: {  	[sflag:s19] =	ssyncadd.s32 $0xFFFF9C00  }
0x22: {  	_ =	swait.ge [sflag:s19], $0x6400  }
0x23: {  	[sflag:s19] =	ssyncset.done $0x0  }
0x24: {  	s26 =	sadd.s32 s5, s10;
	[sflag:s19] =	ssyncadd.s32 $0xFFFF9C00  }
0x25: {  	[hbm4b:s26+s2] =	stream.linear.scatter [tilespmem:s15], [sflag:$0x3], $0x6400, $0x38;
	[tilespmem:$0x1B580] =	vst v63  }
0x26: {  	s28 =	sadd.s32 s6, s10  }
0x27: {  	[hbm4b:s28+s2] =	stream.linear.scatter [tilespmem:s16], [sflag:$0x3], $0x6400, $0x38;
	[tilespmem:$0x1B580] =	vst v63  }
0x28: {  	_ =	swait.ge [sflag:s20], $0x6400  }
0x29: {  	[sflag:s20] =	ssyncset.done $0x0  }
0x2a: {  	[sflag:s20] =	ssyncadd.s32 $0xFFFF9C00  }
0x2b: {  	_ =	swait.ge [sflag:s20], $0x6400  }
0x2c: {  	[sflag:s20] =	ssyncset.done $0x0  }
0x2d: {  	s30 =	sadd.s32 s5, s11;
	[sflag:s20] =	ssyncadd.s32 $0xFFFF9C00  }
0x2e: {  	[hbm4b:s30+s2] =	stream.linear.scatter [tilespmem:s17], [sflag:$0x4], $0x6400, $0x38;
	[tilespmem:$0x1B580] =	vst v63  }
0x2f: {  	s31 =	sadd.s32 s6, s11  }
0x30: {  	[hbm4b:s31+s2] =	stream.linear.scatter [tilespmem:s18], [sflag:$0x4], $0x6400, $0x38;
	[tilespmem:$0x1B580] =	vst v63  }
0x31: {  	_ =	swait.ge [sflag:s21], $0x6400  }
0x32: {  	[sflag:s21] =	ssyncset.done $0x0  }
0x33: {  	[sflag:s21] =	ssyncadd.s32 $0xFFFF9C00  }
0x34: {  	_ =	swait.ge [sflag:s21], $0x6400  }
0x35: {  	[sflag:s21] =	ssyncset.done $0x0  }
0x36: {  	[sflag:s21] =	ssyncadd.s32 $0xFFFF9C00  }
0x37: {  	_ =	swait.ge [sflag:s22], $0x6400  }
0x38: {  	[sflag:s22] =	ssyncset.done $0x0  }
0x39: {  	[sflag:s22] =	ssyncadd.s32 $0xFFFF9C00  }
0x3a: {  	s29 =	simm.s32 $0xC80;
	s24 =	sadd.s32 $0x1900, s6;
	_ =	swait.ge [sflag:s22], $0x6400  }
0x3b: {  	s25 =	sadd.s32 $0x1900, s5;
	s26 =	simm.s32 $0x640;
	[sflag:s22] =	ssyncset.done $0x0  }
.LBB2_2:
0x3c: {  	s30 =	sshra.s32 s26, $0x2  }
0x3d: {  	[sflag:s22] =	ssyncadd.s32 $0xFFFF9C00;
	s26 =	smov.u32 s29;
	s28 =	sadd.s32 $0x640, s29  }
0x3e: {  	[tilespmem:s15], [sflag:$0x1] =	stream.indirect.gather [hbm4b:s3+s14], $0x80, s30, s14, $0xb8;
	[tilespmem:$0x1B580] =	vst v63  }
0x3f: {  	p0 =	sne.s32 s29, $0x44C0;
	s29 =	sadd.s32 $0x12C0, s30  }
0x40: {  	[tilespmem:s16], [sflag:$0x1] =	stream.indirect.gather [hbm4b:s4+s14], $0x80, s29, s14, $0xb8;
	[tilespmem:$0x1B580] =	vst v63  }
0x41: {  	s29 =	sadd.s32 $0xC8, s30  }
0x42: {  	[tilespmem:s17], [sflag:$0x2] =	stream.indirect.gather [hbm4b:s3+s14], $0x80, s29, s14, $0xb8;
	[tilespmem:$0x1B580] =	vst v63  }
0x43: {  	s29 =	sadd.s32 $0x1388, s30  }
0x44: {  	[tilespmem:s18], [sflag:$0x2] =	stream.indirect.gather [hbm4b:s4+s14], $0x80, s29, s14, $0xb8;
	[tilespmem:$0x1B580] =	vst v63  }
0x45: {  	_ =	swait.ge [sflag:s19], $0x6400  }
0x46: {  	[sflag:s19] =	ssyncset.done $0x0  }
0x47: {  	[sflag:s19] =	ssyncadd.s32 $0xFFFF9C00  }
0x48: {  	_ =	swait.ge [sflag:s19], $0x6400  }
0x49: {  	[sflag:s19] =	ssyncset.done $0x0  }
0x4a: {  	s29 =	sadd.s32 s25, s10;
	[sflag:s19] =	ssyncadd.s32 $0xFFFF9C00  }
0x4b: {  	[hbm4b:s29+s2] =	stream.linear.scatter [tilespmem:s15], [sflag:$0x3], $0x6400, $0x38;
	[tilespmem:$0x1B580] =	vst v63  }
0x4c: {  	s29 =	sadd.s32 s24, s10  }
0x4d: {  	[hbm4b:s29+s2] =	stream.linear.scatter [tilespmem:s16], [sflag:$0x3], $0x6400, $0x38;
	[tilespmem:$0x1B580] =	vst v63  }
0x4e: {  	_ =	swait.ge [sflag:s20], $0x6400  }
0x4f: {  	[sflag:s20] =	ssyncset.done $0x0  }
0x50: {  	[sflag:s20] =	ssyncadd.s32 $0xFFFF9C00  }
0x51: {  	_ =	swait.ge [sflag:s20], $0x6400  }
0x52: {  	[sflag:s20] =	ssyncset.done $0x0  }
0x53: {  	s29 =	sadd.s32 s25, s11;
	[sflag:s20] =	ssyncadd.s32 $0xFFFF9C00  }
0x54: {  	[hbm4b:s29+s2] =	stream.linear.scatter [tilespmem:s17], [sflag:$0x4], $0x6400, $0x38;
	[tilespmem:$0x1B580] =	vst v63  }
0x55: {  	s29 =	sadd.s32 s24, s11  }
0x56: {  	[hbm4b:s29+s2] =	stream.linear.scatter [tilespmem:s18], [sflag:$0x4], $0x6400, $0x38;
	[tilespmem:$0x1B580] =	vst v63  }
0x57: {  	_ =	swait.ge [sflag:s21], $0x6400  }
0x58: {  	[sflag:s21] =	ssyncset.done $0x0  }
0x59: {  	[sflag:s21] =	ssyncadd.s32 $0xFFFF9C00  }
0x5a: {  	_ =	swait.ge [sflag:s21], $0x6400  }
0x5b: {  	[sflag:s21] =	ssyncset.done $0x0  }
0x5c: {  	[sflag:s21] =	ssyncadd.s32 $0xFFFF9C00  }
.Ltmp0:
0x5d: {  	_ =	swait.ge [sflag:s22], $0x6400;
	(pc) =	sbr.rel @p0 .LBB2_2-.Ltmp0, $4  }
0x5e: {  	[sflag:s22] =	ssyncset.done $0x0  }
0x5f: {  	[sflag:s22] =	ssyncadd.s32 $0xFFFF9C00  }
0x60: {  	s25 =	sadd.s32 $0x1900, s25;
	_ =	swait.ge [sflag:s22], $0x6400  }
0x61: {  	s24 =	sadd.s32 $0x1900, s24;
	s29 =	smov.u32 s28;
	[sflag:s22] =	ssyncset.done $0x0  }
0x62: {  	s26 =	sshra.s32 s26, $0x2;
	[sflag:s22] =	ssyncadd.s32 $0xFFFF9C00  }
0x63: {  	[tilespmem:s15], [sflag:$0x1] =	stream.indirect.gather [hbm4b:s3+s14], $0x80, s26, s14, $0xb8;
	[tilespmem:$0x1B580] =	vst v63  }
0x64: {  	s28 =	sadd.s32 $0x12C0, s26  }
0x65: {  	[tilespmem:s16], [sflag:$0x1] =	stream.indirect.gather [hbm4b:s4+s14], $0x80, s28, s14, $0xb8;
	[tilespmem:$0x1B580] =	vst v63  }
0x66: {  	s31 =	sadd.s32 $0xC8, s26  }
0x67: {  	[tilespmem:s17], [sflag:$0x2] =	stream.indirect.gather [hbm4b:s3+s14], $0x80, s31, s14, $0xb8;
	[tilespmem:$0x1B580] =	vst v63  }
0x68: {  	s26 =	sadd.s32 $0x1388, s26  }
0x69: {  	[tilespmem:s18], [sflag:$0x2] =	stream.indirect.gather [hbm4b:s4+s14], $0x80, s26, s14, $0xb8;
	[tilespmem:$0x1B580] =	vst v63  }
0x6a: {  	_ =	swait.ge [sflag:s19], $0x6400  }
0x6b: {  	[sflag:s19] =	ssyncset.done $0x0  }
0x6c: {  	[sflag:s19] =	ssyncadd.s32 $0xFFFF9C00  }
0x6d: {  	_ =	swait.ge [sflag:s19], $0x6400  }
0x6e: {  	[sflag:s19] =	ssyncset.done $0x0  }
0x6f: {  	s28 =	sadd.s32 s25, s10;
	[sflag:s19] =	ssyncadd.s32 $0xFFFF9C00  }
0x70: {  	[hbm4b:s28+s2] =	stream.linear.scatter [tilespmem:s15], [sflag:$0x3], $0x6400, $0x38;
	[tilespmem:$0x1B580] =	vst v63  }
0x71: {  	s29 =	sadd.s32 s24, s10  }
0x72: {  	[hbm4b:s29+s2] =	stream.linear.scatter [tilespmem:s16], [sflag:$0x3], $0x6400, $0x38;
	[tilespmem:$0x1B580] =	vst v63  }
0x73: {  	_ =	swait.ge [sflag:s20], $0x6400  }
0x74: {  	[sflag:s20] =	ssyncset.done $0x0  }
0x75: {  	[sflag:s20] =	ssyncadd.s32 $0xFFFF9C00  }
0x76: {  	_ =	swait.ge [sflag:s20], $0x6400  }
0x77: {  	[sflag:s20] =	ssyncset.done $0x0  }
0x78: {  	s30 =	sadd.s32 s25, s11;
	[sflag:s20] =	ssyncadd.s32 $0xFFFF9C00  }
0x79: {  	[hbm4b:s30+s2] =	stream.linear.scatter [tilespmem:s17], [sflag:$0x4], $0x6400, $0x38;
	[tilespmem:$0x1B580] =	vst v63  }
0x7a: {  	s31 =	sadd.s32 s24, s11  }
0x7b: {  	[hbm4b:s31+s2] =	stream.linear.scatter [tilespmem:s18], [sflag:$0x4], $0x6400, $0x38;
	[tilespmem:$0x1B580] =	vst v63  }
0x7c: {  	_ =	swait.ge [sflag:s21], $0x6400  }
0x7d: {  	[sflag:s21] =	ssyncset.done $0x0  }
0x7e: {  	[sflag:s21] =	ssyncadd.s32 $0xFFFF9C00  }
0x7f: {  	_ =	swait.ge [sflag:s21], $0x6400  }
0x80: {  	[sflag:s21] =	ssyncset.done $0x0  }
0x81: {  	s23 =	sadd.s32 $0x1, s23;
	[sflag:s21] =	ssyncadd.s32 $0xFFFF9C00  }
0x82: {  	p0 =	sne.s32 s23, s9;
	_ =	swait.ge [sflag:s22], $0x6400  }
.Ltmp1:
0x83: {  	[sflag:s22] =	ssyncset.done $0x0;
	(pc) =	sbr.rel @p0 .LBB2_1-.Ltmp1, $4  }
0x84: {  	[sflag:s22] =	ssyncadd.s32 $0xFFFF9C00  }
0x85: {  	_ =	swait.ge [sflag:s22], $0x6400  }
0x86: {  	[sflag:s22] =	ssyncset.done $0x0  }
0x87: {  	[sflag:s22] =	ssyncadd.s32 $0xFFFF9C00  }
0x88: {  	_ =	sfence.sel $0x180000  }
0x89: {  	[bflag:$0x0] =	sbarrier.arrive $0xFFFF  }
0x8a: {  	p0 =	sne.s32 s0, $0x0;
	_ =	strace $0x90000047  }
0x8b: {  	s0 =	sadd.s32 @!p0 $0x100000, s1;
	[bflag:$0x2] =	sbarrier.arrive $0xFFFF  }
0x8c: {  	[sflag:s0] =	ssyncadd.tile.s32 @!p0 $0x1;
	_ =	shalt  }
.Lfunc_end2:
_tile_overlayer_lowered:
.L_overlay_start_2:
0x8d: {  	(tag) =	ssettag $0x2  }
0x8e: {  	s0 =	rddreg [dreg:$0x0];
	s2 =	stileid.u32  }
0x8f: {  	s1 =	rddreg [dreg:$0x1];
	p0 =	sne.s32 s2, $0x0  }
0x90: {  	s3 =	rddreg [dreg:$0x2];
	[bflag:$0x3] =	sbarrier.arrive $0xFFFF;
	s2 =	simm.s32 @!p0 $0x1C05  }
0x91: {  	[timem:s3], [sflag:s2] =	dma.local @!p0 [hbm:s0], s1  }
0x92: {  	s0 =	simm.s32 @!p0 $0x5  }
0x93: {  	_ =	swait.ge @!p0 [sflag:s0], s1  }
0x94: {  	s1 =	ssub.s32 @!p0 $0x0, s1;
	[sflag:s0] =	ssyncset.done @!p0 $0x0  }
0x95: {  	[sflag:s0] =	ssyncadd.s32 @!p0 s1  }
0x96: {  	[bflag:$0x3] =	sbarrier.arrive $0xFFFF  }
0x97: {  	_ =	shalt  }

// kernel: kernel.24.cloned.1.call-start
scs
__scs_entry_jumppad:
0x0: {  	(pc) =	sbr.rel $0x88, $3  }
0x1: {  	(tag) =	ssettag $0x0;
	lr =	simm.s32 $0x1  }
0x2: {  	[smem:$0x3F86] =	sst lr;
	_ =	strace $0xD0000000  }
0x3: {  	_ = 	snop  }
0x4: {  	_ = 	snop  }
0x5: {  	_ = 	snop  }
0x6: {  	_ = 	snop  }
0x7: {  	_ = 	snop  }
__scs_overlays_trampoline_lowered:
0x8: {  	[smem:$0x3F95] =	sst s0  }
0x9: {  	[smem:$0x3F96] =	sst s1  }
0xa: {  	[smem:$0x3F97] =	sst s2  }
0xb: {  	[smem:$0x3F98] =	sst s3  }
0xc: {  	[smem:$0x3F99] =	sst s4  }
0xd: {  	[smem:$0x3F9A] =	sst s5  }
0xe: {  	[smem:$0x3F9B] =	sst s6  }
0xf: {  	[smem:$0x3F9C] =	sst s7  }
0x10: {  	[smem:$0x3F9D] =	sst s8  }
0x11: {  	[smem:$0x3F9E] =	sst s9;
	s0 =	simm.s32 @!p0 $0x0  }
0x12: {  	s1 =	sld [smem:$0x3F84];
	s0 =	simm.s32 @p0 $0x1  }
0x13: {  	[smem:$0x3F9F] =	sst s0;
	s0 =	simm.s32 @!p1 $0x0  }
0x14: {  	s2 =	sld [smem:$0x3F83];
	s0 =	simm.s32 @p1 $0x1  }
0x15: {  	[smem:$0x3FA0] =	sst s0;
	s0 =	simm.s32 @!p2 $0x0  }
0x16: {  	s3 =	sld [smem:$0x3FDB];
	s0 =	simm.s32 @p2 $0x1  }
0x17: {  	s4 =	simm.s32 $0x1BF5;
	[smem:$0x3FA2] =	sst s0  }
0x18: {  	s0 =	sld [smem:$0x3F85];
	_ =	swait.ge [sflag:s4], $0x0  }
0x19: {  	s7 =	sld [smem:$0x3F86]  }
0x1a: {  	s8 =	sadd.s32 $0xFFFFE003, lr  }
0x1b: {  	s9 =	sadd.s32 $0xFFFFFEF7, lr;
	s5 =	simm.s32 $0xFFFFFFFF;
	p2 =	slt.u32 s8, $0xFFFFF086  }
0x1c: {  	p1 =	slt.u32 s9, $0xF7A;
	s5 =	simm.s32 @!p2 $0x0  }
0x1d: {  	s5 =	simm.s32 @p1 $0x1;
	p0 =	seq.s32 s7, s2  }
0x1e: {  	s7 =	smul.u32 @!p0 $0xF7A, s2;
	p2 =	seq.s32 @!p0 s5, $0x0  }
0x1f: {  	s9 =	smul.u32 $0xF7A, s1;
	s8 =	simm.s32 @!p0 $0x1BF5;
	p2 =	por !p2, p0  }
0x20: {  	[sflag:s8] =	ssyncset.s32 @!p0 $0xFFFFF086;
	s6 =	sadd.s32 @!p0 s3, s7;
	s7 =	simm.s32 @!p0 $0x108  }
0x21: {  	s3 =	sadd.s32 s3, s9;
	s6 =	sadd.s32 @!p0 $0x88, s6;
	s7 =	simm.s32 @p2 $0x1082  }
0x22: {  	[simem:s7], [sflag:s8] =	dma.local @!p0 [hbm:s6], $0xF7A  }
0x23: {  	s9 =	sor.u32 $0xD0000000, s2;
	s6 =	simm.s32 $0x108;
	_ =	swait.ge @!p0 [sflag:s8], $0x0  }
0x24: {  	s3 =	sadd.s32 $0x88, s3;
	s6 =	simm.s32 @!p1 $0x1082;
	[sflag:s4] =	ssyncset.s32 $0xFFFFF086  }
0x25: {  	[simem:s6], [sflag:s4] =	dma.local [hbm:s3], $0xF7A  }
0x26: {  	[smem:$0x3F86] =	sst s1;
	(tag) =	ssettag s2;
	_ =	strace s9  }
0x27: {  	s1 =	sld [smem:$0x3F96]  }
0x28: {  	s2 =	sld [smem:$0x3F97]  }
0x29: {  	s4 =	sld [smem:$0x3F99]  }
0x2a: {  	p0 =	seq.s32 s5, $0x0;
	s5 =	sld [smem:$0x3F9A]  }
0x2b: {  	s6 =	sld [smem:$0x3F9B]  }
0x2c: {  	s7 =	sld [smem:$0x3F9C]  }
0x2d: {  	s3 =	simm.s32 $0x108;
	s8 =	sld [smem:$0x3F9D]  }
0x2e: {  	s3 =	simm.s32 @!p0 $0x1082;
	s9 =	sld [smem:$0x3F9E]  }
0x2f: {  	lr =	sadd.s32 s0, s3;
	s0 =	sld [smem:$0x3F95]  }
0x30: {  	s3 =	sld [smem:$0x3F98]  }
0x31: {  	[smem:$0x3FA1] =	sst s10  }
0x32: {  	s10 =	sld [smem:$0x3F9F];
	_ =	sdelay $0x3  }
0x33: {  	p0 =	seq.s32 s10, $0x1;
	s10 =	sld [smem:$0x3FA1];
	_ =	sdelay $0x3  }
0x34: {  	[smem:$0x3FA1] =	sst s10  }
0x35: {  	s10 =	sld [smem:$0x3FA0];
	_ =	sdelay $0x3  }
0x36: {  	p1 =	seq.s32 s10, $0x1;
	s10 =	sld [smem:$0x3FA1];
	_ =	sdelay $0x3  }
0x37: {  	[smem:$0x3FA1] =	sst s10  }
0x38: {  	s10 =	sld [smem:$0x3FA2]  }
0x39: {  	_ = 	snop;
	(pc) =	sbr.ind lr, $3  }
0x3a: {  	_ = 	snop  }
0x3b: {  	_ = 	snop  }
0x3c: {  	p2 =	seq.s32 s10, $0x1;
	s10 =	sld [smem:$0x3FA1]  }
0x3d: {  	_ =	shalt  }
0x3e: {  	_ =	shalt  }
0x3f: {  	_ =	shalt  }
0x40: {  	_ =	shalt  }
0x41: {  	_ =	shalt  }
0x42: {  	_ =	shalt  }
0x43: {  	_ =	shalt  }
0x44: {  	_ =	shalt  }
0x45: {  	_ =	shalt  }
0x46: {  	_ =	shalt  }
0x47: {  	_ =	shalt  }
0x48: {  	_ =	shalt  }
0x49: {  	_ =	shalt  }
0x4a: {  	_ =	shalt  }
0x4b: {  	_ =	shalt  }
0x4c: {  	_ =	shalt  }
0x4d: {  	_ =	shalt  }
0x4e: {  	_ =	shalt  }
0x4f: {  	_ =	shalt  }
0x50: {  	_ =	shalt  }
0x51: {  	_ =	shalt  }
0x52: {  	_ =	shalt  }
0x53: {  	_ =	shalt  }
0x54: {  	_ =	shalt  }
0x55: {  	_ =	shalt  }
0x56: {  	_ =	shalt  }
0x57: {  	_ =	shalt  }
0x58: {  	_ =	shalt  }
0x59: {  	_ =	shalt  }
0x5a: {  	_ =	shalt  }
0x5b: {  	_ =	shalt  }
0x5c: {  	_ =	shalt  }
0x5d: {  	_ =	shalt  }
0x5e: {  	_ =	shalt  }
0x5f: {  	_ =	shalt  }
0x60: {  	_ =	shalt  }
0x61: {  	_ =	shalt  }
0x62: {  	_ =	shalt  }
0x63: {  	_ =	shalt  }
0x64: {  	_ =	shalt  }
0x65: {  	_ =	shalt  }
0x66: {  	_ =	shalt  }
0x67: {  	_ =	shalt  }
0x68: {  	_ =	shalt  }
0x69: {  	_ =	shalt  }
0x6a: {  	_ =	shalt  }
0x6b: {  	_ =	shalt  }
0x6c: {  	_ =	shalt  }
0x6d: {  	_ =	shalt  }
0x6e: {  	_ =	shalt  }
0x6f: {  	_ =	shalt  }
0x70: {  	_ =	shalt  }
0x71: {  	_ =	shalt  }
0x72: {  	_ =	shalt  }
0x73: {  	_ =	shalt  }
0x74: {  	_ =	shalt  }
0x75: {  	_ =	shalt  }
0x76: {  	_ =	shalt  }
0x77: {  	_ =	shalt  }
0x78: {  	_ =	shalt  }
0x79: {  	_ =	shalt  }
0x7a: {  	_ =	shalt  }
0x7b: {  	_ =	shalt  }
0x7c: {  	_ =	shalt  }
0x7d: {  	_ =	shalt  }
0x7e: {  	_ =	shalt  }
0x7f: {  	_ =	shalt  }
0x80: {  	_ =	shalt  }
0x81: {  	_ =	shalt  }
0x82: {  	_ =	shalt  }
0x83: {  	_ =	shalt  }
0x84: {  	_ =	shalt  }
0x85: {  	_ =	shalt  }
0x86: {  	_ =	shalt  }
0x87: {  	_ =	shalt  }
.Lfunc_end0:
.L_simem_size_0:
called_computation.1_lowered:
.L_overlay_start_0:
0x88: {  	s2 =	sld [smem:$0x3FD9]  }
0x89: {  	s3 =	sld [smem:$0x3FFE];
	_ =	sdelay $0x1  }
0x8a: {  	s1 =	srdreg.scid  }
0x8b: {  	s0 =	sand.u32 $0x1, s1  }
0x8c: {  	s17 =	sshll.u32 s0, $0xA;
	s2 =	sadd.s32 s3, s2  }
0x8d: {  	s2 =	sadd.s32 s2, s17  }
0x8e: {  	[smem:$0x3FAD] =	sst s2  }
0x8f: {  	_ = 	snop  }
0x90: {  	s18 =	sld [smem:$0x3FD0];
	(tm) =	ssettm $0x1  }
0x91: {  	s19 =	sld [smem:$0x3FFB];
	_ =	sdelay $0x3  }
0x92: {  	_ =	strace s19  }
0x93: {  	s2 =	sld [smem:$0x3FFC];
	_ =	sdelay $0x3  }
0x94: {  	_ =	strace s2  }
0x95: {  	s2 =	sld [smem:$0x3FFD];
	_ =	sdelay $0x3  }
0x96: {  	_ =	strace s2  }
0x97: {  	_ =	strace $0x8FFFFFFF  }
0x98: {  	s20 =	sld [smem:$0x3FDB];
	_ =	sdelay $0x1  }
0x99: {  	s4 =	simm.s32 $_scs_section_size  }
0x9a: {  	s5 =	simm.s32 $_size__tile_overlayer_lowered;
	s6 =	simm.s32 $_tile_overlayer_lowered  }
0x9b: {  	s7 =	simm.s32 $0x1BFF;
	s21 =	sshll.u32 s6, $0x1;
	s4 =	sadd.s32 s4, s20  }
0x9c: {  	s22 =	simm.s32 $0x0;
	s5 =	sshll.u32 s5, $0x1;
	s6 =	sadd.s32 s21, s4  }
0x9d: {  	[timem:s22], [sflag:s7] =	dma.local [hbm:s6], s5  }
0x9e: {  	_ =	swait.ge [sflag:s7], s5  }
0x9f: {  	s5 =	ssub.s32 $0x0, s5;
	[sflag:s7] =	ssyncset.done $0x0  }
0xa0: {  	[sflag:s7] =	ssyncadd.s32 s5;
	_ =	sdelay $0x1  }
0xa1: {  	s23 =	simm.s32 $0x1B8B  }
0xa2: {  	_ =	swait.ge [sflag:s23], $0x1  }
0xa3: {  	[sflag:s23] =	ssyncset.done $0x0  }
0xa4: {  	[sflag:s23] =	ssyncadd.s32 $0xFFFFFFFF  }
0xa5: {  	s5 =	sld [smem:$0x0]  }
0xa6: {  	s6 =	sand.u32 $0xFFFFFFFE, s1  }
0xa7: {  	p0 =	sne.s32 s1, s6  }
0xa8: {  	s6 =	sshll.u32 @p0 s6, $0xE  }
0xa9: {  	s6 =	sadd.s32 @p0 $0x11B8D, s6;
	s7 =	sshll.u32 @p0 s5, $0x11  }
0xaa: {  	s6 =	sor.u32 @p0 s7, s6  }
0xab: {  	[sflag:s6] =	ssyncadd.remote.s32 @p0 $0x1;
	_ =	sdelay $0x1  }
0xac: {  	s6 =	simm.s32 @p0 $0x1B8D  }
0xad: {  	_ =	swait.eq @p0 [sflag:s6], $0x1  }
0xae: {  	[sflag:s6] =	ssyncadd.s32 @p0 $0xFFFFFFFF  }
0xaf: {  	s7 =	sshll.u32 @!p0 s1, $0xE  }
0xb0: {  	s7 =	sor.u32 @!p0 $0x4000, s7;
	s6 =	simm.s32 @!p0 $0x1B8D  }
0xb1: {  	s5 =	sshll.u32 @!p0 s5, $0x11;
	s7 =	sadd.s32 @!p0 $0x11B8D, s7;
	_ =	swait.eq @!p0 [sflag:s6], $0x1  }
0xb2: {  	s5 =	sor.u32 @!p0 s5, s7;
	[sflag:s6] =	ssyncadd.s32 @!p0 $0xFFFFFFFF  }
0xb3: {  	s25 =	simm.s32 $0x1B8E;
	s24 =	sld [smem:$0x3FFE];
	[sflag:s5] =	ssyncadd.remote.s32 @!p0 $0x1  }
0xb4: {  	s26 =	simm.s32 $execute0_lowered;
	[smem:$0x3FD2] =	sst s25  }
0xb5: {  	s6 =	sshll.u32 s26, $0x1;
	_ =	strace $0x80000049;
	[dreg:$0x1] =	wrdreg $0xFFFFFFFF  }
0xb6: {  	s28 =	simm.s32 $_size_execute0_lowered;
	s4 =	sadd.s32 s4, s6;
	[dreg:$0x0] =	wrdreg $0x0  }
0xb7: {  	s6 =	sshll.u32 s28, $0x1;
	[dreg:$0x2] =	wrdreg s4  }
0xb8: {  	[dreg:$0x3] =	wrdreg s6  }
0xb9: {  	[dreg:$0x4] =	wrdreg $0xC0  }
0xba: {  	_ =	task [dreg:s22], $0x5FFFF  }
0xbb: {  	[dreg:$0x1] =	wrdreg $0xFFFFFFFF  }
0xbc: {  	[dreg:$0x0] =	wrdreg $0x60  }
0xbd: {  	[dreg:$0x2] =	wrdreg s24  }
0xbe: {  	[dreg:$0x3] =	wrdreg s18  }
0xbf: {  	[dreg:$0x4] =	wrdreg $0x9  }
0xc0: {  	_ =	task.clear_ibuf [dreg:s22], $0x5FFFF;
	_ =	strace $0x90000049  }
0xc1: {  	s29 =	simm.s32 $0x9;
	_ =	strace $0x8000004B  }
0xc2: {  	_ =	swait.ge [sflag:s29], $0x1  }
0xc3: {  	[sflag:s29] =	ssyncadd.s32 $0xFFFFFFFF  }
0xc4: {  	_ =	strace $0x9000004B  }
0xc5: {  	_ =	sfence  }
0xc6: {  	s30 =	sld [smem:$0x0];
	_ =	sdelay $0x2  }
0xc7: {  	s31 =	sshll.u32 s1, $0xD;
	s1 =	sshrl.u32 s1, $0x2  }
0xc8: {  	s4 =	sand.u32 $0x4000, s31;
	s1 =	sadd.s32 s1, s30  }
0xc9: {  	s0 =	sor.u32 s4, s0;
	s1 =	sshll.u32 s1, $0x11  }
0xca: {  	s0 =	sor.u32 s1, s0  }
0xcb: {  	s0 =	sadd.s32 $0x8F2B, s0  }
0xcc: {  	[sflag:s0] =	ssyncadd.remote.s32 $0x1  }
0xcd: {  	_ =	sfence.sel $0xFFFF  }
0xce: {  	[dreg:$0x0] =	wrdreg $0xFFFFFFFF;
	(pc) =	sbr.abs _section_cstart, $3  }
0xcf: {  	[dreg:$0x1] =	wrdreg $0xFFFFFFFF  }
0xd0: {  	_ =	task.clear_ibuf [dreg:s22], $0x2FFFF;
	_ =	strace $0x9FFFFFFF  }
0xd1: {  	(tm) =	ssettm $0x7FFFFFFF  }
tec
execute0_lowered:
.L_overlay_start_1:
0x0: {  	(tag) =	ssettag $0x1  }
0x1: {  	s1 =	srdreg.scid;
	s6 =	rddreg [dreg:$0x0]  }
0x2: {  	s0 =	stileid.u32;
	s8 =	rddreg [dreg:$0x1];
	s2 =	simm.s32 $0x0  }
0x3: {  	s16 =	simm.s32 $0x8CA0;
	s17 =	simm.s32 $0xF0A0;
	s18 =	simm.s32 $0x154A0  }
0x4: {  	s19 =	simm.s32 $0x1;
	s20 =	simm.s32 $0x2;
	s21 =	simm.s32 $0x3  }
0x5: {  	s22 =	simm.s32 $0x4;
	s23 =	simm.s32 $0x0;
	s7 =	sand.u32 $0x1, s1  }
0x6: {  	s30 =	sshll.u32 s0, $0x1;
	s1 =	rddreg [dreg:$0x2];
	s11 =	smul.u32 $0x28A0, s0  }
0x7: {  	[smem:$0x7FF] =	sst s2;
	s5 =	sadd.s32 $0x515A00, s6;
	s15 =	smul.u32 $0x28A00, s0  }
0x8: {  	s3 =	sor.u32 s7, s30;
	s12 =	ssub.s32 $0x2, s7;
	s13 =	smul.u32 $0x1450, s7  }
0x9: {  	_ =	strace $0x8000004A;
	s31 =	smul.u32 $0x14500, s7;
	s14 =	sshrl.u32 s12, $0x1  }
0xa: {  	s4 =	smul.u32 $0x1450, s3;
	s3 =	sadd.s32 $0x12400, s6;
	s12 =	ssub.s32 s12, s14  }
0xb: {  	s11 =	sadd.s32 s13, s11;
	s13 =	simm.s32 $0x1450;
	s14 =	simm.s32 $0xC8  }
0xc: {  	s9 =	sshrl.u32 s4, $0x3;
	s4 =	sadd.s32 $0x39600, s6;
	s11 =	sshll.u32 s11, $0x4  }
0xd: {  	s10 =	sadd.s32 s9, s6;
	s6 =	sadd.s32 $0x79FA00, s6;
	s7 =	sadd.s32 s8, s9  }
0xe: {  	s9 =	smax.u32 s12, $0x1;
	s11 =	sadd.s32 $0xC80, s11;
	s12 =	simm.s32 $0x5  }
0xf: {  	s8 =	sadd.s32 $0x510800, s10;
	s10 =	sadd.s32 s31, s15;
	s15 =	simm.s32 $0x28A0  }
.LBB2_1:
0x10: {  	[tilespmem:s2], [sflag:$0x5] =	stream.linear.gather [hbm4b:s7+s2], $0x1450, $0x38;
	[tilespmem:$0x1B8A0] =	vst v63  }
0x11: {  	_ =	swait.ge [sflag:s12], $0x1450  }
0x12: {  	[sflag:s12] =	ssyncset.done $0x0  }
0x13: {  	[sflag:s12] =	ssyncadd.s32 $0xFFFFEBB0  }
0x14: {  	[tilespmem:s13], [sflag:$0x5] =	stream.linear.gather [hbm4b:s8+s2], $0x1450, $0x38;
	[tilespmem:$0x1B8A0] =	vst v63  }
0x15: {  	_ =	swait.ge [sflag:s12], $0x1450  }
0x16: {  	[sflag:s12] =	ssyncset.done $0x0  }
0x17: {  	s24 =	simm.s32 $0x0;
	[sflag:s12] =	ssyncadd.s32 $0xFFFFEBB0  }
0x18: {  	[tilespmem:s15], [sflag:$0x1] =	stream.indirect.gather [hbm4b:s3+s14], $0x80, s24, s14, $0xb8;
	[tilespmem:$0x1B8A0] =	vst v63  }
0x19: {  	s30 =	simm.s32 $0x1450  }
0x1a: {  	[tilespmem:s16], [sflag:$0x1] =	stream.indirect.gather [hbm4b:s4+s14], $0x80, s30, s14, $0xb8;
	[tilespmem:$0x1B8A0] =	vst v63  }
0x1b: {  	s31 =	simm.s32 $0xC8  }
0x1c: {  	[tilespmem:s17], [sflag:$0x2] =	stream.indirect.gather [hbm4b:s3+s14], $0x80, s31, s14, $0xb8;
	[tilespmem:$0x1B8A0] =	vst v63  }
0x1d: {  	s25 =	simm.s32 $0x1518  }
0x1e: {  	[tilespmem:s18], [sflag:$0x2] =	stream.indirect.gather [hbm4b:s4+s14], $0x80, s25, s14, $0xb8;
	[tilespmem:$0x1B8A0] =	vst v63  }
0x1f: {  	_ =	swait.ge [sflag:s19], $0x6400  }
0x20: {  	[sflag:s19] =	ssyncset.done $0x0  }
0x21: {  	[sflag:s19] =	ssyncadd.s32 $0xFFFF9C00  }
0x22: {  	_ =	swait.ge [sflag:s19], $0x6400  }
0x23: {  	[sflag:s19] =	ssyncset.done $0x0  }
0x24: {  	s26 =	sadd.s32 s5, s10;
	[sflag:s19] =	ssyncadd.s32 $0xFFFF9C00  }
0x25: {  	[hbm4b:s26+s2] =	stream.linear.scatter [tilespmem:s15], [sflag:$0x3], $0x6400, $0x38;
	[tilespmem:$0x1B8A0] =	vst v63  }
0x26: {  	s28 =	sadd.s32 s6, s10  }
0x27: {  	[hbm4b:s28+s2] =	stream.linear.scatter [tilespmem:s16], [sflag:$0x3], $0x6400, $0x38;
	[tilespmem:$0x1B8A0] =	vst v63  }
0x28: {  	_ =	swait.ge [sflag:s20], $0x6400  }
0x29: {  	[sflag:s20] =	ssyncset.done $0x0  }
0x2a: {  	[sflag:s20] =	ssyncadd.s32 $0xFFFF9C00  }
0x2b: {  	_ =	swait.ge [sflag:s20], $0x6400  }
0x2c: {  	[sflag:s20] =	ssyncset.done $0x0  }
0x2d: {  	s30 =	sadd.s32 s5, s11;
	[sflag:s20] =	ssyncadd.s32 $0xFFFF9C00  }
0x2e: {  	[hbm4b:s30+s2] =	stream.linear.scatter [tilespmem:s17], [sflag:$0x4], $0x6400, $0x38;
	[tilespmem:$0x1B8A0] =	vst v63  }
0x2f: {  	s31 =	sadd.s32 s6, s11  }
0x30: {  	[hbm4b:s31+s2] =	stream.linear.scatter [tilespmem:s18], [sflag:$0x4], $0x6400, $0x38;
	[tilespmem:$0x1B8A0] =	vst v63  }
0x31: {  	_ =	swait.ge [sflag:s21], $0x6400  }
0x32: {  	[sflag:s21] =	ssyncset.done $0x0  }
0x33: {  	[sflag:s21] =	ssyncadd.s32 $0xFFFF9C00  }
0x34: {  	_ =	swait.ge [sflag:s21], $0x6400  }
0x35: {  	[sflag:s21] =	ssyncset.done $0x0  }
0x36: {  	[sflag:s21] =	ssyncadd.s32 $0xFFFF9C00  }
0x37: {  	_ =	swait.ge [sflag:s22], $0x6400  }
0x38: {  	[sflag:s22] =	ssyncset.done $0x0  }
0x39: {  	[sflag:s22] =	ssyncadd.s32 $0xFFFF9C00  }
0x3a: {  	s29 =	simm.s32 $0xC80;
	s24 =	sadd.s32 $0x1900, s6;
	_ =	swait.ge [sflag:s22], $0x6400  }
0x3b: {  	s25 =	sadd.s32 $0x1900, s5;
	s26 =	simm.s32 $0x640;
	[sflag:s22] =	ssyncset.done $0x0  }
.LBB2_2:
0x3c: {  	s30 =	sshra.s32 s26, $0x2  }
0x3d: {  	[sflag:s22] =	ssyncadd.s32 $0xFFFF9C00;
	s26 =	smov.u32 s29;
	s28 =	sadd.s32 $0x640, s29  }
0x3e: {  	[tilespmem:s15], [sflag:$0x1] =	stream.indirect.gather [hbm4b:s3+s14], $0x80, s30, s14, $0xb8;
	[tilespmem:$0x1B8A0] =	vst v63  }
0x3f: {  	p0 =	sne.s32 s29, $0x4B00;
	s29 =	sadd.s32 $0x1450, s30  }
0x40: {  	[tilespmem:s16], [sflag:$0x1] =	stream.indirect.gather [hbm4b:s4+s14], $0x80, s29, s14, $0xb8;
	[tilespmem:$0x1B8A0] =	vst v63  }
0x41: {  	s29 =	sadd.s32 $0xC8, s30  }
0x42: {  	[tilespmem:s17], [sflag:$0x2] =	stream.indirect.gather [hbm4b:s3+s14], $0x80, s29, s14, $0xb8;
	[tilespmem:$0x1B8A0] =	vst v63  }
0x43: {  	s29 =	sadd.s32 $0x1518, s30  }
0x44: {  	[tilespmem:s18], [sflag:$0x2] =	stream.indirect.gather [hbm4b:s4+s14], $0x80, s29, s14, $0xb8;
	[tilespmem:$0x1B8A0] =	vst v63  }
0x45: {  	_ =	swait.ge [sflag:s19], $0x6400  }
0x46: {  	[sflag:s19] =	ssyncset.done $0x0  }
0x47: {  	[sflag:s19] =	ssyncadd.s32 $0xFFFF9C00  }
0x48: {  	_ =	swait.ge [sflag:s19], $0x6400  }
0x49: {  	[sflag:s19] =	ssyncset.done $0x0  }
0x4a: {  	s29 =	sadd.s32 s25, s10;
	[sflag:s19] =	ssyncadd.s32 $0xFFFF9C00  }
0x4b: {  	[hbm4b:s29+s2] =	stream.linear.scatter [tilespmem:s15], [sflag:$0x3], $0x6400, $0x38;
	[tilespmem:$0x1B8A0] =	vst v63  }
0x4c: {  	s29 =	sadd.s32 s24, s10  }
0x4d: {  	[hbm4b:s29+s2] =	stream.linear.scatter [tilespmem:s16], [sflag:$0x3], $0x6400, $0x38;
	[tilespmem:$0x1B8A0] =	vst v63  }
0x4e: {  	_ =	swait.ge [sflag:s20], $0x6400  }
0x4f: {  	[sflag:s20] =	ssyncset.done $0x0  }
0x50: {  	[sflag:s20] =	ssyncadd.s32 $0xFFFF9C00  }
0x51: {  	_ =	swait.ge [sflag:s20], $0x6400  }
0x52: {  	[sflag:s20] =	ssyncset.done $0x0  }
0x53: {  	s29 =	sadd.s32 s25, s11;
	[sflag:s20] =	ssyncadd.s32 $0xFFFF9C00  }
0x54: {  	[hbm4b:s29+s2] =	stream.linear.scatter [tilespmem:s17], [sflag:$0x4], $0x6400, $0x38;
	[tilespmem:$0x1B8A0] =	vst v63  }
0x55: {  	s29 =	sadd.s32 s24, s11  }
0x56: {  	[hbm4b:s29+s2] =	stream.linear.scatter [tilespmem:s18], [sflag:$0x4], $0x6400, $0x38;
	[tilespmem:$0x1B8A0] =	vst v63  }
0x57: {  	_ =	swait.ge [sflag:s21], $0x6400  }
0x58: {  	[sflag:s21] =	ssyncset.done $0x0  }
0x59: {  	[sflag:s21] =	ssyncadd.s32 $0xFFFF9C00  }
0x5a: {  	_ =	swait.ge [sflag:s21], $0x6400  }
0x5b: {  	[sflag:s21] =	ssyncset.done $0x0  }
0x5c: {  	[sflag:s21] =	ssyncadd.s32 $0xFFFF9C00  }
.Ltmp0:
0x5d: {  	_ =	swait.ge [sflag:s22], $0x6400;
	(pc) =	sbr.rel @p0 .LBB2_2-.Ltmp0, $4  }
0x5e: {  	[sflag:s22] =	ssyncset.done $0x0  }
0x5f: {  	[sflag:s22] =	ssyncadd.s32 $0xFFFF9C00  }
0x60: {  	s25 =	sadd.s32 $0x1900, s25;
	_ =	swait.ge [sflag:s22], $0x6400  }
0x61: {  	s24 =	sadd.s32 $0x1900, s24;
	s29 =	smov.u32 s28;
	[sflag:s22] =	ssyncset.done $0x0  }
0x62: {  	s26 =	sshra.s32 s26, $0x2;
	[sflag:s22] =	ssyncadd.s32 $0xFFFF9C00  }
0x63: {  	[tilespmem:s15], [sflag:$0x1] =	stream.indirect.gather [hbm4b:s3+s14], $0x80, s26, s14, $0xb8;
	[tilespmem:$0x1B8A0] =	vst v63  }
0x64: {  	s28 =	sadd.s32 $0x1450, s26  }
0x65: {  	[tilespmem:s16], [sflag:$0x1] =	stream.indirect.gather [hbm4b:s4+s14], $0x80, s28, s14, $0xb8;
	[tilespmem:$0x1B8A0] =	vst v63  }
0x66: {  	s31 =	sadd.s32 $0xC8, s26  }
0x67: {  	[tilespmem:s17], [sflag:$0x2] =	stream.indirect.gather [hbm4b:s3+s14], $0x80, s31, s14, $0xb8;
	[tilespmem:$0x1B8A0] =	vst v63  }
0x68: {  	s26 =	sadd.s32 $0x1518, s26  }
0x69: {  	[tilespmem:s18], [sflag:$0x2] =	stream.indirect.gather [hbm4b:s4+s14], $0x80, s26, s14, $0xb8;
	[tilespmem:$0x1B8A0] =	vst v63  }
0x6a: {  	_ =	swait.ge [sflag:s19], $0x6400  }
0x6b: {  	[sflag:s19] =	ssyncset.done $0x0  }
0x6c: {  	[sflag:s19] =	ssyncadd.s32 $0xFFFF9C00  }
0x6d: {  	_ =	swait.ge [sflag:s19], $0x6400  }
0x6e: {  	[sflag:s19] =	ssyncset.done $0x0  }
0x6f: {  	s28 =	sadd.s32 s25, s10;
	[sflag:s19] =	ssyncadd.s32 $0xFFFF9C00  }
0x70: {  	[hbm4b:s28+s2] =	stream.linear.scatter [tilespmem:s15], [sflag:$0x3], $0x6400, $0x38;
	[tilespmem:$0x1B8A0] =	vst v63  }
0x71: {  	s29 =	sadd.s32 s24, s10  }
0x72: {  	[hbm4b:s29+s2] =	stream.linear.scatter [tilespmem:s16], [sflag:$0x3], $0x6400, $0x38;
	[tilespmem:$0x1B8A0] =	vst v63  }
0x73: {  	_ =	swait.ge [sflag:s20], $0x6400  }
0x74: {  	[sflag:s20] =	ssyncset.done $0x0  }
0x75: {  	[sflag:s20] =	ssyncadd.s32 $0xFFFF9C00  }
0x76: {  	_ =	swait.ge [sflag:s20], $0x6400  }
0x77: {  	[sflag:s20] =	ssyncset.done $0x0  }
0x78: {  	s30 =	sadd.s32 s25, s11;
	[sflag:s20] =	ssyncadd.s32 $0xFFFF9C00  }
0x79: {  	[hbm4b:s30+s2] =	stream.linear.scatter [tilespmem:s17], [sflag:$0x4], $0x6400, $0x38;
	[tilespmem:$0x1B8A0] =	vst v63  }
0x7a: {  	s31 =	sadd.s32 s24, s11  }
0x7b: {  	[hbm4b:s31+s2] =	stream.linear.scatter [tilespmem:s18], [sflag:$0x4], $0x6400, $0x38;
	[tilespmem:$0x1B8A0] =	vst v63  }
0x7c: {  	_ =	swait.ge [sflag:s21], $0x6400  }
0x7d: {  	[sflag:s21] =	ssyncset.done $0x0  }
0x7e: {  	[sflag:s21] =	ssyncadd.s32 $0xFFFF9C00  }
0x7f: {  	_ =	swait.ge [sflag:s21], $0x6400  }
0x80: {  	[sflag:s21] =	ssyncset.done $0x0  }
0x81: {  	s23 =	sadd.s32 $0x1, s23;
	[sflag:s21] =	ssyncadd.s32 $0xFFFF9C00  }
0x82: {  	p0 =	sne.s32 s23, s9;
	_ =	swait.ge [sflag:s22], $0x6400  }
.Ltmp1:
0x83: {  	[sflag:s22] =	ssyncset.done $0x0;
	(pc) =	sbr.rel @p0 .LBB2_1-.Ltmp1, $4  }
0x84: {  	[sflag:s22] =	ssyncadd.s32 $0xFFFF9C00  }
0x85: {  	_ =	swait.ge [sflag:s22], $0x6400  }
0x86: {  	[sflag:s22] =	ssyncset.done $0x0  }
0x87: {  	[sflag:s22] =	ssyncadd.s32 $0xFFFF9C00  }
0x88: {  	_ =	sfence.sel $0x180000  }
0x89: {  	[bflag:$0x0] =	sbarrier.arrive $0xFFFF  }
0x8a: {  	p0 =	sne.s32 s0, $0x0;
	_ =	strace $0x9000004A  }
0x8b: {  	s0 =	sadd.s32 @!p0 $0x100000, s1;
	[bflag:$0x2] =	sbarrier.arrive $0xFFFF  }
0x8c: {  	[sflag:s0] =	ssyncadd.tile.s32 @!p0 $0x1;
	_ =	shalt  }
.Lfunc_end2:
_tile_overlayer_lowered:
.L_overlay_start_2:
0x8d: {  	(tag) =	ssettag $0x2  }
0x8e: {  	s0 =	rddreg [dreg:$0x0];
	s2 =	stileid.u32  }
0x8f: {  	s1 =	rddreg [dreg:$0x1];
	p0 =	sne.s32 s2, $0x0  }
0x90: {  	s3 =	rddreg [dreg:$0x2];
	[bflag:$0x3] =	sbarrier.arrive $0xFFFF;
	s2 =	simm.s32 @!p0 $0x1C05  }
0x91: {  	[timem:s3], [sflag:s2] =	dma.local @!p0 [hbm:s0], s1  }
0x92: {  	s0 =	simm.s32 @!p0 $0x5  }
0x93: {  	_ =	swait.ge @!p0 [sflag:s0], s1  }
0x94: {  	s1 =	ssub.s32 @!p0 $0x0, s1;
	[sflag:s0] =	ssyncset.done @!p0 $0x0  }
0x95: {  	[sflag:s0] =	ssyncadd.s32 @!p0 s1  }
0x96: {  	[bflag:$0x3] =	sbarrier.arrive $0xFFFF  }
0x97: {  	_ =	shalt  }

// kernel: kernel.27.cloned.1.call-start
scs
__scs_entry_jumppad:
0x0: {  	(pc) =	sbr.rel $0x88, $3  }
0x1: {  	(tag) =	ssettag $0x0;
	lr =	simm.s32 $0x1  }
0x2: {  	[smem:$0x3F86] =	sst lr;
	_ =	strace $0xD0000000  }
0x3: {  	_ = 	snop  }
0x4: {  	_ = 	snop  }
0x5: {  	_ = 	snop  }
0x6: {  	_ = 	snop  }
0x7: {  	_ = 	snop  }
__scs_overlays_trampoline_lowered:
0x8: {  	[smem:$0x3F95] =	sst s0  }
0x9: {  	[smem:$0x3F96] =	sst s1  }
0xa: {  	[smem:$0x3F97] =	sst s2  }
0xb: {  	[smem:$0x3F98] =	sst s3  }
0xc: {  	[smem:$0x3F99] =	sst s4  }
0xd: {  	[smem:$0x3F9A] =	sst s5  }
0xe: {  	[smem:$0x3F9B] =	sst s6  }
0xf: {  	[smem:$0x3F9C] =	sst s7  }
0x10: {  	[smem:$0x3F9D] =	sst s8  }
0x11: {  	[smem:$0x3F9E] =	sst s9;
	s0 =	simm.s32 @!p0 $0x0  }
0x12: {  	s1 =	sld [smem:$0x3F84];
	s0 =	simm.s32 @p0 $0x1  }
0x13: {  	[smem:$0x3F9F] =	sst s0;
	s0 =	simm.s32 @!p1 $0x0  }
0x14: {  	s2 =	sld [smem:$0x3F83];
	s0 =	simm.s32 @p1 $0x1  }
0x15: {  	[smem:$0x3FA0] =	sst s0;
	s0 =	simm.s32 @!p2 $0x0  }
0x16: {  	s3 =	sld [smem:$0x3FDB];
	s0 =	simm.s32 @p2 $0x1  }
0x17: {  	s4 =	simm.s32 $0x1BF5;
	[smem:$0x3FA2] =	sst s0  }
0x18: {  	s0 =	sld [smem:$0x3F85];
	_ =	swait.ge [sflag:s4], $0x0  }
0x19: {  	s7 =	sld [smem:$0x3F86]  }
0x1a: {  	s8 =	sadd.s32 $0xFFFFE003, lr  }
0x1b: {  	s9 =	sadd.s32 $0xFFFFFEF7, lr;
	s5 =	simm.s32 $0xFFFFFFFF;
	p2 =	slt.u32 s8, $0xFFFFF086  }
0x1c: {  	p1 =	slt.u32 s9, $0xF7A;
	s5 =	simm.s32 @!p2 $0x0  }
0x1d: {  	s5 =	simm.s32 @p1 $0x1;
	p0 =	seq.s32 s7, s2  }
0x1e: {  	s7 =	smul.u32 @!p0 $0xF7A, s2;
	p2 =	seq.s32 @!p0 s5, $0x0  }
0x1f: {  	s9 =	smul.u32 $0xF7A, s1;
	s8 =	simm.s32 @!p0 $0x1BF5;
	p2 =	por !p2, p0  }
0x20: {  	[sflag:s8] =	ssyncset.s32 @!p0 $0xFFFFF086;
	s6 =	sadd.s32 @!p0 s3, s7;
	s7 =	simm.s32 @!p0 $0x108  }
0x21: {  	s3 =	sadd.s32 s3, s9;
	s6 =	sadd.s32 @!p0 $0x88, s6;
	s7 =	simm.s32 @p2 $0x1082  }
0x22: {  	[simem:s7], [sflag:s8] =	dma.local @!p0 [hbm:s6], $0xF7A  }
0x23: {  	s9 =	sor.u32 $0xD0000000, s2;
	s6 =	simm.s32 $0x108;
	_ =	swait.ge @!p0 [sflag:s8], $0x0  }
0x24: {  	s3 =	sadd.s32 $0x88, s3;
	s6 =	simm.s32 @!p1 $0x1082;
	[sflag:s4] =	ssyncset.s32 $0xFFFFF086  }
0x25: {  	[simem:s6], [sflag:s4] =	dma.local [hbm:s3], $0xF7A  }
0x26: {  	[smem:$0x3F86] =	sst s1;
	(tag) =	ssettag s2;
	_ =	strace s9  }
0x27: {  	s1 =	sld [smem:$0x3F96]  }
0x28: {  	s2 =	sld [smem:$0x3F97]  }
0x29: {  	s4 =	sld [smem:$0x3F99]  }
0x2a: {  	p0 =	seq.s32 s5, $0x0;
	s5 =	sld [smem:$0x3F9A]  }
0x2b: {  	s6 =	sld [smem:$0x3F9B]  }
0x2c: {  	s7 =	sld [smem:$0x3F9C]  }
0x2d: {  	s3 =	simm.s32 $0x108;
	s8 =	sld [smem:$0x3F9D]  }
0x2e: {  	s3 =	simm.s32 @!p0 $0x1082;
	s9 =	sld [smem:$0x3F9E]  }
0x2f: {  	lr =	sadd.s32 s0, s3;
	s0 =	sld [smem:$0x3F95]  }
0x30: {  	s3 =	sld [smem:$0x3F98]  }
0x31: {  	[smem:$0x3FA1] =	sst s10  }
0x32: {  	s10 =	sld [smem:$0x3F9F];
	_ =	sdelay $0x3  }
0x33: {  	p0 =	seq.s32 s10, $0x1;
	s10 =	sld [smem:$0x3FA1];
	_ =	sdelay $0x3  }
0x34: {  	[smem:$0x3FA1] =	sst s10  }
0x35: {  	s10 =	sld [smem:$0x3FA0];
	_ =	sdelay $0x3  }
0x36: {  	p1 =	seq.s32 s10, $0x1;
	s10 =	sld [smem:$0x3FA1];
	_ =	sdelay $0x3  }
0x37: {  	[smem:$0x3FA1] =	sst s10  }
0x38: {  	s10 =	sld [smem:$0x3FA2]  }
0x39: {  	_ = 	snop;
	(pc) =	sbr.ind lr, $3  }
0x3a: {  	_ = 	snop  }
0x3b: {  	_ = 	snop  }
0x3c: {  	p2 =	seq.s32 s10, $0x1;
	s10 =	sld [smem:$0x3FA1]  }
0x3d: {  	_ =	shalt  }
0x3e: {  	_ =	shalt  }
0x3f: {  	_ =	shalt  }
0x40: {  	_ =	shalt  }
0x41: {  	_ =	shalt  }
0x42: {  	_ =	shalt  }
0x43: {  	_ =	shalt  }
0x44: {  	_ =	shalt  }
0x45: {  	_ =	shalt  }
0x46: {  	_ =	shalt  }
0x47: {  	_ =	shalt  }
0x48: {  	_ =	shalt  }
0x49: {  	_ =	shalt  }
0x4a: {  	_ =	shalt  }
0x4b: {  	_ =	shalt  }
0x4c: {  	_ =	shalt  }
0x4d: {  	_ =	shalt  }
0x4e: {  	_ =	shalt  }
0x4f: {  	_ =	shalt  }
0x50: {  	_ =	shalt  }
0x51: {  	_ =	shalt  }
0x52: {  	_ =	shalt  }
0x53: {  	_ =	shalt  }
0x54: {  	_ =	shalt  }
0x55: {  	_ =	shalt  }
0x56: {  	_ =	shalt  }
0x57: {  	_ =	shalt  }
0x58: {  	_ =	shalt  }
0x59: {  	_ =	shalt  }
0x5a: {  	_ =	shalt  }
0x5b: {  	_ =	shalt  }
0x5c: {  	_ =	shalt  }
0x5d: {  	_ =	shalt  }
0x5e: {  	_ =	shalt  }
0x5f: {  	_ =	shalt  }
0x60: {  	_ =	shalt  }
0x61: {  	_ =	shalt  }
0x62: {  	_ =	shalt  }
0x63: {  	_ =	shalt  }
0x64: {  	_ =	shalt  }
0x65: {  	_ =	shalt  }
0x66: {  	_ =	shalt  }
0x67: {  	_ =	shalt  }
0x68: {  	_ =	shalt  }
0x69: {  	_ =	shalt  }
0x6a: {  	_ =	shalt  }
0x6b: {  	_ =	shalt  }
0x6c: {  	_ =	shalt  }
0x6d: {  	_ =	shalt  }
0x6e: {  	_ =	shalt  }
0x6f: {  	_ =	shalt  }
0x70: {  	_ =	shalt  }
0x71: {  	_ =	shalt  }
0x72: {  	_ =	shalt  }
0x73: {  	_ =	shalt  }
0x74: {  	_ =	shalt  }
0x75: {  	_ =	shalt  }
0x76: {  	_ =	shalt  }
0x77: {  	_ =	shalt  }
0x78: {  	_ =	shalt  }
0x79: {  	_ =	shalt  }
0x7a: {  	_ =	shalt  }
0x7b: {  	_ =	shalt  }
0x7c: {  	_ =	shalt  }
0x7d: {  	_ =	shalt  }
0x7e: {  	_ =	shalt  }
0x7f: {  	_ =	shalt  }
0x80: {  	_ =	shalt  }
0x81: {  	_ =	shalt  }
0x82: {  	_ =	shalt  }
0x83: {  	_ =	shalt  }
0x84: {  	_ =	shalt  }
0x85: {  	_ =	shalt  }
0x86: {  	_ =	shalt  }
0x87: {  	_ =	shalt  }
.Lfunc_end0:
.L_simem_size_0:
called_computation.2_lowered:
.L_overlay_start_0:
0x88: {  	s2 =	sld [smem:$0x3FD9]  }
0x89: {  	s3 =	sld [smem:$0x3FFE];
	_ =	sdelay $0x1  }
0x8a: {  	s1 =	srdreg.scid  }
0x8b: {  	s0 =	sand.u32 $0x1, s1  }
0x8c: {  	s17 =	sshll.u32 s0, $0xA;
	s2 =	sadd.s32 s3, s2  }
0x8d: {  	s2 =	sadd.s32 s2, s17  }
0x8e: {  	[smem:$0x3FAD] =	sst s2  }
0x8f: {  	_ = 	snop  }
0x90: {  	(tm) =	ssettm $0x1  }
0x91: {  	s18 =	sld [smem:$0x3FFB];
	_ =	sdelay $0x3  }
0x92: {  	_ =	strace s18  }
0x93: {  	s2 =	sld [smem:$0x3FFC];
	_ =	sdelay $0x3  }
0x94: {  	_ =	strace s2  }
0x95: {  	s2 =	sld [smem:$0x3FFD];
	_ =	sdelay $0x3  }
0x96: {  	_ =	strace s2  }
0x97: {  	_ =	strace $0x8FFFFFFF  }
0x98: {  	s19 =	sld [smem:$0x3FDB];
	_ =	sdelay $0x1  }
0x99: {  	s20 =	simm.s32 $_scs_section_size  }
0x9a: {  	s4 =	simm.s32 $_size__tile_overlayer_lowered;
	s5 =	simm.s32 $_tile_overlayer_lowered  }
0x9b: {  	s6 =	simm.s32 $0x1BFF;
	s21 =	sshll.u32 s5, $0x1;
	s3 =	sadd.s32 s20, s19  }
0x9c: {  	s22 =	simm.s32 $0x0;
	s4 =	sshll.u32 s4, $0x1;
	s5 =	sadd.s32 s21, s3  }
0x9d: {  	[timem:s22], [sflag:s6] =	dma.local [hbm:s5], s4  }
0x9e: {  	_ =	swait.ge [sflag:s6], s4  }
0x9f: {  	s4 =	ssub.s32 $0x0, s4;
	[sflag:s6] =	ssyncset.done $0x0  }
0xa0: {  	[sflag:s6] =	ssyncadd.s32 s4;
	_ =	sdelay $0x1  }
0xa1: {  	s23 =	simm.s32 $0x1B8B  }
0xa2: {  	_ =	swait.ge [sflag:s23], $0x1  }
0xa3: {  	[sflag:s23] =	ssyncset.done $0x0  }
0xa4: {  	[sflag:s23] =	ssyncadd.s32 $0xFFFFFFFF  }
0xa5: {  	s4 =	sld [smem:$0x0]  }
0xa6: {  	s5 =	sand.u32 $0xFFFFFFFE, s1  }
0xa7: {  	p0 =	sne.s32 s1, s5  }
0xa8: {  	s5 =	sshll.u32 @p0 s5, $0xE  }
0xa9: {  	s5 =	sadd.s32 @p0 $0x11B8D, s5;
	s6 =	sshll.u32 @p0 s4, $0x11  }
0xaa: {  	s5 =	sor.u32 @p0 s6, s5  }
0xab: {  	[sflag:s5] =	ssyncadd.remote.s32 @p0 $0x1;
	_ =	sdelay $0x1  }
0xac: {  	s5 =	simm.s32 @p0 $0x1B8D  }
0xad: {  	_ =	swait.eq @p0 [sflag:s5], $0x1  }
0xae: {  	[sflag:s5] =	ssyncadd.s32 @p0 $0xFFFFFFFF  }
0xaf: {  	s6 =	sshll.u32 @!p0 s1, $0xE  }
0xb0: {  	s6 =	sor.u32 @!p0 $0x4000, s6;
	s5 =	simm.s32 @!p0 $0x1B8D  }
0xb1: {  	s4 =	sshll.u32 @!p0 s4, $0x11;
	s6 =	sadd.s32 @!p0 $0x11B8D, s6;
	_ =	swait.eq @!p0 [sflag:s5], $0x1  }
0xb2: {  	s4 =	sor.u32 @!p0 s4, s6;
	[sflag:s5] =	ssyncadd.s32 @!p0 $0xFFFFFFFF  }
0xb3: {  	s25 =	simm.s32 $0x1B8E;
	s24 =	sld [smem:$0x3FFE];
	[sflag:s4] =	ssyncadd.remote.s32 @!p0 $0x1  }
0xb4: {  	s26 =	simm.s32 $execute0_lowered;
	[smem:$0x3FD2] =	sst s25  }
0xb5: {  	s5 =	sshll.u32 s26, $0x1;
	_ =	strace $0x8000004C;
	[dreg:$0x1] =	wrdreg $0xFFFFFFFF  }
0xb6: {  	s28 =	simm.s32 $_size_execute0_lowered;
	s3 =	sadd.s32 s3, s5;
	[dreg:$0x0] =	wrdreg $0x0  }
0xb7: {  	s5 =	sshll.u32 s28, $0x1;
	[dreg:$0x2] =	wrdreg s3  }
0xb8: {  	[dreg:$0x3] =	wrdreg s5  }
0xb9: {  	[dreg:$0x4] =	wrdreg $0xC0  }
0xba: {  	_ =	task [dreg:s22], $0x5FFFF  }
0xbb: {  	[dreg:$0x1] =	wrdreg $0xFFFFFFFF  }
0xbc: {  	[dreg:$0x0] =	wrdreg $0x60  }
0xbd: {  	[dreg:$0x2] =	wrdreg s24  }
0xbe: {  	[dreg:$0x3] =	wrdreg $0x2AD00  }
0xbf: {  	[dreg:$0x4] =	wrdreg $0xA  }
0xc0: {  	_ =	task.clear_ibuf [dreg:s22], $0x5FFFF;
	_ =	strace $0x9000004C  }
0xc1: {  	s29 =	simm.s32 $0xA;
	_ =	strace $0x8000004E  }
0xc2: {  	_ =	swait.ge [sflag:s29], $0x1  }
0xc3: {  	[sflag:s29] =	ssyncadd.s32 $0xFFFFFFFF  }
0xc4: {  	_ =	strace $0x9000004E  }
0xc5: {  	_ =	sfence  }
0xc6: {  	s30 =	sld [smem:$0x0];
	_ =	sdelay $0x2  }
0xc7: {  	s31 =	sshll.u32 s1, $0xD;
	s1 =	sshrl.u32 s1, $0x2  }
0xc8: {  	s4 =	sand.u32 $0x4000, s31;
	s1 =	sadd.s32 s1, s30  }
0xc9: {  	s0 =	sor.u32 s4, s0;
	s1 =	sshll.u32 s1, $0x11  }
0xca: {  	s0 =	sor.u32 s1, s0  }
0xcb: {  	s0 =	sadd.s32 $0x8F2B, s0  }
0xcc: {  	[sflag:s0] =	ssyncadd.remote.s32 $0x1  }
0xcd: {  	_ =	sfence.sel $0xFFFF  }
0xce: {  	[dreg:$0x0] =	wrdreg $0xFFFFFFFF;
	(pc) =	sbr.abs _section_cstart, $3  }
0xcf: {  	[dreg:$0x1] =	wrdreg $0xFFFFFFFF  }
0xd0: {  	_ =	task.clear_ibuf [dreg:s22], $0x2FFFF;
	_ =	strace $0x9FFFFFFF  }
0xd1: {  	(tm) =	ssettm $0x7FFFFFFF  }
tec
execute0_lowered:
.L_overlay_start_1:
0x0: {  	(tag) =	ssettag $0x1  }
0x1: {  	s18 =	stileid.u32  }
0x2: {  	s0 =	srdreg.scid;
	s3 =	rddreg [dreg:$0x0]  }
0x3: {  	s1 =	rddreg [dreg:$0x1];
	s2 =	simm.s32 $0x0;
	s13 =	simm.s32 $0x1  }
0x4: {  	s14 =	simm.s32 $0x2;
	s15 =	simm.s32 $0x5;
	s4 =	smul.u32 $0x27D80, s18  }
0x5: {  	s16 =	simm.s32 $0x3;
	s17 =	simm.s32 $0x4;
	s8 =	smul.u32 $0x14FC0, s18  }
0x6: {  	s5 =	sand.u32 $0x1, s0;
	s0 =	rddreg [dreg:$0x2];
	s12 =	smul.u32 $0x2580, s18  }
0x7: {  	s20 =	simm.s32 $0x0;
	[smem:$0x7FF] =	sst s2;
	s6 =	smul.u32 $0x29F80, s5  }
0x8: {  	s10 =	sadd.s32 $0xD800, s3;
	p0 =	sne.s32 s18, $0x0;
	s7 =	smul.u32 $0x14FC00, s5  }
0x9: {  	s18 =	sshll.u32 s18, $0x6;
	_ =	strace $0x8000004D;
	s26 =	smul.u32 $0x13EC0, s5  }
0xa: {  	s11 =	ssub.s32 $0x2, s5;
	s5 =	smul.u32 $0x12C0, s5;
	s18 =	sor.u32 $0x1C05, s18  }
0xb: {  	s9 =	sadd.s32 s4, s3;
	s28 =	sshrl.u32 s11, $0x1;
	s19 =	sadd.s32 s8, s1  }
0xc: {  	s24 =	sadd.s32 s6, s3;
	s25 =	sadd.s32 s8, s7;
	s11 =	ssub.s32 s11, s28  }
0xd: {  	s29 =	sadd.s32 s26, s9;
	s30 =	sadd.s32 s5, s12;
	s9 =	sshrl.u32 @!p0 s1, $0x3  }
0xe: {  	s12 =	simm.s32 $0x1590;
	s19 =	sshrl.u32 s19, $0x3;
	s6 =	sshrl.u32 s25, $0x3  }
0xf: {  	s5 =	smax.u32 s11, $0x1;
	s31 =	sor.u32 $0x28, s30;
	s7 =	sshrl.u32 s30, $0x3  }
0x10: {  	s11 =	simm.s32 $0x28;
	s6 =	sadd.s32 s6, s3;
	s3 =	sadd.s32 $0x2DE000, s24  }
0x11: {  	s8 =	sshrl.u32 s31, $0x3;
	s7 =	sadd.s32 s7, s10;
	s4 =	sadd.s32 $0x332000, s6  }
0x12: {  	s6 =	sadd.s32 $0x60800, s29;
	s8 =	sadd.s32 s8, s10;
	s10 =	simm.s32 $0x50  }
.LBB2_1:
0x13: {  	s21 =	simm.s32 @!p0 $0x1C05  }
0x14: {  	[spmem:s9], [sflag:s21] =	dma.local @!p0 [hbm:s3], $0x29F80  }
0x15: {  	s21 =	simm.s32 @!p0 $0x5  }
0x16: {  	_ =	swait.ge @!p0 [sflag:s21], $0x29F80  }
0x17: {  	[sflag:s21] =	ssyncset.done @!p0 $0x0  }
0x18: {  	[sflag:s21] =	ssyncadd.s32 @!p0 $0xFFFD6080  }
0x19: {  	s29 =	sadd.s32 $0x0, s7;
	[bflag:$0x0] =	sbarrier.arrive $0xFFFF  }
0x1a: {  	[tilespmem:s2], [sflag:$0x1] =	stream.linear.gather [hbm4b:s29+s2], $0x28, $0x38;
	[tilespmem:$0x17A90] =	vst v63  }
0x1b: {  	_ = 	snop  }
0x1c: {  	[tilespmem:s10], [sflag:$0x2] =	stream.linear.gather [hbm4b:s6+s2], $0x1540, $0x38;
	[tilespmem:$0x17A90] =	vst v63  }
0x1d: {  	s30 =	sadd.s32 $0x0, s8  }
0x1e: {  	[tilespmem:s11], [sflag:$0x3] =	stream.linear.gather [hbm4b:s30+s2], $0x28, $0x38;
	[tilespmem:$0x17A90] =	vst v63  }
0x1f: {  	s31 =	sadd.s32 $0x2A8, s6  }
0x20: {  	[tilespmem:s12], [sflag:$0x4] =	stream.linear.gather [hbm4b:s31+s2], $0x1540, $0x38;
	[tilespmem:$0x17A90] =	vst v63  }
0x21: {  	_ =	swait.ge [sflag:s13], $0x28  }
0x22: {  	[sflag:s13] =	ssyncset.done $0x0  }
0x23: {  	[sflag:s13] =	ssyncadd.s32 $0xFFFFFFD8  }
0x24: {  	_ =	swait.ge [sflag:s14], $0x1540  }
0x25: {  	[sflag:s14] =	ssyncset.done $0x0  }
0x26: {  	[sflag:s14] =	ssyncadd.s32 $0xFFFFEAC0  }
0x27: {  	[spmem:s1] =	stream.indirect.scatter.add.f32 [tilespmem:s10], [sflag:$0x5], $0x88, s2, s11, $0xb8;
	[tilespmem:$0x17A90] =	vst v63  }
0x28: {  	_ =	swait.ge [sflag:s15], $0x1540  }
0x29: {  	[sflag:s15] =	ssyncset.done $0x0  }
0x2a: {  	[sflag:s15] =	ssyncadd.s32 $0xFFFFEAC0  }
0x2b: {  	_ =	swait.ge [sflag:s16], $0x28  }
0x2c: {  	[sflag:s16] =	ssyncset.done $0x0  }
0x2d: {  	[sflag:s16] =	ssyncadd.s32 $0xFFFFFFD8  }
0x2e: {  	_ =	swait.ge [sflag:s17], $0x1540  }
0x2f: {  	[sflag:s17] =	ssyncset.done $0x0  }
0x30: {  	[sflag:s17] =	ssyncadd.s32 $0xFFFFEAC0  }
0x31: {  	[spmem:s1] =	stream.indirect.scatter.add.f32 [tilespmem:s12], [sflag:$0x5], $0x88, s11, s11, $0xb8;
	[tilespmem:$0x17A90] =	vst v63  }
0x32: {  	s23 =	simm.s32 $0x14;
	_ =	swait.ge [sflag:s15], $0x1540  }
0x33: {  	s22 =	sadd.s32 $0x550, s6;
	s21 =	simm.s32 $0xA;
	[sflag:s15] =	ssyncset.done $0x0  }
.LBB2_2:
0x34: {  	s24 =	sadd.s32 s21, s7  }
0x35: {  	[sflag:s15] =	ssyncadd.s32 $0xFFFFEAC0;
	s25 =	smov.u32 s23;
	s26 =	sadd.s32 $0xA, s23  }
0x36: {  	[tilespmem:s2], [sflag:$0x1] =	stream.linear.gather [hbm4b:s24+s2], $0x28, $0x38;
	[tilespmem:$0x17A90] =	vst v63  }
0x37: {  	p1 =	sne.s32 s23, $0x24E  }
0x38: {  	[tilespmem:s10], [sflag:$0x2] =	stream.linear.gather [hbm4b:s22+s2], $0x1540, $0x38;
	[tilespmem:$0x17A90] =	vst v63  }
0x39: {  	s23 =	sadd.s32 s21, s8;
	s21 =	smov.u32 s25  }
0x3a: {  	[tilespmem:s11], [sflag:$0x3] =	stream.linear.gather [hbm4b:s23+s2], $0x28, $0x38;
	[tilespmem:$0x17A90] =	vst v63  }
0x3b: {  	s23 =	sadd.s32 $0x2A8, s22  }
0x3c: {  	[tilespmem:s12], [sflag:$0x4] =	stream.linear.gather [hbm4b:s23+s2], $0x1540, $0x38;
	[tilespmem:$0x17A90] =	vst v63  }
0x3d: {  	_ =	swait.ge [sflag:s13], $0x28  }
0x3e: {  	[sflag:s13] =	ssyncset.done $0x0  }
0x3f: {  	[sflag:s13] =	ssyncadd.s32 $0xFFFFFFD8  }
0x40: {  	_ =	swait.ge [sflag:s14], $0x1540  }
0x41: {  	[sflag:s14] =	ssyncset.done $0x0  }
0x42: {  	[sflag:s14] =	ssyncadd.s32 $0xFFFFEAC0  }
0x43: {  	[spmem:s1] =	stream.indirect.scatter.add.f32 [tilespmem:s10], [sflag:$0x5], $0x88, s2, s11, $0xb8;
	[tilespmem:$0x17A90] =	vst v63  }
0x44: {  	_ =	swait.ge [sflag:s15], $0x1540  }
0x45: {  	[sflag:s15] =	ssyncset.done $0x0  }
0x46: {  	[sflag:s15] =	ssyncadd.s32 $0xFFFFEAC0  }
0x47: {  	_ =	swait.ge [sflag:s16], $0x28  }
0x48: {  	[sflag:s16] =	ssyncset.done $0x0  }
0x49: {  	[sflag:s16] =	ssyncadd.s32 $0xFFFFFFD8  }
0x4a: {  	_ =	swait.ge [sflag:s17], $0x1540  }
.Ltmp0:
0x4b: {  	[sflag:s17] =	ssyncset.done $0x0;
	(pc) =	sbr.rel @p1 .LBB2_2-.Ltmp0, $4  }
0x4c: {  	[sflag:s17] =	ssyncadd.s32 $0xFFFFEAC0  }
0x4d: {  	[spmem:s1] =	stream.indirect.scatter.add.f32 [tilespmem:s12], [sflag:$0x5], $0x88, s11, s11, $0xb8;
	[tilespmem:$0x17A90] =	vst v63  }
0x4e: {  	_ =	swait.ge [sflag:s15], $0x1540  }
0x4f: {  	s22 =	sadd.s32 $0x550, s22;
	s23 =	smov.u32 s26;
	[sflag:s15] =	ssyncset.done $0x0  }
0x50: {  	s23 =	sadd.s32 s21, s7;
	[sflag:s15] =	ssyncadd.s32 $0xFFFFEAC0  }
0x51: {  	[tilespmem:s2], [sflag:$0x1] =	stream.linear.gather [hbm4b:s23+s2], $0x28, $0x38;
	[tilespmem:$0x17A90] =	vst v63  }
0x52: {  	_ = 	snop  }
0x53: {  	[tilespmem:s10], [sflag:$0x2] =	stream.linear.gather [hbm4b:s22+s2], $0x1540, $0x38;
	[tilespmem:$0x17A90] =	vst v63  }
0x54: {  	s30 =	sadd.s32 s21, s8  }
0x55: {  	[tilespmem:s11], [sflag:$0x3] =	stream.linear.gather [hbm4b:s30+s2], $0x28, $0x38;
	[tilespmem:$0x17A90] =	vst v63  }
0x56: {  	s31 =	sadd.s32 $0x2A8, s22  }
0x57: {  	[tilespmem:s12], [sflag:$0x4] =	stream.linear.gather [hbm4b:s31+s2], $0x1540, $0x38;
	[tilespmem:$0x17A90] =	vst v63  }
0x58: {  	_ =	swait.ge [sflag:s13], $0x28  }
0x59: {  	[sflag:s13] =	ssyncset.done $0x0  }
0x5a: {  	[sflag:s13] =	ssyncadd.s32 $0xFFFFFFD8  }
0x5b: {  	_ =	swait.ge [sflag:s14], $0x1540  }
0x5c: {  	[sflag:s14] =	ssyncset.done $0x0  }
0x5d: {  	[sflag:s14] =	ssyncadd.s32 $0xFFFFEAC0  }
0x5e: {  	[spmem:s1] =	stream.indirect.scatter.add.f32 [tilespmem:s10], [sflag:$0x5], $0x88, s2, s11, $0xb8;
	[tilespmem:$0x17A90] =	vst v63  }
0x5f: {  	_ =	swait.ge [sflag:s15], $0x1540  }
0x60: {  	[sflag:s15] =	ssyncset.done $0x0  }
0x61: {  	[sflag:s15] =	ssyncadd.s32 $0xFFFFEAC0  }
0x62: {  	_ =	swait.ge [sflag:s16], $0x28  }
0x63: {  	[sflag:s16] =	ssyncset.done $0x0  }
0x64: {  	[sflag:s16] =	ssyncadd.s32 $0xFFFFFFD8  }
0x65: {  	_ =	swait.ge [sflag:s17], $0x1540  }
0x66: {  	[sflag:s17] =	ssyncset.done $0x0  }
0x67: {  	[sflag:s17] =	ssyncadd.s32 $0xFFFFEAC0  }
0x68: {  	[spmem:s1] =	stream.indirect.scatter.add.f32 [tilespmem:s12], [sflag:$0x5], $0x88, s11, s11, $0xb8;
	[tilespmem:$0x17A90] =	vst v63  }
0x69: {  	_ =	swait.ge [sflag:s15], $0x1540  }
0x6a: {  	s20 =	sadd.s32 $0x1, s20;
	[sflag:s15] =	ssyncset.done $0x0  }
0x6b: {  	p1 =	sne.s32 s20, s5;
	[sflag:s15] =	ssyncadd.s32 $0xFFFFEAC0  }
.Ltmp1:
0x6c: {  	[bflag:$0x0] =	sbarrier.arrive $0xFFFF;
	(pc) =	sbr.rel @p1 .LBB2_1-.Ltmp1, $4  }
0x6d: {  	[hbm:s4], [sflag:s18] =	dma.local [spmem:s19], $0x29F8  }
0x6e: {  	_ =	swait.ge [sflag:s15], $0x29F8  }
0x6f: {  	[sflag:s15] =	ssyncset.done $0x0  }
0x70: {  	[sflag:s15] =	ssyncadd.s32 $0xFFFFD608  }
0x71: {  	_ =	sfence.sel $0x180000  }
0x72: {  	[bflag:$0x0] =	sbarrier.arrive $0xFFFF  }
0x73: {  	_ =	strace $0x9000004D  }
0x74: {  	s0 =	sadd.s32 @!p0 $0x100000, s0;
	[bflag:$0x2] =	sbarrier.arrive $0xFFFF  }
0x75: {  	[sflag:s0] =	ssyncadd.tile.s32 @!p0 $0x1;
	_ =	shalt  }
.Lfunc_end2:
_tile_overlayer_lowered:
.L_overlay_start_2:
0x76: {  	(tag) =	ssettag $0x2  }
0x77: {  	s0 =	rddreg [dreg:$0x0];
	s2 =	stileid.u32  }
0x78: {  	s1 =	rddreg [dreg:$0x1];
	p0 =	sne.s32 s2, $0x0  }
0x79: {  	s3 =	rddreg [dreg:$0x2];
	[bflag:$0x3] =	sbarrier.arrive $0xFFFF;
	s2 =	simm.s32 @!p0 $0x1C05  }
0x7a: {  	[timem:s3], [sflag:s2] =	dma.local @!p0 [hbm:s0], s1  }
0x7b: {  	s0 =	simm.s32 @!p0 $0x5  }
0x7c: {  	_ =	swait.ge @!p0 [sflag:s0], s1  }
0x7d: {  	s1 =	ssub.s32 @!p0 $0x0, s1;
	[sflag:s0] =	ssyncset.done @!p0 $0x0  }
0x7e: {  	[sflag:s0] =	ssyncadd.s32 @!p0 s1  }
0x7f: {  	[bflag:$0x3] =	sbarrier.arrive $0xFFFF  }
0x80: {  	_ =	shalt  }

// kernel: kernel.30.cloned.1.call-start
scs
__scs_entry_jumppad:
0x0: {  	(pc) =	sbr.rel $0x88, $3  }
0x1: {  	(tag) =	ssettag $0x0;
	lr =	simm.s32 $0x1  }
0x2: {  	[smem:$0x3F86] =	sst lr;
	_ =	strace $0xD0000000  }
0x3: {  	_ = 	snop  }
0x4: {  	_ = 	snop  }
0x5: {  	_ = 	snop  }
0x6: {  	_ = 	snop  }
0x7: {  	_ = 	snop  }
__scs_overlays_trampoline_lowered:
0x8: {  	[smem:$0x3F95] =	sst s0  }
0x9: {  	[smem:$0x3F96] =	sst s1  }
0xa: {  	[smem:$0x3F97] =	sst s2  }
0xb: {  	[smem:$0x3F98] =	sst s3  }
0xc: {  	[smem:$0x3F99] =	sst s4  }
0xd: {  	[smem:$0x3F9A] =	sst s5  }
0xe: {  	[smem:$0x3F9B] =	sst s6  }
0xf: {  	[smem:$0x3F9C] =	sst s7  }
0x10: {  	[smem:$0x3F9D] =	sst s8  }
0x11: {  	[smem:$0x3F9E] =	sst s9;
	s0 =	simm.s32 @!p0 $0x0  }
0x12: {  	s1 =	sld [smem:$0x3F84];
	s0 =	simm.s32 @p0 $0x1  }
0x13: {  	[smem:$0x3F9F] =	sst s0;
	s0 =	simm.s32 @!p1 $0x0  }
0x14: {  	s2 =	sld [smem:$0x3F83];
	s0 =	simm.s32 @p1 $0x1  }
0x15: {  	[smem:$0x3FA0] =	sst s0;
	s0 =	simm.s32 @!p2 $0x0  }
0x16: {  	s3 =	sld [smem:$0x3FDB];
	s0 =	simm.s32 @p2 $0x1  }
0x17: {  	s4 =	simm.s32 $0x1BF5;
	[smem:$0x3FA2] =	sst s0  }
0x18: {  	s0 =	sld [smem:$0x3F85];
	_ =	swait.ge [sflag:s4], $0x0  }
0x19: {  	s7 =	sld [smem:$0x3F86]  }
0x1a: {  	s8 =	sadd.s32 $0xFFFFE003, lr  }
0x1b: {  	s9 =	sadd.s32 $0xFFFFFEF7, lr;
	s5 =	simm.s32 $0xFFFFFFFF;
	p2 =	slt.u32 s8, $0xFFFFF086  }
0x1c: {  	p1 =	slt.u32 s9, $0xF7A;
	s5 =	simm.s32 @!p2 $0x0  }
0x1d: {  	s5 =	simm.s32 @p1 $0x1;
	p0 =	seq.s32 s7, s2  }
0x1e: {  	s7 =	smul.u32 @!p0 $0xF7A, s2;
	p2 =	seq.s32 @!p0 s5, $0x0  }
0x1f: {  	s9 =	smul.u32 $0xF7A, s1;
	s8 =	simm.s32 @!p0 $0x1BF5;
	p2 =	por !p2, p0  }
0x20: {  	[sflag:s8] =	ssyncset.s32 @!p0 $0xFFFFF086;
	s6 =	sadd.s32 @!p0 s3, s7;
	s7 =	simm.s32 @!p0 $0x108  }
0x21: {  	s3 =	sadd.s32 s3, s9;
	s6 =	sadd.s32 @!p0 $0x88, s6;
	s7 =	simm.s32 @p2 $0x1082  }
0x22: {  	[simem:s7], [sflag:s8] =	dma.local @!p0 [hbm:s6], $0xF7A  }
0x23: {  	s9 =	sor.u32 $0xD0000000, s2;
	s6 =	simm.s32 $0x108;
	_ =	swait.ge @!p0 [sflag:s8], $0x0  }
0x24: {  	s3 =	sadd.s32 $0x88, s3;
	s6 =	simm.s32 @!p1 $0x1082;
	[sflag:s4] =	ssyncset.s32 $0xFFFFF086  }
0x25: {  	[simem:s6], [sflag:s4] =	dma.local [hbm:s3], $0xF7A  }
0x26: {  	[smem:$0x3F86] =	sst s1;
	(tag) =	ssettag s2;
	_ =	strace s9  }
0x27: {  	s1 =	sld [smem:$0x3F96]  }
0x28: {  	s2 =	sld [smem:$0x3F97]  }
0x29: {  	s4 =	sld [smem:$0x3F99]  }
0x2a: {  	p0 =	seq.s32 s5, $0x0;
	s5 =	sld [smem:$0x3F9A]  }
0x2b: {  	s6 =	sld [smem:$0x3F9B]  }
0x2c: {  	s7 =	sld [smem:$0x3F9C]  }
0x2d: {  	s3 =	simm.s32 $0x108;
	s8 =	sld [smem:$0x3F9D]  }
0x2e: {  	s3 =	simm.s32 @!p0 $0x1082;
	s9 =	sld [smem:$0x3F9E]  }
0x2f: {  	lr =	sadd.s32 s0, s3;
	s0 =	sld [smem:$0x3F95]  }
0x30: {  	s3 =	sld [smem:$0x3F98]  }
0x31: {  	[smem:$0x3FA1] =	sst s10  }
0x32: {  	s10 =	sld [smem:$0x3F9F];
	_ =	sdelay $0x3  }
0x33: {  	p0 =	seq.s32 s10, $0x1;
	s10 =	sld [smem:$0x3FA1];
	_ =	sdelay $0x3  }
0x34: {  	[smem:$0x3FA1] =	sst s10  }
0x35: {  	s10 =	sld [smem:$0x3FA0];
	_ =	sdelay $0x3  }
0x36: {  	p1 =	seq.s32 s10, $0x1;
	s10 =	sld [smem:$0x3FA1];
	_ =	sdelay $0x3  }
0x37: {  	[smem:$0x3FA1] =	sst s10  }
0x38: {  	s10 =	sld [smem:$0x3FA2]  }
0x39: {  	_ = 	snop;
	(pc) =	sbr.ind lr, $3  }
0x3a: {  	_ = 	snop  }
0x3b: {  	_ = 	snop  }
0x3c: {  	p2 =	seq.s32 s10, $0x1;
	s10 =	sld [smem:$0x3FA1]  }
0x3d: {  	_ =	shalt  }
0x3e: {  	_ =	shalt  }
0x3f: {  	_ =	shalt  }
0x40: {  	_ =	shalt  }
0x41: {  	_ =	shalt  }
0x42: {  	_ =	shalt  }
0x43: {  	_ =	shalt  }
0x44: {  	_ =	shalt  }
0x45: {  	_ =	shalt  }
0x46: {  	_ =	shalt  }
0x47: {  	_ =	shalt  }
0x48: {  	_ =	shalt  }
0x49: {  	_ =	shalt  }
0x4a: {  	_ =	shalt  }
0x4b: {  	_ =	shalt  }
0x4c: {  	_ =	shalt  }
0x4d: {  	_ =	shalt  }
0x4e: {  	_ =	shalt  }
0x4f: {  	_ =	shalt  }
0x50: {  	_ =	shalt  }
0x51: {  	_ =	shalt  }
0x52: {  	_ =	shalt  }
0x53: {  	_ =	shalt  }
0x54: {  	_ =	shalt  }
0x55: {  	_ =	shalt  }
0x56: {  	_ =	shalt  }
0x57: {  	_ =	shalt  }
0x58: {  	_ =	shalt  }
0x59: {  	_ =	shalt  }
0x5a: {  	_ =	shalt  }
0x5b: {  	_ =	shalt  }
0x5c: {  	_ =	shalt  }
0x5d: {  	_ =	shalt  }
0x5e: {  	_ =	shalt  }
0x5f: {  	_ =	shalt  }
0x60: {  	_ =	shalt  }
0x61: {  	_ =	shalt  }
0x62: {  	_ =	shalt  }
0x63: {  	_ =	shalt  }
0x64: {  	_ =	shalt  }
0x65: {  	_ =	shalt  }
0x66: {  	_ =	shalt  }
0x67: {  	_ =	shalt  }
0x68: {  	_ =	shalt  }
0x69: {  	_ =	shalt  }
0x6a: {  	_ =	shalt  }
0x6b: {  	_ =	shalt  }
0x6c: {  	_ =	shalt  }
0x6d: {  	_ =	shalt  }
0x6e: {  	_ =	shalt  }
0x6f: {  	_ =	shalt  }
0x70: {  	_ =	shalt  }
0x71: {  	_ =	shalt  }
0x72: {  	_ =	shalt  }
0x73: {  	_ =	shalt  }
0x74: {  	_ =	shalt  }
0x75: {  	_ =	shalt  }
0x76: {  	_ =	shalt  }
0x77: {  	_ =	shalt  }
0x78: {  	_ =	shalt  }
0x79: {  	_ =	shalt  }
0x7a: {  	_ =	shalt  }
0x7b: {  	_ =	shalt  }
0x7c: {  	_ =	shalt  }
0x7d: {  	_ =	shalt  }
0x7e: {  	_ =	shalt  }
0x7f: {  	_ =	shalt  }
0x80: {  	_ =	shalt  }
0x81: {  	_ =	shalt  }
0x82: {  	_ =	shalt  }
0x83: {  	_ =	shalt  }
0x84: {  	_ =	shalt  }
0x85: {  	_ =	shalt  }
0x86: {  	_ =	shalt  }
0x87: {  	_ =	shalt  }
.Lfunc_end0:
.L_simem_size_0:
called_computation.3_lowered:
.L_overlay_start_0:
0x88: {  	s2 =	sld [smem:$0x3FD9]  }
0x89: {  	s3 =	sld [smem:$0x3FFE];
	_ =	sdelay $0x1  }
0x8a: {  	s1 =	srdreg.scid  }
0x8b: {  	s0 =	sand.u32 $0x1, s1  }
0x8c: {  	s16 =	sshll.u32 s0, $0xA;
	s2 =	sadd.s32 s3, s2  }
0x8d: {  	s2 =	sadd.s32 s2, s16  }
0x8e: {  	[smem:$0x3FAD] =	sst s2  }
0x8f: {  	_ = 	snop  }
0x90: {  	(tm) =	ssettm $0x1  }
0x91: {  	s17 =	sld [smem:$0x3FFB];
	_ =	sdelay $0x3  }
0x92: {  	_ =	strace s17  }
0x93: {  	s2 =	sld [smem:$0x3FFC];
	_ =	sdelay $0x3  }
0x94: {  	_ =	strace s2  }
0x95: {  	s2 =	sld [smem:$0x3FFD];
	_ =	sdelay $0x3  }
0x96: {  	_ =	strace s2  }
0x97: {  	_ =	strace $0x8FFFFFFF  }
0x98: {  	s18 =	sld [smem:$0x3FDB];
	_ =	sdelay $0x1  }
0x99: {  	s19 =	simm.s32 $_scs_section_size  }
0x9a: {  	s4 =	simm.s32 $_size__tile_overlayer_lowered;
	s5 =	simm.s32 $_tile_overlayer_lowered  }
0x9b: {  	s22 =	simm.s32 $0x1BFF;
	s21 =	sshll.u32 s5, $0x1;
	s2 =	sadd.s32 s19, s18  }
0x9c: {  	s6 =	simm.s32 $0x0;
	s20 =	sshll.u32 s4, $0x1;
	s4 =	sadd.s32 s21, s2  }
0x9d: {  	[timem:s6], [sflag:s22] =	dma.local [hbm:s4], s20  }
0x9e: {  	_ =	swait.ge [sflag:s22], s20  }
0x9f: {  	s3 =	ssub.s32 $0x0, s20;
	[sflag:s22] =	ssyncset.done $0x0  }
0xa0: {  	[sflag:s22] =	ssyncadd.s32 s3;
	_ =	sdelay $0x1  }
0xa1: {  	s23 =	simm.s32 $0x1B8B  }
0xa2: {  	_ =	swait.ge [sflag:s23], $0x1  }
0xa3: {  	[sflag:s23] =	ssyncset.done $0x0  }
0xa4: {  	s25 =	simm.s32 $0x1B8E;
	s24 =	sld [smem:$0x3FFE];
	[sflag:s23] =	ssyncadd.s32 $0xFFFFFFFF  }
0xa5: {  	s26 =	simm.s32 $execute0_lowered;
	[smem:$0x3FD2] =	sst s25  }
0xa6: {  	s4 =	sshll.u32 s26, $0x1;
	_ =	strace $0x8000004F;
	[dreg:$0x1] =	wrdreg $0xFFFFFFFF  }
0xa7: {  	s28 =	simm.s32 $_size_execute0_lowered;
	s2 =	sadd.s32 s2, s4;
	[dreg:$0x0] =	wrdreg $0x0  }
0xa8: {  	s4 =	sshll.u32 s28, $0x1;
	[dreg:$0x2] =	wrdreg s2  }
0xa9: {  	[dreg:$0x3] =	wrdreg s4  }
0xaa: {  	[dreg:$0x4] =	wrdreg $0xC0  }
0xab: {  	_ =	task [dreg:s6], $0x5FFFF  }
0xac: {  	[dreg:$0x1] =	wrdreg $0xFFFFFFFF  }
0xad: {  	[dreg:$0x0] =	wrdreg $0x60  }
0xae: {  	[dreg:$0x2] =	wrdreg s24  }
0xaf: {  	[dreg:$0x3] =	wrdreg $0x2AD00  }
0xb0: {  	[dreg:$0x4] =	wrdreg $0x9  }
0xb1: {  	_ =	task.clear_ibuf [dreg:s6], $0x5FFFF;
	_ =	strace $0x9000004F  }
0xb2: {  	s29 =	simm.s32 $0x9;
	_ =	strace $0x80000051  }
0xb3: {  	_ =	swait.ge [sflag:s29], $0x1  }
0xb4: {  	[sflag:s29] =	ssyncadd.s32 $0xFFFFFFFF  }
0xb5: {  	_ =	strace $0x90000051  }
0xb6: {  	_ =	sfence  }
0xb7: {  	s30 =	sld [smem:$0x0];
	_ =	sdelay $0x2  }
0xb8: {  	s31 =	sshll.u32 s1, $0xD;
	s1 =	sshrl.u32 s1, $0x2  }
0xb9: {  	s3 =	sand.u32 $0x4000, s31;
	s1 =	sadd.s32 s1, s30  }
0xba: {  	s0 =	sor.u32 s3, s0;
	s1 =	sshll.u32 s1, $0x11  }
0xbb: {  	s0 =	sor.u32 s1, s0  }
0xbc: {  	s0 =	sadd.s32 $0x8F2B, s0  }
0xbd: {  	[sflag:s0] =	ssyncadd.remote.s32 $0x1  }
0xbe: {  	_ =	sfence.sel $0xFFFF  }
0xbf: {  	[dreg:$0x0] =	wrdreg $0xFFFFFFFF;
	(pc) =	sbr.abs _section_cstart, $3  }
0xc0: {  	[dreg:$0x1] =	wrdreg $0xFFFFFFFF  }
0xc1: {  	_ =	task.clear_ibuf [dreg:s6], $0x2FFFF;
	_ =	strace $0x9FFFFFFF  }
0xc2: {  	(tm) =	ssettm $0x7FFFFFFF  }
0xc3: {  	_ =	shalt  }
tec
execute0_lowered:
.L_overlay_start_1:
0x0: {  	(tag) =	ssettag $0x1  }
0x1: {  	s18 =	stileid.u32  }
0x2: {  	s0 =	srdreg.scid;
	s3 =	rddreg [dreg:$0x0]  }
0x3: {  	s1 =	rddreg [dreg:$0x1];
	s2 =	simm.s32 $0x0;
	s13 =	simm.s32 $0x1  }
0x4: {  	s14 =	simm.s32 $0x2;
	s15 =	simm.s32 $0x5;
	s4 =	smul.u32 $0x2B2A0, s18  }
0x5: {  	s16 =	simm.s32 $0x3;
	s17 =	simm.s32 $0x4;
	s8 =	smul.u32 $0x14FC0, s18  }
0x6: {  	s5 =	sand.u32 $0x1, s0;
	s0 =	rddreg [dreg:$0x2];
	s12 =	smul.u32 $0x28A0, s18  }
0x7: {  	s20 =	simm.s32 $0x0;
	[smem:$0x7FF] =	sst s2;
	s6 =	smul.u32 $0x29F80, s5  }
0x8: {  	s10 =	sadd.s32 $0x510800, s3;
	p0 =	sne.s32 s18, $0x0;
	s7 =	smul.u32 $0x14FC00, s5  }
0x9: {  	s18 =	sshll.u32 s18, $0x6;
	_ =	strace $0x80000050;
	s26 =	smul.u32 $0x15950, s5  }
0xa: {  	s11 =	ssub.s32 $0x2, s5;
	s5 =	smul.u32 $0x1450, s5;
	s18 =	sor.u32 $0x1C05, s18  }
0xb: {  	s9 =	sadd.s32 s4, s3;
	s28 =	sshrl.u32 s11, $0x1;
	s19 =	sadd.s32 s8, s1  }
0xc: {  	s24 =	sadd.s32 s6, s3;
	s25 =	sadd.s32 s8, s7;
	s11 =	ssub.s32 s11, s28  }
0xd: {  	s29 =	sadd.s32 s26, s9;
	s30 =	sadd.s32 s5, s12;
	s9 =	sshrl.u32 @!p0 s1, $0x3  }
0xe: {  	s12 =	simm.s32 $0x1590;
	s19 =	sshrl.u32 s19, $0x3;
	s6 =	sshrl.u32 s25, $0x3  }
0xf: {  	s5 =	smax.u32 s11, $0x1;
	s31 =	sadd.s32 $0x28, s30;
	s7 =	sshrl.u32 s30, $0x3  }
0x10: {  	s11 =	simm.s32 $0x28;
	s6 =	sadd.s32 s6, s3;
	s3 =	sadd.s32 $0x332000, s24  }
0x11: {  	s8 =	sshrl.u32 s31, $0x3;
	s7 =	sadd.s32 s7, s10;
	s4 =	sadd.s32 $0x386000, s6  }
0x12: {  	s6 =	sadd.s32 $0x515A00, s29;
	s8 =	sadd.s32 s8, s10;
	s10 =	simm.s32 $0x50  }
.LBB2_1:
0x13: {  	s21 =	simm.s32 @!p0 $0x1C05  }
0x14: {  	[spmem:s9], [sflag:s21] =	dma.local @!p0 [hbm:s3], $0x29F80  }
0x15: {  	s21 =	simm.s32 @!p0 $0x5  }
0x16: {  	_ =	swait.ge @!p0 [sflag:s21], $0x29F80  }
0x17: {  	[sflag:s21] =	ssyncset.done @!p0 $0x0  }
0x18: {  	[sflag:s21] =	ssyncadd.s32 @!p0 $0xFFFD6080  }
0x19: {  	s29 =	sadd.s32 $0x0, s7;
	[bflag:$0x0] =	sbarrier.arrive $0xFFFF  }
0x1a: {  	[tilespmem:s2], [sflag:$0x1] =	stream.linear.gather [hbm4b:s29+s2], $0x28, $0x38;
	[tilespmem:$0x17A90] =	vst v63  }
0x1b: {  	_ = 	snop  }
0x1c: {  	[tilespmem:s10], [sflag:$0x2] =	stream.linear.gather [hbm4b:s6+s2], $0x1540, $0x38;
	[tilespmem:$0x17A90] =	vst v63  }
0x1d: {  	s30 =	sadd.s32 $0x0, s8  }
0x1e: {  	[tilespmem:s11], [sflag:$0x3] =	stream.linear.gather [hbm4b:s30+s2], $0x28, $0x38;
	[tilespmem:$0x17A90] =	vst v63  }
0x1f: {  	s31 =	sadd.s32 $0x2A8, s6  }
0x20: {  	[tilespmem:s12], [sflag:$0x4] =	stream.linear.gather [hbm4b:s31+s2], $0x1540, $0x38;
	[tilespmem:$0x17A90] =	vst v63  }
0x21: {  	_ =	swait.ge [sflag:s13], $0x28  }
0x22: {  	[sflag:s13] =	ssyncset.done $0x0  }
0x23: {  	[sflag:s13] =	ssyncadd.s32 $0xFFFFFFD8  }
0x24: {  	_ =	swait.ge [sflag:s14], $0x1540  }
0x25: {  	[sflag:s14] =	ssyncset.done $0x0  }
0x26: {  	[sflag:s14] =	ssyncadd.s32 $0xFFFFEAC0  }
0x27: {  	[spmem:s1] =	stream.indirect.scatter.add.f32 [tilespmem:s10], [sflag:$0x5], $0x88, s2, s11, $0xb8;
	[tilespmem:$0x17A90] =	vst v63  }
0x28: {  	_ =	swait.ge [sflag:s15], $0x1540  }
0x29: {  	[sflag:s15] =	ssyncset.done $0x0  }
0x2a: {  	[sflag:s15] =	ssyncadd.s32 $0xFFFFEAC0  }
0x2b: {  	_ =	swait.ge [sflag:s16], $0x28  }
0x2c: {  	[sflag:s16] =	ssyncset.done $0x0  }
0x2d: {  	[sflag:s16] =	ssyncadd.s32 $0xFFFFFFD8  }
0x2e: {  	_ =	swait.ge [sflag:s17], $0x1540  }
0x2f: {  	[sflag:s17] =	ssyncset.done $0x0  }
0x30: {  	[sflag:s17] =	ssyncadd.s32 $0xFFFFEAC0  }
0x31: {  	[spmem:s1] =	stream.indirect.scatter.add.f32 [tilespmem:s12], [sflag:$0x5], $0x88, s11, s11, $0xb8;
	[tilespmem:$0x17A90] =	vst v63  }
0x32: {  	s23 =	simm.s32 $0x14;
	_ =	swait.ge [sflag:s15], $0x1540  }
0x33: {  	s22 =	sadd.s32 $0x550, s6;
	s21 =	simm.s32 $0xA;
	[sflag:s15] =	ssyncset.done $0x0  }
.LBB2_2:
0x34: {  	s24 =	sadd.s32 s21, s7  }
0x35: {  	[sflag:s15] =	ssyncadd.s32 $0xFFFFEAC0;
	s25 =	smov.u32 s23;
	s26 =	sadd.s32 $0xA, s23  }
0x36: {  	[tilespmem:s2], [sflag:$0x1] =	stream.linear.gather [hbm4b:s24+s2], $0x28, $0x38;
	[tilespmem:$0x17A90] =	vst v63  }
0x37: {  	p1 =	sne.s32 s23, $0x280  }
0x38: {  	[tilespmem:s10], [sflag:$0x2] =	stream.linear.gather [hbm4b:s22+s2], $0x1540, $0x38;
	[tilespmem:$0x17A90] =	vst v63  }
0x39: {  	s23 =	sadd.s32 s21, s8;
	s21 =	smov.u32 s25  }
0x3a: {  	[tilespmem:s11], [sflag:$0x3] =	stream.linear.gather [hbm4b:s23+s2], $0x28, $0x38;
	[tilespmem:$0x17A90] =	vst v63  }
0x3b: {  	s23 =	sadd.s32 $0x2A8, s22  }
0x3c: {  	[tilespmem:s12], [sflag:$0x4] =	stream.linear.gather [hbm4b:s23+s2], $0x1540, $0x38;
	[tilespmem:$0x17A90] =	vst v63  }
0x3d: {  	_ =	swait.ge [sflag:s13], $0x28  }
0x3e: {  	[sflag:s13] =	ssyncset.done $0x0  }
0x3f: {  	[sflag:s13] =	ssyncadd.s32 $0xFFFFFFD8  }
0x40: {  	_ =	swait.ge [sflag:s14], $0x1540  }
0x41: {  	[sflag:s14] =	ssyncset.done $0x0  }
0x42: {  	[sflag:s14] =	ssyncadd.s32 $0xFFFFEAC0  }
0x43: {  	[spmem:s1] =	stream.indirect.scatter.add.f32 [tilespmem:s10], [sflag:$0x5], $0x88, s2, s11, $0xb8;
	[tilespmem:$0x17A90] =	vst v63  }
0x44: {  	_ =	swait.ge [sflag:s15], $0x1540  }
0x45: {  	[sflag:s15] =	ssyncset.done $0x0  }
0x46: {  	[sflag:s15] =	ssyncadd.s32 $0xFFFFEAC0  }
0x47: {  	_ =	swait.ge [sflag:s16], $0x28  }
0x48: {  	[sflag:s16] =	ssyncset.done $0x0  }
0x49: {  	[sflag:s16] =	ssyncadd.s32 $0xFFFFFFD8  }
0x4a: {  	_ =	swait.ge [sflag:s17], $0x1540  }
.Ltmp0:
0x4b: {  	[sflag:s17] =	ssyncset.done $0x0;
	(pc) =	sbr.rel @p1 .LBB2_2-.Ltmp0, $4  }
0x4c: {  	[sflag:s17] =	ssyncadd.s32 $0xFFFFEAC0  }
0x4d: {  	[spmem:s1] =	stream.indirect.scatter.add.f32 [tilespmem:s12], [sflag:$0x5], $0x88, s11, s11, $0xb8;
	[tilespmem:$0x17A90] =	vst v63  }
0x4e: {  	_ =	swait.ge [sflag:s15], $0x1540  }
0x4f: {  	s22 =	sadd.s32 $0x550, s22;
	s23 =	smov.u32 s26;
	[sflag:s15] =	ssyncset.done $0x0  }
0x50: {  	s23 =	sadd.s32 s21, s7;
	[sflag:s15] =	ssyncadd.s32 $0xFFFFEAC0  }
0x51: {  	[tilespmem:s2], [sflag:$0x1] =	stream.linear.gather [hbm4b:s23+s2], $0x28, $0x38;
	[tilespmem:$0x17A90] =	vst v63  }
0x52: {  	_ = 	snop  }
0x53: {  	[tilespmem:s10], [sflag:$0x2] =	stream.linear.gather [hbm4b:s22+s2], $0x1540, $0x38;
	[tilespmem:$0x17A90] =	vst v63  }
0x54: {  	s30 =	sadd.s32 s21, s8  }
0x55: {  	[tilespmem:s11], [sflag:$0x3] =	stream.linear.gather [hbm4b:s30+s2], $0x28, $0x38;
	[tilespmem:$0x17A90] =	vst v63  }
0x56: {  	s31 =	sadd.s32 $0x2A8, s22  }
0x57: {  	[tilespmem:s12], [sflag:$0x4] =	stream.linear.gather [hbm4b:s31+s2], $0x1540, $0x38;
	[tilespmem:$0x17A90] =	vst v63  }
0x58: {  	_ =	swait.ge [sflag:s13], $0x28  }
0x59: {  	[sflag:s13] =	ssyncset.done $0x0  }
0x5a: {  	[sflag:s13] =	ssyncadd.s32 $0xFFFFFFD8  }
0x5b: {  	_ =	swait.ge [sflag:s14], $0x1540  }
0x5c: {  	[sflag:s14] =	ssyncset.done $0x0  }
0x5d: {  	[sflag:s14] =	ssyncadd.s32 $0xFFFFEAC0  }
0x5e: {  	[spmem:s1] =	stream.indirect.scatter.add.f32 [tilespmem:s10], [sflag:$0x5], $0x88, s2, s11, $0xb8;
	[tilespmem:$0x17A90] =	vst v63  }
0x5f: {  	_ =	swait.ge [sflag:s15], $0x1540  }
0x60: {  	[sflag:s15] =	ssyncset.done $0x0  }
0x61: {  	[sflag:s15] =	ssyncadd.s32 $0xFFFFEAC0  }
0x62: {  	_ =	swait.ge [sflag:s16], $0x28  }
0x63: {  	[sflag:s16] =	ssyncset.done $0x0  }
0x64: {  	[sflag:s16] =	ssyncadd.s32 $0xFFFFFFD8  }
0x65: {  	_ =	swait.ge [sflag:s17], $0x1540  }
0x66: {  	[sflag:s17] =	ssyncset.done $0x0  }
0x67: {  	[sflag:s17] =	ssyncadd.s32 $0xFFFFEAC0  }
0x68: {  	[spmem:s1] =	stream.indirect.scatter.add.f32 [tilespmem:s12], [sflag:$0x5], $0x88, s11, s11, $0xb8;
	[tilespmem:$0x17A90] =	vst v63  }
0x69: {  	_ =	swait.ge [sflag:s15], $0x1540  }
0x6a: {  	s20 =	sadd.s32 $0x1, s20;
	[sflag:s15] =	ssyncset.done $0x0  }
0x6b: {  	p1 =	sne.s32 s20, s5;
	[sflag:s15] =	ssyncadd.s32 $0xFFFFEAC0  }
.Ltmp1:
0x6c: {  	[bflag:$0x0] =	sbarrier.arrive $0xFFFF;
	(pc) =	sbr.rel @p1 .LBB2_1-.Ltmp1, $4  }
0x6d: {  	[hbm:s4], [sflag:s18] =	dma.local [spmem:s19], $0x29F8  }
0x6e: {  	_ =	swait.ge [sflag:s15], $0x29F8  }
0x6f: {  	[sflag:s15] =	ssyncset.done $0x0  }
0x70: {  	[sflag:s15] =	ssyncadd.s32 $0xFFFFD608  }
0x71: {  	_ =	sfence.sel $0x180000  }
0x72: {  	[bflag:$0x0] =	sbarrier.arrive $0xFFFF  }
0x73: {  	_ =	strace $0x90000050  }
0x74: {  	s0 =	sadd.s32 @!p0 $0x100000, s0;
	[bflag:$0x2] =	sbarrier.arrive $0xFFFF  }
0x75: {  	[sflag:s0] =	ssyncadd.tile.s32 @!p0 $0x1;
	_ =	shalt  }
.Lfunc_end2:
_tile_overlayer_lowered:
.L_overlay_start_2:
0x76: {  	(tag) =	ssettag $0x2  }
0x77: {  	s0 =	rddreg [dreg:$0x0];
	s2 =	stileid.u32  }
0x78: {  	s1 =	rddreg [dreg:$0x1];
	p0 =	sne.s32 s2, $0x0  }
0x79: {  	s3 =	rddreg [dreg:$0x2];
	[bflag:$0x3] =	sbarrier.arrive $0xFFFF;
	s2 =	simm.s32 @!p0 $0x1C05  }
0x7a: {  	[timem:s3], [sflag:s2] =	dma.local @!p0 [hbm:s0], s1  }
0x7b: {  	s0 =	simm.s32 @!p0 $0x5  }
0x7c: {  	_ =	swait.ge @!p0 [sflag:s0], s1  }
0x7d: {  	s1 =	ssub.s32 @!p0 $0x0, s1;
	[sflag:s0] =	ssyncset.done @!p0 $0x0  }
0x7e: {  	[sflag:s0] =	ssyncadd.s32 @!p0 s1  }
0x7f: {  	[bflag:$0x3] =	sbarrier.arrive $0xFFFF  }
0x80: {  	_ =	shalt  }

// kernel: kernel.33.cloned.1.call-start
scs
__scs_entry_jumppad:
0x0: {  	(pc) =	sbr.rel $0x88, $3  }
0x1: {  	(tag) =	ssettag $0x0;
	lr =	simm.s32 $0x1  }
0x2: {  	[smem:$0x3F86] =	sst lr;
	_ =	strace $0xD0000000  }
0x3: {  	_ = 	snop  }
0x4: {  	_ = 	snop  }
0x5: {  	_ = 	snop  }
0x6: {  	_ = 	snop  }
0x7: {  	_ = 	snop  }
__scs_overlays_trampoline_lowered:
0x8: {  	[smem:$0x3F95] =	sst s0  }
0x9: {  	[smem:$0x3F96] =	sst s1  }
0xa: {  	[smem:$0x3F97] =	sst s2  }
0xb: {  	[smem:$0x3F98] =	sst s3  }
0xc: {  	[smem:$0x3F99] =	sst s4  }
0xd: {  	[smem:$0x3F9A] =	sst s5  }
0xe: {  	[smem:$0x3F9B] =	sst s6  }
0xf: {  	[smem:$0x3F9C] =	sst s7  }
0x10: {  	[smem:$0x3F9D] =	sst s8  }
0x11: {  	[smem:$0x3F9E] =	sst s9;
	s0 =	simm.s32 @!p0 $0x0  }
0x12: {  	s1 =	sld [smem:$0x3F84];
	s0 =	simm.s32 @p0 $0x1  }
0x13: {  	[smem:$0x3F9F] =	sst s0;
	s0 =	simm.s32 @!p1 $0x0  }
0x14: {  	s2 =	sld [smem:$0x3F83];
	s0 =	simm.s32 @p1 $0x1  }
0x15: {  	[smem:$0x3FA0] =	sst s0;
	s0 =	simm.s32 @!p2 $0x0  }
0x16: {  	s3 =	sld [smem:$0x3FDB];
	s0 =	simm.s32 @p2 $0x1  }
0x17: {  	s4 =	simm.s32 $0x1BF5;
	[smem:$0x3FA2] =	sst s0  }
0x18: {  	s0 =	sld [smem:$0x3F85];
	_ =	swait.ge [sflag:s4], $0x0  }
0x19: {  	s7 =	sld [smem:$0x3F86]  }
0x1a: {  	s8 =	sadd.s32 $0xFFFFE003, lr  }
0x1b: {  	s9 =	sadd.s32 $0xFFFFFEF7, lr;
	s5 =	simm.s32 $0xFFFFFFFF;
	p2 =	slt.u32 s8, $0xFFFFF086  }
0x1c: {  	p1 =	slt.u32 s9, $0xF7A;
	s5 =	simm.s32 @!p2 $0x0  }
0x1d: {  	s5 =	simm.s32 @p1 $0x1;
	p0 =	seq.s32 s7, s2  }
0x1e: {  	s7 =	smul.u32 @!p0 $0xF7A, s2;
	p2 =	seq.s32 @!p0 s5, $0x0  }
0x1f: {  	s9 =	smul.u32 $0xF7A, s1;
	s8 =	simm.s32 @!p0 $0x1BF5;
	p2 =	por !p2, p0  }
0x20: {  	[sflag:s8] =	ssyncset.s32 @!p0 $0xFFFFF086;
	s6 =	sadd.s32 @!p0 s3, s7;
	s7 =	simm.s32 @!p0 $0x108  }
0x21: {  	s3 =	sadd.s32 s3, s9;
	s6 =	sadd.s32 @!p0 $0x88, s6;
	s7 =	simm.s32 @p2 $0x1082  }
0x22: {  	[simem:s7], [sflag:s8] =	dma.local @!p0 [hbm:s6], $0xF7A  }
0x23: {  	s9 =	sor.u32 $0xD0000000, s2;
	s6 =	simm.s32 $0x108;
	_ =	swait.ge @!p0 [sflag:s8], $0x0  }
0x24: {  	s3 =	sadd.s32 $0x88, s3;
	s6 =	simm.s32 @!p1 $0x1082;
	[sflag:s4] =	ssyncset.s32 $0xFFFFF086  }
0x25: {  	[simem:s6], [sflag:s4] =	dma.local [hbm:s3], $0xF7A  }
0x26: {  	[smem:$0x3F86] =	sst s1;
	(tag) =	ssettag s2;
	_ =	strace s9  }
0x27: {  	s1 =	sld [smem:$0x3F96]  }
0x28: {  	s2 =	sld [smem:$0x3F97]  }
0x29: {  	s4 =	sld [smem:$0x3F99]  }
0x2a: {  	p0 =	seq.s32 s5, $0x0;
	s5 =	sld [smem:$0x3F9A]  }
0x2b: {  	s6 =	sld [smem:$0x3F9B]  }
0x2c: {  	s7 =	sld [smem:$0x3F9C]  }
0x2d: {  	s3 =	simm.s32 $0x108;
	s8 =	sld [smem:$0x3F9D]  }
0x2e: {  	s3 =	simm.s32 @!p0 $0x1082;
	s9 =	sld [smem:$0x3F9E]  }
0x2f: {  	lr =	sadd.s32 s0, s3;
	s0 =	sld [smem:$0x3F95]  }
0x30: {  	s3 =	sld [smem:$0x3F98]  }
0x31: {  	[smem:$0x3FA1] =	sst s10  }
0x32: {  	s10 =	sld [smem:$0x3F9F];
	_ =	sdelay $0x3  }
0x33: {  	p0 =	seq.s32 s10, $0x1;
	s10 =	sld [smem:$0x3FA1];
	_ =	sdelay $0x3  }
0x34: {  	[smem:$0x3FA1] =	sst s10  }
0x35: {  	s10 =	sld [smem:$0x3FA0];
	_ =	sdelay $0x3  }
0x36: {  	p1 =	seq.s32 s10, $0x1;
	s10 =	sld [smem:$0x3FA1];
	_ =	sdelay $0x3  }
0x37: {  	[smem:$0x3FA1] =	sst s10  }
0x38: {  	s10 =	sld [smem:$0x3FA2]  }
0x39: {  	_ = 	snop;
	(pc) =	sbr.ind lr, $3  }
0x3a: {  	_ = 	snop  }
0x3b: {  	_ = 	snop  }
0x3c: {  	p2 =	seq.s32 s10, $0x1;
	s10 =	sld [smem:$0x3FA1]  }
0x3d: {  	_ =	shalt  }
0x3e: {  	_ =	shalt  }
0x3f: {  	_ =	shalt  }
0x40: {  	_ =	shalt  }
0x41: {  	_ =	shalt  }
0x42: {  	_ =	shalt  }
0x43: {  	_ =	shalt  }
0x44: {  	_ =	shalt  }
0x45: {  	_ =	shalt  }
0x46: {  	_ =	shalt  }
0x47: {  	_ =	shalt  }
0x48: {  	_ =	shalt  }
0x49: {  	_ =	shalt  }
0x4a: {  	_ =	shalt  }
0x4b: {  	_ =	shalt  }
0x4c: {  	_ =	shalt  }
0x4d: {  	_ =	shalt  }
0x4e: {  	_ =	shalt  }
0x4f: {  	_ =	shalt  }
0x50: {  	_ =	shalt  }
0x51: {  	_ =	shalt  }
0x52: {  	_ =	shalt  }
0x53: {  	_ =	shalt  }
0x54: {  	_ =	shalt  }
0x55: {  	_ =	shalt  }
0x56: {  	_ =	shalt  }
0x57: {  	_ =	shalt  }
0x58: {  	_ =	shalt  }
0x59: {  	_ =	shalt  }
0x5a: {  	_ =	shalt  }
0x5b: {  	_ =	shalt  }
0x5c: {  	_ =	shalt  }
0x5d: {  	_ =	shalt  }
0x5e: {  	_ =	shalt  }
0x5f: {  	_ =	shalt  }
0x60: {  	_ =	shalt  }
0x61: {  	_ =	shalt  }
0x62: {  	_ =	shalt  }
0x63: {  	_ =	shalt  }
0x64: {  	_ =	shalt  }
0x65: {  	_ =	shalt  }
0x66: {  	_ =	shalt  }
0x67: {  	_ =	shalt  }
0x68: {  	_ =	shalt  }
0x69: {  	_ =	shalt  }
0x6a: {  	_ =	shalt  }
0x6b: {  	_ =	shalt  }
0x6c: {  	_ =	shalt  }
0x6d: {  	_ =	shalt  }
0x6e: {  	_ =	shalt  }
0x6f: {  	_ =	shalt  }
0x70: {  	_ =	shalt  }
0x71: {  	_ =	shalt  }
0x72: {  	_ =	shalt  }
0x73: {  	_ =	shalt  }
0x74: {  	_ =	shalt  }
0x75: {  	_ =	shalt  }
0x76: {  	_ =	shalt  }
0x77: {  	_ =	shalt  }
0x78: {  	_ =	shalt  }
0x79: {  	_ =	shalt  }
0x7a: {  	_ =	shalt  }
0x7b: {  	_ =	shalt  }
0x7c: {  	_ =	shalt  }
0x7d: {  	_ =	shalt  }
0x7e: {  	_ =	shalt  }
0x7f: {  	_ =	shalt  }
0x80: {  	_ =	shalt  }
0x81: {  	_ =	shalt  }
0x82: {  	_ =	shalt  }
0x83: {  	_ =	shalt  }
0x84: {  	_ =	shalt  }
0x85: {  	_ =	shalt  }
0x86: {  	_ =	shalt  }
0x87: {  	_ =	shalt  }
.Lfunc_end0:
.L_simem_size_0:
called_computation.4_lowered:
.L_overlay_start_0:
0x88: {  	s2 =	sld [smem:$0x3FD9]  }
0x89: {  	s3 =	sld [smem:$0x3FFE];
	_ =	sdelay $0x1  }
0x8a: {  	s1 =	srdreg.scid  }
0x8b: {  	s0 =	sand.u32 $0x1, s1  }
0x8c: {  	s16 =	sshll.u32 s0, $0xA;
	s2 =	sadd.s32 s3, s2  }
0x8d: {  	s2 =	sadd.s32 s2, s16  }
0x8e: {  	[smem:$0x3FAD] =	sst s2  }
0x8f: {  	_ = 	snop  }
0x90: {  	(tm) =	ssettm $0x1  }
0x91: {  	s17 =	sld [smem:$0x3FFB];
	_ =	sdelay $0x3  }
0x92: {  	_ =	strace s17  }
0x93: {  	s2 =	sld [smem:$0x3FFC];
	_ =	sdelay $0x3  }
0x94: {  	_ =	strace s2  }
0x95: {  	s2 =	sld [smem:$0x3FFD];
	_ =	sdelay $0x3  }
0x96: {  	_ =	strace s2  }
0x97: {  	_ =	strace $0x8FFFFFFF  }
0x98: {  	s18 =	sld [smem:$0x3FDB];
	_ =	sdelay $0x1  }
0x99: {  	s19 =	simm.s32 $_scs_section_size  }
0x9a: {  	s4 =	simm.s32 $_size__tile_overlayer_lowered;
	s5 =	simm.s32 $_tile_overlayer_lowered  }
0x9b: {  	s22 =	simm.s32 $0x1BFF;
	s21 =	sshll.u32 s5, $0x1;
	s2 =	sadd.s32 s19, s18  }
0x9c: {  	s6 =	simm.s32 $0x0;
	s20 =	sshll.u32 s4, $0x1;
	s4 =	sadd.s32 s21, s2  }
0x9d: {  	[timem:s6], [sflag:s22] =	dma.local [hbm:s4], s20  }
0x9e: {  	_ =	swait.ge [sflag:s22], s20  }
0x9f: {  	s3 =	ssub.s32 $0x0, s20;
	[sflag:s22] =	ssyncset.done $0x0  }
0xa0: {  	[sflag:s22] =	ssyncadd.s32 s3;
	_ =	sdelay $0x1  }
0xa1: {  	s23 =	simm.s32 $0x1B8B  }
0xa2: {  	_ =	swait.ge [sflag:s23], $0x1  }
0xa3: {  	[sflag:s23] =	ssyncset.done $0x0  }
0xa4: {  	s25 =	simm.s32 $0x1B8E;
	s24 =	sld [smem:$0x3FFE];
	[sflag:s23] =	ssyncadd.s32 $0xFFFFFFFF  }
0xa5: {  	s26 =	simm.s32 $execute0_lowered;
	[smem:$0x3FD2] =	sst s25  }
0xa6: {  	s4 =	sshll.u32 s26, $0x1;
	_ =	strace $0x80000052;
	[dreg:$0x1] =	wrdreg $0xFFFFFFFF  }
0xa7: {  	s28 =	simm.s32 $_size_execute0_lowered;
	s2 =	sadd.s32 s2, s4;
	[dreg:$0x0] =	wrdreg $0x0  }
0xa8: {  	s4 =	sshll.u32 s28, $0x1;
	[dreg:$0x2] =	wrdreg s2  }
0xa9: {  	[dreg:$0x3] =	wrdreg s4  }
0xaa: {  	[dreg:$0x4] =	wrdreg $0xC0  }
0xab: {  	_ =	task [dreg:s6], $0x5FFFF  }
0xac: {  	[dreg:$0x1] =	wrdreg $0xFFFFFFFF  }
0xad: {  	[dreg:$0x0] =	wrdreg $0x60  }
0xae: {  	[dreg:$0x2] =	wrdreg s24  }
0xaf: {  	[dreg:$0x3] =	wrdreg $0xA  }
0xb0: {  	_ =	task.clear_ibuf [dreg:s6], $0x4FFFF;
	_ =	strace $0x90000052  }
0xb1: {  	s29 =	simm.s32 $0xA;
	_ =	strace $0x80000054  }
0xb2: {  	_ =	swait.ge [sflag:s29], $0x1  }
0xb3: {  	[sflag:s29] =	ssyncadd.s32 $0xFFFFFFFF  }
0xb4: {  	_ =	strace $0x90000054  }
0xb5: {  	_ =	sfence  }
0xb6: {  	s30 =	sld [smem:$0x0];
	_ =	sdelay $0x2  }
0xb7: {  	s31 =	sshll.u32 s1, $0xD;
	s1 =	sshrl.u32 s1, $0x2  }
0xb8: {  	s3 =	sand.u32 $0x4000, s31;
	s1 =	sadd.s32 s1, s30  }
0xb9: {  	s0 =	sor.u32 s3, s0;
	s1 =	sshll.u32 s1, $0x11  }
0xba: {  	s0 =	sor.u32 s1, s0  }
0xbb: {  	s0 =	sadd.s32 $0x8F2B, s0  }
0xbc: {  	[sflag:s0] =	ssyncadd.remote.s32 $0x1  }
0xbd: {  	_ =	sfence.sel $0xFFFF  }
0xbe: {  	[dreg:$0x0] =	wrdreg $0xFFFFFFFF;
	(pc) =	sbr.abs _section_cstart, $3  }
0xbf: {  	[dreg:$0x1] =	wrdreg $0xFFFFFFFF  }
0xc0: {  	_ =	task.clear_ibuf [dreg:s6], $0x2FFFF;
	_ =	strace $0x9FFFFFFF  }
0xc1: {  	(tm) =	ssettm $0x7FFFFFFF  }
tec
execute0_lowered:
.L_overlay_start_1:
0x0: {  	(tag) =	ssettag $0x1  }
0x1: {  	s1 =	srdreg.scid  }
0x2: {  	s0 =	stileid.u32;
	s6 =	rddreg [dreg:$0x0];
	s2 =	simm.s32 $0x0  }
0x3: {  	s14 =	simm.s32 $0xC8;
	s15 =	simm.s32 $0x2580;
	s16 =	simm.s32 $0x5780  }
0x4: {  	s17 =	simm.s32 $0x8980;
	s18 =	simm.s32 $0xBB80;
	s19 =	simm.s32 $0x1  }
0x5: {  	s20 =	simm.s32 $0x2;
	s21 =	simm.s32 $0x3;
	s22 =	simm.s32 $0x4  }
0x6: {  	s23 =	simm.s32 $0x0;
	s7 =	sand.u32 $0x1, s1;
	s9 =	smul.u32 $0x2580, s0  }
0x7: {  	s30 =	sshll.u32 s0, $0x1;
	s1 =	rddreg [dreg:$0x1];
	s13 =	smul.u32 $0x12C00, s0  }
0x8: {  	[smem:$0x7FF] =	sst s2;
	s3 =	sor.u32 s7, s30;
	s11 =	smul.u32 $0x12C0, s7  }
0x9: {  	_ =	strace $0x80000053;
	s10 =	ssub.s32 $0x2, s7;
	s31 =	smul.u32 $0x9600, s7  }
0xa: {  	s4 =	smul.u32 $0x12C0, s3;
	s3 =	sadd.s32 $0x25E00, s6;
	s12 =	sshrl.u32 s10, $0x1  }
0xb: {  	s10 =	ssub.s32 s10, s12;
	s9 =	sadd.s32 s11, s9;
	s12 =	simm.s32 $0x5  }
0xc: {  	s5 =	sshrl.u32 s4, $0x3;
	s4 =	sadd.s32 $0x12400, s6;
	s11 =	sshll.u32 s9, $0x3  }
0xd: {  	s9 =	smax.u32 s10, $0x1;
	s10 =	sadd.s32 s31, s13;
	s13 =	simm.s32 $0x12C0  }
0xe: {  	s8 =	sadd.s32 s5, s6;
	s5 =	sadd.s32 $0x165800, s6;
	s6 =	sadd.s32 $0x39800, s6  }
0xf: {  	s11 =	sadd.s32 $0x640, s11;
	s7 =	sadd.s32 $0x8C00, s8;
	s8 =	sadd.s32 $0xD800, s8  }
.LBB2_1:
0x10: {  	[tilespmem:s2], [sflag:$0x5] =	stream.linear.gather [hbm4b:s7+s2], $0x12C0, $0x38;
	[tilespmem:$0xED80] =	vst v63  }
0x11: {  	_ =	swait.ge [sflag:s12], $0x12C0  }
0x12: {  	[sflag:s12] =	ssyncset.done $0x0  }
0x13: {  	[sflag:s12] =	ssyncadd.s32 $0xFFFFED40  }
0x14: {  	[tilespmem:s13], [sflag:$0x5] =	stream.linear.gather [hbm4b:s8+s2], $0x12C0, $0x38;
	[tilespmem:$0xED80] =	vst v63  }
0x15: {  	_ =	swait.ge [sflag:s12], $0x12C0  }
0x16: {  	[sflag:s12] =	ssyncset.done $0x0  }
0x17: {  	s24 =	simm.s32 $0x0;
	[sflag:s12] =	ssyncadd.s32 $0xFFFFED40  }
0x18: {  	[tilespmem:s15], [sflag:$0x1] =	stream.indirect.gather [hbm4b:s3+s14], $0x40, s24, s14, $0xb8;
	[tilespmem:$0xED80] =	vst v63  }
0x19: {  	s30 =	simm.s32 $0x12C0  }
0x1a: {  	[tilespmem:s16], [sflag:$0x1] =	stream.indirect.gather [hbm4b:s4+s14], $0x40, s30, s14, $0xb8;
	[tilespmem:$0xED80] =	vst v63  }
0x1b: {  	s31 =	simm.s32 $0xC8  }
0x1c: {  	[tilespmem:s17], [sflag:$0x2] =	stream.indirect.gather [hbm4b:s3+s14], $0x40, s31, s14, $0xb8;
	[tilespmem:$0xED80] =	vst v63  }
0x1d: {  	s25 =	simm.s32 $0x1388  }
0x1e: {  	[tilespmem:s18], [sflag:$0x2] =	stream.indirect.gather [hbm4b:s4+s14], $0x40, s25, s14, $0xb8;
	[tilespmem:$0xED80] =	vst v63  }
0x1f: {  	_ =	swait.ge [sflag:s19], $0x3200  }
0x20: {  	[sflag:s19] =	ssyncset.done $0x0  }
0x21: {  	[sflag:s19] =	ssyncadd.s32 $0xFFFFCE00  }
0x22: {  	_ =	swait.ge [sflag:s19], $0x3200  }
0x23: {  	[sflag:s19] =	ssyncset.done $0x0  }
0x24: {  	s26 =	sadd.s32 s5, s10;
	[sflag:s19] =	ssyncadd.s32 $0xFFFFCE00  }
0x25: {  	[hbm4b:s26+s2] =	stream.linear.scatter [tilespmem:s15], [sflag:$0x3], $0x3200, $0x38;
	[tilespmem:$0xED80] =	vst v63  }
0x26: {  	s28 =	sadd.s32 s6, s10  }
0x27: {  	[hbm4b:s28+s2] =	stream.linear.scatter [tilespmem:s16], [sflag:$0x3], $0x3200, $0x38;
	[tilespmem:$0xED80] =	vst v63  }
0x28: {  	_ =	swait.ge [sflag:s20], $0x3200  }
0x29: {  	[sflag:s20] =	ssyncset.done $0x0  }
0x2a: {  	[sflag:s20] =	ssyncadd.s32 $0xFFFFCE00  }
0x2b: {  	_ =	swait.ge [sflag:s20], $0x3200  }
0x2c: {  	[sflag:s20] =	ssyncset.done $0x0  }
0x2d: {  	s30 =	sadd.s32 s5, s11;
	[sflag:s20] =	ssyncadd.s32 $0xFFFFCE00  }
0x2e: {  	[hbm4b:s30+s2] =	stream.linear.scatter [tilespmem:s17], [sflag:$0x4], $0x3200, $0x38;
	[tilespmem:$0xED80] =	vst v63  }
0x2f: {  	s31 =	sadd.s32 s6, s11  }
0x30: {  	[hbm4b:s31+s2] =	stream.linear.scatter [tilespmem:s18], [sflag:$0x4], $0x3200, $0x38;
	[tilespmem:$0xED80] =	vst v63  }
0x31: {  	_ =	swait.ge [sflag:s21], $0x3200  }
0x32: {  	[sflag:s21] =	ssyncset.done $0x0  }
0x33: {  	[sflag:s21] =	ssyncadd.s32 $0xFFFFCE00  }
0x34: {  	_ =	swait.ge [sflag:s21], $0x3200  }
0x35: {  	[sflag:s21] =	ssyncset.done $0x0  }
0x36: {  	[sflag:s21] =	ssyncadd.s32 $0xFFFFCE00  }
0x37: {  	_ =	swait.ge [sflag:s22], $0x3200  }
0x38: {  	[sflag:s22] =	ssyncset.done $0x0  }
0x39: {  	[sflag:s22] =	ssyncadd.s32 $0xFFFFCE00  }
0x3a: {  	s29 =	simm.s32 $0xC80;
	s24 =	sadd.s32 $0xC80, s6;
	_ =	swait.ge [sflag:s22], $0x3200  }
0x3b: {  	s25 =	sadd.s32 $0xC80, s5;
	s26 =	simm.s32 $0x640;
	[sflag:s22] =	ssyncset.done $0x0  }
.LBB2_2:
0x3c: {  	s30 =	sshra.s32 s26, $0x2  }
0x3d: {  	[sflag:s22] =	ssyncadd.s32 $0xFFFFCE00;
	s26 =	smov.u32 s29;
	s28 =	sadd.s32 $0x640, s29  }
0x3e: {  	[tilespmem:s15], [sflag:$0x1] =	stream.indirect.gather [hbm4b:s3+s14], $0x40, s30, s14, $0xb8;
	[tilespmem:$0xED80] =	vst v63  }
0x3f: {  	p0 =	sne.s32 s29, $0x44C0;
	s29 =	sadd.s32 $0x12C0, s30  }
0x40: {  	[tilespmem:s16], [sflag:$0x1] =	stream.indirect.gather [hbm4b:s4+s14], $0x40, s29, s14, $0xb8;
	[tilespmem:$0xED80] =	vst v63  }
0x41: {  	s29 =	sadd.s32 $0xC8, s30  }
0x42: {  	[tilespmem:s17], [sflag:$0x2] =	stream.indirect.gather [hbm4b:s3+s14], $0x40, s29, s14, $0xb8;
	[tilespmem:$0xED80] =	vst v63  }
0x43: {  	s29 =	sadd.s32 $0x1388, s30  }
0x44: {  	[tilespmem:s18], [sflag:$0x2] =	stream.indirect.gather [hbm4b:s4+s14], $0x40, s29, s14, $0xb8;
	[tilespmem:$0xED80] =	vst v63  }
0x45: {  	_ =	swait.ge [sflag:s19], $0x3200  }
0x46: {  	[sflag:s19] =	ssyncset.done $0x0  }
0x47: {  	[sflag:s19] =	ssyncadd.s32 $0xFFFFCE00  }
0x48: {  	_ =	swait.ge [sflag:s19], $0x3200  }
0x49: {  	[sflag:s19] =	ssyncset.done $0x0  }
0x4a: {  	s29 =	sadd.s32 s25, s10;
	[sflag:s19] =	ssyncadd.s32 $0xFFFFCE00  }
0x4b: {  	[hbm4b:s29+s2] =	stream.linear.scatter [tilespmem:s15], [sflag:$0x3], $0x3200, $0x38;
	[tilespmem:$0xED80] =	vst v63  }
0x4c: {  	s29 =	sadd.s32 s24, s10  }
0x4d: {  	[hbm4b:s29+s2] =	stream.linear.scatter [tilespmem:s16], [sflag:$0x3], $0x3200, $0x38;
	[tilespmem:$0xED80] =	vst v63  }
0x4e: {  	_ =	swait.ge [sflag:s20], $0x3200  }
0x4f: {  	[sflag:s20] =	ssyncset.done $0x0  }
0x50: {  	[sflag:s20] =	ssyncadd.s32 $0xFFFFCE00  }
0x51: {  	_ =	swait.ge [sflag:s20], $0x3200  }
0x52: {  	[sflag:s20] =	ssyncset.done $0x0  }
0x53: {  	s29 =	sadd.s32 s25, s11;
	[sflag:s20] =	ssyncadd.s32 $0xFFFFCE00  }
0x54: {  	[hbm4b:s29+s2] =	stream.linear.scatter [tilespmem:s17], [sflag:$0x4], $0x3200, $0x38;
	[tilespmem:$0xED80] =	vst v63  }
0x55: {  	s29 =	sadd.s32 s24, s11  }
0x56: {  	[hbm4b:s29+s2] =	stream.linear.scatter [tilespmem:s18], [sflag:$0x4], $0x3200, $0x38;
	[tilespmem:$0xED80] =	vst v63  }
0x57: {  	_ =	swait.ge [sflag:s21], $0x3200  }
0x58: {  	[sflag:s21] =	ssyncset.done $0x0  }
0x59: {  	[sflag:s21] =	ssyncadd.s32 $0xFFFFCE00  }
0x5a: {  	_ =	swait.ge [sflag:s21], $0x3200  }
0x5b: {  	[sflag:s21] =	ssyncset.done $0x0  }
0x5c: {  	[sflag:s21] =	ssyncadd.s32 $0xFFFFCE00  }
.Ltmp0:
0x5d: {  	_ =	swait.ge [sflag:s22], $0x3200;
	(pc) =	sbr.rel @p0 .LBB2_2-.Ltmp0, $4  }
0x5e: {  	[sflag:s22] =	ssyncset.done $0x0  }
0x5f: {  	[sflag:s22] =	ssyncadd.s32 $0xFFFFCE00  }
0x60: {  	s25 =	sadd.s32 $0xC80, s25;
	_ =	swait.ge [sflag:s22], $0x3200  }
0x61: {  	s24 =	sadd.s32 $0xC80, s24;
	s29 =	smov.u32 s28;
	[sflag:s22] =	ssyncset.done $0x0  }
0x62: {  	s26 =	sshra.s32 s26, $0x2;
	[sflag:s22] =	ssyncadd.s32 $0xFFFFCE00  }
0x63: {  	[tilespmem:s15], [sflag:$0x1] =	stream.indirect.gather [hbm4b:s3+s14], $0x40, s26, s14, $0xb8;
	[tilespmem:$0xED80] =	vst v63  }
0x64: {  	s28 =	sadd.s32 $0x12C0, s26  }
0x65: {  	[tilespmem:s16], [sflag:$0x1] =	stream.indirect.gather [hbm4b:s4+s14], $0x40, s28, s14, $0xb8;
	[tilespmem:$0xED80] =	vst v63  }
0x66: {  	s31 =	sadd.s32 $0xC8, s26  }
0x67: {  	[tilespmem:s17], [sflag:$0x2] =	stream.indirect.gather [hbm4b:s3+s14], $0x40, s31, s14, $0xb8;
	[tilespmem:$0xED80] =	vst v63  }
0x68: {  	s26 =	sadd.s32 $0x1388, s26  }
0x69: {  	[tilespmem:s18], [sflag:$0x2] =	stream.indirect.gather [hbm4b:s4+s14], $0x40, s26, s14, $0xb8;
	[tilespmem:$0xED80] =	vst v63  }
0x6a: {  	_ =	swait.ge [sflag:s19], $0x3200  }
0x6b: {  	[sflag:s19] =	ssyncset.done $0x0  }
0x6c: {  	[sflag:s19] =	ssyncadd.s32 $0xFFFFCE00  }
0x6d: {  	_ =	swait.ge [sflag:s19], $0x3200  }
0x6e: {  	[sflag:s19] =	ssyncset.done $0x0  }
0x6f: {  	s28 =	sadd.s32 s25, s10;
	[sflag:s19] =	ssyncadd.s32 $0xFFFFCE00  }
0x70: {  	[hbm4b:s28+s2] =	stream.linear.scatter [tilespmem:s15], [sflag:$0x3], $0x3200, $0x38;
	[tilespmem:$0xED80] =	vst v63  }
0x71: {  	s29 =	sadd.s32 s24, s10  }
0x72: {  	[hbm4b:s29+s2] =	stream.linear.scatter [tilespmem:s16], [sflag:$0x3], $0x3200, $0x38;
	[tilespmem:$0xED80] =	vst v63  }
0x73: {  	_ =	swait.ge [sflag:s20], $0x3200  }
0x74: {  	[sflag:s20] =	ssyncset.done $0x0  }
0x75: {  	[sflag:s20] =	ssyncadd.s32 $0xFFFFCE00  }
0x76: {  	_ =	swait.ge [sflag:s20], $0x3200  }
0x77: {  	[sflag:s20] =	ssyncset.done $0x0  }
0x78: {  	s30 =	sadd.s32 s25, s11;
	[sflag:s20] =	ssyncadd.s32 $0xFFFFCE00  }
0x79: {  	[hbm4b:s30+s2] =	stream.linear.scatter [tilespmem:s17], [sflag:$0x4], $0x3200, $0x38;
	[tilespmem:$0xED80] =	vst v63  }
0x7a: {  	s31 =	sadd.s32 s24, s11  }
0x7b: {  	[hbm4b:s31+s2] =	stream.linear.scatter [tilespmem:s18], [sflag:$0x4], $0x3200, $0x38;
	[tilespmem:$0xED80] =	vst v63  }
0x7c: {  	_ =	swait.ge [sflag:s21], $0x3200  }
0x7d: {  	[sflag:s21] =	ssyncset.done $0x0  }
0x7e: {  	[sflag:s21] =	ssyncadd.s32 $0xFFFFCE00  }
0x7f: {  	_ =	swait.ge [sflag:s21], $0x3200  }
0x80: {  	[sflag:s21] =	ssyncset.done $0x0  }
0x81: {  	s23 =	sadd.s32 $0x1, s23;
	[sflag:s21] =	ssyncadd.s32 $0xFFFFCE00  }
0x82: {  	p0 =	sne.s32 s23, s9;
	_ =	swait.ge [sflag:s22], $0x3200  }
.Ltmp1:
0x83: {  	[sflag:s22] =	ssyncset.done $0x0;
	(pc) =	sbr.rel @p0 .LBB2_1-.Ltmp1, $4  }
0x84: {  	[sflag:s22] =	ssyncadd.s32 $0xFFFFCE00  }
0x85: {  	_ =	swait.ge [sflag:s22], $0x3200  }
0x86: {  	[sflag:s22] =	ssyncset.done $0x0  }
0x87: {  	[sflag:s22] =	ssyncadd.s32 $0xFFFFCE00  }
0x88: {  	_ =	sfence.sel $0x180000  }
0x89: {  	[bflag:$0x0] =	sbarrier.arrive $0xFFFF  }
0x8a: {  	p0 =	sne.s32 s0, $0x0;
	_ =	strace $0x90000053  }
0x8b: {  	s0 =	sadd.s32 @!p0 $0x100000, s1;
	[bflag:$0x2] =	sbarrier.arrive $0xFFFF  }
0x8c: {  	[sflag:s0] =	ssyncadd.tile.s32 @!p0 $0x1;
	_ =	shalt  }
.Lfunc_end2:
_tile_overlayer_lowered:
.L_overlay_start_2:
0x8d: {  	(tag) =	ssettag $0x2  }
0x8e: {  	s0 =	rddreg [dreg:$0x0];
	s2 =	stileid.u32  }
0x8f: {  	s1 =	rddreg [dreg:$0x1];
	p0 =	sne.s32 s2, $0x0  }
0x90: {  	s3 =	rddreg [dreg:$0x2];
	[bflag:$0x3] =	sbarrier.arrive $0xFFFF;
	s2 =	simm.s32 @!p0 $0x1C05  }
0x91: {  	[timem:s3], [sflag:s2] =	dma.local @!p0 [hbm:s0], s1  }
0x92: {  	s0 =	simm.s32 @!p0 $0x5  }
0x93: {  	_ =	swait.ge @!p0 [sflag:s0], s1  }
0x94: {  	s1 =	ssub.s32 @!p0 $0x0, s1;
	[sflag:s0] =	ssyncset.done @!p0 $0x0  }
0x95: {  	[sflag:s0] =	ssyncadd.s32 @!p0 s1  }
0x96: {  	[bflag:$0x3] =	sbarrier.arrive $0xFFFF  }
0x97: {  	_ =	shalt  }

// kernel: kernel.36.cloned.1.call-start
scs
__scs_entry_jumppad:
0x0: {  	(pc) =	sbr.rel $0x88, $3  }
0x1: {  	(tag) =	ssettag $0x0;
	lr =	simm.s32 $0x1  }
0x2: {  	[smem:$0x3F86] =	sst lr;
	_ =	strace $0xD0000000  }
0x3: {  	_ = 	snop  }
0x4: {  	_ = 	snop  }
0x5: {  	_ = 	snop  }
0x6: {  	_ = 	snop  }
0x7: {  	_ = 	snop  }
__scs_overlays_trampoline_lowered:
0x8: {  	[smem:$0x3F95] =	sst s0  }
0x9: {  	[smem:$0x3F96] =	sst s1  }
0xa: {  	[smem:$0x3F97] =	sst s2  }
0xb: {  	[smem:$0x3F98] =	sst s3  }
0xc: {  	[smem:$0x3F99] =	sst s4  }
0xd: {  	[smem:$0x3F9A] =	sst s5  }
0xe: {  	[smem:$0x3F9B] =	sst s6  }
0xf: {  	[smem:$0x3F9C] =	sst s7  }
0x10: {  	[smem:$0x3F9D] =	sst s8  }
0x11: {  	[smem:$0x3F9E] =	sst s9;
	s0 =	simm.s32 @!p0 $0x0  }
0x12: {  	s1 =	sld [smem:$0x3F84];
	s0 =	simm.s32 @p0 $0x1  }
0x13: {  	[smem:$0x3F9F] =	sst s0;
	s0 =	simm.s32 @!p1 $0x0  }
0x14: {  	s2 =	sld [smem:$0x3F83];
	s0 =	simm.s32 @p1 $0x1  }
0x15: {  	[smem:$0x3FA0] =	sst s0;
	s0 =	simm.s32 @!p2 $0x0  }
0x16: {  	s3 =	sld [smem:$0x3FDB];
	s0 =	simm.s32 @p2 $0x1  }
0x17: {  	s4 =	simm.s32 $0x1BF5;
	[smem:$0x3FA2] =	sst s0  }
0x18: {  	s0 =	sld [smem:$0x3F85];
	_ =	swait.ge [sflag:s4], $0x0  }
0x19: {  	s7 =	sld [smem:$0x3F86]  }
0x1a: {  	s8 =	sadd.s32 $0xFFFFE003, lr  }
0x1b: {  	s9 =	sadd.s32 $0xFFFFFEF7, lr;
	s5 =	simm.s32 $0xFFFFFFFF;
	p2 =	slt.u32 s8, $0xFFFFF086  }
0x1c: {  	p1 =	slt.u32 s9, $0xF7A;
	s5 =	simm.s32 @!p2 $0x0  }
0x1d: {  	s5 =	simm.s32 @p1 $0x1;
	p0 =	seq.s32 s7, s2  }
0x1e: {  	s7 =	smul.u32 @!p0 $0xF7A, s2;
	p2 =	seq.s32 @!p0 s5, $0x0  }
0x1f: {  	s9 =	smul.u32 $0xF7A, s1;
	s8 =	simm.s32 @!p0 $0x1BF5;
	p2 =	por !p2, p0  }
0x20: {  	[sflag:s8] =	ssyncset.s32 @!p0 $0xFFFFF086;
	s6 =	sadd.s32 @!p0 s3, s7;
	s7 =	simm.s32 @!p0 $0x108  }
0x21: {  	s3 =	sadd.s32 s3, s9;
	s6 =	sadd.s32 @!p0 $0x88, s6;
	s7 =	simm.s32 @p2 $0x1082  }
0x22: {  	[simem:s7], [sflag:s8] =	dma.local @!p0 [hbm:s6], $0xF7A  }
0x23: {  	s9 =	sor.u32 $0xD0000000, s2;
	s6 =	simm.s32 $0x108;
	_ =	swait.ge @!p0 [sflag:s8], $0x0  }
0x24: {  	s3 =	sadd.s32 $0x88, s3;
	s6 =	simm.s32 @!p1 $0x1082;
	[sflag:s4] =	ssyncset.s32 $0xFFFFF086  }
0x25: {  	[simem:s6], [sflag:s4] =	dma.local [hbm:s3], $0xF7A  }
0x26: {  	[smem:$0x3F86] =	sst s1;
	(tag) =	ssettag s2;
	_ =	strace s9  }
0x27: {  	s1 =	sld [smem:$0x3F96]  }
0x28: {  	s2 =	sld [smem:$0x3F97]  }
0x29: {  	s4 =	sld [smem:$0x3F99]  }
0x2a: {  	p0 =	seq.s32 s5, $0x0;
	s5 =	sld [smem:$0x3F9A]  }
0x2b: {  	s6 =	sld [smem:$0x3F9B]  }
0x2c: {  	s7 =	sld [smem:$0x3F9C]  }
0x2d: {  	s3 =	simm.s32 $0x108;
	s8 =	sld [smem:$0x3F9D]  }
0x2e: {  	s3 =	simm.s32 @!p0 $0x1082;
	s9 =	sld [smem:$0x3F9E]  }
0x2f: {  	lr =	sadd.s32 s0, s3;
	s0 =	sld [smem:$0x3F95]  }
0x30: {  	s3 =	sld [smem:$0x3F98]  }
0x31: {  	[smem:$0x3FA1] =	sst s10  }
0x32: {  	s10 =	sld [smem:$0x3F9F];
	_ =	sdelay $0x3  }
0x33: {  	p0 =	seq.s32 s10, $0x1;
	s10 =	sld [smem:$0x3FA1];
	_ =	sdelay $0x3  }
0x34: {  	[smem:$0x3FA1] =	sst s10  }
0x35: {  	s10 =	sld [smem:$0x3FA0];
	_ =	sdelay $0x3  }
0x36: {  	p1 =	seq.s32 s10, $0x1;
	s10 =	sld [smem:$0x3FA1];
	_ =	sdelay $0x3  }
0x37: {  	[smem:$0x3FA1] =	sst s10  }
0x38: {  	s10 =	sld [smem:$0x3FA2]  }
0x39: {  	_ = 	snop;
	(pc) =	sbr.ind lr, $3  }
0x3a: {  	_ = 	snop  }
0x3b: {  	_ = 	snop  }
0x3c: {  	p2 =	seq.s32 s10, $0x1;
	s10 =	sld [smem:$0x3FA1]  }
0x3d: {  	_ =	shalt  }
0x3e: {  	_ =	shalt  }
0x3f: {  	_ =	shalt  }
0x40: {  	_ =	shalt  }
0x41: {  	_ =	shalt  }
0x42: {  	_ =	shalt  }
0x43: {  	_ =	shalt  }
0x44: {  	_ =	shalt  }
0x45: {  	_ =	shalt  }
0x46: {  	_ =	shalt  }
0x47: {  	_ =	shalt  }
0x48: {  	_ =	shalt  }
0x49: {  	_ =	shalt  }
0x4a: {  	_ =	shalt  }
0x4b: {  	_ =	shalt  }
0x4c: {  	_ =	shalt  }
0x4d: {  	_ =	shalt  }
0x4e: {  	_ =	shalt  }
0x4f: {  	_ =	shalt  }
0x50: {  	_ =	shalt  }
0x51: {  	_ =	shalt  }
0x52: {  	_ =	shalt  }
0x53: {  	_ =	shalt  }
0x54: {  	_ =	shalt  }
0x55: {  	_ =	shalt  }
0x56: {  	_ =	shalt  }
0x57: {  	_ =	shalt  }
0x58: {  	_ =	shalt  }
0x59: {  	_ =	shalt  }
0x5a: {  	_ =	shalt  }
0x5b: {  	_ =	shalt  }
0x5c: {  	_ =	shalt  }
0x5d: {  	_ =	shalt  }
0x5e: {  	_ =	shalt  }
0x5f: {  	_ =	shalt  }
0x60: {  	_ =	shalt  }
0x61: {  	_ =	shalt  }
0x62: {  	_ =	shalt  }
0x63: {  	_ =	shalt  }
0x64: {  	_ =	shalt  }
0x65: {  	_ =	shalt  }
0x66: {  	_ =	shalt  }
0x67: {  	_ =	shalt  }
0x68: {  	_ =	shalt  }
0x69: {  	_ =	shalt  }
0x6a: {  	_ =	shalt  }
0x6b: {  	_ =	shalt  }
0x6c: {  	_ =	shalt  }
0x6d: {  	_ =	shalt  }
0x6e: {  	_ =	shalt  }
0x6f: {  	_ =	shalt  }
0x70: {  	_ =	shalt  }
0x71: {  	_ =	shalt  }
0x72: {  	_ =	shalt  }
0x73: {  	_ =	shalt  }
0x74: {  	_ =	shalt  }
0x75: {  	_ =	shalt  }
0x76: {  	_ =	shalt  }
0x77: {  	_ =	shalt  }
0x78: {  	_ =	shalt  }
0x79: {  	_ =	shalt  }
0x7a: {  	_ =	shalt  }
0x7b: {  	_ =	shalt  }
0x7c: {  	_ =	shalt  }
0x7d: {  	_ =	shalt  }
0x7e: {  	_ =	shalt  }
0x7f: {  	_ =	shalt  }
0x80: {  	_ =	shalt  }
0x81: {  	_ =	shalt  }
0x82: {  	_ =	shalt  }
0x83: {  	_ =	shalt  }
0x84: {  	_ =	shalt  }
0x85: {  	_ =	shalt  }
0x86: {  	_ =	shalt  }
0x87: {  	_ =	shalt  }
.Lfunc_end0:
.L_simem_size_0:
called_computation.5_lowered:
.L_overlay_start_0:
0x88: {  	s2 =	sld [smem:$0x3FD9]  }
0x89: {  	s3 =	sld [smem:$0x3FFE];
	_ =	sdelay $0x1  }
0x8a: {  	s1 =	srdreg.scid  }
0x8b: {  	s0 =	sand.u32 $0x1, s1  }
0x8c: {  	s17 =	sshll.u32 s0, $0xA;
	s2 =	sadd.s32 s3, s2  }
0x8d: {  	s2 =	sadd.s32 s2, s17  }
0x8e: {  	[smem:$0x3FAD] =	sst s2  }
0x8f: {  	_ = 	snop  }
0x90: {  	s18 =	sld [smem:$0x3FD0];
	(tm) =	ssettm $0x1  }
0x91: {  	s19 =	sld [smem:$0x3FFB];
	_ =	sdelay $0x3  }
0x92: {  	_ =	strace s19  }
0x93: {  	s2 =	sld [smem:$0x3FFC];
	_ =	sdelay $0x3  }
0x94: {  	_ =	strace s2  }
0x95: {  	s2 =	sld [smem:$0x3FFD];
	_ =	sdelay $0x3  }
0x96: {  	_ =	strace s2  }
0x97: {  	_ =	strace $0x8FFFFFFF  }
0x98: {  	s20 =	sld [smem:$0x3FDB];
	_ =	sdelay $0x1  }
0x99: {  	s4 =	simm.s32 $_scs_section_size  }
0x9a: {  	s5 =	simm.s32 $_size__tile_overlayer_lowered;
	s6 =	simm.s32 $_tile_overlayer_lowered  }
0x9b: {  	s7 =	simm.s32 $0x1BFF;
	s21 =	sshll.u32 s6, $0x1;
	s4 =	sadd.s32 s4, s20  }
0x9c: {  	s22 =	simm.s32 $0x0;
	s5 =	sshll.u32 s5, $0x1;
	s6 =	sadd.s32 s21, s4  }
0x9d: {  	[timem:s22], [sflag:s7] =	dma.local [hbm:s6], s5  }
0x9e: {  	_ =	swait.ge [sflag:s7], s5  }
0x9f: {  	s5 =	ssub.s32 $0x0, s5;
	[sflag:s7] =	ssyncset.done $0x0  }
0xa0: {  	[sflag:s7] =	ssyncadd.s32 s5;
	_ =	sdelay $0x1  }
0xa1: {  	s23 =	simm.s32 $0x1B8B  }
0xa2: {  	_ =	swait.ge [sflag:s23], $0x1  }
0xa3: {  	[sflag:s23] =	ssyncset.done $0x0  }
0xa4: {  	[sflag:s23] =	ssyncadd.s32 $0xFFFFFFFF  }
0xa5: {  	s5 =	sld [smem:$0x0]  }
0xa6: {  	s6 =	sand.u32 $0xFFFFFFFE, s1  }
0xa7: {  	p0 =	sne.s32 s1, s6  }
0xa8: {  	s6 =	sshll.u32 @p0 s6, $0xE  }
0xa9: {  	s6 =	sadd.s32 @p0 $0x11B8D, s6;
	s7 =	sshll.u32 @p0 s5, $0x11  }
0xaa: {  	s6 =	sor.u32 @p0 s7, s6  }
0xab: {  	[sflag:s6] =	ssyncadd.remote.s32 @p0 $0x1;
	_ =	sdelay $0x1  }
0xac: {  	s6 =	simm.s32 @p0 $0x1B8D  }
0xad: {  	_ =	swait.eq @p0 [sflag:s6], $0x1  }
0xae: {  	[sflag:s6] =	ssyncadd.s32 @p0 $0xFFFFFFFF  }
0xaf: {  	s7 =	sshll.u32 @!p0 s1, $0xE  }
0xb0: {  	s7 =	sor.u32 @!p0 $0x4000, s7;
	s6 =	simm.s32 @!p0 $0x1B8D  }
0xb1: {  	s5 =	sshll.u32 @!p0 s5, $0x11;
	s7 =	sadd.s32 @!p0 $0x11B8D, s7;
	_ =	swait.eq @!p0 [sflag:s6], $0x1  }
0xb2: {  	s5 =	sor.u32 @!p0 s5, s7;
	[sflag:s6] =	ssyncadd.s32 @!p0 $0xFFFFFFFF  }
0xb3: {  	s25 =	simm.s32 $0x1B8E;
	s24 =	sld [smem:$0x3FFE];
	[sflag:s5] =	ssyncadd.remote.s32 @!p0 $0x1  }
0xb4: {  	s26 =	simm.s32 $execute0_lowered;
	[smem:$0x3FD2] =	sst s25  }
0xb5: {  	s6 =	sshll.u32 s26, $0x1;
	_ =	strace $0x80000055;
	[dreg:$0x1] =	wrdreg $0xFFFFFFFF  }
0xb6: {  	s28 =	simm.s32 $_size_execute0_lowered;
	s4 =	sadd.s32 s4, s6;
	[dreg:$0x0] =	wrdreg $0x0  }
0xb7: {  	s6 =	sshll.u32 s28, $0x1;
	[dreg:$0x2] =	wrdreg s4  }
0xb8: {  	[dreg:$0x3] =	wrdreg s6  }
0xb9: {  	[dreg:$0x4] =	wrdreg $0xC0  }
0xba: {  	_ =	task [dreg:s22], $0x5FFFF  }
0xbb: {  	[dreg:$0x1] =	wrdreg $0xFFFFFFFF  }
0xbc: {  	[dreg:$0x0] =	wrdreg $0x60  }
0xbd: {  	[dreg:$0x2] =	wrdreg s24  }
0xbe: {  	[dreg:$0x3] =	wrdreg s18  }
0xbf: {  	[dreg:$0x4] =	wrdreg $0x9  }
0xc0: {  	_ =	task.clear_ibuf [dreg:s22], $0x5FFFF;
	_ =	strace $0x90000055  }
0xc1: {  	s29 =	simm.s32 $0x9;
	_ =	strace $0x80000057  }
0xc2: {  	_ =	swait.ge [sflag:s29], $0x1  }
0xc3: {  	[sflag:s29] =	ssyncadd.s32 $0xFFFFFFFF  }
0xc4: {  	_ =	strace $0x90000057  }
0xc5: {  	_ =	sfence  }
0xc6: {  	s30 =	sld [smem:$0x0];
	_ =	sdelay $0x2  }
0xc7: {  	s31 =	sshll.u32 s1, $0xD;
	s1 =	sshrl.u32 s1, $0x2  }
0xc8: {  	s4 =	sand.u32 $0x4000, s31;
	s1 =	sadd.s32 s1, s30  }
0xc9: {  	s0 =	sor.u32 s4, s0;
	s1 =	sshll.u32 s1, $0x11  }
0xca: {  	s0 =	sor.u32 s1, s0  }
0xcb: {  	s0 =	sadd.s32 $0x8F2B, s0  }
0xcc: {  	[sflag:s0] =	ssyncadd.remote.s32 $0x1  }
0xcd: {  	_ =	sfence.sel $0xFFFF  }
0xce: {  	[dreg:$0x0] =	wrdreg $0xFFFFFFFF;
	(pc) =	sbr.abs _section_cstart, $3  }
0xcf: {  	[dreg:$0x1] =	wrdreg $0xFFFFFFFF  }
0xd0: {  	_ =	task.clear_ibuf [dreg:s22], $0x2FFFF;
	_ =	strace $0x9FFFFFFF  }
0xd1: {  	(tm) =	ssettm $0x7FFFFFFF  }
tec
execute0_lowered:
.L_overlay_start_1:
0x0: {  	(tag) =	ssettag $0x1  }
0x1: {  	s1 =	srdreg.scid;
	s6 =	rddreg [dreg:$0x0]  }
0x2: {  	s0 =	stileid.u32;
	s8 =	rddreg [dreg:$0x1];
	s2 =	simm.s32 $0x0  }
0x3: {  	s16 =	simm.s32 $0x5AA0;
	s17 =	simm.s32 $0x8CA0;
	s18 =	simm.s32 $0xBEA0  }
0x4: {  	s19 =	simm.s32 $0x1;
	s20 =	simm.s32 $0x2;
	s21 =	simm.s32 $0x3  }
0x5: {  	s22 =	simm.s32 $0x4;
	s23 =	simm.s32 $0x0;
	s7 =	sand.u32 $0x1, s1  }
0x6: {  	s30 =	sshll.u32 s0, $0x1;
	s1 =	rddreg [dreg:$0x2];
	s11 =	smul.u32 $0x28A0, s0  }
0x7: {  	[smem:$0x7FF] =	sst s2;
	s5 =	sadd.s32 $0x515A00, s6;
	s15 =	smul.u32 $0x14500, s0  }
0x8: {  	s3 =	sor.u32 s7, s30;
	s12 =	ssub.s32 $0x2, s7;
	s13 =	smul.u32 $0x1450, s7  }
0x9: {  	_ =	strace $0x80000056;
	s31 =	smul.u32 $0xA280, s7;
	s14 =	sshrl.u32 s12, $0x1  }
0xa: {  	s4 =	smul.u32 $0x1450, s3;
	s3 =	sadd.s32 $0x25E00, s6;
	s12 =	ssub.s32 s12, s14  }
0xb: {  	s11 =	sadd.s32 s13, s11;
	s13 =	simm.s32 $0x1450;
	s14 =	simm.s32 $0xC8  }
0xc: {  	s9 =	sshrl.u32 s4, $0x3;
	s4 =	sadd.s32 $0x12400, s6;
	s11 =	sshll.u32 s11, $0x3  }
0xd: {  	s10 =	sadd.s32 s9, s6;
	s6 =	sadd.s32 $0x291800, s6;
	s7 =	sadd.s32 s8, s9  }
0xe: {  	s9 =	smax.u32 s12, $0x1;
	s11 =	sadd.s32 $0x640, s11;
	s12 =	simm.s32 $0x5  }
0xf: {  	s8 =	sadd.s32 $0x510800, s10;
	s10 =	sadd.s32 s31, s15;
	s15 =	simm.s32 $0x28A0  }
.LBB2_1:
0x10: {  	[tilespmem:s2], [sflag:$0x5] =	stream.linear.gather [hbm4b:s7+s2], $0x1450, $0x38;
	[tilespmem:$0xF0A0] =	vst v63  }
0x11: {  	_ =	swait.ge [sflag:s12], $0x1450  }
0x12: {  	[sflag:s12] =	ssyncset.done $0x0  }
0x13: {  	[sflag:s12] =	ssyncadd.s32 $0xFFFFEBB0  }
0x14: {  	[tilespmem:s13], [sflag:$0x5] =	stream.linear.gather [hbm4b:s8+s2], $0x1450, $0x38;
	[tilespmem:$0xF0A0] =	vst v63  }
0x15: {  	_ =	swait.ge [sflag:s12], $0x1450  }
0x16: {  	[sflag:s12] =	ssyncset.done $0x0  }
0x17: {  	s24 =	simm.s32 $0x0;
	[sflag:s12] =	ssyncadd.s32 $0xFFFFEBB0  }
0x18: {  	[tilespmem:s15], [sflag:$0x1] =	stream.indirect.gather [hbm4b:s3+s14], $0x40, s24, s14, $0xb8;
	[tilespmem:$0xF0A0] =	vst v63  }
0x19: {  	s30 =	simm.s32 $0x1450  }
0x1a: {  	[tilespmem:s16], [sflag:$0x1] =	stream.indirect.gather [hbm4b:s4+s14], $0x40, s30, s14, $0xb8;
	[tilespmem:$0xF0A0] =	vst v63  }
0x1b: {  	s31 =	simm.s32 $0xC8  }
0x1c: {  	[tilespmem:s17], [sflag:$0x2] =	stream.indirect.gather [hbm4b:s3+s14], $0x40, s31, s14, $0xb8;
	[tilespmem:$0xF0A0] =	vst v63  }
0x1d: {  	s25 =	simm.s32 $0x1518  }
0x1e: {  	[tilespmem:s18], [sflag:$0x2] =	stream.indirect.gather [hbm4b:s4+s14], $0x40, s25, s14, $0xb8;
	[tilespmem:$0xF0A0] =	vst v63  }
0x1f: {  	_ =	swait.ge [sflag:s19], $0x3200  }
0x20: {  	[sflag:s19] =	ssyncset.done $0x0  }
0x21: {  	[sflag:s19] =	ssyncadd.s32 $0xFFFFCE00  }
0x22: {  	_ =	swait.ge [sflag:s19], $0x3200  }
0x23: {  	[sflag:s19] =	ssyncset.done $0x0  }
0x24: {  	s26 =	sadd.s32 s5, s10;
	[sflag:s19] =	ssyncadd.s32 $0xFFFFCE00  }
0x25: {  	[hbm4b:s26+s2] =	stream.linear.scatter [tilespmem:s15], [sflag:$0x3], $0x3200, $0x38;
	[tilespmem:$0xF0A0] =	vst v63  }
0x26: {  	s28 =	sadd.s32 s6, s10  }
0x27: {  	[hbm4b:s28+s2] =	stream.linear.scatter [tilespmem:s16], [sflag:$0x3], $0x3200, $0x38;
	[tilespmem:$0xF0A0] =	vst v63  }
0x28: {  	_ =	swait.ge [sflag:s20], $0x3200  }
0x29: {  	[sflag:s20] =	ssyncset.done $0x0  }
0x2a: {  	[sflag:s20] =	ssyncadd.s32 $0xFFFFCE00  }
0x2b: {  	_ =	swait.ge [sflag:s20], $0x3200  }
0x2c: {  	[sflag:s20] =	ssyncset.done $0x0  }
0x2d: {  	s30 =	sadd.s32 s5, s11;
	[sflag:s20] =	ssyncadd.s32 $0xFFFFCE00  }
0x2e: {  	[hbm4b:s30+s2] =	stream.linear.scatter [tilespmem:s17], [sflag:$0x4], $0x3200, $0x38;
	[tilespmem:$0xF0A0] =	vst v63  }
0x2f: {  	s31 =	sadd.s32 s6, s11  }
0x30: {  	[hbm4b:s31+s2] =	stream.linear.scatter [tilespmem:s18], [sflag:$0x4], $0x3200, $0x38;
	[tilespmem:$0xF0A0] =	vst v63  }
0x31: {  	_ =	swait.ge [sflag:s21], $0x3200  }
0x32: {  	[sflag:s21] =	ssyncset.done $0x0  }
0x33: {  	[sflag:s21] =	ssyncadd.s32 $0xFFFFCE00  }
0x34: {  	_ =	swait.ge [sflag:s21], $0x3200  }
0x35: {  	[sflag:s21] =	ssyncset.done $0x0  }
0x36: {  	[sflag:s21] =	ssyncadd.s32 $0xFFFFCE00  }
0x37: {  	_ =	swait.ge [sflag:s22], $0x3200  }
0x38: {  	[sflag:s22] =	ssyncset.done $0x0  }
0x39: {  	[sflag:s22] =	ssyncadd.s32 $0xFFFFCE00  }
0x3a: {  	s29 =	simm.s32 $0xC80;
	s24 =	sadd.s32 $0xC80, s6;
	_ =	swait.ge [sflag:s22], $0x3200  }
0x3b: {  	s25 =	sadd.s32 $0xC80, s5;
	s26 =	simm.s32 $0x640;
	[sflag:s22] =	ssyncset.done $0x0  }
.LBB2_2:
0x3c: {  	s30 =	sshra.s32 s26, $0x2  }
0x3d: {  	[sflag:s22] =	ssyncadd.s32 $0xFFFFCE00;
	s26 =	smov.u32 s29;
	s28 =	sadd.s32 $0x640, s29  }
0x3e: {  	[tilespmem:s15], [sflag:$0x1] =	stream.indirect.gather [hbm4b:s3+s14], $0x40, s30, s14, $0xb8;
	[tilespmem:$0xF0A0] =	vst v63  }
0x3f: {  	p0 =	sne.s32 s29, $0x4B00;
	s29 =	sadd.s32 $0x1450, s30  }
0x40: {  	[tilespmem:s16], [sflag:$0x1] =	stream.indirect.gather [hbm4b:s4+s14], $0x40, s29, s14, $0xb8;
	[tilespmem:$0xF0A0] =	vst v63  }
0x41: {  	s29 =	sadd.s32 $0xC8, s30  }
0x42: {  	[tilespmem:s17], [sflag:$0x2] =	stream.indirect.gather [hbm4b:s3+s14], $0x40, s29, s14, $0xb8;
	[tilespmem:$0xF0A0] =	vst v63  }
0x43: {  	s29 =	sadd.s32 $0x1518, s30  }
0x44: {  	[tilespmem:s18], [sflag:$0x2] =	stream.indirect.gather [hbm4b:s4+s14], $0x40, s29, s14, $0xb8;
	[tilespmem:$0xF0A0] =	vst v63  }
0x45: {  	_ =	swait.ge [sflag:s19], $0x3200  }
0x46: {  	[sflag:s19] =	ssyncset.done $0x0  }
0x47: {  	[sflag:s19] =	ssyncadd.s32 $0xFFFFCE00  }
0x48: {  	_ =	swait.ge [sflag:s19], $0x3200  }
0x49: {  	[sflag:s19] =	ssyncset.done $0x0  }
0x4a: {  	s29 =	sadd.s32 s25, s10;
	[sflag:s19] =	ssyncadd.s32 $0xFFFFCE00  }
0x4b: {  	[hbm4b:s29+s2] =	stream.linear.scatter [tilespmem:s15], [sflag:$0x3], $0x3200, $0x38;
	[tilespmem:$0xF0A0] =	vst v63  }
0x4c: {  	s29 =	sadd.s32 s24, s10  }
0x4d: {  	[hbm4b:s29+s2] =	stream.linear.scatter [tilespmem:s16], [sflag:$0x3], $0x3200, $0x38;
	[tilespmem:$0xF0A0] =	vst v63  }
0x4e: {  	_ =	swait.ge [sflag:s20], $0x3200  }
0x4f: {  	[sflag:s20] =	ssyncset.done $0x0  }
0x50: {  	[sflag:s20] =	ssyncadd.s32 $0xFFFFCE00  }
0x51: {  	_ =	swait.ge [sflag:s20], $0x3200  }
0x52: {  	[sflag:s20] =	ssyncset.done $0x0  }
0x53: {  	s29 =	sadd.s32 s25, s11;
	[sflag:s20] =	ssyncadd.s32 $0xFFFFCE00  }
0x54: {  	[hbm4b:s29+s2] =	stream.linear.scatter [tilespmem:s17], [sflag:$0x4], $0x3200, $0x38;
	[tilespmem:$0xF0A0] =	vst v63  }
0x55: {  	s29 =	sadd.s32 s24, s11  }
0x56: {  	[hbm4b:s29+s2] =	stream.linear.scatter [tilespmem:s18], [sflag:$0x4], $0x3200, $0x38;
	[tilespmem:$0xF0A0] =	vst v63  }
0x57: {  	_ =	swait.ge [sflag:s21], $0x3200  }
0x58: {  	[sflag:s21] =	ssyncset.done $0x0  }
0x59: {  	[sflag:s21] =	ssyncadd.s32 $0xFFFFCE00  }
0x5a: {  	_ =	swait.ge [sflag:s21], $0x3200  }
0x5b: {  	[sflag:s21] =	ssyncset.done $0x0  }
0x5c: {  	[sflag:s21] =	ssyncadd.s32 $0xFFFFCE00  }
.Ltmp0:
0x5d: {  	_ =	swait.ge [sflag:s22], $0x3200;
	(pc) =	sbr.rel @p0 .LBB2_2-.Ltmp0, $4  }
0x5e: {  	[sflag:s22] =	ssyncset.done $0x0  }
0x5f: {  	[sflag:s22] =	ssyncadd.s32 $0xFFFFCE00  }
0x60: {  	s25 =	sadd.s32 $0xC80, s25;
	_ =	swait.ge [sflag:s22], $0x3200  }
0x61: {  	s24 =	sadd.s32 $0xC80, s24;
	s29 =	smov.u32 s28;
	[sflag:s22] =	ssyncset.done $0x0  }
0x62: {  	s26 =	sshra.s32 s26, $0x2;
	[sflag:s22] =	ssyncadd.s32 $0xFFFFCE00  }
0x63: {  	[tilespmem:s15], [sflag:$0x1] =	stream.indirect.gather [hbm4b:s3+s14], $0x40, s26, s14, $0xb8;
	[tilespmem:$0xF0A0] =	vst v63  }
0x64: {  	s28 =	sadd.s32 $0x1450, s26  }
0x65: {  	[tilespmem:s16], [sflag:$0x1] =	stream.indirect.gather [hbm4b:s4+s14], $0x40, s28, s14, $0xb8;
	[tilespmem:$0xF0A0] =	vst v63  }
0x66: {  	s31 =	sadd.s32 $0xC8, s26  }
0x67: {  	[tilespmem:s17], [sflag:$0x2] =	stream.indirect.gather [hbm4b:s3+s14], $0x40, s31, s14, $0xb8;
	[tilespmem:$0xF0A0] =	vst v63  }
0x68: {  	s26 =	sadd.s32 $0x1518, s26  }
0x69: {  	[tilespmem:s18], [sflag:$0x2] =	stream.indirect.gather [hbm4b:s4+s14], $0x40, s26, s14, $0xb8;
	[tilespmem:$0xF0A0] =	vst v63  }
0x6a: {  	_ =	swait.ge [sflag:s19], $0x3200  }
0x6b: {  	[sflag:s19] =	ssyncset.done $0x0  }
0x6c: {  	[sflag:s19] =	ssyncadd.s32 $0xFFFFCE00  }
0x6d: {  	_ =	swait.ge [sflag:s19], $0x3200  }
0x6e: {  	[sflag:s19] =	ssyncset.done $0x0  }
0x6f: {  	s28 =	sadd.s32 s25, s10;
	[sflag:s19] =	ssyncadd.s32 $0xFFFFCE00  }
0x70: {  	[hbm4b:s28+s2] =	stream.linear.scatter [tilespmem:s15], [sflag:$0x3], $0x3200, $0x38;
	[tilespmem:$0xF0A0] =	vst v63  }
0x71: {  	s29 =	sadd.s32 s24, s10  }
0x72: {  	[hbm4b:s29+s2] =	stream.linear.scatter [tilespmem:s16], [sflag:$0x3], $0x3200, $0x38;
	[tilespmem:$0xF0A0] =	vst v63  }
0x73: {  	_ =	swait.ge [sflag:s20], $0x3200  }
0x74: {  	[sflag:s20] =	ssyncset.done $0x0  }
0x75: {  	[sflag:s20] =	ssyncadd.s32 $0xFFFFCE00  }
0x76: {  	_ =	swait.ge [sflag:s20], $0x3200  }
0x77: {  	[sflag:s20] =	ssyncset.done $0x0  }
0x78: {  	s30 =	sadd.s32 s25, s11;
	[sflag:s20] =	ssyncadd.s32 $0xFFFFCE00  }
0x79: {  	[hbm4b:s30+s2] =	stream.linear.scatter [tilespmem:s17], [sflag:$0x4], $0x3200, $0x38;
	[tilespmem:$0xF0A0] =	vst v63  }
0x7a: {  	s31 =	sadd.s32 s24, s11  }
0x7b: {  	[hbm4b:s31+s2] =	stream.linear.scatter [tilespmem:s18], [sflag:$0x4], $0x3200, $0x38;
	[tilespmem:$0xF0A0] =	vst v63  }
0x7c: {  	_ =	swait.ge [sflag:s21], $0x3200  }
0x7d: {  	[sflag:s21] =	ssyncset.done $0x0  }
0x7e: {  	[sflag:s21] =	ssyncadd.s32 $0xFFFFCE00  }
0x7f: {  	_ =	swait.ge [sflag:s21], $0x3200  }
0x80: {  	[sflag:s21] =	ssyncset.done $0x0  }
0x81: {  	s23 =	sadd.s32 $0x1, s23;
	[sflag:s21] =	ssyncadd.s32 $0xFFFFCE00  }
0x82: {  	p0 =	sne.s32 s23, s9;
	_ =	swait.ge [sflag:s22], $0x3200  }
.Ltmp1:
0x83: {  	[sflag:s22] =	ssyncset.done $0x0;
	(pc) =	sbr.rel @p0 .LBB2_1-.Ltmp1, $4  }
0x84: {  	[sflag:s22] =	ssyncadd.s32 $0xFFFFCE00  }
0x85: {  	_ =	swait.ge [sflag:s22], $0x3200  }
0x86: {  	[sflag:s22] =	ssyncset.done $0x0  }
0x87: {  	[sflag:s22] =	ssyncadd.s32 $0xFFFFCE00  }
0x88: {  	_ =	sfence.sel $0x180000  }
0x89: {  	[bflag:$0x0] =	sbarrier.arrive $0xFFFF  }
0x8a: {  	p0 =	sne.s32 s0, $0x0;
	_ =	strace $0x90000056  }
0x8b: {  	s0 =	sadd.s32 @!p0 $0x100000, s1;
	[bflag:$0x2] =	sbarrier.arrive $0xFFFF  }
0x8c: {  	[sflag:s0] =	ssyncadd.tile.s32 @!p0 $0x1;
	_ =	shalt  }
.Lfunc_end2:
_tile_overlayer_lowered:
.L_overlay_start_2:
0x8d: {  	(tag) =	ssettag $0x2  }
0x8e: {  	s0 =	rddreg [dreg:$0x0];
	s2 =	stileid.u32  }
0x8f: {  	s1 =	rddreg [dreg:$0x1];
	p0 =	sne.s32 s2, $0x0  }
0x90: {  	s3 =	rddreg [dreg:$0x2];
	[bflag:$0x3] =	sbarrier.arrive $0xFFFF;
	s2 =	simm.s32 @!p0 $0x1C05  }
0x91: {  	[timem:s3], [sflag:s2] =	dma.local @!p0 [hbm:s0], s1  }
0x92: {  	s0 =	simm.s32 @!p0 $0x5  }
0x93: {  	_ =	swait.ge @!p0 [sflag:s0], s1  }
0x94: {  	s1 =	ssub.s32 @!p0 $0x0, s1;
	[sflag:s0] =	ssyncset.done @!p0 $0x0  }
0x95: {  	[sflag:s0] =	ssyncadd.s32 @!p0 s1  }
0x96: {  	[bflag:$0x3] =	sbarrier.arrive $0xFFFF  }
0x97: {  	_ =	shalt  }

// kernel: kernel.39.cloned.1.call-start
scs
__scs_entry_jumppad:
0x0: {  	(pc) =	sbr.rel $0x88, $3  }
0x1: {  	(tag) =	ssettag $0x0;
	lr =	simm.s32 $0x1  }
0x2: {  	[smem:$0x3F86] =	sst lr;
	_ =	strace $0xD0000000  }
0x3: {  	_ = 	snop  }
0x4: {  	_ = 	snop  }
0x5: {  	_ = 	snop  }
0x6: {  	_ = 	snop  }
0x7: {  	_ = 	snop  }
__scs_overlays_trampoline_lowered:
0x8: {  	[smem:$0x3F95] =	sst s0  }
0x9: {  	[smem:$0x3F96] =	sst s1  }
0xa: {  	[smem:$0x3F97] =	sst s2  }
0xb: {  	[smem:$0x3F98] =	sst s3  }
0xc: {  	[smem:$0x3F99] =	sst s4  }
0xd: {  	[smem:$0x3F9A] =	sst s5  }
0xe: {  	[smem:$0x3F9B] =	sst s6  }
0xf: {  	[smem:$0x3F9C] =	sst s7  }
0x10: {  	[smem:$0x3F9D] =	sst s8  }
0x11: {  	[smem:$0x3F9E] =	sst s9;
	s0 =	simm.s32 @!p0 $0x0  }
0x12: {  	s1 =	sld [smem:$0x3F84];
	s0 =	simm.s32 @p0 $0x1  }
0x13: {  	[smem:$0x3F9F] =	sst s0;
	s0 =	simm.s32 @!p1 $0x0  }
0x14: {  	s2 =	sld [smem:$0x3F83];
	s0 =	simm.s32 @p1 $0x1  }
0x15: {  	[smem:$0x3FA0] =	sst s0;
	s0 =	simm.s32 @!p2 $0x0  }
0x16: {  	s3 =	sld [smem:$0x3FDB];
	s0 =	simm.s32 @p2 $0x1  }
0x17: {  	s4 =	simm.s32 $0x1BF5;
	[smem:$0x3FA2] =	sst s0  }
0x18: {  	s0 =	sld [smem:$0x3F85];
	_ =	swait.ge [sflag:s4], $0x0  }
0x19: {  	s7 =	sld [smem:$0x3F86]  }
0x1a: {  	s8 =	sadd.s32 $0xFFFFE003, lr  }
0x1b: {  	s9 =	sadd.s32 $0xFFFFFEF7, lr;
	s5 =	simm.s32 $0xFFFFFFFF;
	p2 =	slt.u32 s8, $0xFFFFF086  }
0x1c: {  	p1 =	slt.u32 s9, $0xF7A;
	s5 =	simm.s32 @!p2 $0x0  }
0x1d: {  	s5 =	simm.s32 @p1 $0x1;
	p0 =	seq.s32 s7, s2  }
0x1e: {  	s7 =	smul.u32 @!p0 $0xF7A, s2;
	p2 =	seq.s32 @!p0 s5, $0x0  }
0x1f: {  	s9 =	smul.u32 $0xF7A, s1;
	s8 =	simm.s32 @!p0 $0x1BF5;
	p2 =	por !p2, p0  }
0x20: {  	[sflag:s8] =	ssyncset.s32 @!p0 $0xFFFFF086;
	s6 =	sadd.s32 @!p0 s3, s7;
	s7 =	simm.s32 @!p0 $0x108  }
0x21: {  	s3 =	sadd.s32 s3, s9;
	s6 =	sadd.s32 @!p0 $0x88, s6;
	s7 =	simm.s32 @p2 $0x1082  }
0x22: {  	[simem:s7], [sflag:s8] =	dma.local @!p0 [hbm:s6], $0xF7A  }
0x23: {  	s9 =	sor.u32 $0xD0000000, s2;
	s6 =	simm.s32 $0x108;
	_ =	swait.ge @!p0 [sflag:s8], $0x0  }
0x24: {  	s3 =	sadd.s32 $0x88, s3;
	s6 =	simm.s32 @!p1 $0x1082;
	[sflag:s4] =	ssyncset.s32 $0xFFFFF086  }
0x25: {  	[simem:s6], [sflag:s4] =	dma.local [hbm:s3], $0xF7A  }
0x26: {  	[smem:$0x3F86] =	sst s1;
	(tag) =	ssettag s2;
	_ =	strace s9  }
0x27: {  	s1 =	sld [smem:$0x3F96]  }
0x28: {  	s2 =	sld [smem:$0x3F97]  }
0x29: {  	s4 =	sld [smem:$0x3F99]  }
0x2a: {  	p0 =	seq.s32 s5, $0x0;
	s5 =	sld [smem:$0x3F9A]  }
0x2b: {  	s6 =	sld [smem:$0x3F9B]  }
0x2c: {  	s7 =	sld [smem:$0x3F9C]  }
0x2d: {  	s3 =	simm.s32 $0x108;
	s8 =	sld [smem:$0x3F9D]  }
0x2e: {  	s3 =	simm.s32 @!p0 $0x1082;
	s9 =	sld [smem:$0x3F9E]  }
0x2f: {  	lr =	sadd.s32 s0, s3;
	s0 =	sld [smem:$0x3F95]  }
0x30: {  	s3 =	sld [smem:$0x3F98]  }
0x31: {  	[smem:$0x3FA1] =	sst s10  }
0x32: {  	s10 =	sld [smem:$0x3F9F];
	_ =	sdelay $0x3  }
0x33: {  	p0 =	seq.s32 s10, $0x1;
	s10 =	sld [smem:$0x3FA1];
	_ =	sdelay $0x3  }
0x34: {  	[smem:$0x3FA1] =	sst s10  }
0x35: {  	s10 =	sld [smem:$0x3FA0];
	_ =	sdelay $0x3  }
0x36: {  	p1 =	seq.s32 s10, $0x1;
	s10 =	sld [smem:$0x3FA1];
	_ =	sdelay $0x3  }
0x37: {  	[smem:$0x3FA1] =	sst s10  }
0x38: {  	s10 =	sld [smem:$0x3FA2]  }
0x39: {  	_ = 	snop;
	(pc) =	sbr.ind lr, $3  }
0x3a: {  	_ = 	snop  }
0x3b: {  	_ = 	snop  }
0x3c: {  	p2 =	seq.s32 s10, $0x1;
	s10 =	sld [smem:$0x3FA1]  }
0x3d: {  	_ =	shalt  }
0x3e: {  	_ =	shalt  }
0x3f: {  	_ =	shalt  }
0x40: {  	_ =	shalt  }
0x41: {  	_ =	shalt  }
0x42: {  	_ =	shalt  }
0x43: {  	_ =	shalt  }
0x44: {  	_ =	shalt  }
0x45: {  	_ =	shalt  }
0x46: {  	_ =	shalt  }
0x47: {  	_ =	shalt  }
0x48: {  	_ =	shalt  }
0x49: {  	_ =	shalt  }
0x4a: {  	_ =	shalt  }
0x4b: {  	_ =	shalt  }
0x4c: {  	_ =	shalt  }
0x4d: {  	_ =	shalt  }
0x4e: {  	_ =	shalt  }
0x4f: {  	_ =	shalt  }
0x50: {  	_ =	shalt  }
0x51: {  	_ =	shalt  }
0x52: {  	_ =	shalt  }
0x53: {  	_ =	shalt  }
0x54: {  	_ =	shalt  }
0x55: {  	_ =	shalt  }
0x56: {  	_ =	shalt  }
0x57: {  	_ =	shalt  }
0x58: {  	_ =	shalt  }
0x59: {  	_ =	shalt  }
0x5a: {  	_ =	shalt  }
0x5b: {  	_ =	shalt  }
0x5c: {  	_ =	shalt  }
0x5d: {  	_ =	shalt  }
0x5e: {  	_ =	shalt  }
0x5f: {  	_ =	shalt  }
0x60: {  	_ =	shalt  }
0x61: {  	_ =	shalt  }
0x62: {  	_ =	shalt  }
0x63: {  	_ =	shalt  }
0x64: {  	_ =	shalt  }
0x65: {  	_ =	shalt  }
0x66: {  	_ =	shalt  }
0x67: {  	_ =	shalt  }
0x68: {  	_ =	shalt  }
0x69: {  	_ =	shalt  }
0x6a: {  	_ =	shalt  }
0x6b: {  	_ =	shalt  }
0x6c: {  	_ =	shalt  }
0x6d: {  	_ =	shalt  }
0x6e: {  	_ =	shalt  }
0x6f: {  	_ =	shalt  }
0x70: {  	_ =	shalt  }
0x71: {  	_ =	shalt  }
0x72: {  	_ =	shalt  }
0x73: {  	_ =	shalt  }
0x74: {  	_ =	shalt  }
0x75: {  	_ =	shalt  }
0x76: {  	_ =	shalt  }
0x77: {  	_ =	shalt  }
0x78: {  	_ =	shalt  }
0x79: {  	_ =	shalt  }
0x7a: {  	_ =	shalt  }
0x7b: {  	_ =	shalt  }
0x7c: {  	_ =	shalt  }
0x7d: {  	_ =	shalt  }
0x7e: {  	_ =	shalt  }
0x7f: {  	_ =	shalt  }
0x80: {  	_ =	shalt  }
0x81: {  	_ =	shalt  }
0x82: {  	_ =	shalt  }
0x83: {  	_ =	shalt  }
0x84: {  	_ =	shalt  }
0x85: {  	_ =	shalt  }
0x86: {  	_ =	shalt  }
0x87: {  	_ =	shalt  }
.Lfunc_end0:
.L_simem_size_0:
called_computation.6_lowered:
.L_overlay_start_0:
0x88: {  	s2 =	sld [smem:$0x3FD9]  }
0x89: {  	s3 =	sld [smem:$0x3FFE];
	_ =	sdelay $0x1  }
0x8a: {  	s1 =	srdreg.scid  }
0x8b: {  	s0 =	sand.u32 $0x1, s1  }
0x8c: {  	s17 =	sshll.u32 s0, $0xA;
	s2 =	sadd.s32 s3, s2  }
0x8d: {  	s2 =	sadd.s32 s2, s17  }
0x8e: {  	[smem:$0x3FAD] =	sst s2  }
0x8f: {  	_ = 	snop  }
0x90: {  	(tm) =	ssettm $0x1  }
0x91: {  	s18 =	sld [smem:$0x3FFB];
	_ =	sdelay $0x3  }
0x92: {  	_ =	strace s18  }
0x93: {  	s2 =	sld [smem:$0x3FFC];
	_ =	sdelay $0x3  }
0x94: {  	_ =	strace s2  }
0x95: {  	s2 =	sld [smem:$0x3FFD];
	_ =	sdelay $0x3  }
0x96: {  	_ =	strace s2  }
0x97: {  	_ =	strace $0x8FFFFFFF  }
0x98: {  	s19 =	sld [smem:$0x3FDB];
	_ =	sdelay $0x1  }
0x99: {  	s20 =	simm.s32 $_scs_section_size  }
0x9a: {  	s4 =	simm.s32 $_size__tile_overlayer_lowered;
	s5 =	simm.s32 $_tile_overlayer_lowered  }
0x9b: {  	s6 =	simm.s32 $0x1BFF;
	s21 =	sshll.u32 s5, $0x1;
	s3 =	sadd.s32 s20, s19  }
0x9c: {  	s22 =	simm.s32 $0x0;
	s4 =	sshll.u32 s4, $0x1;
	s5 =	sadd.s32 s21, s3  }
0x9d: {  	[timem:s22], [sflag:s6] =	dma.local [hbm:s5], s4  }
0x9e: {  	_ =	swait.ge [sflag:s6], s4  }
0x9f: {  	s4 =	ssub.s32 $0x0, s4;
	[sflag:s6] =	ssyncset.done $0x0  }
0xa0: {  	[sflag:s6] =	ssyncadd.s32 s4;
	_ =	sdelay $0x1  }
0xa1: {  	s23 =	simm.s32 $0x1B8B  }
0xa2: {  	_ =	swait.ge [sflag:s23], $0x1  }
0xa3: {  	[sflag:s23] =	ssyncset.done $0x0  }
0xa4: {  	[sflag:s23] =	ssyncadd.s32 $0xFFFFFFFF  }
0xa5: {  	s4 =	sld [smem:$0x0]  }
0xa6: {  	s5 =	sand.u32 $0xFFFFFFFE, s1  }
0xa7: {  	p0 =	sne.s32 s1, s5  }
0xa8: {  	s5 =	sshll.u32 @p0 s5, $0xE  }
0xa9: {  	s5 =	sadd.s32 @p0 $0x11B8D, s5;
	s6 =	sshll.u32 @p0 s4, $0x11  }
0xaa: {  	s5 =	sor.u32 @p0 s6, s5  }
0xab: {  	[sflag:s5] =	ssyncadd.remote.s32 @p0 $0x1;
	_ =	sdelay $0x1  }
0xac: {  	s5 =	simm.s32 @p0 $0x1B8D  }
0xad: {  	_ =	swait.eq @p0 [sflag:s5], $0x1  }
0xae: {  	[sflag:s5] =	ssyncadd.s32 @p0 $0xFFFFFFFF  }
0xaf: {  	s6 =	sshll.u32 @!p0 s1, $0xE  }
0xb0: {  	s6 =	sor.u32 @!p0 $0x4000, s6;
	s5 =	simm.s32 @!p0 $0x1B8D  }
0xb1: {  	s4 =	sshll.u32 @!p0 s4, $0x11;
	s6 =	sadd.s32 @!p0 $0x11B8D, s6;
	_ =	swait.eq @!p0 [sflag:s5], $0x1  }
0xb2: {  	s4 =	sor.u32 @!p0 s4, s6;
	[sflag:s5] =	ssyncadd.s32 @!p0 $0xFFFFFFFF  }
0xb3: {  	s25 =	simm.s32 $0x1B8E;
	s24 =	sld [smem:$0x3FFE];
	[sflag:s4] =	ssyncadd.remote.s32 @!p0 $0x1  }
0xb4: {  	s26 =	simm.s32 $execute0_lowered;
	[smem:$0x3FD2] =	sst s25  }
0xb5: {  	s5 =	sshll.u32 s26, $0x1;
	_ =	strace $0x80000058;
	[dreg:$0x1] =	wrdreg $0xFFFFFFFF  }
0xb6: {  	s28 =	simm.s32 $_size_execute0_lowered;
	s3 =	sadd.s32 s3, s5;
	[dreg:$0x0] =	wrdreg $0x0  }
0xb7: {  	s5 =	sshll.u32 s28, $0x1;
	[dreg:$0x2] =	wrdreg s3  }
0xb8: {  	[dreg:$0x3] =	wrdreg s5  }
0xb9: {  	[dreg:$0x4] =	wrdreg $0xC0  }
0xba: {  	_ =	task [dreg:s22], $0x5FFFF  }
0xbb: {  	[dreg:$0x1] =	wrdreg $0xFFFFFFFF  }
0xbc: {  	[dreg:$0x0] =	wrdreg $0x60  }
0xbd: {  	[dreg:$0x2] =	wrdreg s24  }
0xbe: {  	[dreg:$0x3] =	wrdreg $0x16D00  }
0xbf: {  	[dreg:$0x4] =	wrdreg $0xA  }
0xc0: {  	_ =	task.clear_ibuf [dreg:s22], $0x5FFFF;
	_ =	strace $0x90000058  }
0xc1: {  	s29 =	simm.s32 $0xA;
	_ =	strace $0x8000005A  }
0xc2: {  	_ =	swait.ge [sflag:s29], $0x1  }
0xc3: {  	[sflag:s29] =	ssyncadd.s32 $0xFFFFFFFF  }
0xc4: {  	_ =	strace $0x9000005A  }
0xc5: {  	_ =	sfence  }
0xc6: {  	s30 =	sld [smem:$0x0];
	_ =	sdelay $0x2  }
0xc7: {  	s31 =	sshll.u32 s1, $0xD;
	s1 =	sshrl.u32 s1, $0x2  }
0xc8: {  	s4 =	sand.u32 $0x4000, s31;
	s1 =	sadd.s32 s1, s30  }
0xc9: {  	s0 =	sor.u32 s4, s0;
	s1 =	sshll.u32 s1, $0x11  }
0xca: {  	s0 =	sor.u32 s1, s0  }
0xcb: {  	s0 =	sadd.s32 $0x8F2B, s0  }
0xcc: {  	[sflag:s0] =	ssyncadd.remote.s32 $0x1  }
0xcd: {  	_ =	sfence.sel $0xFFFF  }
0xce: {  	[dreg:$0x0] =	wrdreg $0xFFFFFFFF;
	(pc) =	sbr.abs _section_cstart, $3  }
0xcf: {  	[dreg:$0x1] =	wrdreg $0xFFFFFFFF  }
0xd0: {  	_ =	task.clear_ibuf [dreg:s22], $0x2FFFF;
	_ =	strace $0x9FFFFFFF  }
0xd1: {  	(tm) =	ssettm $0x7FFFFFFF  }
tec
execute0_lowered:
.L_overlay_start_1:
0x0: {  	(tag) =	ssettag $0x1  }
0x1: {  	s18 =	stileid.u32  }
0x2: {  	s0 =	srdreg.scid;
	s3 =	rddreg [dreg:$0x0]  }
0x3: {  	s1 =	rddreg [dreg:$0x1];
	s2 =	simm.s32 $0x0;
	s13 =	simm.s32 $0x1  }
0x4: {  	s14 =	simm.s32 $0x2;
	s15 =	simm.s32 $0x5;
	s4 =	smul.u32 $0x15180, s18  }
0x5: {  	s16 =	simm.s32 $0x3;
	s17 =	simm.s32 $0x4;
	s8 =	smul.u32 $0xB1C0, s18  }
0x6: {  	s5 =	sand.u32 $0x1, s0;
	s0 =	rddreg [dreg:$0x2];
	s12 =	smul.u32 $0x2580, s18  }
0x7: {  	s20 =	simm.s32 $0x0;
	[smem:$0x7FF] =	sst s2;
	s6 =	smul.u32 $0x16380, s5  }
0x8: {  	s10 =	sadd.s32 $0xD800, s3;
	p0 =	sne.s32 s18, $0x0;
	s7 =	smul.u32 $0xB1C00, s5  }
0x9: {  	s18 =	sshll.u32 s18, $0x6;
	_ =	strace $0x80000059;
	s26 =	smul.u32 $0xA8C0, s5  }
0xa: {  	s11 =	ssub.s32 $0x2, s5;
	s5 =	smul.u32 $0x12C0, s5;
	s18 =	sor.u32 $0x1C05, s18  }
0xb: {  	s9 =	sadd.s32 s4, s3;
	s28 =	sshrl.u32 s11, $0x1;
	s19 =	sadd.s32 s8, s1  }
0xc: {  	s24 =	sadd.s32 s6, s3;
	s25 =	sadd.s32 s8, s7;
	s11 =	ssub.s32 s11, s28  }
0xd: {  	s29 =	sadd.s32 s26, s9;
	s30 =	sadd.s32 s5, s12;
	s9 =	sshrl.u32 @!p0 s1, $0x3  }
0xe: {  	s12 =	simm.s32 $0xB90;
	s19 =	sshrl.u32 s19, $0x3;
	s6 =	sshrl.u32 s25, $0x3  }
0xf: {  	s5 =	smax.u32 s11, $0x1;
	s31 =	sor.u32 $0x28, s30;
	s7 =	sshrl.u32 s30, $0x3  }
0x10: {  	s11 =	simm.s32 $0x28;
	s6 =	sadd.s32 s6, s3;
	s3 =	sadd.s32 $0x3D6800, s24  }
0x11: {  	s8 =	sshrl.u32 s31, $0x3;
	s7 =	sadd.s32 s7, s10;
	s4 =	sadd.s32 $0x403000, s6  }
0x12: {  	s6 =	sadd.s32 $0x65AA00, s29;
	s8 =	sadd.s32 s8, s10;
	s10 =	simm.s32 $0x50  }
.LBB2_1:
0x13: {  	s21 =	simm.s32 @!p0 $0x1C05  }
0x14: {  	[spmem:s9], [sflag:s21] =	dma.local @!p0 [hbm:s3], $0x16380  }
0x15: {  	s21 =	simm.s32 @!p0 $0x5  }
0x16: {  	_ =	swait.ge @!p0 [sflag:s21], $0x16380  }
0x17: {  	[sflag:s21] =	ssyncset.done @!p0 $0x0  }
0x18: {  	[sflag:s21] =	ssyncadd.s32 @!p0 $0xFFFE9C80  }
0x19: {  	s29 =	sadd.s32 $0x0, s7;
	[bflag:$0x0] =	sbarrier.arrive $0xFFFF  }
0x1a: {  	[tilespmem:s2], [sflag:$0x1] =	stream.linear.gather [hbm4b:s29+s2], $0x28, $0x38;
	[tilespmem:$0xC890] =	vst v63  }
0x1b: {  	_ = 	snop  }
0x1c: {  	[tilespmem:s10], [sflag:$0x2] =	stream.linear.gather [hbm4b:s6+s2], $0xB40, $0x38;
	[tilespmem:$0xC890] =	vst v63  }
0x1d: {  	s30 =	sadd.s32 $0x0, s8  }
0x1e: {  	[tilespmem:s11], [sflag:$0x3] =	stream.linear.gather [hbm4b:s30+s2], $0x28, $0x38;
	[tilespmem:$0xC890] =	vst v63  }
0x1f: {  	s31 =	sadd.s32 $0x168, s6  }
0x20: {  	[tilespmem:s12], [sflag:$0x4] =	stream.linear.gather [hbm4b:s31+s2], $0xB40, $0x38;
	[tilespmem:$0xC890] =	vst v63  }
0x21: {  	_ =	swait.ge [sflag:s13], $0x28  }
0x22: {  	[sflag:s13] =	ssyncset.done $0x0  }
0x23: {  	[sflag:s13] =	ssyncadd.s32 $0xFFFFFFD8  }
0x24: {  	_ =	swait.ge [sflag:s14], $0xB40  }
0x25: {  	[sflag:s14] =	ssyncset.done $0x0  }
0x26: {  	[sflag:s14] =	ssyncadd.s32 $0xFFFFF4C0  }
0x27: {  	[spmem:s1] =	stream.indirect.scatter.add.f32 [tilespmem:s10], [sflag:$0x5], $0x48, s2, s11, $0xb8;
	[tilespmem:$0xC890] =	vst v63  }
0x28: {  	_ =	swait.ge [sflag:s15], $0xB40  }
0x29: {  	[sflag:s15] =	ssyncset.done $0x0  }
0x2a: {  	[sflag:s15] =	ssyncadd.s32 $0xFFFFF4C0  }
0x2b: {  	_ =	swait.ge [sflag:s16], $0x28  }
0x2c: {  	[sflag:s16] =	ssyncset.done $0x0  }
0x2d: {  	[sflag:s16] =	ssyncadd.s32 $0xFFFFFFD8  }
0x2e: {  	_ =	swait.ge [sflag:s17], $0xB40  }
0x2f: {  	[sflag:s17] =	ssyncset.done $0x0  }
0x30: {  	[sflag:s17] =	ssyncadd.s32 $0xFFFFF4C0  }
0x31: {  	[spmem:s1] =	stream.indirect.scatter.add.f32 [tilespmem:s12], [sflag:$0x5], $0x48, s11, s11, $0xb8;
	[tilespmem:$0xC890] =	vst v63  }
0x32: {  	s23 =	simm.s32 $0x14;
	_ =	swait.ge [sflag:s15], $0xB40  }
0x33: {  	s22 =	sadd.s32 $0x2D0, s6;
	s21 =	simm.s32 $0xA;
	[sflag:s15] =	ssyncset.done $0x0  }
.LBB2_2:
0x34: {  	s24 =	sadd.s32 s21, s7  }
0x35: {  	[sflag:s15] =	ssyncadd.s32 $0xFFFFF4C0;
	s25 =	smov.u32 s23;
	s26 =	sadd.s32 $0xA, s23  }
0x36: {  	[tilespmem:s2], [sflag:$0x1] =	stream.linear.gather [hbm4b:s24+s2], $0x28, $0x38;
	[tilespmem:$0xC890] =	vst v63  }
0x37: {  	p1 =	sne.s32 s23, $0x24E  }
0x38: {  	[tilespmem:s10], [sflag:$0x2] =	stream.linear.gather [hbm4b:s22+s2], $0xB40, $0x38;
	[tilespmem:$0xC890] =	vst v63  }
0x39: {  	s23 =	sadd.s32 s21, s8;
	s21 =	smov.u32 s25  }
0x3a: {  	[tilespmem:s11], [sflag:$0x3] =	stream.linear.gather [hbm4b:s23+s2], $0x28, $0x38;
	[tilespmem:$0xC890] =	vst v63  }
0x3b: {  	s23 =	sadd.s32 $0x168, s22  }
0x3c: {  	[tilespmem:s12], [sflag:$0x4] =	stream.linear.gather [hbm4b:s23+s2], $0xB40, $0x38;
	[tilespmem:$0xC890] =	vst v63  }
0x3d: {  	_ =	swait.ge [sflag:s13], $0x28  }
0x3e: {  	[sflag:s13] =	ssyncset.done $0x0  }
0x3f: {  	[sflag:s13] =	ssyncadd.s32 $0xFFFFFFD8  }
0x40: {  	_ =	swait.ge [sflag:s14], $0xB40  }
0x41: {  	[sflag:s14] =	ssyncset.done $0x0  }
0x42: {  	[sflag:s14] =	ssyncadd.s32 $0xFFFFF4C0  }
0x43: {  	[spmem:s1] =	stream.indirect.scatter.add.f32 [tilespmem:s10], [sflag:$0x5], $0x48, s2, s11, $0xb8;
	[tilespmem:$0xC890] =	vst v63  }
0x44: {  	_ =	swait.ge [sflag:s15], $0xB40  }
0x45: {  	[sflag:s15] =	ssyncset.done $0x0  }
0x46: {  	[sflag:s15] =	ssyncadd.s32 $0xFFFFF4C0  }
0x47: {  	_ =	swait.ge [sflag:s16], $0x28  }
0x48: {  	[sflag:s16] =	ssyncset.done $0x0  }
0x49: {  	[sflag:s16] =	ssyncadd.s32 $0xFFFFFFD8  }
0x4a: {  	_ =	swait.ge [sflag:s17], $0xB40  }
.Ltmp0:
0x4b: {  	[sflag:s17] =	ssyncset.done $0x0;
	(pc) =	sbr.rel @p1 .LBB2_2-.Ltmp0, $4  }
0x4c: {  	[sflag:s17] =	ssyncadd.s32 $0xFFFFF4C0  }
0x4d: {  	[spmem:s1] =	stream.indirect.scatter.add.f32 [tilespmem:s12], [sflag:$0x5], $0x48, s11, s11, $0xb8;
	[tilespmem:$0xC890] =	vst v63  }
0x4e: {  	_ =	swait.ge [sflag:s15], $0xB40  }
0x4f: {  	s22 =	sadd.s32 $0x2D0, s22;
	s23 =	smov.u32 s26;
	[sflag:s15] =	ssyncset.done $0x0  }
0x50: {  	s23 =	sadd.s32 s21, s7;
	[sflag:s15] =	ssyncadd.s32 $0xFFFFF4C0  }
0x51: {  	[tilespmem:s2], [sflag:$0x1] =	stream.linear.gather [hbm4b:s23+s2], $0x28, $0x38;
	[tilespmem:$0xC890] =	vst v63  }
0x52: {  	_ = 	snop  }
0x53: {  	[tilespmem:s10], [sflag:$0x2] =	stream.linear.gather [hbm4b:s22+s2], $0xB40, $0x38;
	[tilespmem:$0xC890] =	vst v63  }
0x54: {  	s30 =	sadd.s32 s21, s8  }
0x55: {  	[tilespmem:s11], [sflag:$0x3] =	stream.linear.gather [hbm4b:s30+s2], $0x28, $0x38;
	[tilespmem:$0xC890] =	vst v63  }
0x56: {  	s31 =	sadd.s32 $0x168, s22  }
0x57: {  	[tilespmem:s12], [sflag:$0x4] =	stream.linear.gather [hbm4b:s31+s2], $0xB40, $0x38;
	[tilespmem:$0xC890] =	vst v63  }
0x58: {  	_ =	swait.ge [sflag:s13], $0x28  }
0x59: {  	[sflag:s13] =	ssyncset.done $0x0  }
0x5a: {  	[sflag:s13] =	ssyncadd.s32 $0xFFFFFFD8  }
0x5b: {  	_ =	swait.ge [sflag:s14], $0xB40  }
0x5c: {  	[sflag:s14] =	ssyncset.done $0x0  }
0x5d: {  	[sflag:s14] =	ssyncadd.s32 $0xFFFFF4C0  }
0x5e: {  	[spmem:s1] =	stream.indirect.scatter.add.f32 [tilespmem:s10], [sflag:$0x5], $0x48, s2, s11, $0xb8;
	[tilespmem:$0xC890] =	vst v63  }
0x5f: {  	_ =	swait.ge [sflag:s15], $0xB40  }
0x60: {  	[sflag:s15] =	ssyncset.done $0x0  }
0x61: {  	[sflag:s15] =	ssyncadd.s32 $0xFFFFF4C0  }
0x62: {  	_ =	swait.ge [sflag:s16], $0x28  }
0x63: {  	[sflag:s16] =	ssyncset.done $0x0  }
0x64: {  	[sflag:s16] =	ssyncadd.s32 $0xFFFFFFD8  }
0x65: {  	_ =	swait.ge [sflag:s17], $0xB40  }
0x66: {  	[sflag:s17] =	ssyncset.done $0x0  }
0x67: {  	[sflag:s17] =	ssyncadd.s32 $0xFFFFF4C0  }
0x68: {  	[spmem:s1] =	stream.indirect.scatter.add.f32 [tilespmem:s12], [sflag:$0x5], $0x48, s11, s11, $0xb8;
	[tilespmem:$0xC890] =	vst v63  }
0x69: {  	_ =	swait.ge [sflag:s15], $0xB40  }
0x6a: {  	s20 =	sadd.s32 $0x1, s20;
	[sflag:s15] =	ssyncset.done $0x0  }
0x6b: {  	p1 =	sne.s32 s20, s5;
	[sflag:s15] =	ssyncadd.s32 $0xFFFFF4C0  }
.Ltmp1:
0x6c: {  	[bflag:$0x0] =	sbarrier.arrive $0xFFFF;
	(pc) =	sbr.rel @p1 .LBB2_1-.Ltmp1, $4  }
0x6d: {  	[hbm:s4], [sflag:s18] =	dma.local [spmem:s19], $0x1638  }
0x6e: {  	_ =	swait.ge [sflag:s15], $0x1638  }
0x6f: {  	[sflag:s15] =	ssyncset.done $0x0  }
0x70: {  	[sflag:s15] =	ssyncadd.s32 $0xFFFFE9C8  }
0x71: {  	_ =	sfence.sel $0x180000  }
0x72: {  	[bflag:$0x0] =	sbarrier.arrive $0xFFFF  }
0x73: {  	_ =	strace $0x90000059  }
0x74: {  	s0 =	sadd.s32 @!p0 $0x100000, s0;
	[bflag:$0x2] =	sbarrier.arrive $0xFFFF  }
0x75: {  	[sflag:s0] =	ssyncadd.tile.s32 @!p0 $0x1;
	_ =	shalt  }
.Lfunc_end2:
_tile_overlayer_lowered:
.L_overlay_start_2:
0x76: {  	(tag) =	ssettag $0x2  }
0x77: {  	s0 =	rddreg [dreg:$0x0];
	s2 =	stileid.u32  }
0x78: {  	s1 =	rddreg [dreg:$0x1];
	p0 =	sne.s32 s2, $0x0  }
0x79: {  	s3 =	rddreg [dreg:$0x2];
	[bflag:$0x3] =	sbarrier.arrive $0xFFFF;
	s2 =	simm.s32 @!p0 $0x1C05  }
0x7a: {  	[timem:s3], [sflag:s2] =	dma.local @!p0 [hbm:s0], s1  }
0x7b: {  	s0 =	simm.s32 @!p0 $0x5  }
0x7c: {  	_ =	swait.ge @!p0 [sflag:s0], s1  }
0x7d: {  	s1 =	ssub.s32 @!p0 $0x0, s1;
	[sflag:s0] =	ssyncset.done @!p0 $0x0  }
0x7e: {  	[sflag:s0] =	ssyncadd.s32 @!p0 s1  }
0x7f: {  	[bflag:$0x3] =	sbarrier.arrive $0xFFFF  }
0x80: {  	_ =	shalt  }

// kernel: kernel.42.cloned.1.call-start
scs
__scs_entry_jumppad:
0x0: {  	(pc) =	sbr.rel $0x88, $3  }
0x1: {  	(tag) =	ssettag $0x0;
	lr =	simm.s32 $0x1  }
0x2: {  	[smem:$0x3F86] =	sst lr;
	_ =	strace $0xD0000000  }
0x3: {  	_ = 	snop  }
0x4: {  	_ = 	snop  }
0x5: {  	_ = 	snop  }
0x6: {  	_ = 	snop  }
0x7: {  	_ = 	snop  }
__scs_overlays_trampoline_lowered:
0x8: {  	[smem:$0x3F95] =	sst s0  }
0x9: {  	[smem:$0x3F96] =	sst s1  }
0xa: {  	[smem:$0x3F97] =	sst s2  }
0xb: {  	[smem:$0x3F98] =	sst s3  }
0xc: {  	[smem:$0x3F99] =	sst s4  }
0xd: {  	[smem:$0x3F9A] =	sst s5  }
0xe: {  	[smem:$0x3F9B] =	sst s6  }
0xf: {  	[smem:$0x3F9C] =	sst s7  }
0x10: {  	[smem:$0x3F9D] =	sst s8  }
0x11: {  	[smem:$0x3F9E] =	sst s9;
	s0 =	simm.s32 @!p0 $0x0  }
0x12: {  	s1 =	sld [smem:$0x3F84];
	s0 =	simm.s32 @p0 $0x1  }
0x13: {  	[smem:$0x3F9F] =	sst s0;
	s0 =	simm.s32 @!p1 $0x0  }
0x14: {  	s2 =	sld [smem:$0x3F83];
	s0 =	simm.s32 @p1 $0x1  }
0x15: {  	[smem:$0x3FA0] =	sst s0;
	s0 =	simm.s32 @!p2 $0x0  }
0x16: {  	s3 =	sld [smem:$0x3FDB];
	s0 =	simm.s32 @p2 $0x1  }
0x17: {  	s4 =	simm.s32 $0x1BF5;
	[smem:$0x3FA2] =	sst s0  }
0x18: {  	s0 =	sld [smem:$0x3F85];
	_ =	swait.ge [sflag:s4], $0x0  }
0x19: {  	s7 =	sld [smem:$0x3F86]  }
0x1a: {  	s8 =	sadd.s32 $0xFFFFE003, lr  }
0x1b: {  	s9 =	sadd.s32 $0xFFFFFEF7, lr;
	s5 =	simm.s32 $0xFFFFFFFF;
	p2 =	slt.u32 s8, $0xFFFFF086  }
0x1c: {  	p1 =	slt.u32 s9, $0xF7A;
	s5 =	simm.s32 @!p2 $0x0  }
0x1d: {  	s5 =	simm.s32 @p1 $0x1;
	p0 =	seq.s32 s7, s2  }
0x1e: {  	s7 =	smul.u32 @!p0 $0xF7A, s2;
	p2 =	seq.s32 @!p0 s5, $0x0  }
0x1f: {  	s9 =	smul.u32 $0xF7A, s1;
	s8 =	simm.s32 @!p0 $0x1BF5;
	p2 =	por !p2, p0  }
0x20: {  	[sflag:s8] =	ssyncset.s32 @!p0 $0xFFFFF086;
	s6 =	sadd.s32 @!p0 s3, s7;
	s7 =	simm.s32 @!p0 $0x108  }
0x21: {  	s3 =	sadd.s32 s3, s9;
	s6 =	sadd.s32 @!p0 $0x88, s6;
	s7 =	simm.s32 @p2 $0x1082  }
0x22: {  	[simem:s7], [sflag:s8] =	dma.local @!p0 [hbm:s6], $0xF7A  }
0x23: {  	s9 =	sor.u32 $0xD0000000, s2;
	s6 =	simm.s32 $0x108;
	_ =	swait.ge @!p0 [sflag:s8], $0x0  }
0x24: {  	s3 =	sadd.s32 $0x88, s3;
	s6 =	simm.s32 @!p1 $0x1082;
	[sflag:s4] =	ssyncset.s32 $0xFFFFF086  }
0x25: {  	[simem:s6], [sflag:s4] =	dma.local [hbm:s3], $0xF7A  }
0x26: {  	[smem:$0x3F86] =	sst s1;
	(tag) =	ssettag s2;
	_ =	strace s9  }
0x27: {  	s1 =	sld [smem:$0x3F96]  }
0x28: {  	s2 =	sld [smem:$0x3F97]  }
0x29: {  	s4 =	sld [smem:$0x3F99]  }
0x2a: {  	p0 =	seq.s32 s5, $0x0;
	s5 =	sld [smem:$0x3F9A]  }
0x2b: {  	s6 =	sld [smem:$0x3F9B]  }
0x2c: {  	s7 =	sld [smem:$0x3F9C]  }
0x2d: {  	s3 =	simm.s32 $0x108;
	s8 =	sld [smem:$0x3F9D]  }
0x2e: {  	s3 =	simm.s32 @!p0 $0x1082;
	s9 =	sld [smem:$0x3F9E]  }
0x2f: {  	lr =	sadd.s32 s0, s3;
	s0 =	sld [smem:$0x3F95]  }
0x30: {  	s3 =	sld [smem:$0x3F98]  }
0x31: {  	[smem:$0x3FA1] =	sst s10  }
0x32: {  	s10 =	sld [smem:$0x3F9F];
	_ =	sdelay $0x3  }
0x33: {  	p0 =	seq.s32 s10, $0x1;
	s10 =	sld [smem:$0x3FA1];
	_ =	sdelay $0x3  }
0x34: {  	[smem:$0x3FA1] =	sst s10  }
0x35: {  	s10 =	sld [smem:$0x3FA0];
	_ =	sdelay $0x3  }
0x36: {  	p1 =	seq.s32 s10, $0x1;
	s10 =	sld [smem:$0x3FA1];
	_ =	sdelay $0x3  }
0x37: {  	[smem:$0x3FA1] =	sst s10  }
0x38: {  	s10 =	sld [smem:$0x3FA2]  }
0x39: {  	_ = 	snop;
	(pc) =	sbr.ind lr, $3  }
0x3a: {  	_ = 	snop  }
0x3b: {  	_ = 	snop  }
0x3c: {  	p2 =	seq.s32 s10, $0x1;
	s10 =	sld [smem:$0x3FA1]  }
0x3d: {  	_ =	shalt  }
0x3e: {  	_ =	shalt  }
0x3f: {  	_ =	shalt  }
0x40: {  	_ =	shalt  }
0x41: {  	_ =	shalt  }
0x42: {  	_ =	shalt  }
0x43: {  	_ =	shalt  }
0x44: {  	_ =	shalt  }
0x45: {  	_ =	shalt  }
0x46: {  	_ =	shalt  }
0x47: {  	_ =	shalt  }
0x48: {  	_ =	shalt  }
0x49: {  	_ =	shalt  }
0x4a: {  	_ =	shalt  }
0x4b: {  	_ =	shalt  }
0x4c: {  	_ =	shalt  }
0x4d: {  	_ =	shalt  }
0x4e: {  	_ =	shalt  }
0x4f: {  	_ =	shalt  }
0x50: {  	_ =	shalt  }
0x51: {  	_ =	shalt  }
0x52: {  	_ =	shalt  }
0x53: {  	_ =	shalt  }
0x54: {  	_ =	shalt  }
0x55: {  	_ =	shalt  }
0x56: {  	_ =	shalt  }
0x57: {  	_ =	shalt  }
0x58: {  	_ =	shalt  }
0x59: {  	_ =	shalt  }
0x5a: {  	_ =	shalt  }
0x5b: {  	_ =	shalt  }
0x5c: {  	_ =	shalt  }
0x5d: {  	_ =	shalt  }
0x5e: {  	_ =	shalt  }
0x5f: {  	_ =	shalt  }
0x60: {  	_ =	shalt  }
0x61: {  	_ =	shalt  }
0x62: {  	_ =	shalt  }
0x63: {  	_ =	shalt  }
0x64: {  	_ =	shalt  }
0x65: {  	_ =	shalt  }
0x66: {  	_ =	shalt  }
0x67: {  	_ =	shalt  }
0x68: {  	_ =	shalt  }
0x69: {  	_ =	shalt  }
0x6a: {  	_ =	shalt  }
0x6b: {  	_ =	shalt  }
0x6c: {  	_ =	shalt  }
0x6d: {  	_ =	shalt  }
0x6e: {  	_ =	shalt  }
0x6f: {  	_ =	shalt  }
0x70: {  	_ =	shalt  }
0x71: {  	_ =	shalt  }
0x72: {  	_ =	shalt  }
0x73: {  	_ =	shalt  }
0x74: {  	_ =	shalt  }
0x75: {  	_ =	shalt  }
0x76: {  	_ =	shalt  }
0x77: {  	_ =	shalt  }
0x78: {  	_ =	shalt  }
0x79: {  	_ =	shalt  }
0x7a: {  	_ =	shalt  }
0x7b: {  	_ =	shalt  }
0x7c: {  	_ =	shalt  }
0x7d: {  	_ =	shalt  }
0x7e: {  	_ =	shalt  }
0x7f: {  	_ =	shalt  }
0x80: {  	_ =	shalt  }
0x81: {  	_ =	shalt  }
0x82: {  	_ =	shalt  }
0x83: {  	_ =	shalt  }
0x84: {  	_ =	shalt  }
0x85: {  	_ =	shalt  }
0x86: {  	_ =	shalt  }
0x87: {  	_ =	shalt  }
.Lfunc_end0:
.L_simem_size_0:
called_computation.7_lowered:
.L_overlay_start_0:
0x88: {  	s2 =	sld [smem:$0x3FD9]  }
0x89: {  	s3 =	sld [smem:$0x3FFE];
	_ =	sdelay $0x1  }
0x8a: {  	s1 =	srdreg.scid  }
0x8b: {  	s0 =	sand.u32 $0x1, s1  }
0x8c: {  	s16 =	sshll.u32 s0, $0xA;
	s2 =	sadd.s32 s3, s2  }
0x8d: {  	s2 =	sadd.s32 s2, s16  }
0x8e: {  	[smem:$0x3FAD] =	sst s2  }
0x8f: {  	_ = 	snop  }
0x90: {  	(tm) =	ssettm $0x1  }
0x91: {  	s17 =	sld [smem:$0x3FFB];
	_ =	sdelay $0x3  }
0x92: {  	_ =	strace s17  }
0x93: {  	s2 =	sld [smem:$0x3FFC];
	_ =	sdelay $0x3  }
0x94: {  	_ =	strace s2  }
0x95: {  	s2 =	sld [smem:$0x3FFD];
	_ =	sdelay $0x3  }
0x96: {  	_ =	strace s2  }
0x97: {  	_ =	strace $0x8FFFFFFF  }
0x98: {  	s18 =	sld [smem:$0x3FDB];
	_ =	sdelay $0x1  }
0x99: {  	s19 =	simm.s32 $_scs_section_size  }
0x9a: {  	s4 =	simm.s32 $_size__tile_overlayer_lowered;
	s5 =	simm.s32 $_tile_overlayer_lowered  }
0x9b: {  	s22 =	simm.s32 $0x1BFF;
	s21 =	sshll.u32 s5, $0x1;
	s2 =	sadd.s32 s19, s18  }
0x9c: {  	s6 =	simm.s32 $0x0;
	s20 =	sshll.u32 s4, $0x1;
	s4 =	sadd.s32 s21, s2  }
0x9d: {  	[timem:s6], [sflag:s22] =	dma.local [hbm:s4], s20  }
0x9e: {  	_ =	swait.ge [sflag:s22], s20  }
0x9f: {  	s3 =	ssub.s32 $0x0, s20;
	[sflag:s22] =	ssyncset.done $0x0  }
0xa0: {  	[sflag:s22] =	ssyncadd.s32 s3;
	_ =	sdelay $0x1  }
0xa1: {  	s23 =	simm.s32 $0x1B8B  }
0xa2: {  	_ =	swait.ge [sflag:s23], $0x1  }
0xa3: {  	[sflag:s23] =	ssyncset.done $0x0  }
0xa4: {  	s25 =	simm.s32 $0x1B8E;
	s24 =	sld [smem:$0x3FFE];
	[sflag:s23] =	ssyncadd.s32 $0xFFFFFFFF  }
0xa5: {  	s26 =	simm.s32 $execute0_lowered;
	[smem:$0x3FD2] =	sst s25  }
0xa6: {  	s4 =	sshll.u32 s26, $0x1;
	_ =	strace $0x8000005B;
	[dreg:$0x1] =	wrdreg $0xFFFFFFFF  }
0xa7: {  	s28 =	simm.s32 $_size_execute0_lowered;
	s2 =	sadd.s32 s2, s4;
	[dreg:$0x0] =	wrdreg $0x0  }
0xa8: {  	s4 =	sshll.u32 s28, $0x1;
	[dreg:$0x2] =	wrdreg s2  }
0xa9: {  	[dreg:$0x3] =	wrdreg s4  }
0xaa: {  	[dreg:$0x4] =	wrdreg $0xC0  }
0xab: {  	_ =	task [dreg:s6], $0x5FFFF  }
0xac: {  	[dreg:$0x1] =	wrdreg $0xFFFFFFFF  }
0xad: {  	[dreg:$0x0] =	wrdreg $0x60  }
0xae: {  	[dreg:$0x2] =	wrdreg s24  }
0xaf: {  	[dreg:$0x3] =	wrdreg $0x16D00  }
0xb0: {  	[dreg:$0x4] =	wrdreg $0x9  }
0xb1: {  	_ =	task.clear_ibuf [dreg:s6], $0x5FFFF;
	_ =	strace $0x9000005B  }
0xb2: {  	s29 =	simm.s32 $0x9;
	_ =	strace $0x8000005D  }
0xb3: {  	_ =	swait.ge [sflag:s29], $0x1  }
0xb4: {  	[sflag:s29] =	ssyncadd.s32 $0xFFFFFFFF  }
0xb5: {  	_ =	strace $0x9000005D  }
0xb6: {  	_ =	sfence  }
0xb7: {  	s30 =	sld [smem:$0x0];
	_ =	sdelay $0x2  }
0xb8: {  	s31 =	sshll.u32 s1, $0xD;
	s1 =	sshrl.u32 s1, $0x2  }
0xb9: {  	s3 =	sand.u32 $0x4000, s31;
	s1 =	sadd.s32 s1, s30  }
0xba: {  	s0 =	sor.u32 s3, s0;
	s1 =	sshll.u32 s1, $0x11  }
0xbb: {  	s0 =	sor.u32 s1, s0  }
0xbc: {  	s0 =	sadd.s32 $0x8F2B, s0  }
0xbd: {  	[sflag:s0] =	ssyncadd.remote.s32 $0x1  }
0xbe: {  	_ =	sfence.sel $0xFFFF  }
0xbf: {  	[dreg:$0x0] =	wrdreg $0xFFFFFFFF;
	(pc) =	sbr.abs _section_cstart, $3  }
0xc0: {  	[dreg:$0x1] =	wrdreg $0xFFFFFFFF  }
0xc1: {  	_ =	task.clear_ibuf [dreg:s6], $0x2FFFF;
	_ =	strace $0x9FFFFFFF  }
0xc2: {  	(tm) =	ssettm $0x7FFFFFFF  }
0xc3: {  	_ =	shalt  }
tec
execute0_lowered:
.L_overlay_start_1:
0x0: {  	(tag) =	ssettag $0x1  }
0x1: {  	s18 =	stileid.u32  }
0x2: {  	s0 =	srdreg.scid;
	s3 =	rddreg [dreg:$0x0]  }
0x3: {  	s1 =	rddreg [dreg:$0x1];
	s2 =	simm.s32 $0x0;
	s13 =	simm.s32 $0x1  }
0x4: {  	s14 =	simm.s32 $0x2;
	s15 =	simm.s32 $0x5;
	s4 =	smul.u32 $0x16DA0, s18  }
0x5: {  	s16 =	simm.s32 $0x3;
	s17 =	simm.s32 $0x4;
	s8 =	smul.u32 $0xB1C0, s18  }
0x6: {  	s5 =	sand.u32 $0x1, s0;
	s0 =	rddreg [dreg:$0x2];
	s12 =	smul.u32 $0x28A0, s18  }
0x7: {  	s20 =	simm.s32 $0x0;
	[smem:$0x7FF] =	sst s2;
	s6 =	smul.u32 $0x16380, s5  }
0x8: {  	s10 =	sadd.s32 $0x510800, s3;
	p0 =	sne.s32 s18, $0x0;
	s7 =	smul.u32 $0xB1C00, s5  }
0x9: {  	s18 =	sshll.u32 s18, $0x6;
	_ =	strace $0x8000005C;
	s26 =	smul.u32 $0xB6D0, s5  }
0xa: {  	s11 =	ssub.s32 $0x2, s5;
	s5 =	smul.u32 $0x1450, s5;
	s18 =	sor.u32 $0x1C05, s18  }
0xb: {  	s9 =	sadd.s32 s4, s3;
	s28 =	sshrl.u32 s11, $0x1;
	s19 =	sadd.s32 s8, s1  }
0xc: {  	s24 =	sadd.s32 s6, s3;
	s25 =	sadd.s32 s8, s7;
	s11 =	ssub.s32 s11, s28  }
0xd: {  	s29 =	sadd.s32 s26, s9;
	s30 =	sadd.s32 s5, s12;
	s9 =	sshrl.u32 @!p0 s1, $0x3  }
0xe: {  	s12 =	simm.s32 $0xB90;
	s19 =	sshrl.u32 s19, $0x3;
	s6 =	sshrl.u32 s25, $0x3  }
0xf: {  	s5 =	smax.u32 s11, $0x1;
	s31 =	sadd.s32 $0x28, s30;
	s7 =	sshrl.u32 s30, $0x3  }
0x10: {  	s11 =	simm.s32 $0x28;
	s6 =	sadd.s32 s6, s3;
	s3 =	sadd.s32 $0x403000, s24  }
0x11: {  	s8 =	sshrl.u32 s31, $0x3;
	s7 =	sadd.s32 s7, s10;
	s4 =	sadd.s32 $0x42F800, s6  }
0x12: {  	s6 =	sadd.s32 $0x12400, s29;
	s8 =	sadd.s32 s8, s10;
	s10 =	simm.s32 $0x50  }
.LBB2_1:
0x13: {  	s21 =	simm.s32 @!p0 $0x1C05  }
0x14: {  	[spmem:s9], [sflag:s21] =	dma.local @!p0 [hbm:s3], $0x16380  }
0x15: {  	s21 =	simm.s32 @!p0 $0x5  }
0x16: {  	_ =	swait.ge @!p0 [sflag:s21], $0x16380  }
0x17: {  	[sflag:s21] =	ssyncset.done @!p0 $0x0  }
0x18: {  	[sflag:s21] =	ssyncadd.s32 @!p0 $0xFFFE9C80  }
0x19: {  	s29 =	sadd.s32 $0x0, s7;
	[bflag:$0x0] =	sbarrier.arrive $0xFFFF  }
0x1a: {  	[tilespmem:s2], [sflag:$0x1] =	stream.linear.gather [hbm4b:s29+s2], $0x28, $0x38;
	[tilespmem:$0xC890] =	vst v63  }
0x1b: {  	_ = 	snop  }
0x1c: {  	[tilespmem:s10], [sflag:$0x2] =	stream.linear.gather [hbm4b:s6+s2], $0xB40, $0x38;
	[tilespmem:$0xC890] =	vst v63  }
0x1d: {  	s30 =	sadd.s32 $0x0, s8  }
0x1e: {  	[tilespmem:s11], [sflag:$0x3] =	stream.linear.gather [hbm4b:s30+s2], $0x28, $0x38;
	[tilespmem:$0xC890] =	vst v63  }
0x1f: {  	s31 =	sadd.s32 $0x168, s6  }
0x20: {  	[tilespmem:s12], [sflag:$0x4] =	stream.linear.gather [hbm4b:s31+s2], $0xB40, $0x38;
	[tilespmem:$0xC890] =	vst v63  }
0x21: {  	_ =	swait.ge [sflag:s13], $0x28  }
0x22: {  	[sflag:s13] =	ssyncset.done $0x0  }
0x23: {  	[sflag:s13] =	ssyncadd.s32 $0xFFFFFFD8  }
0x24: {  	_ =	swait.ge [sflag:s14], $0xB40  }
0x25: {  	[sflag:s14] =	ssyncset.done $0x0  }
0x26: {  	[sflag:s14] =	ssyncadd.s32 $0xFFFFF4C0  }
0x27: {  	[spmem:s1] =	stream.indirect.scatter.add.f32 [tilespmem:s10], [sflag:$0x5], $0x48, s2, s11, $0xb8;
	[tilespmem:$0xC890] =	vst v63  }
0x28: {  	_ =	swait.ge [sflag:s15], $0xB40  }
0x29: {  	[sflag:s15] =	ssyncset.done $0x0  }
0x2a: {  	[sflag:s15] =	ssyncadd.s32 $0xFFFFF4C0  }
0x2b: {  	_ =	swait.ge [sflag:s16], $0x28  }
0x2c: {  	[sflag:s16] =	ssyncset.done $0x0  }
0x2d: {  	[sflag:s16] =	ssyncadd.s32 $0xFFFFFFD8  }
0x2e: {  	_ =	swait.ge [sflag:s17], $0xB40  }
0x2f: {  	[sflag:s17] =	ssyncset.done $0x0  }
0x30: {  	[sflag:s17] =	ssyncadd.s32 $0xFFFFF4C0  }
0x31: {  	[spmem:s1] =	stream.indirect.scatter.add.f32 [tilespmem:s12], [sflag:$0x5], $0x48, s11, s11, $0xb8;
	[tilespmem:$0xC890] =	vst v63  }
0x32: {  	s23 =	simm.s32 $0x14;
	_ =	swait.ge [sflag:s15], $0xB40  }
0x33: {  	s22 =	sadd.s32 $0x2D0, s6;
	s21 =	simm.s32 $0xA;
	[sflag:s15] =	ssyncset.done $0x0  }
.LBB2_2:
0x34: {  	s24 =	sadd.s32 s21, s7  }
0x35: {  	[sflag:s15] =	ssyncadd.s32 $0xFFFFF4C0;
	s25 =	smov.u32 s23;
	s26 =	sadd.s32 $0xA, s23  }
0x36: {  	[tilespmem:s2], [sflag:$0x1] =	stream.linear.gather [hbm4b:s24+s2], $0x28, $0x38;
	[tilespmem:$0xC890] =	vst v63  }
0x37: {  	p1 =	sne.s32 s23, $0x280  }
0x38: {  	[tilespmem:s10], [sflag:$0x2] =	stream.linear.gather [hbm4b:s22+s2], $0xB40, $0x38;
	[tilespmem:$0xC890] =	vst v63  }
0x39: {  	s23 =	sadd.s32 s21, s8;
	s21 =	smov.u32 s25  }
0x3a: {  	[tilespmem:s11], [sflag:$0x3] =	stream.linear.gather [hbm4b:s23+s2], $0x28, $0x38;
	[tilespmem:$0xC890] =	vst v63  }
0x3b: {  	s23 =	sadd.s32 $0x168, s22  }
0x3c: {  	[tilespmem:s12], [sflag:$0x4] =	stream.linear.gather [hbm4b:s23+s2], $0xB40, $0x38;
	[tilespmem:$0xC890] =	vst v63  }
0x3d: {  	_ =	swait.ge [sflag:s13], $0x28  }
0x3e: {  	[sflag:s13] =	ssyncset.done $0x0  }
0x3f: {  	[sflag:s13] =	ssyncadd.s32 $0xFFFFFFD8  }
0x40: {  	_ =	swait.ge [sflag:s14], $0xB40  }
0x41: {  	[sflag:s14] =	ssyncset.done $0x0  }
0x42: {  	[sflag:s14] =	ssyncadd.s32 $0xFFFFF4C0  }
0x43: {  	[spmem:s1] =	stream.indirect.scatter.add.f32 [tilespmem:s10], [sflag:$0x5], $0x48, s2, s11, $0xb8;
	[tilespmem:$0xC890] =	vst v63  }
0x44: {  	_ =	swait.ge [sflag:s15], $0xB40  }
0x45: {  	[sflag:s15] =	ssyncset.done $0x0  }
0x46: {  	[sflag:s15] =	ssyncadd.s32 $0xFFFFF4C0  }
0x47: {  	_ =	swait.ge [sflag:s16], $0x28  }
0x48: {  	[sflag:s16] =	ssyncset.done $0x0  }
0x49: {  	[sflag:s16] =	ssyncadd.s32 $0xFFFFFFD8  }
0x4a: {  	_ =	swait.ge [sflag:s17], $0xB40  }
.Ltmp0:
0x4b: {  	[sflag:s17] =	ssyncset.done $0x0;
	(pc) =	sbr.rel @p1 .LBB2_2-.Ltmp0, $4  }
0x4c: {  	[sflag:s17] =	ssyncadd.s32 $0xFFFFF4C0  }
0x4d: {  	[spmem:s1] =	stream.indirect.scatter.add.f32 [tilespmem:s12], [sflag:$0x5], $0x48, s11, s11, $0xb8;
	[tilespmem:$0xC890] =	vst v63  }
0x4e: {  	_ =	swait.ge [sflag:s15], $0xB40  }
0x4f: {  	s22 =	sadd.s32 $0x2D0, s22;
	s23 =	smov.u32 s26;
	[sflag:s15] =	ssyncset.done $0x0  }
0x50: {  	s23 =	sadd.s32 s21, s7;
	[sflag:s15] =	ssyncadd.s32 $0xFFFFF4C0  }
0x51: {  	[tilespmem:s2], [sflag:$0x1] =	stream.linear.gather [hbm4b:s23+s2], $0x28, $0x38;
	[tilespmem:$0xC890] =	vst v63  }
0x52: {  	_ = 	snop  }
0x53: {  	[tilespmem:s10], [sflag:$0x2] =	stream.linear.gather [hbm4b:s22+s2], $0xB40, $0x38;
	[tilespmem:$0xC890] =	vst v63  }
0x54: {  	s30 =	sadd.s32 s21, s8  }
0x55: {  	[tilespmem:s11], [sflag:$0x3] =	stream.linear.gather [hbm4b:s30+s2], $0x28, $0x38;
	[tilespmem:$0xC890] =	vst v63  }
0x56: {  	s31 =	sadd.s32 $0x168, s22  }
0x57: {  	[tilespmem:s12], [sflag:$0x4] =	stream.linear.gather [hbm4b:s31+s2], $0xB40, $0x38;
	[tilespmem:$0xC890] =	vst v63  }
0x58: {  	_ =	swait.ge [sflag:s13], $0x28  }
0x59: {  	[sflag:s13] =	ssyncset.done $0x0  }
0x5a: {  	[sflag:s13] =	ssyncadd.s32 $0xFFFFFFD8  }
0x5b: {  	_ =	swait.ge [sflag:s14], $0xB40  }
0x5c: {  	[sflag:s14] =	ssyncset.done $0x0  }
0x5d: {  	[sflag:s14] =	ssyncadd.s32 $0xFFFFF4C0  }
0x5e: {  	[spmem:s1] =	stream.indirect.scatter.add.f32 [tilespmem:s10], [sflag:$0x5], $0x48, s2, s11, $0xb8;
	[tilespmem:$0xC890] =	vst v63  }
0x5f: {  	_ =	swait.ge [sflag:s15], $0xB40  }
0x60: {  	[sflag:s15] =	ssyncset.done $0x0  }
0x61: {  	[sflag:s15] =	ssyncadd.s32 $0xFFFFF4C0  }
0x62: {  	_ =	swait.ge [sflag:s16], $0x28  }
0x63: {  	[sflag:s16] =	ssyncset.done $0x0  }
0x64: {  	[sflag:s16] =	ssyncadd.s32 $0xFFFFFFD8  }
0x65: {  	_ =	swait.ge [sflag:s17], $0xB40  }
0x66: {  	[sflag:s17] =	ssyncset.done $0x0  }
0x67: {  	[sflag:s17] =	ssyncadd.s32 $0xFFFFF4C0  }
0x68: {  	[spmem:s1] =	stream.indirect.scatter.add.f32 [tilespmem:s12], [sflag:$0x5], $0x48, s11, s11, $0xb8;
	[tilespmem:$0xC890] =	vst v63  }
0x69: {  	_ =	swait.ge [sflag:s15], $0xB40  }
0x6a: {  	s20 =	sadd.s32 $0x1, s20;
	[sflag:s15] =	ssyncset.done $0x0  }
0x6b: {  	p1 =	sne.s32 s20, s5;
	[sflag:s15] =	ssyncadd.s32 $0xFFFFF4C0  }
.Ltmp1:
0x6c: {  	[bflag:$0x0] =	sbarrier.arrive $0xFFFF;
	(pc) =	sbr.rel @p1 .LBB2_1-.Ltmp1, $4  }
0x6d: {  	[hbm:s4], [sflag:s18] =	dma.local [spmem:s19], $0x1638  }
0x6e: {  	_ =	swait.ge [sflag:s15], $0x1638  }
0x6f: {  	[sflag:s15] =	ssyncset.done $0x0  }
0x70: {  	[sflag:s15] =	ssyncadd.s32 $0xFFFFE9C8  }
0x71: {  	_ =	sfence.sel $0x180000  }
0x72: {  	[bflag:$0x0] =	sbarrier.arrive $0xFFFF  }
0x73: {  	_ =	strace $0x9000005C  }
0x74: {  	s0 =	sadd.s32 @!p0 $0x100000, s0;
	[bflag:$0x2] =	sbarrier.arrive $0xFFFF  }
0x75: {  	[sflag:s0] =	ssyncadd.tile.s32 @!p0 $0x1;
	_ =	shalt  }
.Lfunc_end2:
_tile_overlayer_lowered:
.L_overlay_start_2:
0x76: {  	(tag) =	ssettag $0x2  }
0x77: {  	s0 =	rddreg [dreg:$0x0];
	s2 =	stileid.u32  }
0x78: {  	s1 =	rddreg [dreg:$0x1];
	p0 =	sne.s32 s2, $0x0  }
0x79: {  	s3 =	rddreg [dreg:$0x2];
	[bflag:$0x3] =	sbarrier.arrive $0xFFFF;
	s2 =	simm.s32 @!p0 $0x1C05  }
0x7a: {  	[timem:s3], [sflag:s2] =	dma.local @!p0 [hbm:s0], s1  }
0x7b: {  	s0 =	simm.s32 @!p0 $0x5  }
0x7c: {  	_ =	swait.ge @!p0 [sflag:s0], s1  }
0x7d: {  	s1 =	ssub.s32 @!p0 $0x0, s1;
	[sflag:s0] =	ssyncset.done @!p0 $0x0  }
0x7e: {  	[sflag:s0] =	ssyncadd.s32 @!p0 s1  }
0x7f: {  	[bflag:$0x3] =	sbarrier.arrive $0xFFFF  }
0x80: {  	_ =	shalt  }

// kernel: kernel.45.cloned.1.call-start
scs
__scs_entry_jumppad:
0x0: {  	(pc) =	sbr.rel $0x88, $3  }
0x1: {  	(tag) =	ssettag $0x0;
	lr =	simm.s32 $0x1  }
0x2: {  	[smem:$0x3F86] =	sst lr;
	_ =	strace $0xD0000000  }
0x3: {  	_ = 	snop  }
0x4: {  	_ = 	snop  }
0x5: {  	_ = 	snop  }
0x6: {  	_ = 	snop  }
0x7: {  	_ = 	snop  }
__scs_overlays_trampoline_lowered:
0x8: {  	[smem:$0x3F95] =	sst s0  }
0x9: {  	[smem:$0x3F96] =	sst s1  }
0xa: {  	[smem:$0x3F97] =	sst s2  }
0xb: {  	[smem:$0x3F98] =	sst s3  }
0xc: {  	[smem:$0x3F99] =	sst s4  }
0xd: {  	[smem:$0x3F9A] =	sst s5  }
0xe: {  	[smem:$0x3F9B] =	sst s6  }
0xf: {  	[smem:$0x3F9C] =	sst s7  }
0x10: {  	[smem:$0x3F9D] =	sst s8  }
0x11: {  	[smem:$0x3F9E] =	sst s9;
	s0 =	simm.s32 @!p0 $0x0  }
0x12: {  	s1 =	sld [smem:$0x3F84];
	s0 =	simm.s32 @p0 $0x1  }
0x13: {  	[smem:$0x3F9F] =	sst s0;
	s0 =	simm.s32 @!p1 $0x0  }
0x14: {  	s2 =	sld [smem:$0x3F83];
	s0 =	simm.s32 @p1 $0x1  }
0x15: {  	[smem:$0x3FA0] =	sst s0;
	s0 =	simm.s32 @!p2 $0x0  }
0x16: {  	s3 =	sld [smem:$0x3FDB];
	s0 =	simm.s32 @p2 $0x1  }
0x17: {  	s4 =	simm.s32 $0x1BF5;
	[smem:$0x3FA2] =	sst s0  }
0x18: {  	s0 =	sld [smem:$0x3F85];
	_ =	swait.ge [sflag:s4], $0x0  }
0x19: {  	s7 =	sld [smem:$0x3F86]  }
0x1a: {  	s8 =	sadd.s32 $0xFFFFE003, lr  }
0x1b: {  	s9 =	sadd.s32 $0xFFFFFEF7, lr;
	s5 =	simm.s32 $0xFFFFFFFF;
	p2 =	slt.u32 s8, $0xFFFFF086  }
0x1c: {  	p1 =	slt.u32 s9, $0xF7A;
	s5 =	simm.s32 @!p2 $0x0  }
0x1d: {  	s5 =	simm.s32 @p1 $0x1;
	p0 =	seq.s32 s7, s2  }
0x1e: {  	s7 =	smul.u32 @!p0 $0xF7A, s2;
	p2 =	seq.s32 @!p0 s5, $0x0  }
0x1f: {  	s9 =	smul.u32 $0xF7A, s1;
	s8 =	simm.s32 @!p0 $0x1BF5;
	p2 =	por !p2, p0  }
0x20: {  	[sflag:s8] =	ssyncset.s32 @!p0 $0xFFFFF086;
	s6 =	sadd.s32 @!p0 s3, s7;
	s7 =	simm.s32 @!p0 $0x108  }
0x21: {  	s3 =	sadd.s32 s3, s9;
	s6 =	sadd.s32 @!p0 $0x88, s6;
	s7 =	simm.s32 @p2 $0x1082  }
0x22: {  	[simem:s7], [sflag:s8] =	dma.local @!p0 [hbm:s6], $0xF7A  }
0x23: {  	s9 =	sor.u32 $0xD0000000, s2;
	s6 =	simm.s32 $0x108;
	_ =	swait.ge @!p0 [sflag:s8], $0x0  }
0x24: {  	s3 =	sadd.s32 $0x88, s3;
	s6 =	simm.s32 @!p1 $0x1082;
	[sflag:s4] =	ssyncset.s32 $0xFFFFF086  }
0x25: {  	[simem:s6], [sflag:s4] =	dma.local [hbm:s3], $0xF7A  }
0x26: {  	[smem:$0x3F86] =	sst s1;
	(tag) =	ssettag s2;
	_ =	strace s9  }
0x27: {  	s1 =	sld [smem:$0x3F96]  }
0x28: {  	s2 =	sld [smem:$0x3F97]  }
0x29: {  	s4 =	sld [smem:$0x3F99]  }
0x2a: {  	p0 =	seq.s32 s5, $0x0;
	s5 =	sld [smem:$0x3F9A]  }
0x2b: {  	s6 =	sld [smem:$0x3F9B]  }
0x2c: {  	s7 =	sld [smem:$0x3F9C]  }
0x2d: {  	s3 =	simm.s32 $0x108;
	s8 =	sld [smem:$0x3F9D]  }
0x2e: {  	s3 =	simm.s32 @!p0 $0x1082;
	s9 =	sld [smem:$0x3F9E]  }
0x2f: {  	lr =	sadd.s32 s0, s3;
	s0 =	sld [smem:$0x3F95]  }
0x30: {  	s3 =	sld [smem:$0x3F98]  }
0x31: {  	[smem:$0x3FA1] =	sst s10  }
0x32: {  	s10 =	sld [smem:$0x3F9F];
	_ =	sdelay $0x3  }
0x33: {  	p0 =	seq.s32 s10, $0x1;
	s10 =	sld [smem:$0x3FA1];
	_ =	sdelay $0x3  }
0x34: {  	[smem:$0x3FA1] =	sst s10  }
0x35: {  	s10 =	sld [smem:$0x3FA0];
	_ =	sdelay $0x3  }
0x36: {  	p1 =	seq.s32 s10, $0x1;
	s10 =	sld [smem:$0x3FA1];
	_ =	sdelay $0x3  }
0x37: {  	[smem:$0x3FA1] =	sst s10  }
0x38: {  	s10 =	sld [smem:$0x3FA2]  }
0x39: {  	_ = 	snop;
	(pc) =	sbr.ind lr, $3  }
0x3a: {  	_ = 	snop  }
0x3b: {  	_ = 	snop  }
0x3c: {  	p2 =	seq.s32 s10, $0x1;
	s10 =	sld [smem:$0x3FA1]  }
0x3d: {  	_ =	shalt  }
0x3e: {  	_ =	shalt  }
0x3f: {  	_ =	shalt  }
0x40: {  	_ =	shalt  }
0x41: {  	_ =	shalt  }
0x42: {  	_ =	shalt  }
0x43: {  	_ =	shalt  }
0x44: {  	_ =	shalt  }
0x45: {  	_ =	shalt  }
0x46: {  	_ =	shalt  }
0x47: {  	_ =	shalt  }
0x48: {  	_ =	shalt  }
0x49: {  	_ =	shalt  }
0x4a: {  	_ =	shalt  }
0x4b: {  	_ =	shalt  }
0x4c: {  	_ =	shalt  }
0x4d: {  	_ =	shalt  }
0x4e: {  	_ =	shalt  }
0x4f: {  	_ =	shalt  }
0x50: {  	_ =	shalt  }
0x51: {  	_ =	shalt  }
0x52: {  	_ =	shalt  }
0x53: {  	_ =	shalt  }
0x54: {  	_ =	shalt  }
0x55: {  	_ =	shalt  }
0x56: {  	_ =	shalt  }
0x57: {  	_ =	shalt  }
0x58: {  	_ =	shalt  }
0x59: {  	_ =	shalt  }
0x5a: {  	_ =	shalt  }
0x5b: {  	_ =	shalt  }
0x5c: {  	_ =	shalt  }
0x5d: {  	_ =	shalt  }
0x5e: {  	_ =	shalt  }
0x5f: {  	_ =	shalt  }
0x60: {  	_ =	shalt  }
0x61: {  	_ =	shalt  }
0x62: {  	_ =	shalt  }
0x63: {  	_ =	shalt  }
0x64: {  	_ =	shalt  }
0x65: {  	_ =	shalt  }
0x66: {  	_ =	shalt  }
0x67: {  	_ =	shalt  }
0x68: {  	_ =	shalt  }
0x69: {  	_ =	shalt  }
0x6a: {  	_ =	shalt  }
0x6b: {  	_ =	shalt  }
0x6c: {  	_ =	shalt  }
0x6d: {  	_ =	shalt  }
0x6e: {  	_ =	shalt  }
0x6f: {  	_ =	shalt  }
0x70: {  	_ =	shalt  }
0x71: {  	_ =	shalt  }
0x72: {  	_ =	shalt  }
0x73: {  	_ =	shalt  }
0x74: {  	_ =	shalt  }
0x75: {  	_ =	shalt  }
0x76: {  	_ =	shalt  }
0x77: {  	_ =	shalt  }
0x78: {  	_ =	shalt  }
0x79: {  	_ =	shalt  }
0x7a: {  	_ =	shalt  }
0x7b: {  	_ =	shalt  }
0x7c: {  	_ =	shalt  }
0x7d: {  	_ =	shalt  }
0x7e: {  	_ =	shalt  }
0x7f: {  	_ =	shalt  }
0x80: {  	_ =	shalt  }
0x81: {  	_ =	shalt  }
0x82: {  	_ =	shalt  }
0x83: {  	_ =	shalt  }
0x84: {  	_ =	shalt  }
0x85: {  	_ =	shalt  }
0x86: {  	_ =	shalt  }
0x87: {  	_ =	shalt  }
.Lfunc_end0:
.L_simem_size_0:
called_computation.8_lowered:
.L_overlay_start_0:
0x88: {  	s2 =	sld [smem:$0x3FD9]  }
0x89: {  	s3 =	sld [smem:$0x3FFE];
	_ =	sdelay $0x1  }
0x8a: {  	s1 =	srdreg.scid  }
0x8b: {  	s0 =	sand.u32 $0x1, s1  }
0x8c: {  	s16 =	sshll.u32 s0, $0xA;
	s2 =	sadd.s32 s3, s2  }
0x8d: {  	s2 =	sadd.s32 s2, s16  }
0x8e: {  	[smem:$0x3FAD] =	sst s2  }
0x8f: {  	_ = 	snop  }
0x90: {  	(tm) =	ssettm $0x1  }
0x91: {  	s17 =	sld [smem:$0x3FFB];
	_ =	sdelay $0x3  }
0x92: {  	_ =	strace s17  }
0x93: {  	s2 =	sld [smem:$0x3FFC];
	_ =	sdelay $0x3  }
0x94: {  	_ =	strace s2  }
0x95: {  	s2 =	sld [smem:$0x3FFD];
	_ =	sdelay $0x3  }
0x96: {  	_ =	strace s2  }
0x97: {  	_ =	strace $0x8FFFFFFF  }
0x98: {  	s18 =	sld [smem:$0x3FDB];
	_ =	sdelay $0x1  }
0x99: {  	s19 =	simm.s32 $_scs_section_size  }
0x9a: {  	s4 =	simm.s32 $_size__tile_overlayer_lowered;
	s5 =	simm.s32 $_tile_overlayer_lowered  }
0x9b: {  	s22 =	simm.s32 $0x1BFF;
	s21 =	sshll.u32 s5, $0x1;
	s2 =	sadd.s32 s19, s18  }
0x9c: {  	s6 =	simm.s32 $0x0;
	s20 =	sshll.u32 s4, $0x1;
	s4 =	sadd.s32 s21, s2  }
0x9d: {  	[timem:s6], [sflag:s22] =	dma.local [hbm:s4], s20  }
0x9e: {  	_ =	swait.ge [sflag:s22], s20  }
0x9f: {  	s3 =	ssub.s32 $0x0, s20;
	[sflag:s22] =	ssyncset.done $0x0  }
0xa0: {  	[sflag:s22] =	ssyncadd.s32 s3;
	_ =	sdelay $0x1  }
0xa1: {  	s23 =	simm.s32 $0x1B8B  }
0xa2: {  	_ =	swait.ge [sflag:s23], $0x1  }
0xa3: {  	[sflag:s23] =	ssyncset.done $0x0  }
0xa4: {  	s25 =	simm.s32 $0x1B8E;
	s24 =	sld [smem:$0x3FFE];
	[sflag:s23] =	ssyncadd.s32 $0xFFFFFFFF  }
0xa5: {  	s26 =	simm.s32 $execute0_lowered;
	[smem:$0x3FD2] =	sst s25  }
0xa6: {  	s4 =	sshll.u32 s26, $0x1;
	_ =	strace $0x8000005E;
	[dreg:$0x1] =	wrdreg $0xFFFFFFFF  }
0xa7: {  	s28 =	simm.s32 $_size_execute0_lowered;
	s2 =	sadd.s32 s2, s4;
	[dreg:$0x0] =	wrdreg $0x0  }
0xa8: {  	s4 =	sshll.u32 s28, $0x1;
	[dreg:$0x2] =	wrdreg s2  }
0xa9: {  	[dreg:$0x3] =	wrdreg s4  }
0xaa: {  	[dreg:$0x4] =	wrdreg $0xC0  }
0xab: {  	_ =	task [dreg:s6], $0x5FFFF  }
0xac: {  	[dreg:$0x1] =	wrdreg $0xFFFFFFFF  }
0xad: {  	[dreg:$0x0] =	wrdreg $0x60  }
0xae: {  	[dreg:$0x2] =	wrdreg s24  }
0xaf: {  	[dreg:$0x3] =	wrdreg $0x9  }
0xb0: {  	_ =	task.clear_ibuf [dreg:s6], $0x4FFFF;
	_ =	strace $0x9000005E  }
0xb1: {  	s29 =	simm.s32 $0x9;
	_ =	strace $0x80000060  }
0xb2: {  	_ =	swait.ge [sflag:s29], $0x1  }
0xb3: {  	[sflag:s29] =	ssyncadd.s32 $0xFFFFFFFF  }
0xb4: {  	_ =	strace $0x90000060  }
0xb5: {  	_ =	sfence  }
0xb6: {  	s30 =	sld [smem:$0x0];
	_ =	sdelay $0x2  }
0xb7: {  	s31 =	sshll.u32 s1, $0xD;
	s1 =	sshrl.u32 s1, $0x2  }
0xb8: {  	s3 =	sand.u32 $0x4000, s31;
	s1 =	sadd.s32 s1, s30  }
0xb9: {  	s0 =	sor.u32 s3, s0;
	s1 =	sshll.u32 s1, $0x11  }
0xba: {  	s0 =	sor.u32 s1, s0  }
0xbb: {  	s0 =	sadd.s32 $0x8F2B, s0  }
0xbc: {  	[sflag:s0] =	ssyncadd.remote.s32 $0x1  }
0xbd: {  	_ =	sfence.sel $0xFFFF  }
0xbe: {  	[dreg:$0x0] =	wrdreg $0xFFFFFFFF;
	(pc) =	sbr.abs _section_cstart, $3  }
0xbf: {  	[dreg:$0x1] =	wrdreg $0xFFFFFFFF  }
0xc0: {  	_ =	task.clear_ibuf [dreg:s6], $0x2FFFF;
	_ =	strace $0x9FFFFFFF  }
0xc1: {  	(tm) =	ssettm $0x7FFFFFFF  }
tec
execute0_lowered:
.L_overlay_start_1:
0x0: {  	(tag) =	ssettag $0x1  }
0x1: {  	s4 =	rddreg [dreg:$0x0]  }
0x2: {  	s0 =	rddreg [dreg:$0x1];
	s3 =	srdreg.scid  }
0x3: {  	s1 =	stileid.u32;
	s2 =	simm.s32 $0x0;
	s11 =	simm.s32 $0x500  }
0x4: {  	s12 =	simm.s32 $0x2;
	s13 =	simm.s32 $0xA500;
	s14 =	simm.s32 $0x3  }
0x5: {  	s15 =	simm.s32 $0x4;
	s16 =	simm.s32 $0x5;
	s6 =	smul.u32 $0x1900, s1  }
0x6: {  	s17 =	simm.s32 $0x6;
	s5 =	sand.u32 $0x1, s3;
	s8 =	smul.u32 $0xC800, s1  }
0x7: {  	s18 =	simm.s32 $0x0;
	[smem:$0x7FF] =	sst s2;
	s7 =	smul.u32 $0xC80, s5  }
0x8: {  	s3 =	sadd.s32 $0xF000, s4;
	s29 =	ssub.s32 $0x2, s5;
	s5 =	smul.u32 $0x6400, s5  }
0x9: {  	_ =	strace $0x8000005F;
	s8 =	sadd.s32 s8, s4;
	s9 =	sshrl.u32 s29, $0x1  }
0xa: {  	s6 =	sadd.s32 s7, s6;
	s30 =	ssub.s32 s29, s9;
	s31 =	sadd.s32 s5, s8  }
0xb: {  	s9 =	simm.s32 $0x280;
	s6 =	sshrl.u32 s6, $0x3;
	s5 =	sadd.s32 $0x22A00, s31  }
0xc: {  	s10 =	sadd.s32 s6, s4;
	s4 =	smax.u32 s30, $0x1;
	s6 =	sadd.s32 $0xEAA00, s31  }
0xd: {  	s7 =	sadd.s32 $0x8C00, s10;
	s8 =	sadd.s32 $0xBE00, s10;
	s10 =	simm.s32 $0x1  }
.LBB2_1:
0xe: {  	s19 =	sadd.s32 $0x0, s8  }
0xf: {  	[tilespmem:s2], [sflag:$0x1] =	stream.linear.gather [hbm4b:s19+s2], $0x280, $0x38;
	[tilespmem:$0x14500] =	vst v63  }
0x10: {  	s31 =	sadd.s32 $0x0, s7  }
0x11: {  	[tilespmem:s9], [sflag:$0x2] =	stream.linear.gather [hbm4b:s31+s2], $0x280, $0x38;
	[tilespmem:$0x14500] =	vst v63  }
0x12: {  	_ =	swait.ge [sflag:s10], $0x280  }
0x13: {  	[sflag:s10] =	ssyncset.done $0x0  }
0x14: {  	[sflag:s10] =	ssyncadd.s32 $0xFFFFFD80  }
0x15: {  	[tilespmem:s11], [sflag:$0x3] =	stream.indirect.gather [hbm4b:s3+s9], $0x40, s2, s9, $0xb8;
	[tilespmem:$0x14500] =	vst v63  }
0x16: {  	_ =	swait.ge [sflag:s12], $0x280  }
0x17: {  	[sflag:s12] =	ssyncset.done $0x0  }
0x18: {  	[sflag:s12] =	ssyncadd.s32 $0xFFFFFD80  }
0x19: {  	[tilespmem:s13], [sflag:$0x4] =	stream.indirect.gather [hbm4b:s3+s9], $0x40, s9, s9, $0xb8;
	[tilespmem:$0x14500] =	vst v63  }
0x1a: {  	_ =	swait.ge [sflag:s14], $0xA000  }
0x1b: {  	[sflag:s14] =	ssyncset.done $0x0  }
0x1c: {  	[sflag:s14] =	ssyncadd.s32 $0xFFFF6000  }
0x1d: {  	[hbm4b:s6+s2] =	stream.linear.scatter [tilespmem:s11], [sflag:$0x5], $0xA000, $0x38;
	[tilespmem:$0x14500] =	vst v63  }
0x1e: {  	_ =	swait.ge [sflag:s15], $0xA000  }
0x1f: {  	[sflag:s15] =	ssyncset.done $0x0  }
0x20: {  	[sflag:s15] =	ssyncadd.s32 $0xFFFF6000  }
0x21: {  	[hbm4b:s5+s2] =	stream.linear.scatter [tilespmem:s13], [sflag:$0x6], $0xA000, $0x38;
	[tilespmem:$0x14500] =	vst v63  }
0x22: {  	_ =	swait.ge [sflag:s16], $0xA000  }
0x23: {  	[sflag:s16] =	ssyncset.done $0x0  }
0x24: {  	[sflag:s16] =	ssyncadd.s32 $0xFFFF6000  }
0x25: {  	s21 =	simm.s32 $0x50;
	s22 =	simm.s32 $0xA0;
	_ =	swait.ge [sflag:s17], $0xA000  }
0x26: {  	s20 =	sadd.s32 $0x1400, s6;
	s19 =	sadd.s32 $0x1400, s5;
	[sflag:s17] =	ssyncset.done $0x0  }
.LBB2_2:
0x27: {  	s23 =	sadd.s32 s21, s8  }
0x28: {  	[sflag:s17] =	ssyncadd.s32 $0xFFFF6000;
	s24 =	smov.u32 s22;
	s25 =	sadd.s32 $0x50, s22  }
0x29: {  	[tilespmem:s2], [sflag:$0x1] =	stream.linear.gather [hbm4b:s23+s2], $0x280, $0x38;
	[tilespmem:$0x14500] =	vst v63  }
0x2a: {  	p0 =	sne.s32 s22, $0x140;
	s22 =	sadd.s32 s21, s7;
	s21 =	smov.u32 s24  }
0x2b: {  	[tilespmem:s9], [sflag:$0x2] =	stream.linear.gather [hbm4b:s22+s2], $0x280, $0x38;
	[tilespmem:$0x14500] =	vst v63  }
0x2c: {  	_ =	swait.ge [sflag:s10], $0x280  }
0x2d: {  	[sflag:s10] =	ssyncset.done $0x0  }
0x2e: {  	[sflag:s10] =	ssyncadd.s32 $0xFFFFFD80  }
0x2f: {  	[tilespmem:s11], [sflag:$0x3] =	stream.indirect.gather [hbm4b:s3+s9], $0x40, s2, s9, $0xb8;
	[tilespmem:$0x14500] =	vst v63  }
0x30: {  	_ =	swait.ge [sflag:s12], $0x280  }
0x31: {  	[sflag:s12] =	ssyncset.done $0x0  }
0x32: {  	[sflag:s12] =	ssyncadd.s32 $0xFFFFFD80  }
0x33: {  	[tilespmem:s13], [sflag:$0x4] =	stream.indirect.gather [hbm4b:s3+s9], $0x40, s9, s9, $0xb8;
	[tilespmem:$0x14500] =	vst v63  }
0x34: {  	_ =	swait.ge [sflag:s14], $0xA000  }
0x35: {  	[sflag:s14] =	ssyncset.done $0x0  }
0x36: {  	[sflag:s14] =	ssyncadd.s32 $0xFFFF6000  }
0x37: {  	[hbm4b:s20+s2] =	stream.linear.scatter [tilespmem:s11], [sflag:$0x5], $0xA000, $0x38;
	[tilespmem:$0x14500] =	vst v63  }
0x38: {  	_ =	swait.ge [sflag:s15], $0xA000  }
0x39: {  	[sflag:s15] =	ssyncset.done $0x0  }
0x3a: {  	[sflag:s15] =	ssyncadd.s32 $0xFFFF6000  }
0x3b: {  	[hbm4b:s19+s2] =	stream.linear.scatter [tilespmem:s13], [sflag:$0x6], $0xA000, $0x38;
	[tilespmem:$0x14500] =	vst v63  }
.Ltmp0:
0x3c: {  	_ =	swait.ge [sflag:s16], $0xA000;
	(pc) =	sbr.rel @p0 .LBB2_2-.Ltmp0, $4  }
0x3d: {  	[sflag:s16] =	ssyncset.done $0x0  }
0x3e: {  	[sflag:s16] =	ssyncadd.s32 $0xFFFF6000  }
0x3f: {  	s22 =	smov.u32 s25;
	_ =	swait.ge [sflag:s17], $0xA000  }
0x40: {  	s20 =	sadd.s32 $0x1400, s20;
	s19 =	sadd.s32 $0x1400, s19;
	[sflag:s17] =	ssyncset.done $0x0  }
0x41: {  	s22 =	sadd.s32 s21, s8;
	[sflag:s17] =	ssyncadd.s32 $0xFFFF6000  }
0x42: {  	[tilespmem:s2], [sflag:$0x1] =	stream.linear.gather [hbm4b:s22+s2], $0x280, $0x38;
	[tilespmem:$0x14500] =	vst v63  }
0x43: {  	s31 =	sadd.s32 s21, s7  }
0x44: {  	[tilespmem:s9], [sflag:$0x2] =	stream.linear.gather [hbm4b:s31+s2], $0x280, $0x38;
	[tilespmem:$0x14500] =	vst v63  }
0x45: {  	_ =	swait.ge [sflag:s10], $0x280  }
0x46: {  	[sflag:s10] =	ssyncset.done $0x0  }
0x47: {  	[sflag:s10] =	ssyncadd.s32 $0xFFFFFD80  }
0x48: {  	[tilespmem:s11], [sflag:$0x3] =	stream.indirect.gather [hbm4b:s3+s9], $0x40, s2, s9, $0xb8;
	[tilespmem:$0x14500] =	vst v63  }
0x49: {  	_ =	swait.ge [sflag:s12], $0x280  }
0x4a: {  	[sflag:s12] =	ssyncset.done $0x0  }
0x4b: {  	[sflag:s12] =	ssyncadd.s32 $0xFFFFFD80  }
0x4c: {  	[tilespmem:s13], [sflag:$0x4] =	stream.indirect.gather [hbm4b:s3+s9], $0x40, s9, s9, $0xb8;
	[tilespmem:$0x14500] =	vst v63  }
0x4d: {  	_ =	swait.ge [sflag:s14], $0xA000  }
0x4e: {  	[sflag:s14] =	ssyncset.done $0x0  }
0x4f: {  	[sflag:s14] =	ssyncadd.s32 $0xFFFF6000  }
0x50: {  	[hbm4b:s20+s2] =	stream.linear.scatter [tilespmem:s11], [sflag:$0x5], $0xA000, $0x38;
	[tilespmem:$0x14500] =	vst v63  }
0x51: {  	_ =	swait.ge [sflag:s15], $0xA000  }
0x52: {  	[sflag:s15] =	ssyncset.done $0x0  }
0x53: {  	s18 =	sadd.s32 $0x1, s18;
	[sflag:s15] =	ssyncadd.s32 $0xFFFF6000  }
0x54: {  	[hbm4b:s19+s2] =	stream.linear.scatter [tilespmem:s13], [sflag:$0x6], $0xA000, $0x38;
	[tilespmem:$0x14500] =	vst v63  }
0x55: {  	p0 =	sne.s32 s18, s4;
	_ =	swait.ge [sflag:s16], $0xA000  }
.Ltmp1:
0x56: {  	[sflag:s16] =	ssyncset.done $0x0;
	(pc) =	sbr.rel @p0 .LBB2_1-.Ltmp1, $4  }
0x57: {  	[sflag:s16] =	ssyncadd.s32 $0xFFFF6000  }
0x58: {  	_ =	swait.ge [sflag:s17], $0xA000  }
0x59: {  	[sflag:s17] =	ssyncset.done $0x0  }
0x5a: {  	[sflag:s17] =	ssyncadd.s32 $0xFFFF6000  }
0x5b: {  	_ =	sfence.sel $0x180000  }
0x5c: {  	[bflag:$0x0] =	sbarrier.arrive $0xFFFF  }
0x5d: {  	p0 =	sne.s32 s1, $0x0;
	_ =	strace $0x9000005F  }
0x5e: {  	s0 =	sadd.s32 @!p0 $0x100000, s0;
	[bflag:$0x2] =	sbarrier.arrive $0xFFFF  }
0x5f: {  	[sflag:s0] =	ssyncadd.tile.s32 @!p0 $0x1;
	_ =	shalt  }
.Lfunc_end2:
_tile_overlayer_lowered:
.L_overlay_start_2:
0x60: {  	(tag) =	ssettag $0x2  }
0x61: {  	s0 =	rddreg [dreg:$0x0];
	s2 =	stileid.u32  }
0x62: {  	s1 =	rddreg [dreg:$0x1];
	p0 =	sne.s32 s2, $0x0  }
0x63: {  	s3 =	rddreg [dreg:$0x2];
	[bflag:$0x3] =	sbarrier.arrive $0xFFFF;
	s2 =	simm.s32 @!p0 $0x1C07  }
0x64: {  	[timem:s3], [sflag:s2] =	dma.local @!p0 [hbm:s0], s1  }
0x65: {  	s0 =	simm.s32 @!p0 $0x7  }
0x66: {  	_ =	swait.ge @!p0 [sflag:s0], s1  }
0x67: {  	s1 =	ssub.s32 @!p0 $0x0, s1;
	[sflag:s0] =	ssyncset.done @!p0 $0x0  }
0x68: {  	[sflag:s0] =	ssyncadd.s32 @!p0 s1  }
0x69: {  	[bflag:$0x3] =	sbarrier.arrive $0xFFFF  }
0x6a: {  	_ =	shalt  }

// kernel: kernel.48.cloned.1.call-start
scs
__scs_entry_jumppad:
0x0: {  	(pc) =	sbr.rel $0x88, $3  }
0x1: {  	(tag) =	ssettag $0x0;
	lr =	simm.s32 $0x1  }
0x2: {  	[smem:$0x3F86] =	sst lr;
	_ =	strace $0xD0000000  }
0x3: {  	_ = 	snop  }
0x4: {  	_ = 	snop  }
0x5: {  	_ = 	snop  }
0x6: {  	_ = 	snop  }
0x7: {  	_ = 	snop  }
__scs_overlays_trampoline_lowered:
0x8: {  	[smem:$0x3F95] =	sst s0  }
0x9: {  	[smem:$0x3F96] =	sst s1  }
0xa: {  	[smem:$0x3F97] =	sst s2  }
0xb: {  	[smem:$0x3F98] =	sst s3  }
0xc: {  	[smem:$0x3F99] =	sst s4  }
0xd: {  	[smem:$0x3F9A] =	sst s5  }
0xe: {  	[smem:$0x3F9B] =	sst s6  }
0xf: {  	[smem:$0x3F9C] =	sst s7  }
0x10: {  	[smem:$0x3F9D] =	sst s8  }
0x11: {  	[smem:$0x3F9E] =	sst s9;
	s0 =	simm.s32 @!p0 $0x0  }
0x12: {  	s1 =	sld [smem:$0x3F84];
	s0 =	simm.s32 @p0 $0x1  }
0x13: {  	[smem:$0x3F9F] =	sst s0;
	s0 =	simm.s32 @!p1 $0x0  }
0x14: {  	s2 =	sld [smem:$0x3F83];
	s0 =	simm.s32 @p1 $0x1  }
0x15: {  	[smem:$0x3FA0] =	sst s0;
	s0 =	simm.s32 @!p2 $0x0  }
0x16: {  	s3 =	sld [smem:$0x3FDB];
	s0 =	simm.s32 @p2 $0x1  }
0x17: {  	s4 =	simm.s32 $0x1BF5;
	[smem:$0x3FA2] =	sst s0  }
0x18: {  	s0 =	sld [smem:$0x3F85];
	_ =	swait.ge [sflag:s4], $0x0  }
0x19: {  	s7 =	sld [smem:$0x3F86]  }
0x1a: {  	s8 =	sadd.s32 $0xFFFFE003, lr  }
0x1b: {  	s9 =	sadd.s32 $0xFFFFFEF7, lr;
	s5 =	simm.s32 $0xFFFFFFFF;
	p2 =	slt.u32 s8, $0xFFFFF086  }
0x1c: {  	p1 =	slt.u32 s9, $0xF7A;
	s5 =	simm.s32 @!p2 $0x0  }
0x1d: {  	s5 =	simm.s32 @p1 $0x1;
	p0 =	seq.s32 s7, s2  }
0x1e: {  	s7 =	smul.u32 @!p0 $0xF7A, s2;
	p2 =	seq.s32 @!p0 s5, $0x0  }
0x1f: {  	s9 =	smul.u32 $0xF7A, s1;
	s8 =	simm.s32 @!p0 $0x1BF5;
	p2 =	por !p2, p0  }
0x20: {  	[sflag:s8] =	ssyncset.s32 @!p0 $0xFFFFF086;
	s6 =	sadd.s32 @!p0 s3, s7;
	s7 =	simm.s32 @!p0 $0x108  }
0x21: {  	s3 =	sadd.s32 s3, s9;
	s6 =	sadd.s32 @!p0 $0x88, s6;
	s7 =	simm.s32 @p2 $0x1082  }
0x22: {  	[simem:s7], [sflag:s8] =	dma.local @!p0 [hbm:s6], $0xF7A  }
0x23: {  	s9 =	sor.u32 $0xD0000000, s2;
	s6 =	simm.s32 $0x108;
	_ =	swait.ge @!p0 [sflag:s8], $0x0  }
0x24: {  	s3 =	sadd.s32 $0x88, s3;
	s6 =	simm.s32 @!p1 $0x1082;
	[sflag:s4] =	ssyncset.s32 $0xFFFFF086  }
0x25: {  	[simem:s6], [sflag:s4] =	dma.local [hbm:s3], $0xF7A  }
0x26: {  	[smem:$0x3F86] =	sst s1;
	(tag) =	ssettag s2;
	_ =	strace s9  }
0x27: {  	s1 =	sld [smem:$0x3F96]  }
0x28: {  	s2 =	sld [smem:$0x3F97]  }
0x29: {  	s4 =	sld [smem:$0x3F99]  }
0x2a: {  	p0 =	seq.s32 s5, $0x0;
	s5 =	sld [smem:$0x3F9A]  }
0x2b: {  	s6 =	sld [smem:$0x3F9B]  }
0x2c: {  	s7 =	sld [smem:$0x3F9C]  }
0x2d: {  	s3 =	simm.s32 $0x108;
	s8 =	sld [smem:$0x3F9D]  }
0x2e: {  	s3 =	simm.s32 @!p0 $0x1082;
	s9 =	sld [smem:$0x3F9E]  }
0x2f: {  	lr =	sadd.s32 s0, s3;
	s0 =	sld [smem:$0x3F95]  }
0x30: {  	s3 =	sld [smem:$0x3F98]  }
0x31: {  	[smem:$0x3FA1] =	sst s10  }
0x32: {  	s10 =	sld [smem:$0x3F9F];
	_ =	sdelay $0x3  }
0x33: {  	p0 =	seq.s32 s10, $0x1;
	s10 =	sld [smem:$0x3FA1];
	_ =	sdelay $0x3  }
0x34: {  	[smem:$0x3FA1] =	sst s10  }
0x35: {  	s10 =	sld [smem:$0x3FA0];
	_ =	sdelay $0x3  }
0x36: {  	p1 =	seq.s32 s10, $0x1;
	s10 =	sld [smem:$0x3FA1];
	_ =	sdelay $0x3  }
0x37: {  	[smem:$0x3FA1] =	sst s10  }
0x38: {  	s10 =	sld [smem:$0x3FA2]  }
0x39: {  	_ = 	snop;
	(pc) =	sbr.ind lr, $3  }
0x3a: {  	_ = 	snop  }
0x3b: {  	_ = 	snop  }
0x3c: {  	p2 =	seq.s32 s10, $0x1;
	s10 =	sld [smem:$0x3FA1]  }
0x3d: {  	_ =	shalt  }
0x3e: {  	_ =	shalt  }
0x3f: {  	_ =	shalt  }
0x40: {  	_ =	shalt  }
0x41: {  	_ =	shalt  }
0x42: {  	_ =	shalt  }
0x43: {  	_ =	shalt  }
0x44: {  	_ =	shalt  }
0x45: {  	_ =	shalt  }
0x46: {  	_ =	shalt  }
0x47: {  	_ =	shalt  }
0x48: {  	_ =	shalt  }
0x49: {  	_ =	shalt  }
0x4a: {  	_ =	shalt  }
0x4b: {  	_ =	shalt  }
0x4c: {  	_ =	shalt  }
0x4d: {  	_ =	shalt  }
0x4e: {  	_ =	shalt  }
0x4f: {  	_ =	shalt  }
0x50: {  	_ =	shalt  }
0x51: {  	_ =	shalt  }
0x52: {  	_ =	shalt  }
0x53: {  	_ =	shalt  }
0x54: {  	_ =	shalt  }
0x55: {  	_ =	shalt  }
0x56: {  	_ =	shalt  }
0x57: {  	_ =	shalt  }
0x58: {  	_ =	shalt  }
0x59: {  	_ =	shalt  }
0x5a: {  	_ =	shalt  }
0x5b: {  	_ =	shalt  }
0x5c: {  	_ =	shalt  }
0x5d: {  	_ =	shalt  }
0x5e: {  	_ =	shalt  }
0x5f: {  	_ =	shalt  }
0x60: {  	_ =	shalt  }
0x61: {  	_ =	shalt  }
0x62: {  	_ =	shalt  }
0x63: {  	_ =	shalt  }
0x64: {  	_ =	shalt  }
0x65: {  	_ =	shalt  }
0x66: {  	_ =	shalt  }
0x67: {  	_ =	shalt  }
0x68: {  	_ =	shalt  }
0x69: {  	_ =	shalt  }
0x6a: {  	_ =	shalt  }
0x6b: {  	_ =	shalt  }
0x6c: {  	_ =	shalt  }
0x6d: {  	_ =	shalt  }
0x6e: {  	_ =	shalt  }
0x6f: {  	_ =	shalt  }
0x70: {  	_ =	shalt  }
0x71: {  	_ =	shalt  }
0x72: {  	_ =	shalt  }
0x73: {  	_ =	shalt  }
0x74: {  	_ =	shalt  }
0x75: {  	_ =	shalt  }
0x76: {  	_ =	shalt  }
0x77: {  	_ =	shalt  }
0x78: {  	_ =	shalt  }
0x79: {  	_ =	shalt  }
0x7a: {  	_ =	shalt  }
0x7b: {  	_ =	shalt  }
0x7c: {  	_ =	shalt  }
0x7d: {  	_ =	shalt  }
0x7e: {  	_ =	shalt  }
0x7f: {  	_ =	shalt  }
0x80: {  	_ =	shalt  }
0x81: {  	_ =	shalt  }
0x82: {  	_ =	shalt  }
0x83: {  	_ =	shalt  }
0x84: {  	_ =	shalt  }
0x85: {  	_ =	shalt  }
0x86: {  	_ =	shalt  }
0x87: {  	_ =	shalt  }
.Lfunc_end0:
.L_simem_size_0:
called_computation.9_lowered:
.L_overlay_start_0:
0x88: {  	s2 =	sld [smem:$0x3FD9]  }
0x89: {  	s3 =	sld [smem:$0x3FFE];
	_ =	sdelay $0x1  }
0x8a: {  	s1 =	srdreg.scid  }
0x8b: {  	s0 =	sand.u32 $0x1, s1  }
0x8c: {  	s17 =	sshll.u32 s0, $0xA;
	s2 =	sadd.s32 s3, s2  }
0x8d: {  	s2 =	sadd.s32 s2, s17  }
0x8e: {  	[smem:$0x3FAD] =	sst s2  }
0x8f: {  	_ = 	snop  }
0x90: {  	s18 =	sld [smem:$0x3FD0];
	(tm) =	ssettm $0x1  }
0x91: {  	s19 =	sld [smem:$0x3FFB];
	_ =	sdelay $0x3  }
0x92: {  	_ =	strace s19  }
0x93: {  	s2 =	sld [smem:$0x3FFC];
	_ =	sdelay $0x3  }
0x94: {  	_ =	strace s2  }
0x95: {  	s2 =	sld [smem:$0x3FFD];
	_ =	sdelay $0x3  }
0x96: {  	_ =	strace s2  }
0x97: {  	_ =	strace $0x8FFFFFFF  }
0x98: {  	s20 =	sld [smem:$0x3FDB];
	_ =	sdelay $0x1  }
0x99: {  	s4 =	simm.s32 $_scs_section_size  }
0x9a: {  	s5 =	simm.s32 $_size__tile_overlayer_lowered;
	s6 =	simm.s32 $_tile_overlayer_lowered  }
0x9b: {  	s7 =	simm.s32 $0x1BFF;
	s21 =	sshll.u32 s6, $0x1;
	s4 =	sadd.s32 s4, s20  }
0x9c: {  	s22 =	simm.s32 $0x0;
	s5 =	sshll.u32 s5, $0x1;
	s6 =	sadd.s32 s21, s4  }
0x9d: {  	[timem:s22], [sflag:s7] =	dma.local [hbm:s6], s5  }
0x9e: {  	_ =	swait.ge [sflag:s7], s5  }
0x9f: {  	s5 =	ssub.s32 $0x0, s5;
	[sflag:s7] =	ssyncset.done $0x0  }
0xa0: {  	[sflag:s7] =	ssyncadd.s32 s5;
	_ =	sdelay $0x1  }
0xa1: {  	s23 =	simm.s32 $0x1B8B  }
0xa2: {  	_ =	swait.ge [sflag:s23], $0x1  }
0xa3: {  	[sflag:s23] =	ssyncset.done $0x0  }
0xa4: {  	[sflag:s23] =	ssyncadd.s32 $0xFFFFFFFF  }
0xa5: {  	s5 =	sld [smem:$0x0]  }
0xa6: {  	s6 =	sand.u32 $0xFFFFFFFE, s1  }
0xa7: {  	p0 =	sne.s32 s1, s6  }
0xa8: {  	s6 =	sshll.u32 @p0 s6, $0xE  }
0xa9: {  	s6 =	sadd.s32 @p0 $0x11B8D, s6;
	s7 =	sshll.u32 @p0 s5, $0x11  }
0xaa: {  	s6 =	sor.u32 @p0 s7, s6  }
0xab: {  	[sflag:s6] =	ssyncadd.remote.s32 @p0 $0x1;
	_ =	sdelay $0x1  }
0xac: {  	s6 =	simm.s32 @p0 $0x1B8D  }
0xad: {  	_ =	swait.eq @p0 [sflag:s6], $0x1  }
0xae: {  	[sflag:s6] =	ssyncadd.s32 @p0 $0xFFFFFFFF  }
0xaf: {  	s7 =	sshll.u32 @!p0 s1, $0xE  }
0xb0: {  	s7 =	sor.u32 @!p0 $0x4000, s7;
	s6 =	simm.s32 @!p0 $0x1B8D  }
0xb1: {  	s5 =	sshll.u32 @!p0 s5, $0x11;
	s7 =	sadd.s32 @!p0 $0x11B8D, s7;
	_ =	swait.eq @!p0 [sflag:s6], $0x1  }
0xb2: {  	s5 =	sor.u32 @!p0 s5, s7;
	[sflag:s6] =	ssyncadd.s32 @!p0 $0xFFFFFFFF  }
0xb3: {  	s25 =	simm.s32 $0x1B8E;
	s24 =	sld [smem:$0x3FFE];
	[sflag:s5] =	ssyncadd.remote.s32 @!p0 $0x1  }
0xb4: {  	s26 =	simm.s32 $execute0_lowered;
	[smem:$0x3FD2] =	sst s25  }
0xb5: {  	s6 =	sshll.u32 s26, $0x1;
	_ =	strace $0x80000061;
	[dreg:$0x1] =	wrdreg $0xFFFFFFFF  }
0xb6: {  	s28 =	simm.s32 $_size_execute0_lowered;
	s4 =	sadd.s32 s4, s6;
	[dreg:$0x0] =	wrdreg $0x0  }
0xb7: {  	s6 =	sshll.u32 s28, $0x1;
	[dreg:$0x2] =	wrdreg s4  }
0xb8: {  	[dreg:$0x3] =	wrdreg s6  }
0xb9: {  	[dreg:$0x4] =	wrdreg $0xC0  }
0xba: {  	_ =	task [dreg:s22], $0x5FFFF  }
0xbb: {  	[dreg:$0x1] =	wrdreg $0xFFFFFFFF  }
0xbc: {  	[dreg:$0x0] =	wrdreg $0x60  }
0xbd: {  	[dreg:$0x2] =	wrdreg s24  }
0xbe: {  	[dreg:$0x3] =	wrdreg s18  }
0xbf: {  	[dreg:$0x4] =	wrdreg $0xA  }
0xc0: {  	_ =	task.clear_ibuf [dreg:s22], $0x5FFFF;
	_ =	strace $0x90000061  }
0xc1: {  	s29 =	simm.s32 $0xA;
	_ =	strace $0x80000063  }
0xc2: {  	_ =	swait.ge [sflag:s29], $0x1  }
0xc3: {  	[sflag:s29] =	ssyncadd.s32 $0xFFFFFFFF  }
0xc4: {  	_ =	strace $0x90000063  }
0xc5: {  	_ =	sfence  }
0xc6: {  	s30 =	sld [smem:$0x0];
	_ =	sdelay $0x2  }
0xc7: {  	s31 =	sshll.u32 s1, $0xD;
	s1 =	sshrl.u32 s1, $0x2  }
0xc8: {  	s4 =	sand.u32 $0x4000, s31;
	s1 =	sadd.s32 s1, s30  }
0xc9: {  	s0 =	sor.u32 s4, s0;
	s1 =	sshll.u32 s1, $0x11  }
0xca: {  	s0 =	sor.u32 s1, s0  }
0xcb: {  	s0 =	sadd.s32 $0x8F2B, s0  }
0xcc: {  	[sflag:s0] =	ssyncadd.remote.s32 $0x1  }
0xcd: {  	_ =	sfence.sel $0xFFFF  }
0xce: {  	[dreg:$0x0] =	wrdreg $0xFFFFFFFF;
	(pc) =	sbr.abs _section_cstart, $3  }
0xcf: {  	[dreg:$0x1] =	wrdreg $0xFFFFFFFF  }
0xd0: {  	_ =	task.clear_ibuf [dreg:s22], $0x2FFFF;
	_ =	strace $0x9FFFFFFF  }
0xd1: {  	(tm) =	ssettm $0x7FFFFFFF  }
tec
execute0_lowered:
.L_overlay_start_1:
0x0: {  	(tag) =	ssettag $0x1  }
0x1: {  	s4 =	rddreg [dreg:$0x0]  }
0x2: {  	s7 =	rddreg [dreg:$0x1]  }
0x3: {  	s0 =	rddreg [dreg:$0x2];
	s3 =	srdreg.scid  }
0x4: {  	s1 =	stileid.u32;
	s2 =	simm.s32 $0x0;
	s12 =	simm.s32 $0x2  }
0x5: {  	s13 =	simm.s32 $0xA500;
	s14 =	simm.s32 $0x3;
	s15 =	simm.s32 $0x4  }
0x6: {  	s16 =	simm.s32 $0x5;
	s17 =	simm.s32 $0x6;
	s6 =	smul.u32 $0x1900, s1  }
0x7: {  	s18 =	simm.s32 $0x0;
	s5 =	sand.u32 $0x1, s3;
	s9 =	smul.u32 $0xC800, s1  }
0x8: {  	[smem:$0x7FF] =	sst s2;
	s3 =	sadd.s32 $0xF000, s4;
	s8 =	smul.u32 $0xC80, s5  }
0x9: {  	_ =	strace $0x80000062;
	s28 =	ssub.s32 $0x2, s5;
	s5 =	smul.u32 $0x6400, s5  }
0xa: {  	s29 =	sadd.s32 s9, s4;
	s30 =	sshrl.u32 s28, $0x1;
	s6 =	sadd.s32 s8, s6  }
0xb: {  	s9 =	simm.s32 $0x280;
	s31 =	ssub.s32 s28, s30;
	s10 =	sshrl.u32 s6, $0x3  }
0xc: {  	s6 =	sadd.s32 s5, s29;
	s11 =	sadd.s32 s10, s4;
	s4 =	smax.u32 s31, $0x1  }
0xd: {  	s5 =	sadd.s32 $0x1B5C00, s6;
	s6 =	sadd.s32 $0x27DC00, s6;
	s7 =	sadd.s32 s10, s7  }
0xe: {  	s10 =	simm.s32 $0x1;
	s8 =	sadd.s32 $0x1B2A00, s11;
	s11 =	simm.s32 $0x500  }
.LBB2_1:
0xf: {  	s19 =	sadd.s32 $0x0, s8  }
0x10: {  	[tilespmem:s2], [sflag:$0x1] =	stream.linear.gather [hbm4b:s19+s2], $0x280, $0x38;
	[tilespmem:$0x14500] =	vst v63  }
0x11: {  	s31 =	sadd.s32 $0x0, s7  }
0x12: {  	[tilespmem:s9], [sflag:$0x2] =	stream.linear.gather [hbm4b:s31+s2], $0x280, $0x38;
	[tilespmem:$0x14500] =	vst v63  }
0x13: {  	_ =	swait.ge [sflag:s10], $0x280  }
0x14: {  	[sflag:s10] =	ssyncset.done $0x0  }
0x15: {  	[sflag:s10] =	ssyncadd.s32 $0xFFFFFD80  }
0x16: {  	[tilespmem:s11], [sflag:$0x3] =	stream.indirect.gather [hbm4b:s3+s9], $0x40, s2, s9, $0xb8;
	[tilespmem:$0x14500] =	vst v63  }
0x17: {  	_ =	swait.ge [sflag:s12], $0x280  }
0x18: {  	[sflag:s12] =	ssyncset.done $0x0  }
0x19: {  	[sflag:s12] =	ssyncadd.s32 $0xFFFFFD80  }
0x1a: {  	[tilespmem:s13], [sflag:$0x4] =	stream.indirect.gather [hbm4b:s3+s9], $0x40, s9, s9, $0xb8;
	[tilespmem:$0x14500] =	vst v63  }
0x1b: {  	_ =	swait.ge [sflag:s14], $0xA000  }
0x1c: {  	[sflag:s14] =	ssyncset.done $0x0  }
0x1d: {  	[sflag:s14] =	ssyncadd.s32 $0xFFFF6000  }
0x1e: {  	[hbm4b:s6+s2] =	stream.linear.scatter [tilespmem:s11], [sflag:$0x5], $0xA000, $0x38;
	[tilespmem:$0x14500] =	vst v63  }
0x1f: {  	_ =	swait.ge [sflag:s15], $0xA000  }
0x20: {  	[sflag:s15] =	ssyncset.done $0x0  }
0x21: {  	[sflag:s15] =	ssyncadd.s32 $0xFFFF6000  }
0x22: {  	[hbm4b:s5+s2] =	stream.linear.scatter [tilespmem:s13], [sflag:$0x6], $0xA000, $0x38;
	[tilespmem:$0x14500] =	vst v63  }
0x23: {  	_ =	swait.ge [sflag:s16], $0xA000  }
0x24: {  	[sflag:s16] =	ssyncset.done $0x0  }
0x25: {  	[sflag:s16] =	ssyncadd.s32 $0xFFFF6000  }
0x26: {  	s21 =	simm.s32 $0x50;
	s22 =	simm.s32 $0xA0;
	_ =	swait.ge [sflag:s17], $0xA000  }
0x27: {  	s20 =	sadd.s32 $0x1400, s6;
	s19 =	sadd.s32 $0x1400, s5;
	[sflag:s17] =	ssyncset.done $0x0  }
.LBB2_2:
0x28: {  	s23 =	sadd.s32 s21, s8  }
0x29: {  	[sflag:s17] =	ssyncadd.s32 $0xFFFF6000;
	s24 =	smov.u32 s22;
	s25 =	sadd.s32 $0x50, s22  }
0x2a: {  	[tilespmem:s2], [sflag:$0x1] =	stream.linear.gather [hbm4b:s23+s2], $0x280, $0x38;
	[tilespmem:$0x14500] =	vst v63  }
0x2b: {  	p0 =	sne.s32 s22, $0x140;
	s22 =	sadd.s32 s21, s7;
	s21 =	smov.u32 s24  }
0x2c: {  	[tilespmem:s9], [sflag:$0x2] =	stream.linear.gather [hbm4b:s22+s2], $0x280, $0x38;
	[tilespmem:$0x14500] =	vst v63  }
0x2d: {  	_ =	swait.ge [sflag:s10], $0x280  }
0x2e: {  	[sflag:s10] =	ssyncset.done $0x0  }
0x2f: {  	[sflag:s10] =	ssyncadd.s32 $0xFFFFFD80  }
0x30: {  	[tilespmem:s11], [sflag:$0x3] =	stream.indirect.gather [hbm4b:s3+s9], $0x40, s2, s9, $0xb8;
	[tilespmem:$0x14500] =	vst v63  }
0x31: {  	_ =	swait.ge [sflag:s12], $0x280  }
0x32: {  	[sflag:s12] =	ssyncset.done $0x0  }
0x33: {  	[sflag:s12] =	ssyncadd.s32 $0xFFFFFD80  }
0x34: {  	[tilespmem:s13], [sflag:$0x4] =	stream.indirect.gather [hbm4b:s3+s9], $0x40, s9, s9, $0xb8;
	[tilespmem:$0x14500] =	vst v63  }
0x35: {  	_ =	swait.ge [sflag:s14], $0xA000  }
0x36: {  	[sflag:s14] =	ssyncset.done $0x0  }
0x37: {  	[sflag:s14] =	ssyncadd.s32 $0xFFFF6000  }
0x38: {  	[hbm4b:s20+s2] =	stream.linear.scatter [tilespmem:s11], [sflag:$0x5], $0xA000, $0x38;
	[tilespmem:$0x14500] =	vst v63  }
0x39: {  	_ =	swait.ge [sflag:s15], $0xA000  }
0x3a: {  	[sflag:s15] =	ssyncset.done $0x0  }
0x3b: {  	[sflag:s15] =	ssyncadd.s32 $0xFFFF6000  }
0x3c: {  	[hbm4b:s19+s2] =	stream.linear.scatter [tilespmem:s13], [sflag:$0x6], $0xA000, $0x38;
	[tilespmem:$0x14500] =	vst v63  }
.Ltmp0:
0x3d: {  	_ =	swait.ge [sflag:s16], $0xA000;
	(pc) =	sbr.rel @p0 .LBB2_2-.Ltmp0, $4  }
0x3e: {  	[sflag:s16] =	ssyncset.done $0x0  }
0x3f: {  	[sflag:s16] =	ssyncadd.s32 $0xFFFF6000  }
0x40: {  	s22 =	smov.u32 s25;
	_ =	swait.ge [sflag:s17], $0xA000  }
0x41: {  	s20 =	sadd.s32 $0x1400, s20;
	s19 =	sadd.s32 $0x1400, s19;
	[sflag:s17] =	ssyncset.done $0x0  }
0x42: {  	s22 =	sadd.s32 s21, s8;
	[sflag:s17] =	ssyncadd.s32 $0xFFFF6000  }
0x43: {  	[tilespmem:s2], [sflag:$0x1] =	stream.linear.gather [hbm4b:s22+s2], $0x280, $0x38;
	[tilespmem:$0x14500] =	vst v63  }
0x44: {  	s31 =	sadd.s32 s21, s7  }
0x45: {  	[tilespmem:s9], [sflag:$0x2] =	stream.linear.gather [hbm4b:s31+s2], $0x280, $0x38;
	[tilespmem:$0x14500] =	vst v63  }
0x46: {  	_ =	swait.ge [sflag:s10], $0x280  }
0x47: {  	[sflag:s10] =	ssyncset.done $0x0  }
0x48: {  	[sflag:s10] =	ssyncadd.s32 $0xFFFFFD80  }
0x49: {  	[tilespmem:s11], [sflag:$0x3] =	stream.indirect.gather [hbm4b:s3+s9], $0x40, s2, s9, $0xb8;
	[tilespmem:$0x14500] =	vst v63  }
0x4a: {  	_ =	swait.ge [sflag:s12], $0x280  }
0x4b: {  	[sflag:s12] =	ssyncset.done $0x0  }
0x4c: {  	[sflag:s12] =	ssyncadd.s32 $0xFFFFFD80  }
0x4d: {  	[tilespmem:s13], [sflag:$0x4] =	stream.indirect.gather [hbm4b:s3+s9], $0x40, s9, s9, $0xb8;
	[tilespmem:$0x14500] =	vst v63  }
0x4e: {  	_ =	swait.ge [sflag:s14], $0xA000  }
0x4f: {  	[sflag:s14] =	ssyncset.done $0x0  }
0x50: {  	[sflag:s14] =	ssyncadd.s32 $0xFFFF6000  }
0x51: {  	[hbm4b:s20+s2] =	stream.linear.scatter [tilespmem:s11], [sflag:$0x5], $0xA000, $0x38;
	[tilespmem:$0x14500] =	vst v63  }
0x52: {  	_ =	swait.ge [sflag:s15], $0xA000  }
0x53: {  	[sflag:s15] =	ssyncset.done $0x0  }
0x54: {  	s18 =	sadd.s32 $0x1, s18;
	[sflag:s15] =	ssyncadd.s32 $0xFFFF6000  }
0x55: {  	[hbm4b:s19+s2] =	stream.linear.scatter [tilespmem:s13], [sflag:$0x6], $0xA000, $0x38;
	[tilespmem:$0x14500] =	vst v63  }
0x56: {  	p0 =	sne.s32 s18, s4;
	_ =	swait.ge [sflag:s16], $0xA000  }
.Ltmp1:
0x57: {  	[sflag:s16] =	ssyncset.done $0x0;
	(pc) =	sbr.rel @p0 .LBB2_1-.Ltmp1, $4  }
0x58: {  	[sflag:s16] =	ssyncadd.s32 $0xFFFF6000  }
0x59: {  	_ =	swait.ge [sflag:s17], $0xA000  }
0x5a: {  	[sflag:s17] =	ssyncset.done $0x0  }
0x5b: {  	[sflag:s17] =	ssyncadd.s32 $0xFFFF6000  }
0x5c: {  	_ =	sfence.sel $0x180000  }
0x5d: {  	[bflag:$0x0] =	sbarrier.arrive $0xFFFF  }
0x5e: {  	p0 =	sne.s32 s1, $0x0;
	_ =	strace $0x90000062  }
0x5f: {  	s0 =	sadd.s32 @!p0 $0x100000, s0;
	[bflag:$0x2] =	sbarrier.arrive $0xFFFF  }
0x60: {  	[sflag:s0] =	ssyncadd.tile.s32 @!p0 $0x1;
	_ =	shalt  }
.Lfunc_end2:
_tile_overlayer_lowered:
.L_overlay_start_2:
0x61: {  	(tag) =	ssettag $0x2  }
0x62: {  	s0 =	rddreg [dreg:$0x0];
	s2 =	stileid.u32  }
0x63: {  	s1 =	rddreg [dreg:$0x1];
	p0 =	sne.s32 s2, $0x0  }
0x64: {  	s3 =	rddreg [dreg:$0x2];
	[bflag:$0x3] =	sbarrier.arrive $0xFFFF;
	s2 =	simm.s32 @!p0 $0x1C07  }
0x65: {  	[timem:s3], [sflag:s2] =	dma.local @!p0 [hbm:s0], s1  }
0x66: {  	s0 =	simm.s32 @!p0 $0x7  }
0x67: {  	_ =	swait.ge @!p0 [sflag:s0], s1  }
0x68: {  	s1 =	ssub.s32 @!p0 $0x0, s1;
	[sflag:s0] =	ssyncset.done @!p0 $0x0  }
0x69: {  	[sflag:s0] =	ssyncadd.s32 @!p0 s1  }
0x6a: {  	[bflag:$0x3] =	sbarrier.arrive $0xFFFF  }
0x6b: {  	_ =	shalt  }

</sc_bundles>
